<compile_context>
chip_gen: v7x
topology: tpu7x:2x2x1
jax: 0.10.2.dev20260603
libtpu: 0.0.44.dev20260713+nightly
codegen_flags: <defaults>
</compile_context>

<pallas_src>
import functools

import jax
import jax.numpy as jnp
from jax import lax
from jax.experimental import pallas as pl
from jax.experimental.pallas import tpu as pltpu
from jax.experimental.pallas import tpu_sc as plsc

B, C, T, H, W = 8, 768, 16, 14, 14
PAD = H // 7
HV = H - PAD
WV = W - 2 * PAD
NVALID = HV * WV
POS = T * C // 16

NC, NS = 2, 16
HG = 4
SLAB = 2
NCHUNK = (HV // HG) * (WV // SLAB)
NBUF = 4
UNROLL = 16
TQ = T // 2

_mesh = plsc.VectorSubcoreMesh(core_axis_name="c", subcore_axis_name="s")


@functools.partial(
    pl.kernel,
    out_type=jax.ShapeDtypeStruct((B, T, C), jnp.float32),
    mesh=_mesh,
    scratch_types=[
        pltpu.VMEM((NBUF, SLAB, T, C), jnp.float32),
        pltpu.VMEM((T, C), jnp.float32),
        pltpu.VMEM_SHARED((NS, T, C), jnp.float32),
        pltpu.SemaphoreType.DMA,
        pltpu.SemaphoreType.DMA,
        pltpu.SemaphoreType.DMA,
        pltpu.SemaphoreType.DMA,
    ],
)
def _pool_kernel(x_hbm, out_hbm, buf, acc, shared, sem0, sem1, sem2, sem3):
    cid = lax.axis_index("c")
    sid = lax.axis_index("s")
    b = cid * (NS // HG) + sid // HG
    m = sid % HG
    sems = (sem0, sem1, sem2, sem3)
    inv = jnp.float32(1.0 / NVALID)

    def split(v):
        return v & (T - 1), (v >> 4) * 16

    def start_dma(k, p):
        h = 3 * m + k // 5
        w0 = PAD + SLAB * (k % 5)
        pltpu.async_copy(x_hbm.at[b, h, pl.ds(w0, SLAB)], buf.at[p], sems[p])

    def wait_dma(p):
        pltpu.make_async_copy(
            x_hbm.at[0, 0, pl.ds(0, SLAB)], buf.at[p], sems[p]
        ).wait()

    def accumulate(p, first):
        @plsc.parallel_loop(0, POS, unroll=UNROLL)
        def _(v):
            t, c0 = split(v)
            s = buf[p, 0, t, pl.ds(c0, 16)] + buf[p, 1, t, pl.ds(c0, 16)]
            if first:
                acc[t, pl.ds(c0, 16)] = s
            else:
                plsc.addupdate(acc.at[t, pl.ds(c0, 16)], s)

    for p in range(NBUF - 1):
        start_dma(p, p)
    for k in range(NCHUNK):
        p = k % NBUF
        wait_dma(p)
        accumulate(p, first=(k == 0))
        if k + NBUF - 1 < NCHUNK:
            start_dma(k + NBUF - 1, (k + NBUF - 1) % NBUF)

    pltpu.sync_copy(acc, shared.at[sid])
    plsc.subcore_barrier()

    @pl.when(m < 2)
    def _():
        base = (sid // HG) * HG
        t0 = m * TQ
        for j in range(HG):
            pltpu.sync_copy(
                shared.at[base + j, pl.ds(t0, TQ)],
                buf.at[j, 0, pl.ds(0, TQ)],
            )

        @plsc.parallel_loop(0, TQ * C // 16, unroll=UNROLL)
        def _(v):
            t, c0 = v & (TQ - 1), (v >> 3) * 16
            s = (
                buf[0, 0, t, pl.ds(c0, 16)] + buf[1, 0, t, pl.ds(c0, 16)]
            ) + (
                buf[2, 0, t, pl.ds(c0, 16)] + buf[3, 0, t, pl.ds(c0, 16)]
            )
            acc[t, pl.ds(c0, 16)] = s * inv

        pltpu.sync_copy(
            acc.at[pl.ds(0, TQ)], out_hbm.at[b, pl.ds(t0, TQ)]
        )


def kernel(x):
    xt = jnp.transpose(x, (0, 3, 4, 2, 1))
    y = _pool_kernel(xt)
    return jnp.transpose(y, (0, 2, 1))

# --- scband reference (transcript-rebuilt; emitter-appended) ---
"""Pipeline reference for scband-random-avg-pool-66915590471799 (READ-ONLY COPY).

The authoritative reference and input builder live on the scoring server;
editing this copy changes nothing except your own understanding.
"""

import jax, jax.numpy as jnp
import numpy as np


def valid_idx(idx, h):
    i = idx // h
    j = idx % h
    pad = h // 7
    if j < pad or i >= h - pad or j >= h - pad:
        return False
    return True


def setup_inputs(seed: int = 0) -> dict:
    key = jax.random.key(seed)
    x = jax.random.normal(key, (8, 768, 16, 14, 14), dtype=jnp.float32)
    return {"x": x}


def reference(x):
    # Eval-mode path of RandomAvgPool: k == max_k, so the 'random sample' is the
    # full set of valid candidate indices -> deterministic masked average pool.
    b, c, t, h, w = x.shape
    xr = x.reshape(b, c, t, h * w)
    candidates = np.array([idx for idx in range(h * w) if valid_idx(idx, h)], dtype=np.int32)
    out = jnp.take(xr, jnp.asarray(candidates), axis=-1).mean(axis=-1)
    return out

if __name__ == "__main__":
    import jax
    _d = setup_inputs()
    print(jax.jit(kernel)(*tuple(_d.values())))

</pallas_src>

<mosaic_0001>
#map = affine_map<(d0, d1) -> (0, 0, 0, 0, 0)>
#map1 = affine_map<(d0, d1) -> (0, 0, 0)>
module attributes {stable_mosaic.version = 14 : i64} {
  func.func @_pool_kernel(%arg0: i32, %arg1: i32, %arg2: memref<8x14x14x16x768xf32, #tpu.memory_space<hbm>>, %arg3: memref<8x16x768xf32, #tpu.memory_space<hbm>>, %arg4: memref<4x2x16x768xf32, #tpu.memory_space<vmem>>, %arg5: memref<16x768xf32, #tpu.memory_space<vmem>>, %arg6: memref<16x16x768xf32, #tpu.memory_space<vmem_shared>>, %arg7: memref<!tpu.dma_semaphore, #tpu.memory_space<semaphore_mem>>, %arg8: memref<!tpu.dma_semaphore, #tpu.memory_space<semaphore_mem>>, %arg9: memref<!tpu.dma_semaphore, #tpu.memory_space<semaphore_mem>>, %arg10: memref<!tpu.dma_semaphore, #tpu.memory_space<semaphore_mem>>) attributes {dimension_semantics = [#tpu.dimension_semantics<core_parallel>, #tpu.dimension_semantics<subcore_parallel>], iteration_bounds = array<i64: 2, 16>, scalar_prefetch = 0 : i64, scratch_operands = 7 : i64, tpu.core_type = #tpu.core_type<sc_vector_subcore>, window_params = [{transform_indices = #map}, {transform_indices = #map1}]} {
    %mul3A = arith.constant 4 : i32
    %mul3A_0 = arith.muli %arg0, %mul3A : i32
    %jit3A = arith.constant 4 : i32
    %div3A = arith.divsi %arg1, %jit3A : i32
    %sign3A = arith.constant 0 : i32
    %sign3A_1 = arith.cmpi sgt, %arg1, %sign3A : i32
    %sign3A_2 = arith.extui %sign3A_1 : i1 to i32
    %sign3A_3 = arith.constant 0 : i32
    %sign3A_4 = arith.cmpi slt, %arg1, %sign3A_3 : i32
    %sign3A_5 = arith.extui %sign3A_4 : i1 to i32
    %sign3A_6 = arith.subi %sign3A_2, %sign3A_5 : i32
    %sign3A_7 = arith.constant 0 : i32
    %sign3A_8 = arith.cmpi sgt, %jit3A, %sign3A_7 : i32
    %sign3A_9 = arith.extui %sign3A_8 : i1 to i32
    %sign3A_10 = arith.constant 0 : i32
    %sign3A_11 = arith.cmpi slt, %jit3A, %sign3A_10 : i32
    %sign3A_12 = arith.extui %sign3A_11 : i1 to i32
    %sign3A_13 = arith.subi %sign3A_9, %sign3A_12 : i32
    %ne3A = arith.cmpi ne, %sign3A_6, %sign3A_13 : i32
    %rem3A = arith.remsi %arg1, %jit3A : i32
    %ne3A_14 = arith.constant 0 : i32
    %ne3A_15 = arith.cmpi ne, %rem3A, %ne3A_14 : i32
    %and3A = arith.andi %ne3A, %ne3A_15 : i1
    %sub3A = arith.constant 1 : i32
    %sub3A_16 = arith.subi %div3A, %sub3A : i32
    %select_n3A = arith.select %and3A, %sub3A_16, %div3A : i32
    %add3A = arith.addi %mul3A_0, %select_n3A : i32
    %jit3A_17 = arith.constant 4 : i32
    %eq3A = arith.constant 0 : i32
    %eq3A_18 = arith.cmpi eq, %jit3A_17, %eq3A : i32
    %jit3A_19 = arith.constant 1 : i32
    %select_n3A_20 = arith.select %eq3A_18, %jit3A_19, %jit3A_17 : i32
    %rem3A_21 = arith.remsi %arg1, %select_n3A_20 : i32
    %ne3A_22 = arith.constant 0 : i32
    %ne3A_23 = arith.cmpi ne, %rem3A_21, %ne3A_22 : i32
    %lt3A = arith.constant 0 : i32
    %lt3A_24 = arith.cmpi slt, %rem3A_21, %lt3A : i32
    %lt3A_25 = arith.constant 0 : i32
    %lt3A_26 = arith.cmpi slt, %select_n3A_20, %lt3A_25 : i32
    %ne3A_27 = arith.xori %lt3A_24, %lt3A_26 : i1
    %and3A_28 = arith.andi %ne3A_27, %ne3A_23 : i1
    %add3A_29 = arith.addi %rem3A_21, %select_n3A_20 : i32
    %select_n3A_30 = arith.select %and3A_28, %add3A_29, %rem3A_21 : i32
    %mul3A_31 = arith.constant 3 : i32
    %mul3A_32 = arith.muli %mul3A_31, %select_n3A_30 : i32
    %add3A_33 = arith.constant 0 : i32
    %add3A_34 = arith.addi %mul3A_32, %add3A_33 : i32
    %dma_start3A = arith.constant 0 : i32
    %dma_start3A_35 = arith.constant 0 : i32
    %dma_start3A_36 = arith.constant 0 : i32
    %dma_start3A_37 = arith.constant 0 : i32
    %dma_start3A_38 = tpu.memref_slice %arg4[%dma_start3A, %dma_start3A_35, %dma_start3A_36, %dma_start3A_37] : memref<4x2x16x768xf32, #tpu.memory_space<vmem>> -> memref<1x2x16x768xf32, #tpu.memory_space<vmem>>
    %dma_start3A_39 = tpu.memref_squeeze %dma_start3A_38 : memref<1x2x16x768xf32, #tpu.memory_space<vmem>> -> memref<2x16x768xf32, #tpu.memory_space<vmem>>
    %dma_start3A_40 = arith.constant 2 : i32
    %dma_start3A_41 = arith.constant 0 : i32
    %dma_start3A_42 = arith.constant 0 : i32
    %dma_start3A_43 = tpu.memref_slice %arg2[%add3A, %add3A_34, %dma_start3A_40, %dma_start3A_41, %dma_start3A_42] : memref<8x14x14x16x768xf32, #tpu.memory_space<hbm>> -> memref<1x1x2x16x768xf32, #tpu.memory_space<hbm>>
    %dma_start3A_44 = tpu.memref_squeeze %dma_start3A_43 : memref<1x1x2x16x768xf32, #tpu.memory_space<hbm>> -> memref<2x16x768xf32, #tpu.memory_space<hbm>>
    %dma_start3A_45 = arith.constant 0 : i32
    %dma_start3A_46 = arith.constant 0 : i32
    %dma_start3A_47 = arith.constant 0 : i32
    %dma_start3A_48 = tpu.memref_slice %arg4[%dma_start3A, %dma_start3A_45, %dma_start3A_46, %dma_start3A_47] : memref<4x2x16x768xf32, #tpu.memory_space<vmem>> -> memref<1x2x16x768xf32, #tpu.memory_space<vmem>>
    %dma_start3A_49 = tpu.memref_squeeze %dma_start3A_48 : memref<1x2x16x768xf32, #tpu.memory_space<vmem>> -> memref<2x16x768xf32, #tpu.memory_space<vmem>>
    %dma_start3A_50 = arith.constant 2 : i32
    %dma_start3A_51 = arith.constant 0 : i32
    %dma_start3A_52 = arith.constant 0 : i32
    %dma_start3A_53 = tpu.memref_slice %arg2[%add3A, %add3A_34, %dma_start3A_50, %dma_start3A_51, %dma_start3A_52] : memref<8x14x14x16x768xf32, #tpu.memory_space<hbm>> -> memref<1x1x2x16x768xf32, #tpu.memory_space<hbm>>
    %dma_start3A_54 = tpu.memref_squeeze %dma_start3A_53 : memref<1x1x2x16x768xf32, #tpu.memory_space<hbm>> -> memref<2x16x768xf32, #tpu.memory_space<hbm>>
    tpu.enqueue_dma source(%dma_start3A_54 : memref<2x16x768xf32, #tpu.memory_space<hbm>>) target(%dma_start3A_49 : memref<2x16x768xf32, #tpu.memory_space<vmem>>) target_semaphore(%arg7 : memref<!tpu.dma_semaphore, #tpu.memory_space<semaphore_mem>>)
    %mul3A_55 = arith.constant 3 : i32
    %mul3A_56 = arith.muli %mul3A_55, %select_n3A_30 : i32
    %add3A_57 = arith.constant 0 : i32
    %add3A_58 = arith.addi %mul3A_56, %add3A_57 : i32
    %dma_start3A_59 = arith.constant 1 : i32
    %dma_start3A_60 = arith.constant 0 : i32
    %dma_start3A_61 = arith.constant 0 : i32
    %dma_start3A_62 = arith.constant 0 : i32
    %dma_start3A_63 = tpu.memref_slice %arg4[%dma_start3A_59, %dma_start3A_60, %dma_start3A_61, %dma_start3A_62] : memref<4x2x16x768xf32, #tpu.memory_space<vmem>> -> memref<1x2x16x768xf32, #tpu.memory_space<vmem>>
    %dma_start3A_64 = tpu.memref_squeeze %dma_start3A_63 : memref<1x2x16x768xf32, #tpu.memory_space<vmem>> -> memref<2x16x768xf32, #tpu.memory_space<vmem>>
    %dma_start3A_65 = arith.constant 4 : i32
    %dma_start3A_66 = arith.constant 0 : i32
    %dma_start3A_67 = arith.constant 0 : i32
    %dma_start3A_68 = tpu.memref_slice %arg2[%add3A, %add3A_58, %dma_start3A_65, %dma_start3A_66, %dma_start3A_67] : memref<8x14x14x16x768xf32, #tpu.memory_space<hbm>> -> memref<1x1x2x16x768xf32, #tpu.memory_space<hbm>>
    %dma_start3A_69 = tpu.memref_squeeze %dma_start3A_68 : memref<1x1x2x16x768xf32, #tpu.memory_space<hbm>> -> memref<2x16x768xf32, #tpu.memory_space<hbm>>
    %dma_start3A_70 = arith.constant 0 : i32
    %dma_start3A_71 = arith.constant 0 : i32
    %dma_start3A_72 = arith.constant 0 : i32
    %dma_start3A_73 = tpu.memref_slice %arg4[%dma_start3A_59, %dma_start3A_70, %dma_start3A_71, %dma_start3A_72] : memref<4x2x16x768xf32, #tpu.memory_space<vmem>> -> memref<1x2x16x768xf32, #tpu.memory_space<vmem>>
    %dma_start3A_74 = tpu.memref_squeeze %dma_start3A_73 : memref<1x2x16x768xf32, #tpu.memory_space<vmem>> -> memref<2x16x768xf32, #tpu.memory_space<vmem>>
    %dma_start3A_75 = arith.constant 4 : i32
    %dma_start3A_76 = arith.constant 0 : i32
    %dma_start3A_77 = arith.constant 0 : i32
    %dma_start3A_78 = tpu.memref_slice %arg2[%add3A, %add3A_58, %dma_start3A_75, %dma_start3A_76, %dma_start3A_77] : memref<8x14x14x16x768xf32, #tpu.memory_space<hbm>> -> memref<1x1x2x16x768xf32, #tpu.memory_space<hbm>>
    %dma_start3A_79 = tpu.memref_squeeze %dma_start3A_78 : memref<1x1x2x16x768xf32, #tpu.memory_space<hbm>> -> memref<2x16x768xf32, #tpu.memory_space<hbm>>
    tpu.enqueue_dma source(%dma_start3A_79 : memref<2x16x768xf32, #tpu.memory_space<hbm>>) target(%dma_start3A_74 : memref<2x16x768xf32, #tpu.memory_space<vmem>>) target_semaphore(%arg8 : memref<!tpu.dma_semaphore, #tpu.memory_space<semaphore_mem>>)
    %mul3A_80 = arith.constant 3 : i32
    %mul3A_81 = arith.muli %mul3A_80, %select_n3A_30 : i32
    %add3A_82 = arith.constant 0 : i32
    %add3A_83 = arith.addi %mul3A_81, %add3A_82 : i32
    %dma_start3A_84 = arith.constant 2 : i32
    %dma_start3A_85 = arith.constant 0 : i32
    %dma_start3A_86 = arith.constant 0 : i32
    %dma_start3A_87 = arith.constant 0 : i32
    %dma_start3A_88 = tpu.memref_slice %arg4[%dma_start3A_84, %dma_start3A_85, %dma_start3A_86, %dma_start3A_87] : memref<4x2x16x768xf32, #tpu.memory_space<vmem>> -> memref<1x2x16x768xf32, #tpu.memory_space<vmem>>
    %dma_start3A_89 = tpu.memref_squeeze %dma_start3A_88 : memref<1x2x16x768xf32, #tpu.memory_space<vmem>> -> memref<2x16x768xf32, #tpu.memory_space<vmem>>
    %dma_start3A_90 = arith.constant 6 : i32
    %dma_start3A_91 = arith.constant 0 : i32
    %dma_start3A_92 = arith.constant 0 : i32
    %dma_start3A_93 = tpu.memref_slice %arg2[%add3A, %add3A_83, %dma_start3A_90, %dma_start3A_91, %dma_start3A_92] : memref<8x14x14x16x768xf32, #tpu.memory_space<hbm>> -> memref<1x1x2x16x768xf32, #tpu.memory_space<hbm>>
    %dma_start3A_94 = tpu.memref_squeeze %dma_start3A_93 : memref<1x1x2x16x768xf32, #tpu.memory_space<hbm>> -> memref<2x16x768xf32, #tpu.memory_space<hbm>>
    %dma_start3A_95 = arith.constant 0 : i32
    %dma_start3A_96 = arith.constant 0 : i32
    %dma_start3A_97 = arith.constant 0 : i32
    %dma_start3A_98 = tpu.memref_slice %arg4[%dma_start3A_84, %dma_start3A_95, %dma_start3A_96, %dma_start3A_97] : memref<4x2x16x768xf32, #tpu.memory_space<vmem>> -> memref<1x2x16x768xf32, #tpu.memory_space<vmem>>
    %dma_start3A_99 = tpu.memref_squeeze %dma_start3A_98 : memref<1x2x16x768xf32, #tpu.memory_space<vmem>> -> memref<2x16x768xf32, #tpu.memory_space<vmem>>
    %dma_start3A_100 = arith.constant 6 : i32
    %dma_start3A_101 = arith.constant 0 : i32
    %dma_start3A_102 = arith.constant 0 : i32
    %dma_start3A_103 = tpu.memref_slice %arg2[%add3A, %add3A_83, %dma_start3A_100, %dma_start3A_101, %dma_start3A_102] : memref<8x14x14x16x768xf32, #tpu.memory_space<hbm>> -> memref<1x1x2x16x768xf32, #tpu.memory_space<hbm>>
    %dma_start3A_104 = tpu.memref_squeeze %dma_start3A_103 : memref<1x1x2x16x768xf32, #tpu.memory_space<hbm>> -> memref<2x16x768xf32, #tpu.memory_space<hbm>>
    tpu.enqueue_dma source(%dma_start3A_104 : memref<2x16x768xf32, #tpu.memory_space<hbm>>) target(%dma_start3A_99 : memref<2x16x768xf32, #tpu.memory_space<vmem>>) target_semaphore(%arg9 : memref<!tpu.dma_semaphore, #tpu.memory_space<semaphore_mem>>)
    %dma_wait3A = arith.constant 0 : i32
    %dma_wait3A_105 = arith.constant 0 : i32
    %dma_wait3A_106 = arith.constant 0 : i32
    %dma_wait3A_107 = arith.constant 0 : i32
    %dma_wait3A_108 = arith.constant 0 : i32
    %dma_wait3A_109 = arith.constant 0 : i32
    %dma_wait3A_110 = tpu.memref_slice %arg4[%dma_wait3A_106, %dma_wait3A_107, %dma_wait3A_108, %dma_wait3A_109] : memref<4x2x16x768xf32, #tpu.memory_space<vmem>> -> memref<1x2x16x768xf32, #tpu.memory_space<vmem>>
    %dma_wait3A_111 = tpu.memref_squeeze %dma_wait3A_110 : memref<1x2x16x768xf32, #tpu.memory_space<vmem>> -> memref<2x16x768xf32, #tpu.memory_space<vmem>>
    %dma_wait3A_112 = arith.constant 0 : i32
    %dma_wait3A_113 = arith.constant 0 : i32
    %dma_wait3A_114 = arith.constant 0 : i32
    %dma_wait3A_115 = tpu.memref_slice %arg2[%dma_wait3A, %dma_wait3A_105, %dma_wait3A_112, %dma_wait3A_113, %dma_wait3A_114] : memref<8x14x14x16x768xf32, #tpu.memory_space<hbm>> -> memref<1x1x2x16x768xf32, #tpu.memory_space<hbm>>
    %dma_wait3A_116 = tpu.memref_squeeze %dma_wait3A_115 : memref<1x1x2x16x768xf32, #tpu.memory_space<hbm>> -> memref<2x16x768xf32, #tpu.memory_space<hbm>>
    %dma_wait3A_117 = arith.constant 0 : i32
    %dma_wait3A_118 = arith.constant 0 : i32
    %dma_wait3A_119 = arith.constant 0 : i32
    %dma_wait3A_120 = tpu.memref_slice %arg4[%dma_wait3A_106, %dma_wait3A_117, %dma_wait3A_118, %dma_wait3A_119] : memref<4x2x16x768xf32, #tpu.memory_space<vmem>> -> memref<1x2x16x768xf32, #tpu.memory_space<vmem>>
    %dma_wait3A_121 = tpu.memref_squeeze %dma_wait3A_120 : memref<1x2x16x768xf32, #tpu.memory_space<vmem>> -> memref<2x16x768xf32, #tpu.memory_space<vmem>>
    %dma_wait3A_122 = arith.constant 0 : i32
    %dma_wait3A_123 = arith.constant 0 : i32
    %dma_wait3A_124 = arith.constant 0 : i32
    %dma_wait3A_125 = tpu.memref_slice %arg2[%dma_wait3A, %dma_wait3A_105, %dma_wait3A_122, %dma_wait3A_123, %dma_wait3A_124] : memref<8x14x14x16x768xf32, #tpu.memory_space<hbm>> -> memref<1x1x2x16x768xf32, #tpu.memory_space<hbm>>
    %dma_wait3A_126 = tpu.memref_squeeze %dma_wait3A_125 : memref<1x1x2x16x768xf32, #tpu.memory_space<hbm>> -> memref<2x16x768xf32, #tpu.memory_space<hbm>>
    tpu.wait_dma2 semaphore(%arg7 : memref<!tpu.dma_semaphore, #tpu.memory_space<semaphore_mem>>) src(%dma_wait3A_126 : memref<2x16x768xf32, #tpu.memory_space<hbm>>) dst(%dma_wait3A_121 : memref<2x16x768xf32, #tpu.memory_space<vmem>>)
    %parallel_loop3A = arith.constant 0 : i32
    %parallel_loop3A_127 = arith.constant 768 : i32
    %parallel_loop3A_128 = arith.constant 1 : i32
    scf.for %parallel_loop3A_797 = %parallel_loop3A to %parallel_loop3A_127 step %parallel_loop3A_128  : i32 {
      %parallel_loop3A_798 = arith.constant 15 : i32
      %parallel_loop3A_799 = arith.andi %parallel_loop3A_797, %parallel_loop3A_798 : i32
      %parallel_loop3A_800 = arith.constant 4 : i32
      %parallel_loop3A_801 = arith.shrsi %parallel_loop3A_797, %parallel_loop3A_800 : i32
      %parallel_loop3A_802 = arith.constant 16 : i32
      %parallel_loop3A_803 = arith.muli %parallel_loop3A_801, %parallel_loop3A_802 : i32
      %parallel_loop3A_804 = arith.constant 0 : i32
      %parallel_loop3A_805 = arith.constant 0 : i32
      %parallel_loop3A_806 = arith.index_cast %parallel_loop3A_804 : i32 to index
      %parallel_loop3A_807 = arith.index_cast %parallel_loop3A_805 : i32 to index
      %parallel_loop3A_808 = arith.index_cast %parallel_loop3A_799 : i32 to index
      %parallel_loop3A_809 = arith.index_cast %parallel_loop3A_803 : i32 to index
      %parallel_loop3A_810 = tpu.vector_load %arg4[%parallel_loop3A_806, %parallel_loop3A_807, %parallel_loop3A_808, %parallel_loop3A_809] {strides = array<i32>} : memref<4x2x16x768xf32, #tpu.memory_space<vmem>>, vector<1x1x1x16xf32>,
      %parallel_loop3A_811 = vector.shape_cast %parallel_loop3A_810 : vector<1x1x1x16xf32> to vector<16xf32>
      %parallel_loop3A_812 = arith.constant 0 : i32
      %parallel_loop3A_813 = arith.constant 1 : i32
      %parallel_loop3A_814 = arith.index_cast %parallel_loop3A_812 : i32 to index
      %parallel_loop3A_815 = arith.index_cast %parallel_loop3A_813 : i32 to index
      %parallel_loop3A_816 = arith.index_cast %parallel_loop3A_799 : i32 to index
      %parallel_loop3A_817 = arith.index_cast %parallel_loop3A_803 : i32 to index
      %parallel_loop3A_818 = tpu.vector_load %arg4[%parallel_loop3A_814, %parallel_loop3A_815, %parallel_loop3A_816, %parallel_loop3A_817] {strides = array<i32>} : memref<4x2x16x768xf32, #tpu.memory_space<vmem>>, vector<1x1x1x16xf32>,
      %parallel_loop3A_819 = vector.shape_cast %parallel_loop3A_818 : vector<1x1x1x16xf32> to vector<16xf32>
      %parallel_loop3A_820 = arith.addf %parallel_loop3A_811, %parallel_loop3A_819 : vector<16xf32>
      %parallel_loop3A_821 = arith.index_cast %parallel_loop3A_799 : i32 to index
      %parallel_loop3A_822 = arith.index_cast %parallel_loop3A_803 : i32 to index
      %parallel_loop3A_823 = tpu.vector_load %arg5[%parallel_loop3A_821, %parallel_loop3A_822] {strides = array<i32>} : memref<16x768xf32, #tpu.memory_space<vmem>>, vector<1x16xf32>,
      %parallel_loop3A_824 = vector.shape_cast %parallel_loop3A_823 : vector<1x16xf32> to vector<16xf32>
      %parallel_loop3A_825 = vector.shape_cast %parallel_loop3A_820 : vector<16xf32> to vector<1x16xf32>
      tpu.vector_store %arg5[%parallel_loop3A_821, %parallel_loop3A_822], %parallel_loop3A_825 {strides = array<i32>} : memref<16x768xf32, #tpu.memory_space<vmem>>, vector<1x16xf32>,
    } {sc.loop_unroll_factor = 16 : i64, sc.parallel_access}
    %mul3A_129 = arith.constant 3 : i32
    %mul3A_130 = arith.muli %mul3A_129, %select_n3A_30 : i32
    %add3A_131 = arith.constant 0 : i32
    %add3A_132 = arith.addi %mul3A_130, %add3A_131 : i32
    %dma_start3A_133 = arith.constant 3 : i32
    %dma_start3A_134 = arith.constant 0 : i32
    %dma_start3A_135 = arith.constant 0 : i32
    %dma_start3A_136 = arith.constant 0 : i32
    %dma_start3A_137 = tpu.memref_slice %arg4[%dma_start3A_133, %dma_start3A_134, %dma_start3A_135, %dma_start3A_136] : memref<4x2x16x768xf32, #tpu.memory_space<vmem>> -> memref<1x2x16x768xf32, #tpu.memory_space<vmem>>
    %dma_start3A_138 = tpu.memref_squeeze %dma_start3A_137 : memref<1x2x16x768xf32, #tpu.memory_space<vmem>> -> memref<2x16x768xf32, #tpu.memory_space<vmem>>
    %dma_start3A_139 = arith.constant 8 : i32
    %dma_start3A_140 = arith.constant 0 : i32
    %dma_start3A_141 = arith.constant 0 : i32
    %dma_start3A_142 = tpu.memref_slice %arg2[%add3A, %add3A_132, %dma_start3A_139, %dma_start3A_140, %dma_start3A_141] : memref<8x14x14x16x768xf32, #tpu.memory_space<hbm>> -> memref<1x1x2x16x768xf32, #tpu.memory_space<hbm>>
    %dma_start3A_143 = tpu.memref_squeeze %dma_start3A_142 : memref<1x1x2x16x768xf32, #tpu.memory_space<hbm>> -> memref<2x16x768xf32, #tpu.memory_space<hbm>>
    %dma_start3A_144 = arith.constant 0 : i32
    %dma_start3A_145 = arith.constant 0 : i32
    %dma_start3A_146 = arith.constant 0 : i32
    %dma_start3A_147 = tpu.memref_slice %arg4[%dma_start3A_133, %dma_start3A_144, %dma_start3A_145, %dma_start3A_146] : memref<4x2x16x768xf32, #tpu.memory_space<vmem>> -> memref<1x2x16x768xf32, #tpu.memory_space<vmem>>
    %dma_start3A_148 = tpu.memref_squeeze %dma_start3A_147 : memref<1x2x16x768xf32, #tpu.memory_space<vmem>> -> memref<2x16x768xf32, #tpu.memory_space<vmem>>
    %dma_start3A_149 = arith.constant 8 : i32
    %dma_start3A_150 = arith.constant 0 : i32
    %dma_start3A_151 = arith.constant 0 : i32
    %dma_start3A_152 = tpu.memref_slice %arg2[%add3A, %add3A_132, %dma_start3A_149, %dma_start3A_150, %dma_start3A_151] : memref<8x14x14x16x768xf32, #tpu.memory_space<hbm>> -> memref<1x1x2x16x768xf32, #tpu.memory_space<hbm>>
    %dma_start3A_153 = tpu.memref_squeeze %dma_start3A_152 : memref<1x1x2x16x768xf32, #tpu.memory_space<hbm>> -> memref<2x16x768xf32, #tpu.memory_space<hbm>>
    tpu.enqueue_dma source(%dma_start3A_153 : memref<2x16x768xf32, #tpu.memory_space<hbm>>) target(%dma_start3A_148 : memref<2x16x768xf32, #tpu.memory_space<vmem>>) target_semaphore(%arg10 : memref<!tpu.dma_semaphore, #tpu.memory_space<semaphore_mem>>)
    %dma_wait3A_154 = arith.constant 0 : i32
    %dma_wait3A_155 = arith.constant 0 : i32
    %dma_wait3A_156 = arith.constant 1 : i32
    %dma_wait3A_157 = arith.constant 0 : i32
    %dma_wait3A_158 = arith.constant 0 : i32
    %dma_wait3A_159 = arith.constant 0 : i32
    %dma_wait3A_160 = tpu.memref_slice %arg4[%dma_wait3A_156, %dma_wait3A_157, %dma_wait3A_158, %dma_wait3A_159] : memref<4x2x16x768xf32, #tpu.memory_space<vmem>> -> memref<1x2x16x768xf32, #tpu.memory_space<vmem>>
    %dma_wait3A_161 = tpu.memref_squeeze %dma_wait3A_160 : memref<1x2x16x768xf32, #tpu.memory_space<vmem>> -> memref<2x16x768xf32, #tpu.memory_space<vmem>>
    %dma_wait3A_162 = arith.constant 0 : i32
    %dma_wait3A_163 = arith.constant 0 : i32
    %dma_wait3A_164 = arith.constant 0 : i32
    %dma_wait3A_165 = tpu.memref_slice %arg2[%dma_wait3A_154, %dma_wait3A_155, %dma_wait3A_162, %dma_wait3A_163, %dma_wait3A_164] : memref<8x14x14x16x768xf32, #tpu.memory_space<hbm>> -> memref<1x1x2x16x768xf32, #tpu.memory_space<hbm>>
    %dma_wait3A_166 = tpu.memref_squeeze %dma_wait3A_165 : memref<1x1x2x16x768xf32, #tpu.memory_space<hbm>> -> memref<2x16x768xf32, #tpu.memory_space<hbm>>
    %dma_wait3A_167 = arith.constant 0 : i32
    %dma_wait3A_168 = arith.constant 0 : i32
    %dma_wait3A_169 = arith.constant 0 : i32
    %dma_wait3A_170 = tpu.memref_slice %arg4[%dma_wait3A_156, %dma_wait3A_167, %dma_wait3A_168, %dma_wait3A_169] : memref<4x2x16x768xf32, #tpu.memory_space<vmem>> -> memref<1x2x16x768xf32, #tpu.memory_space<vmem>>
    %dma_wait3A_171 = tpu.memref_squeeze %dma_wait3A_170 : memref<1x2x16x768xf32, #tpu.memory_space<vmem>> -> memref<2x16x768xf32, #tpu.memory_space<vmem>>
    %dma_wait3A_172 = arith.constant 0 : i32
    %dma_wait3A_173 = arith.constant 0 : i32
    %dma_wait3A_174 = arith.constant 0 : i32
    %dma_wait3A_175 = tpu.memref_slice %arg2[%dma_wait3A_154, %dma_wait3A_155, %dma_wait3A_172, %dma_wait3A_173, %dma_wait3A_174] : memref<8x14x14x16x768xf32, #tpu.memory_space<hbm>> -> memref<1x1x2x16x768xf32, #tpu.memory_space<hbm>>
    %dma_wait3A_176 = tpu.memref_squeeze %dma_wait3A_175 : memref<1x1x2x16x768xf32, #tpu.memory_space<hbm>> -> memref<2x16x768xf32, #tpu.memory_space<hbm>>
    tpu.wait_dma2 semaphore(%arg8 : memref<!tpu.dma_semaphore, #tpu.memory_space<semaphore_mem>>) src(%dma_wait3A_176 : memref<2x16x768xf32, #tpu.memory_space<hbm>>) dst(%dma_wait3A_171 : memref<2x16x768xf32, #tpu.memory_space<vmem>>)
    %parallel_loop3A_177 = arith.constant 0 : i32
    %parallel_loop3A_178 = arith.constant 768 : i32
    %parallel_loop3A_179 = arith.constant 1 : i32
    scf.for %parallel_loop3A_797 = %parallel_loop3A_177 to %parallel_loop3A_178 step %parallel_loop3A_179  : i32 {
      %parallel_loop3A_798 = arith.constant 15 : i32
      %parallel_loop3A_799 = arith.andi %parallel_loop3A_797, %parallel_loop3A_798 : i32
      %parallel_loop3A_800 = arith.constant 4 : i32
      %parallel_loop3A_801 = arith.shrsi %parallel_loop3A_797, %parallel_loop3A_800 : i32
      %parallel_loop3A_802 = arith.constant 16 : i32
      %parallel_loop3A_803 = arith.muli %parallel_loop3A_801, %parallel_loop3A_802 : i32
      %parallel_loop3A_804 = arith.constant 1 : i32
      %parallel_loop3A_805 = arith.constant 0 : i32
      %parallel_loop3A_806 = arith.index_cast %parallel_loop3A_804 : i32 to index
      %parallel_loop3A_807 = arith.index_cast %parallel_loop3A_805 : i32 to index
      %parallel_loop3A_808 = arith.index_cast %parallel_loop3A_799 : i32 to index
      %parallel_loop3A_809 = arith.index_cast %parallel_loop3A_803 : i32 to index
      %parallel_loop3A_810 = tpu.vector_load %arg4[%parallel_loop3A_806, %parallel_loop3A_807, %parallel_loop3A_808, %parallel_loop3A_809] {strides = array<i32>} : memref<4x2x16x768xf32, #tpu.memory_space<vmem>>, vector<1x1x1x16xf32>,
      %parallel_loop3A_811 = vector.shape_cast %parallel_loop3A_810 : vector<1x1x1x16xf32> to vector<16xf32>
      %parallel_loop3A_812 = arith.constant 1 : i32
      %parallel_loop3A_813 = arith.constant 1 : i32
      %parallel_loop3A_814 = arith.index_cast %parallel_loop3A_812 : i32 to index
      %parallel_loop3A_815 = arith.index_cast %parallel_loop3A_813 : i32 to index
      %parallel_loop3A_816 = arith.index_cast %parallel_loop3A_799 : i32 to index
      %parallel_loop3A_817 = arith.index_cast %parallel_loop3A_803 : i32 to index
      %parallel_loop3A_818 = tpu.vector_load %arg4[%parallel_loop3A_814, %parallel_loop3A_815, %parallel_loop3A_816, %parallel_loop3A_817] {strides = array<i32>} : memref<4x2x16x768xf32, #tpu.memory_space<vmem>>, vector<1x1x1x16xf32>,
      %parallel_loop3A_819 = vector.shape_cast %parallel_loop3A_818 : vector<1x1x1x16xf32> to vector<16xf32>
      %parallel_loop3A_820 = arith.addf %parallel_loop3A_811, %parallel_loop3A_819 : vector<16xf32>
      %parallel_loop3A_821 = arith.index_cast %parallel_loop3A_799 : i32 to index
      %parallel_loop3A_822 = arith.index_cast %parallel_loop3A_803 : i32 to index
      %parallel_loop3A_823 = tpu.vector_load %arg5[%parallel_loop3A_821, %parallel_loop3A_822] {strides = array<i32>} : memref<16x768xf32, #tpu.memory_space<vmem>>, vector<1x16xf32>,
      %parallel_loop3A_824 = vector.shape_cast %parallel_loop3A_823 : vector<1x16xf32> to vector<16xf32>
      %parallel_loop3A_825 = vector.shape_cast %parallel_loop3A_820 : vector<16xf32> to vector<1x16xf32>
      tpu.vector_store %arg5[%parallel_loop3A_821, %parallel_loop3A_822], %parallel_loop3A_825 {add = true, strides = array<i32>} : memref<16x768xf32, #tpu.memory_space<vmem>>, vector<1x16xf32>,
    } {sc.loop_unroll_factor = 16 : i64, sc.parallel_access}
    %mul3A_180 = arith.constant 3 : i32
    %mul3A_181 = arith.muli %mul3A_180, %select_n3A_30 : i32
    %add3A_182 = arith.constant 0 : i32
    %add3A_183 = arith.addi %mul3A_181, %add3A_182 : i32
    %dma_start3A_184 = arith.constant 0 : i32
    %dma_start3A_185 = arith.constant 0 : i32
    %dma_start3A_186 = arith.constant 0 : i32
    %dma_start3A_187 = arith.constant 0 : i32
    %dma_start3A_188 = tpu.memref_slice %arg4[%dma_start3A_184, %dma_start3A_185, %dma_start3A_186, %dma_start3A_187] : memref<4x2x16x768xf32, #tpu.memory_space<vmem>> -> memref<1x2x16x768xf32, #tpu.memory_space<vmem>>
    %dma_start3A_189 = tpu.memref_squeeze %dma_start3A_188 : memref<1x2x16x768xf32, #tpu.memory_space<vmem>> -> memref<2x16x768xf32, #tpu.memory_space<vmem>>
    %dma_start3A_190 = arith.constant 10 : i32
    %dma_start3A_191 = arith.constant 0 : i32
    %dma_start3A_192 = arith.constant 0 : i32
    %dma_start3A_193 = tpu.memref_slice %arg2[%add3A, %add3A_183, %dma_start3A_190, %dma_start3A_191, %dma_start3A_192] : memref<8x14x14x16x768xf32, #tpu.memory_space<hbm>> -> memref<1x1x2x16x768xf32, #tpu.memory_space<hbm>>
    %dma_start3A_194 = tpu.memref_squeeze %dma_start3A_193 : memref<1x1x2x16x768xf32, #tpu.memory_space<hbm>> -> memref<2x16x768xf32, #tpu.memory_space<hbm>>
    %dma_start3A_195 = arith.constant 0 : i32
    %dma_start3A_196 = arith.constant 0 : i32
    %dma_start3A_197 = arith.constant 0 : i32
    %dma_start3A_198 = tpu.memref_slice %arg4[%dma_start3A_184, %dma_start3A_195, %dma_start3A_196, %dma_start3A_197] : memref<4x2x16x768xf32, #tpu.memory_space<vmem>> -> memref<1x2x16x768xf32, #tpu.memory_space<vmem>>
    %dma_start3A_199 = tpu.memref_squeeze %dma_start3A_198 : memref<1x2x16x768xf32, #tpu.memory_space<vmem>> -> memref<2x16x768xf32, #tpu.memory_space<vmem>>
    %dma_start3A_200 = arith.constant 10 : i32
    %dma_start3A_201 = arith.constant 0 : i32
    %dma_start3A_202 = arith.constant 0 : i32
    %dma_start3A_203 = tpu.memref_slice %arg2[%add3A, %add3A_183, %dma_start3A_200, %dma_start3A_201, %dma_start3A_202] : memref<8x14x14x16x768xf32, #tpu.memory_space<hbm>> -> memref<1x1x2x16x768xf32, #tpu.memory_space<hbm>>
    %dma_start3A_204 = tpu.memref_squeeze %dma_start3A_203 : memref<1x1x2x16x768xf32, #tpu.memory_space<hbm>> -> memref<2x16x768xf32, #tpu.memory_space<hbm>>
    tpu.enqueue_dma source(%dma_start3A_204 : memref<2x16x768xf32, #tpu.memory_space<hbm>>) target(%dma_start3A_199 : memref<2x16x768xf32, #tpu.memory_space<vmem>>) target_semaphore(%arg7 : memref<!tpu.dma_semaphore, #tpu.memory_space<semaphore_mem>>)
    %dma_wait3A_205 = arith.constant 0 : i32
    %dma_wait3A_206 = arith.constant 0 : i32
    %dma_wait3A_207 = arith.constant 2 : i32
    %dma_wait3A_208 = arith.constant 0 : i32
    %dma_wait3A_209 = arith.constant 0 : i32
    %dma_wait3A_210 = arith.constant 0 : i32
    %dma_wait3A_211 = tpu.memref_slice %arg4[%dma_wait3A_207, %dma_wait3A_208, %dma_wait3A_209, %dma_wait3A_210] : memref<4x2x16x768xf32, #tpu.memory_space<vmem>> -> memref<1x2x16x768xf32, #tpu.memory_space<vmem>>
    %dma_wait3A_212 = tpu.memref_squeeze %dma_wait3A_211 : memref<1x2x16x768xf32, #tpu.memory_space<vmem>> -> memref<2x16x768xf32, #tpu.memory_space<vmem>>
    %dma_wait3A_213 = arith.constant 0 : i32
    %dma_wait3A_214 = arith.constant 0 : i32
    %dma_wait3A_215 = arith.constant 0 : i32
    %dma_wait3A_216 = tpu.memref_slice %arg2[%dma_wait3A_205, %dma_wait3A_206, %dma_wait3A_213, %dma_wait3A_214, %dma_wait3A_215] : memref<8x14x14x16x768xf32, #tpu.memory_space<hbm>> -> memref<1x1x2x16x768xf32, #tpu.memory_space<hbm>>
    %dma_wait3A_217 = tpu.memref_squeeze %dma_wait3A_216 : memref<1x1x2x16x768xf32, #tpu.memory_space<hbm>> -> memref<2x16x768xf32, #tpu.memory_space<hbm>>
    %dma_wait3A_218 = arith.constant 0 : i32
    %dma_wait3A_219 = arith.constant 0 : i32
    %dma_wait3A_220 = arith.constant 0 : i32
    %dma_wait3A_221 = tpu.memref_slice %arg4[%dma_wait3A_207, %dma_wait3A_218, %dma_wait3A_219, %dma_wait3A_220] : memref<4x2x16x768xf32, #tpu.memory_space<vmem>> -> memref<1x2x16x768xf32, #tpu.memory_space<vmem>>
    %dma_wait3A_222 = tpu.memref_squeeze %dma_wait3A_221 : memref<1x2x16x768xf32, #tpu.memory_space<vmem>> -> memref<2x16x768xf32, #tpu.memory_space<vmem>>
    %dma_wait3A_223 = arith.constant 0 : i32
    %dma_wait3A_224 = arith.constant 0 : i32
    %dma_wait3A_225 = arith.constant 0 : i32
    %dma_wait3A_226 = tpu.memref_slice %arg2[%dma_wait3A_205, %dma_wait3A_206, %dma_wait3A_223, %dma_wait3A_224, %dma_wait3A_225] : memref<8x14x14x16x768xf32, #tpu.memory_space<hbm>> -> memref<1x1x2x16x768xf32, #tpu.memory_space<hbm>>
    %dma_wait3A_227 = tpu.memref_squeeze %dma_wait3A_226 : memref<1x1x2x16x768xf32, #tpu.memory_space<hbm>> -> memref<2x16x768xf32, #tpu.memory_space<hbm>>
    tpu.wait_dma2 semaphore(%arg9 : memref<!tpu.dma_semaphore, #tpu.memory_space<semaphore_mem>>) src(%dma_wait3A_227 : memref<2x16x768xf32, #tpu.memory_space<hbm>>) dst(%dma_wait3A_222 : memref<2x16x768xf32, #tpu.memory_space<vmem>>)
    %parallel_loop3A_228 = arith.constant 0 : i32
    %parallel_loop3A_229 = arith.constant 768 : i32
    %parallel_loop3A_230 = arith.constant 1 : i32
    scf.for %parallel_loop3A_797 = %parallel_loop3A_228 to %parallel_loop3A_229 step %parallel_loop3A_230  : i32 {
      %parallel_loop3A_798 = arith.constant 15 : i32
      %parallel_loop3A_799 = arith.andi %parallel_loop3A_797, %parallel_loop3A_798 : i32
      %parallel_loop3A_800 = arith.constant 4 : i32
      %parallel_loop3A_801 = arith.shrsi %parallel_loop3A_797, %parallel_loop3A_800 : i32
      %parallel_loop3A_802 = arith.constant 16 : i32
      %parallel_loop3A_803 = arith.muli %parallel_loop3A_801, %parallel_loop3A_802 : i32
      %parallel_loop3A_804 = arith.constant 2 : i32
      %parallel_loop3A_805 = arith.constant 0 : i32
      %parallel_loop3A_806 = arith.index_cast %parallel_loop3A_804 : i32 to index
      %parallel_loop3A_807 = arith.index_cast %parallel_loop3A_805 : i32 to index
      %parallel_loop3A_808 = arith.index_cast %parallel_loop3A_799 : i32 to index
      %parallel_loop3A_809 = arith.index_cast %parallel_loop3A_803 : i32 to index
      %parallel_loop3A_810 = tpu.vector_load %arg4[%parallel_loop3A_806, %parallel_loop3A_807, %parallel_loop3A_808, %parallel_loop3A_809] {strides = array<i32>} : memref<4x2x16x768xf32, #tpu.memory_space<vmem>>, vector<1x1x1x16xf32>,
      %parallel_loop3A_811 = vector.shape_cast %parallel_loop3A_810 : vector<1x1x1x16xf32> to vector<16xf32>
      %parallel_loop3A_812 = arith.constant 2 : i32
      %parallel_loop3A_813 = arith.constant 1 : i32
      %parallel_loop3A_814 = arith.index_cast %parallel_loop3A_812 : i32 to index
      %parallel_loop3A_815 = arith.index_cast %parallel_loop3A_813 : i32 to index
      %parallel_loop3A_816 = arith.index_cast %parallel_loop3A_799 : i32 to index
      %parallel_loop3A_817 = arith.index_cast %parallel_loop3A_803 : i32 to index
      %parallel_loop3A_818 = tpu.vector_load %arg4[%parallel_loop3A_814, %parallel_loop3A_815, %parallel_loop3A_816, %parallel_loop3A_817] {strides = array<i32>} : memref<4x2x16x768xf32, #tpu.memory_space<vmem>>, vector<1x1x1x16xf32>,
      %parallel_loop3A_819 = vector.shape_cast %parallel_loop3A_818 : vector<1x1x1x16xf32> to vector<16xf32>
      %parallel_loop3A_820 = arith.addf %parallel_loop3A_811, %parallel_loop3A_819 : vector<16xf32>
      %parallel_loop3A_821 = arith.index_cast %parallel_loop3A_799 : i32 to index
      %parallel_loop3A_822 = arith.index_cast %parallel_loop3A_803 : i32 to index
      %parallel_loop3A_823 = tpu.vector_load %arg5[%parallel_loop3A_821, %parallel_loop3A_822] {strides = array<i32>} : memref<16x768xf32, #tpu.memory_space<vmem>>, vector<1x16xf32>,
      %parallel_loop3A_824 = vector.shape_cast %parallel_loop3A_823 : vector<1x16xf32> to vector<16xf32>
      %parallel_loop3A_825 = vector.shape_cast %parallel_loop3A_820 : vector<16xf32> to vector<1x16xf32>
      tpu.vector_store %arg5[%parallel_loop3A_821, %parallel_loop3A_822], %parallel_loop3A_825 {add = true, strides = array<i32>} : memref<16x768xf32, #tpu.memory_space<vmem>>, vector<1x16xf32>,
    } {sc.loop_unroll_factor = 16 : i64, sc.parallel_access}
    %mul3A_231 = arith.constant 3 : i32
    %mul3A_232 = arith.muli %mul3A_231, %select_n3A_30 : i32
    %add3A_233 = arith.constant 1 : i32
    %add3A_234 = arith.addi %mul3A_232, %add3A_233 : i32
    %dma_start3A_235 = arith.constant 1 : i32
    %dma_start3A_236 = arith.constant 0 : i32
    %dma_start3A_237 = arith.constant 0 : i32
    %dma_start3A_238 = arith.constant 0 : i32
    %dma_start3A_239 = tpu.memref_slice %arg4[%dma_start3A_235, %dma_start3A_236, %dma_start3A_237, %dma_start3A_238] : memref<4x2x16x768xf32, #tpu.memory_space<vmem>> -> memref<1x2x16x768xf32, #tpu.memory_space<vmem>>
    %dma_start3A_240 = tpu.memref_squeeze %dma_start3A_239 : memref<1x2x16x768xf32, #tpu.memory_space<vmem>> -> memref<2x16x768xf32, #tpu.memory_space<vmem>>
    %dma_start3A_241 = arith.constant 2 : i32
    %dma_start3A_242 = arith.constant 0 : i32
    %dma_start3A_243 = arith.constant 0 : i32
    %dma_start3A_244 = tpu.memref_slice %arg2[%add3A, %add3A_234, %dma_start3A_241, %dma_start3A_242, %dma_start3A_243] : memref<8x14x14x16x768xf32, #tpu.memory_space<hbm>> -> memref<1x1x2x16x768xf32, #tpu.memory_space<hbm>>
    %dma_start3A_245 = tpu.memref_squeeze %dma_start3A_244 : memref<1x1x2x16x768xf32, #tpu.memory_space<hbm>> -> memref<2x16x768xf32, #tpu.memory_space<hbm>>
    %dma_start3A_246 = arith.constant 0 : i32
    %dma_start3A_247 = arith.constant 0 : i32
    %dma_start3A_248 = arith.constant 0 : i32
    %dma_start3A_249 = tpu.memref_slice %arg4[%dma_start3A_235, %dma_start3A_246, %dma_start3A_247, %dma_start3A_248] : memref<4x2x16x768xf32, #tpu.memory_space<vmem>> -> memref<1x2x16x768xf32, #tpu.memory_space<vmem>>
    %dma_start3A_250 = tpu.memref_squeeze %dma_start3A_249 : memref<1x2x16x768xf32, #tpu.memory_space<vmem>> -> memref<2x16x768xf32, #tpu.memory_space<vmem>>
    %dma_start3A_251 = arith.constant 2 : i32
    %dma_start3A_252 = arith.constant 0 : i32
    %dma_start3A_253 = arith.constant 0 : i32
    %dma_start3A_254 = tpu.memref_slice %arg2[%add3A, %add3A_234, %dma_start3A_251, %dma_start3A_252, %dma_start3A_253] : memref<8x14x14x16x768xf32, #tpu.memory_space<hbm>> -> memref<1x1x2x16x768xf32, #tpu.memory_space<hbm>>
    %dma_start3A_255 = tpu.memref_squeeze %dma_start3A_254 : memref<1x1x2x16x768xf32, #tpu.memory_space<hbm>> -> memref<2x16x768xf32, #tpu.memory_space<hbm>>
    tpu.enqueue_dma source(%dma_start3A_255 : memref<2x16x768xf32, #tpu.memory_space<hbm>>) target(%dma_start3A_250 : memref<2x16x768xf32, #tpu.memory_space<vmem>>) target_semaphore(%arg8 : memref<!tpu.dma_semaphore, #tpu.memory_space<semaphore_mem>>)
    %dma_wait3A_256 = arith.constant 0 : i32
    %dma_wait3A_257 = arith.constant 0 : i32
    %dma_wait3A_258 = arith.constant 3 : i32
    %dma_wait3A_259 = arith.constant 0 : i32
    %dma_wait3A_260 = arith.constant 0 : i32
    %dma_wait3A_261 = arith.constant 0 : i32
    %dma_wait3A_262 = tpu.memref_slice %arg4[%dma_wait3A_258, %dma_wait3A_259, %dma_wait3A_260, %dma_wait3A_261] : memref<4x2x16x768xf32, #tpu.memory_space<vmem>> -> memref<1x2x16x768xf32, #tpu.memory_space<vmem>>
    %dma_wait3A_263 = tpu.memref_squeeze %dma_wait3A_262 : memref<1x2x16x768xf32, #tpu.memory_space<vmem>> -> memref<2x16x768xf32, #tpu.memory_space<vmem>>
    %dma_wait3A_264 = arith.constant 0 : i32
    %dma_wait3A_265 = arith.constant 0 : i32
    %dma_wait3A_266 = arith.constant 0 : i32
    %dma_wait3A_267 = tpu.memref_slice %arg2[%dma_wait3A_256, %dma_wait3A_257, %dma_wait3A_264, %dma_wait3A_265, %dma_wait3A_266] : memref<8x14x14x16x768xf32, #tpu.memory_space<hbm>> -> memref<1x1x2x16x768xf32, #tpu.memory_space<hbm>>
    %dma_wait3A_268 = tpu.memref_squeeze %dma_wait3A_267 : memref<1x1x2x16x768xf32, #tpu.memory_space<hbm>> -> memref<2x16x768xf32, #tpu.memory_space<hbm>>
    %dma_wait3A_269 = arith.constant 0 : i32
    %dma_wait3A_270 = arith.constant 0 : i32
    %dma_wait3A_271 = arith.constant 0 : i32
    %dma_wait3A_272 = tpu.memref_slice %arg4[%dma_wait3A_258, %dma_wait3A_269, %dma_wait3A_270, %dma_wait3A_271] : memref<4x2x16x768xf32, #tpu.memory_space<vmem>> -> memref<1x2x16x768xf32, #tpu.memory_space<vmem>>
    %dma_wait3A_273 = tpu.memref_squeeze %dma_wait3A_272 : memref<1x2x16x768xf32, #tpu.memory_space<vmem>> -> memref<2x16x768xf32, #tpu.memory_space<vmem>>
    %dma_wait3A_274 = arith.constant 0 : i32
    %dma_wait3A_275 = arith.constant 0 : i32
    %dma_wait3A_276 = arith.constant 0 : i32
    %dma_wait3A_277 = tpu.memref_slice %arg2[%dma_wait3A_256, %dma_wait3A_257, %dma_wait3A_274, %dma_wait3A_275, %dma_wait3A_276] : memref<8x14x14x16x768xf32, #tpu.memory_space<hbm>> -> memref<1x1x2x16x768xf32, #tpu.memory_space<hbm>>
    %dma_wait3A_278 = tpu.memref_squeeze %dma_wait3A_277 : memref<1x1x2x16x768xf32, #tpu.memory_space<hbm>> -> memref<2x16x768xf32, #tpu.memory_space<hbm>>
    tpu.wait_dma2 semaphore(%arg10 : memref<!tpu.dma_semaphore, #tpu.memory_space<semaphore_mem>>) src(%dma_wait3A_278 : memref<2x16x768xf32, #tpu.memory_space<hbm>>) dst(%dma_wait3A_273 : memref<2x16x768xf32, #tpu.memory_space<vmem>>)
    %parallel_loop3A_279 = arith.constant 0 : i32
    %parallel_loop3A_280 = arith.constant 768 : i32
    %parallel_loop3A_281 = arith.constant 1 : i32
    scf.for %parallel_loop3A_797 = %parallel_loop3A_279 to %parallel_loop3A_280 step %parallel_loop3A_281  : i32 {
      %parallel_loop3A_798 = arith.constant 15 : i32
      %parallel_loop3A_799 = arith.andi %parallel_loop3A_797, %parallel_loop3A_798 : i32
      %parallel_loop3A_800 = arith.constant 4 : i32
      %parallel_loop3A_801 = arith.shrsi %parallel_loop3A_797, %parallel_loop3A_800 : i32
      %parallel_loop3A_802 = arith.constant 16 : i32
      %parallel_loop3A_803 = arith.muli %parallel_loop3A_801, %parallel_loop3A_802 : i32
      %parallel_loop3A_804 = arith.constant 3 : i32
      %parallel_loop3A_805 = arith.constant 0 : i32
      %parallel_loop3A_806 = arith.index_cast %parallel_loop3A_804 : i32 to index
      %parallel_loop3A_807 = arith.index_cast %parallel_loop3A_805 : i32 to index
      %parallel_loop3A_808 = arith.index_cast %parallel_loop3A_799 : i32 to index
      %parallel_loop3A_809 = arith.index_cast %parallel_loop3A_803 : i32 to index
      %parallel_loop3A_810 = tpu.vector_load %arg4[%parallel_loop3A_806, %parallel_loop3A_807, %parallel_loop3A_808, %parallel_loop3A_809] {strides = array<i32>} : memref<4x2x16x768xf32, #tpu.memory_space<vmem>>, vector<1x1x1x16xf32>,
      %parallel_loop3A_811 = vector.shape_cast %parallel_loop3A_810 : vector<1x1x1x16xf32> to vector<16xf32>
      %parallel_loop3A_812 = arith.constant 3 : i32
      %parallel_loop3A_813 = arith.constant 1 : i32
      %parallel_loop3A_814 = arith.index_cast %parallel_loop3A_812 : i32 to index
      %parallel_loop3A_815 = arith.index_cast %parallel_loop3A_813 : i32 to index
      %parallel_loop3A_816 = arith.index_cast %parallel_loop3A_799 : i32 to index
      %parallel_loop3A_817 = arith.index_cast %parallel_loop3A_803 : i32 to index
      %parallel_loop3A_818 = tpu.vector_load %arg4[%parallel_loop3A_814, %parallel_loop3A_815, %parallel_loop3A_816, %parallel_loop3A_817] {strides = array<i32>} : memref<4x2x16x768xf32, #tpu.memory_space<vmem>>, vector<1x1x1x16xf32>,
      %parallel_loop3A_819 = vector.shape_cast %parallel_loop3A_818 : vector<1x1x1x16xf32> to vector<16xf32>
      %parallel_loop3A_820 = arith.addf %parallel_loop3A_811, %parallel_loop3A_819 : vector<16xf32>
      %parallel_loop3A_821 = arith.index_cast %parallel_loop3A_799 : i32 to index
      %parallel_loop3A_822 = arith.index_cast %parallel_loop3A_803 : i32 to index
      %parallel_loop3A_823 = tpu.vector_load %arg5[%parallel_loop3A_821, %parallel_loop3A_822] {strides = array<i32>} : memref<16x768xf32, #tpu.memory_space<vmem>>, vector<1x16xf32>,
      %parallel_loop3A_824 = vector.shape_cast %parallel_loop3A_823 : vector<1x16xf32> to vector<16xf32>
      %parallel_loop3A_825 = vector.shape_cast %parallel_loop3A_820 : vector<16xf32> to vector<1x16xf32>
      tpu.vector_store %arg5[%parallel_loop3A_821, %parallel_loop3A_822], %parallel_loop3A_825 {add = true, strides = array<i32>} : memref<16x768xf32, #tpu.memory_space<vmem>>, vector<1x16xf32>,
    } {sc.loop_unroll_factor = 16 : i64, sc.parallel_access}
    %mul3A_282 = arith.constant 3 : i32
    %mul3A_283 = arith.muli %mul3A_282, %select_n3A_30 : i32
    %add3A_284 = arith.constant 1 : i32
    %add3A_285 = arith.addi %mul3A_283, %add3A_284 : i32
    %dma_start3A_286 = arith.constant 2 : i32
    %dma_start3A_287 = arith.constant 0 : i32
    %dma_start3A_288 = arith.constant 0 : i32
    %dma_start3A_289 = arith.constant 0 : i32
    %dma_start3A_290 = tpu.memref_slice %arg4[%dma_start3A_286, %dma_start3A_287, %dma_start3A_288, %dma_start3A_289] : memref<4x2x16x768xf32, #tpu.memory_space<vmem>> -> memref<1x2x16x768xf32, #tpu.memory_space<vmem>>
    %dma_start3A_291 = tpu.memref_squeeze %dma_start3A_290 : memref<1x2x16x768xf32, #tpu.memory_space<vmem>> -> memref<2x16x768xf32, #tpu.memory_space<vmem>>
    %dma_start3A_292 = arith.constant 4 : i32
    %dma_start3A_293 = arith.constant 0 : i32
    %dma_start3A_294 = arith.constant 0 : i32
    %dma_start3A_295 = tpu.memref_slice %arg2[%add3A, %add3A_285, %dma_start3A_292, %dma_start3A_293, %dma_start3A_294] : memref<8x14x14x16x768xf32, #tpu.memory_space<hbm>> -> memref<1x1x2x16x768xf32, #tpu.memory_space<hbm>>
    %dma_start3A_296 = tpu.memref_squeeze %dma_start3A_295 : memref<1x1x2x16x768xf32, #tpu.memory_space<hbm>> -> memref<2x16x768xf32, #tpu.memory_space<hbm>>
    %dma_start3A_297 = arith.constant 0 : i32
    %dma_start3A_298 = arith.constant 0 : i32
    %dma_start3A_299 = arith.constant 0 : i32
    %dma_start3A_300 = tpu.memref_slice %arg4[%dma_start3A_286, %dma_start3A_297, %dma_start3A_298, %dma_start3A_299] : memref<4x2x16x768xf32, #tpu.memory_space<vmem>> -> memref<1x2x16x768xf32, #tpu.memory_space<vmem>>
    %dma_start3A_301 = tpu.memref_squeeze %dma_start3A_300 : memref<1x2x16x768xf32, #tpu.memory_space<vmem>> -> memref<2x16x768xf32, #tpu.memory_space<vmem>>
    %dma_start3A_302 = arith.constant 4 : i32
    %dma_start3A_303 = arith.constant 0 : i32
    %dma_start3A_304 = arith.constant 0 : i32
    %dma_start3A_305 = tpu.memref_slice %arg2[%add3A, %add3A_285, %dma_start3A_302, %dma_start3A_303, %dma_start3A_304] : memref<8x14x14x16x768xf32, #tpu.memory_space<hbm>> -> memref<1x1x2x16x768xf32, #tpu.memory_space<hbm>>
    %dma_start3A_306 = tpu.memref_squeeze %dma_start3A_305 : memref<1x1x2x16x768xf32, #tpu.memory_space<hbm>> -> memref<2x16x768xf32, #tpu.memory_space<hbm>>
    tpu.enqueue_dma source(%dma_start3A_306 : memref<2x16x768xf32, #tpu.memory_space<hbm>>) target(%dma_start3A_301 : memref<2x16x768xf32, #tpu.memory_space<vmem>>) target_semaphore(%arg9 : memref<!tpu.dma_semaphore, #tpu.memory_space<semaphore_mem>>)
    %dma_wait3A_307 = arith.constant 0 : i32
    %dma_wait3A_308 = arith.constant 0 : i32
    %dma_wait3A_309 = arith.constant 0 : i32
    %dma_wait3A_310 = arith.constant 0 : i32
    %dma_wait3A_311 = arith.constant 0 : i32
    %dma_wait3A_312 = arith.constant 0 : i32
    %dma_wait3A_313 = tpu.memref_slice %arg4[%dma_wait3A_309, %dma_wait3A_310, %dma_wait3A_311, %dma_wait3A_312] : memref<4x2x16x768xf32, #tpu.memory_space<vmem>> -> memref<1x2x16x768xf32, #tpu.memory_space<vmem>>
    %dma_wait3A_314 = tpu.memref_squeeze %dma_wait3A_313 : memref<1x2x16x768xf32, #tpu.memory_space<vmem>> -> memref<2x16x768xf32, #tpu.memory_space<vmem>>
    %dma_wait3A_315 = arith.constant 0 : i32
    %dma_wait3A_316 = arith.constant 0 : i32
    %dma_wait3A_317 = arith.constant 0 : i32
    %dma_wait3A_318 = tpu.memref_slice %arg2[%dma_wait3A_307, %dma_wait3A_308, %dma_wait3A_315, %dma_wait3A_316, %dma_wait3A_317] : memref<8x14x14x16x768xf32, #tpu.memory_space<hbm>> -> memref<1x1x2x16x768xf32, #tpu.memory_space<hbm>>
    %dma_wait3A_319 = tpu.memref_squeeze %dma_wait3A_318 : memref<1x1x2x16x768xf32, #tpu.memory_space<hbm>> -> memref<2x16x768xf32, #tpu.memory_space<hbm>>
    %dma_wait3A_320 = arith.constant 0 : i32
    %dma_wait3A_321 = arith.constant 0 : i32
    %dma_wait3A_322 = arith.constant 0 : i32
    %dma_wait3A_323 = tpu.memref_slice %arg4[%dma_wait3A_309, %dma_wait3A_320, %dma_wait3A_321, %dma_wait3A_322] : memref<4x2x16x768xf32, #tpu.memory_space<vmem>> -> memref<1x2x16x768xf32, #tpu.memory_space<vmem>>
    %dma_wait3A_324 = tpu.memref_squeeze %dma_wait3A_323 : memref<1x2x16x768xf32, #tpu.memory_space<vmem>> -> memref<2x16x768xf32, #tpu.memory_space<vmem>>
    %dma_wait3A_325 = arith.constant 0 : i32
    %dma_wait3A_326 = arith.constant 0 : i32
    %dma_wait3A_327 = arith.constant 0 : i32
    %dma_wait3A_328 = tpu.memref_slice %arg2[%dma_wait3A_307, %dma_wait3A_308, %dma_wait3A_325, %dma_wait3A_326, %dma_wait3A_327] : memref<8x14x14x16x768xf32, #tpu.memory_space<hbm>> -> memref<1x1x2x16x768xf32, #tpu.memory_space<hbm>>
    %dma_wait3A_329 = tpu.memref_squeeze %dma_wait3A_328 : memref<1x1x2x16x768xf32, #tpu.memory_space<hbm>> -> memref<2x16x768xf32, #tpu.memory_space<hbm>>
    tpu.wait_dma2 semaphore(%arg7 : memref<!tpu.dma_semaphore, #tpu.memory_space<semaphore_mem>>) src(%dma_wait3A_329 : memref<2x16x768xf32, #tpu.memory_space<hbm>>) dst(%dma_wait3A_324 : memref<2x16x768xf32, #tpu.memory_space<vmem>>)
    %parallel_loop3A_330 = arith.constant 0 : i32
    %parallel_loop3A_331 = arith.constant 768 : i32
    %parallel_loop3A_332 = arith.constant 1 : i32
    scf.for %parallel_loop3A_797 = %parallel_loop3A_330 to %parallel_loop3A_331 step %parallel_loop3A_332  : i32 {
      %parallel_loop3A_798 = arith.constant 15 : i32
      %parallel_loop3A_799 = arith.andi %parallel_loop3A_797, %parallel_loop3A_798 : i32
      %parallel_loop3A_800 = arith.constant 4 : i32
      %parallel_loop3A_801 = arith.shrsi %parallel_loop3A_797, %parallel_loop3A_800 : i32
      %parallel_loop3A_802 = arith.constant 16 : i32
      %parallel_loop3A_803 = arith.muli %parallel_loop3A_801, %parallel_loop3A_802 : i32
      %parallel_loop3A_804 = arith.constant 0 : i32
      %parallel_loop3A_805 = arith.constant 0 : i32
      %parallel_loop3A_806 = arith.index_cast %parallel_loop3A_804 : i32 to index
      %parallel_loop3A_807 = arith.index_cast %parallel_loop3A_805 : i32 to index
      %parallel_loop3A_808 = arith.index_cast %parallel_loop3A_799 : i32 to index
      %parallel_loop3A_809 = arith.index_cast %parallel_loop3A_803 : i32 to index
      %parallel_loop3A_810 = tpu.vector_load %arg4[%parallel_loop3A_806, %parallel_loop3A_807, %parallel_loop3A_808, %parallel_loop3A_809] {strides = array<i32>} : memref<4x2x16x768xf32, #tpu.memory_space<vmem>>, vector<1x1x1x16xf32>,
      %parallel_loop3A_811 = vector.shape_cast %parallel_loop3A_810 : vector<1x1x1x16xf32> to vector<16xf32>
      %parallel_loop3A_812 = arith.constant 0 : i32
      %parallel_loop3A_813 = arith.constant 1 : i32
      %parallel_loop3A_814 = arith.index_cast %parallel_loop3A_812 : i32 to index
      %parallel_loop3A_815 = arith.index_cast %parallel_loop3A_813 : i32 to index
      %parallel_loop3A_816 = arith.index_cast %parallel_loop3A_799 : i32 to index
      %parallel_loop3A_817 = arith.index_cast %parallel_loop3A_803 : i32 to index
      %parallel_loop3A_818 = tpu.vector_load %arg4[%parallel_loop3A_814, %parallel_loop3A_815, %parallel_loop3A_816, %parallel_loop3A_817] {strides = array<i32>} : memref<4x2x16x768xf32, #tpu.memory_space<vmem>>, vector<1x1x1x16xf32>,
      %parallel_loop3A_819 = vector.shape_cast %parallel_loop3A_818 : vector<1x1x1x16xf32> to vector<16xf32>
      %parallel_loop3A_820 = arith.addf %parallel_loop3A_811, %parallel_loop3A_819 : vector<16xf32>
      %parallel_loop3A_821 = arith.index_cast %parallel_loop3A_799 : i32 to index
      %parallel_loop3A_822 = arith.index_cast %parallel_loop3A_803 : i32 to index
      %parallel_loop3A_823 = tpu.vector_load %arg5[%parallel_loop3A_821, %parallel_loop3A_822] {strides = array<i32>} : memref<16x768xf32, #tpu.memory_space<vmem>>, vector<1x16xf32>,
      %parallel_loop3A_824 = vector.shape_cast %parallel_loop3A_823 : vector<1x16xf32> to vector<16xf32>
      %parallel_loop3A_825 = vector.shape_cast %parallel_loop3A_820 : vector<16xf32> to vector<1x16xf32>
      tpu.vector_store %arg5[%parallel_loop3A_821, %parallel_loop3A_822], %parallel_loop3A_825 {add = true, strides = array<i32>} : memref<16x768xf32, #tpu.memory_space<vmem>>, vector<1x16xf32>,
    } {sc.loop_unroll_factor = 16 : i64, sc.parallel_access}
    %mul3A_333 = arith.constant 3 : i32
    %mul3A_334 = arith.muli %mul3A_333, %select_n3A_30 : i32
    %add3A_335 = arith.constant 1 : i32
    %add3A_336 = arith.addi %mul3A_334, %add3A_335 : i32
    %dma_start3A_337 = arith.constant 3 : i32
    %dma_start3A_338 = arith.constant 0 : i32
    %dma_start3A_339 = arith.constant 0 : i32
    %dma_start3A_340 = arith.constant 0 : i32
    %dma_start3A_341 = tpu.memref_slice %arg4[%dma_start3A_337, %dma_start3A_338, %dma_start3A_339, %dma_start3A_340] : memref<4x2x16x768xf32, #tpu.memory_space<vmem>> -> memref<1x2x16x768xf32, #tpu.memory_space<vmem>>
    %dma_start3A_342 = tpu.memref_squeeze %dma_start3A_341 : memref<1x2x16x768xf32, #tpu.memory_space<vmem>> -> memref<2x16x768xf32, #tpu.memory_space<vmem>>
    %dma_start3A_343 = arith.constant 6 : i32
    %dma_start3A_344 = arith.constant 0 : i32
    %dma_start3A_345 = arith.constant 0 : i32
    %dma_start3A_346 = tpu.memref_slice %arg2[%add3A, %add3A_336, %dma_start3A_343, %dma_start3A_344, %dma_start3A_345] : memref<8x14x14x16x768xf32, #tpu.memory_space<hbm>> -> memref<1x1x2x16x768xf32, #tpu.memory_space<hbm>>
    %dma_start3A_347 = tpu.memref_squeeze %dma_start3A_346 : memref<1x1x2x16x768xf32, #tpu.memory_space<hbm>> -> memref<2x16x768xf32, #tpu.memory_space<hbm>>
    %dma_start3A_348 = arith.constant 0 : i32
    %dma_start3A_349 = arith.constant 0 : i32
    %dma_start3A_350 = arith.constant 0 : i32
    %dma_start3A_351 = tpu.memref_slice %arg4[%dma_start3A_337, %dma_start3A_348, %dma_start3A_349, %dma_start3A_350] : memref<4x2x16x768xf32, #tpu.memory_space<vmem>> -> memref<1x2x16x768xf32, #tpu.memory_space<vmem>>
    %dma_start3A_352 = tpu.memref_squeeze %dma_start3A_351 : memref<1x2x16x768xf32, #tpu.memory_space<vmem>> -> memref<2x16x768xf32, #tpu.memory_space<vmem>>
    %dma_start3A_353 = arith.constant 6 : i32
    %dma_start3A_354 = arith.constant 0 : i32
    %dma_start3A_355 = arith.constant 0 : i32
    %dma_start3A_356 = tpu.memref_slice %arg2[%add3A, %add3A_336, %dma_start3A_353, %dma_start3A_354, %dma_start3A_355] : memref<8x14x14x16x768xf32, #tpu.memory_space<hbm>> -> memref<1x1x2x16x768xf32, #tpu.memory_space<hbm>>
    %dma_start3A_357 = tpu.memref_squeeze %dma_start3A_356 : memref<1x1x2x16x768xf32, #tpu.memory_space<hbm>> -> memref<2x16x768xf32, #tpu.memory_space<hbm>>
    tpu.enqueue_dma source(%dma_start3A_357 : memref<2x16x768xf32, #tpu.memory_space<hbm>>) target(%dma_start3A_352 : memref<2x16x768xf32, #tpu.memory_space<vmem>>) target_semaphore(%arg10 : memref<!tpu.dma_semaphore, #tpu.memory_space<semaphore_mem>>)
    %dma_wait3A_358 = arith.constant 0 : i32
    %dma_wait3A_359 = arith.constant 0 : i32
    %dma_wait3A_360 = arith.constant 1 : i32
    %dma_wait3A_361 = arith.constant 0 : i32
    %dma_wait3A_362 = arith.constant 0 : i32
    %dma_wait3A_363 = arith.constant 0 : i32
    %dma_wait3A_364 = tpu.memref_slice %arg4[%dma_wait3A_360, %dma_wait3A_361, %dma_wait3A_362, %dma_wait3A_363] : memref<4x2x16x768xf32, #tpu.memory_space<vmem>> -> memref<1x2x16x768xf32, #tpu.memory_space<vmem>>
    %dma_wait3A_365 = tpu.memref_squeeze %dma_wait3A_364 : memref<1x2x16x768xf32, #tpu.memory_space<vmem>> -> memref<2x16x768xf32, #tpu.memory_space<vmem>>
    %dma_wait3A_366 = arith.constant 0 : i32
    %dma_wait3A_367 = arith.constant 0 : i32
    %dma_wait3A_368 = arith.constant 0 : i32
    %dma_wait3A_369 = tpu.memref_slice %arg2[%dma_wait3A_358, %dma_wait3A_359, %dma_wait3A_366, %dma_wait3A_367, %dma_wait3A_368] : memref<8x14x14x16x768xf32, #tpu.memory_space<hbm>> -> memref<1x1x2x16x768xf32, #tpu.memory_space<hbm>>
    %dma_wait3A_370 = tpu.memref_squeeze %dma_wait3A_369 : memref<1x1x2x16x768xf32, #tpu.memory_space<hbm>> -> memref<2x16x768xf32, #tpu.memory_space<hbm>>
    %dma_wait3A_371 = arith.constant 0 : i32
    %dma_wait3A_372 = arith.constant 0 : i32
    %dma_wait3A_373 = arith.constant 0 : i32
    %dma_wait3A_374 = tpu.memref_slice %arg4[%dma_wait3A_360, %dma_wait3A_371, %dma_wait3A_372, %dma_wait3A_373] : memref<4x2x16x768xf32, #tpu.memory_space<vmem>> -> memref<1x2x16x768xf32, #tpu.memory_space<vmem>>
    %dma_wait3A_375 = tpu.memref_squeeze %dma_wait3A_374 : memref<1x2x16x768xf32, #tpu.memory_space<vmem>> -> memref<2x16x768xf32, #tpu.memory_space<vmem>>
    %dma_wait3A_376 = arith.constant 0 : i32
    %dma_wait3A_377 = arith.constant 0 : i32
    %dma_wait3A_378 = arith.constant 0 : i32
    %dma_wait3A_379 = tpu.memref_slice %arg2[%dma_wait3A_358, %dma_wait3A_359, %dma_wait3A_376, %dma_wait3A_377, %dma_wait3A_378] : memref<8x14x14x16x768xf32, #tpu.memory_space<hbm>> -> memref<1x1x2x16x768xf32, #tpu.memory_space<hbm>>
    %dma_wait3A_380 = tpu.memref_squeeze %dma_wait3A_379 : memref<1x1x2x16x768xf32, #tpu.memory_space<hbm>> -> memref<2x16x768xf32, #tpu.memory_space<hbm>>
    tpu.wait_dma2 semaphore(%arg8 : memref<!tpu.dma_semaphore, #tpu.memory_space<semaphore_mem>>) src(%dma_wait3A_380 : memref<2x16x768xf32, #tpu.memory_space<hbm>>) dst(%dma_wait3A_375 : memref<2x16x768xf32, #tpu.memory_space<vmem>>)
    %parallel_loop3A_381 = arith.constant 0 : i32
    %parallel_loop3A_382 = arith.constant 768 : i32
    %parallel_loop3A_383 = arith.constant 1 : i32
    scf.for %parallel_loop3A_797 = %parallel_loop3A_381 to %parallel_loop3A_382 step %parallel_loop3A_383  : i32 {
      %parallel_loop3A_798 = arith.constant 15 : i32
      %parallel_loop3A_799 = arith.andi %parallel_loop3A_797, %parallel_loop3A_798 : i32
      %parallel_loop3A_800 = arith.constant 4 : i32
      %parallel_loop3A_801 = arith.shrsi %parallel_loop3A_797, %parallel_loop3A_800 : i32
      %parallel_loop3A_802 = arith.constant 16 : i32
      %parallel_loop3A_803 = arith.muli %parallel_loop3A_801, %parallel_loop3A_802 : i32
      %parallel_loop3A_804 = arith.constant 1 : i32
      %parallel_loop3A_805 = arith.constant 0 : i32
      %parallel_loop3A_806 = arith.index_cast %parallel_loop3A_804 : i32 to index
      %parallel_loop3A_807 = arith.index_cast %parallel_loop3A_805 : i32 to index
      %parallel_loop3A_808 = arith.index_cast %parallel_loop3A_799 : i32 to index
      %parallel_loop3A_809 = arith.index_cast %parallel_loop3A_803 : i32 to index
      %parallel_loop3A_810 = tpu.vector_load %arg4[%parallel_loop3A_806, %parallel_loop3A_807, %parallel_loop3A_808, %parallel_loop3A_809] {strides = array<i32>} : memref<4x2x16x768xf32, #tpu.memory_space<vmem>>, vector<1x1x1x16xf32>,
      %parallel_loop3A_811 = vector.shape_cast %parallel_loop3A_810 : vector<1x1x1x16xf32> to vector<16xf32>
      %parallel_loop3A_812 = arith.constant 1 : i32
      %parallel_loop3A_813 = arith.constant 1 : i32
      %parallel_loop3A_814 = arith.index_cast %parallel_loop3A_812 : i32 to index
      %parallel_loop3A_815 = arith.index_cast %parallel_loop3A_813 : i32 to index
      %parallel_loop3A_816 = arith.index_cast %parallel_loop3A_799 : i32 to index
      %parallel_loop3A_817 = arith.index_cast %parallel_loop3A_803 : i32 to index
      %parallel_loop3A_818 = tpu.vector_load %arg4[%parallel_loop3A_814, %parallel_loop3A_815, %parallel_loop3A_816, %parallel_loop3A_817] {strides = array<i32>} : memref<4x2x16x768xf32, #tpu.memory_space<vmem>>, vector<1x1x1x16xf32>,
      %parallel_loop3A_819 = vector.shape_cast %parallel_loop3A_818 : vector<1x1x1x16xf32> to vector<16xf32>
      %parallel_loop3A_820 = arith.addf %parallel_loop3A_811, %parallel_loop3A_819 : vector<16xf32>
      %parallel_loop3A_821 = arith.index_cast %parallel_loop3A_799 : i32 to index
      %parallel_loop3A_822 = arith.index_cast %parallel_loop3A_803 : i32 to index
      %parallel_loop3A_823 = tpu.vector_load %arg5[%parallel_loop3A_821, %parallel_loop3A_822] {strides = array<i32>} : memref<16x768xf32, #tpu.memory_space<vmem>>, vector<1x16xf32>,
      %parallel_loop3A_824 = vector.shape_cast %parallel_loop3A_823 : vector<1x16xf32> to vector<16xf32>
      %parallel_loop3A_825 = vector.shape_cast %parallel_loop3A_820 : vector<16xf32> to vector<1x16xf32>
      tpu.vector_store %arg5[%parallel_loop3A_821, %parallel_loop3A_822], %parallel_loop3A_825 {add = true, strides = array<i32>} : memref<16x768xf32, #tpu.memory_space<vmem>>, vector<1x16xf32>,
    } {sc.loop_unroll_factor = 16 : i64, sc.parallel_access}
    %mul3A_384 = arith.constant 3 : i32
    %mul3A_385 = arith.muli %mul3A_384, %select_n3A_30 : i32
    %add3A_386 = arith.constant 1 : i32
    %add3A_387 = arith.addi %mul3A_385, %add3A_386 : i32
    %dma_start3A_388 = arith.constant 0 : i32
    %dma_start3A_389 = arith.constant 0 : i32
    %dma_start3A_390 = arith.constant 0 : i32
    %dma_start3A_391 = arith.constant 0 : i32
    %dma_start3A_392 = tpu.memref_slice %arg4[%dma_start3A_388, %dma_start3A_389, %dma_start3A_390, %dma_start3A_391] : memref<4x2x16x768xf32, #tpu.memory_space<vmem>> -> memref<1x2x16x768xf32, #tpu.memory_space<vmem>>
    %dma_start3A_393 = tpu.memref_squeeze %dma_start3A_392 : memref<1x2x16x768xf32, #tpu.memory_space<vmem>> -> memref<2x16x768xf32, #tpu.memory_space<vmem>>
    %dma_start3A_394 = arith.constant 8 : i32
    %dma_start3A_395 = arith.constant 0 : i32
    %dma_start3A_396 = arith.constant 0 : i32
    %dma_start3A_397 = tpu.memref_slice %arg2[%add3A, %add3A_387, %dma_start3A_394, %dma_start3A_395, %dma_start3A_396] : memref<8x14x14x16x768xf32, #tpu.memory_space<hbm>> -> memref<1x1x2x16x768xf32, #tpu.memory_space<hbm>>
    %dma_start3A_398 = tpu.memref_squeeze %dma_start3A_397 : memref<1x1x2x16x768xf32, #tpu.memory_space<hbm>> -> memref<2x16x768xf32, #tpu.memory_space<hbm>>
    %dma_start3A_399 = arith.constant 0 : i32
    %dma_start3A_400 = arith.constant 0 : i32
    %dma_start3A_401 = arith.constant 0 : i32
    %dma_start3A_402 = tpu.memref_slice %arg4[%dma_start3A_388, %dma_start3A_399, %dma_start3A_400, %dma_start3A_401] : memref<4x2x16x768xf32, #tpu.memory_space<vmem>> -> memref<1x2x16x768xf32, #tpu.memory_space<vmem>>
    %dma_start3A_403 = tpu.memref_squeeze %dma_start3A_402 : memref<1x2x16x768xf32, #tpu.memory_space<vmem>> -> memref<2x16x768xf32, #tpu.memory_space<vmem>>
    %dma_start3A_404 = arith.constant 8 : i32
    %dma_start3A_405 = arith.constant 0 : i32
    %dma_start3A_406 = arith.constant 0 : i32
    %dma_start3A_407 = tpu.memref_slice %arg2[%add3A, %add3A_387, %dma_start3A_404, %dma_start3A_405, %dma_start3A_406] : memref<8x14x14x16x768xf32, #tpu.memory_space<hbm>> -> memref<1x1x2x16x768xf32, #tpu.memory_space<hbm>>
    %dma_start3A_408 = tpu.memref_squeeze %dma_start3A_407 : memref<1x1x2x16x768xf32, #tpu.memory_space<hbm>> -> memref<2x16x768xf32, #tpu.memory_space<hbm>>
    tpu.enqueue_dma source(%dma_start3A_408 : memref<2x16x768xf32, #tpu.memory_space<hbm>>) target(%dma_start3A_403 : memref<2x16x768xf32, #tpu.memory_space<vmem>>) target_semaphore(%arg7 : memref<!tpu.dma_semaphore, #tpu.memory_space<semaphore_mem>>)
    %dma_wait3A_409 = arith.constant 0 : i32
    %dma_wait3A_410 = arith.constant 0 : i32
    %dma_wait3A_411 = arith.constant 2 : i32
    %dma_wait3A_412 = arith.constant 0 : i32
    %dma_wait3A_413 = arith.constant 0 : i32
    %dma_wait3A_414 = arith.constant 0 : i32
    %dma_wait3A_415 = tpu.memref_slice %arg4[%dma_wait3A_411, %dma_wait3A_412, %dma_wait3A_413, %dma_wait3A_414] : memref<4x2x16x768xf32, #tpu.memory_space<vmem>> -> memref<1x2x16x768xf32, #tpu.memory_space<vmem>>
    %dma_wait3A_416 = tpu.memref_squeeze %dma_wait3A_415 : memref<1x2x16x768xf32, #tpu.memory_space<vmem>> -> memref<2x16x768xf32, #tpu.memory_space<vmem>>
    %dma_wait3A_417 = arith.constant 0 : i32
    %dma_wait3A_418 = arith.constant 0 : i32
    %dma_wait3A_419 = arith.constant 0 : i32
    %dma_wait3A_420 = tpu.memref_slice %arg2[%dma_wait3A_409, %dma_wait3A_410, %dma_wait3A_417, %dma_wait3A_418, %dma_wait3A_419] : memref<8x14x14x16x768xf32, #tpu.memory_space<hbm>> -> memref<1x1x2x16x768xf32, #tpu.memory_space<hbm>>
    %dma_wait3A_421 = tpu.memref_squeeze %dma_wait3A_420 : memref<1x1x2x16x768xf32, #tpu.memory_space<hbm>> -> memref<2x16x768xf32, #tpu.memory_space<hbm>>
    %dma_wait3A_422 = arith.constant 0 : i32
    %dma_wait3A_423 = arith.constant 0 : i32
    %dma_wait3A_424 = arith.constant 0 : i32
    %dma_wait3A_425 = tpu.memref_slice %arg4[%dma_wait3A_411, %dma_wait3A_422, %dma_wait3A_423, %dma_wait3A_424] : memref<4x2x16x768xf32, #tpu.memory_space<vmem>> -> memref<1x2x16x768xf32, #tpu.memory_space<vmem>>
    %dma_wait3A_426 = tpu.memref_squeeze %dma_wait3A_425 : memref<1x2x16x768xf32, #tpu.memory_space<vmem>> -> memref<2x16x768xf32, #tpu.memory_space<vmem>>
    %dma_wait3A_427 = arith.constant 0 : i32
    %dma_wait3A_428 = arith.constant 0 : i32
    %dma_wait3A_429 = arith.constant 0 : i32
    %dma_wait3A_430 = tpu.memref_slice %arg2[%dma_wait3A_409, %dma_wait3A_410, %dma_wait3A_427, %dma_wait3A_428, %dma_wait3A_429] : memref<8x14x14x16x768xf32, #tpu.memory_space<hbm>> -> memref<1x1x2x16x768xf32, #tpu.memory_space<hbm>>
    %dma_wait3A_431 = tpu.memref_squeeze %dma_wait3A_430 : memref<1x1x2x16x768xf32, #tpu.memory_space<hbm>> -> memref<2x16x768xf32, #tpu.memory_space<hbm>>
    tpu.wait_dma2 semaphore(%arg9 : memref<!tpu.dma_semaphore, #tpu.memory_space<semaphore_mem>>) src(%dma_wait3A_431 : memref<2x16x768xf32, #tpu.memory_space<hbm>>) dst(%dma_wait3A_426 : memref<2x16x768xf32, #tpu.memory_space<vmem>>)
    %parallel_loop3A_432 = arith.constant 0 : i32
    %parallel_loop3A_433 = arith.constant 768 : i32
    %parallel_loop3A_434 = arith.constant 1 : i32
    scf.for %parallel_loop3A_797 = %parallel_loop3A_432 to %parallel_loop3A_433 step %parallel_loop3A_434  : i32 {
      %parallel_loop3A_798 = arith.constant 15 : i32
      %parallel_loop3A_799 = arith.andi %parallel_loop3A_797, %parallel_loop3A_798 : i32
      %parallel_loop3A_800 = arith.constant 4 : i32
      %parallel_loop3A_801 = arith.shrsi %parallel_loop3A_797, %parallel_loop3A_800 : i32
      %parallel_loop3A_802 = arith.constant 16 : i32
      %parallel_loop3A_803 = arith.muli %parallel_loop3A_801, %parallel_loop3A_802 : i32
      %parallel_loop3A_804 = arith.constant 2 : i32
      %parallel_loop3A_805 = arith.constant 0 : i32
      %parallel_loop3A_806 = arith.index_cast %parallel_loop3A_804 : i32 to index
      %parallel_loop3A_807 = arith.index_cast %parallel_loop3A_805 : i32 to index
      %parallel_loop3A_808 = arith.index_cast %parallel_loop3A_799 : i32 to index
      %parallel_loop3A_809 = arith.index_cast %parallel_loop3A_803 : i32 to index
      %parallel_loop3A_810 = tpu.vector_load %arg4[%parallel_loop3A_806, %parallel_loop3A_807, %parallel_loop3A_808, %parallel_loop3A_809] {strides = array<i32>} : memref<4x2x16x768xf32, #tpu.memory_space<vmem>>, vector<1x1x1x16xf32>,
      %parallel_loop3A_811 = vector.shape_cast %parallel_loop3A_810 : vector<1x1x1x16xf32> to vector<16xf32>
      %parallel_loop3A_812 = arith.constant 2 : i32
      %parallel_loop3A_813 = arith.constant 1 : i32
      %parallel_loop3A_814 = arith.index_cast %parallel_loop3A_812 : i32 to index
      %parallel_loop3A_815 = arith.index_cast %parallel_loop3A_813 : i32 to index
      %parallel_loop3A_816 = arith.index_cast %parallel_loop3A_799 : i32 to index
      %parallel_loop3A_817 = arith.index_cast %parallel_loop3A_803 : i32 to index
      %parallel_loop3A_818 = tpu.vector_load %arg4[%parallel_loop3A_814, %parallel_loop3A_815, %parallel_loop3A_816, %parallel_loop3A_817] {strides = array<i32>} : memref<4x2x16x768xf32, #tpu.memory_space<vmem>>, vector<1x1x1x16xf32>,
      %parallel_loop3A_819 = vector.shape_cast %parallel_loop3A_818 : vector<1x1x1x16xf32> to vector<16xf32>
      %parallel_loop3A_820 = arith.addf %parallel_loop3A_811, %parallel_loop3A_819 : vector<16xf32>
      %parallel_loop3A_821 = arith.index_cast %parallel_loop3A_799 : i32 to index
      %parallel_loop3A_822 = arith.index_cast %parallel_loop3A_803 : i32 to index
      %parallel_loop3A_823 = tpu.vector_load %arg5[%parallel_loop3A_821, %parallel_loop3A_822] {strides = array<i32>} : memref<16x768xf32, #tpu.memory_space<vmem>>, vector<1x16xf32>,
      %parallel_loop3A_824 = vector.shape_cast %parallel_loop3A_823 : vector<1x16xf32> to vector<16xf32>
      %parallel_loop3A_825 = vector.shape_cast %parallel_loop3A_820 : vector<16xf32> to vector<1x16xf32>
      tpu.vector_store %arg5[%parallel_loop3A_821, %parallel_loop3A_822], %parallel_loop3A_825 {add = true, strides = array<i32>} : memref<16x768xf32, #tpu.memory_space<vmem>>, vector<1x16xf32>,
    } {sc.loop_unroll_factor = 16 : i64, sc.parallel_access}
    %mul3A_435 = arith.constant 3 : i32
    %mul3A_436 = arith.muli %mul3A_435, %select_n3A_30 : i32
    %add3A_437 = arith.constant 1 : i32
    %add3A_438 = arith.addi %mul3A_436, %add3A_437 : i32
    %dma_start3A_439 = arith.constant 1 : i32
    %dma_start3A_440 = arith.constant 0 : i32
    %dma_start3A_441 = arith.constant 0 : i32
    %dma_start3A_442 = arith.constant 0 : i32
    %dma_start3A_443 = tpu.memref_slice %arg4[%dma_start3A_439, %dma_start3A_440, %dma_start3A_441, %dma_start3A_442] : memref<4x2x16x768xf32, #tpu.memory_space<vmem>> -> memref<1x2x16x768xf32, #tpu.memory_space<vmem>>
    %dma_start3A_444 = tpu.memref_squeeze %dma_start3A_443 : memref<1x2x16x768xf32, #tpu.memory_space<vmem>> -> memref<2x16x768xf32, #tpu.memory_space<vmem>>
    %dma_start3A_445 = arith.constant 10 : i32
    %dma_start3A_446 = arith.constant 0 : i32
    %dma_start3A_447 = arith.constant 0 : i32
    %dma_start3A_448 = tpu.memref_slice %arg2[%add3A, %add3A_438, %dma_start3A_445, %dma_start3A_446, %dma_start3A_447] : memref<8x14x14x16x768xf32, #tpu.memory_space<hbm>> -> memref<1x1x2x16x768xf32, #tpu.memory_space<hbm>>
    %dma_start3A_449 = tpu.memref_squeeze %dma_start3A_448 : memref<1x1x2x16x768xf32, #tpu.memory_space<hbm>> -> memref<2x16x768xf32, #tpu.memory_space<hbm>>
    %dma_start3A_450 = arith.constant 0 : i32
    %dma_start3A_451 = arith.constant 0 : i32
    %dma_start3A_452 = arith.constant 0 : i32
    %dma_start3A_453 = tpu.memref_slice %arg4[%dma_start3A_439, %dma_start3A_450, %dma_start3A_451, %dma_start3A_452] : memref<4x2x16x768xf32, #tpu.memory_space<vmem>> -> memref<1x2x16x768xf32, #tpu.memory_space<vmem>>
    %dma_start3A_454 = tpu.memref_squeeze %dma_start3A_453 : memref<1x2x16x768xf32, #tpu.memory_space<vmem>> -> memref<2x16x768xf32, #tpu.memory_space<vmem>>
    %dma_start3A_455 = arith.constant 10 : i32
    %dma_start3A_456 = arith.constant 0 : i32
    %dma_start3A_457 = arith.constant 0 : i32
    %dma_start3A_458 = tpu.memref_slice %arg2[%add3A, %add3A_438, %dma_start3A_455, %dma_start3A_456, %dma_start3A_457] : memref<8x14x14x16x768xf32, #tpu.memory_space<hbm>> -> memref<1x1x2x16x768xf32, #tpu.memory_space<hbm>>
    %dma_start3A_459 = tpu.memref_squeeze %dma_start3A_458 : memref<1x1x2x16x768xf32, #tpu.memory_space<hbm>> -> memref<2x16x768xf32, #tpu.memory_space<hbm>>
    tpu.enqueue_dma source(%dma_start3A_459 : memref<2x16x768xf32, #tpu.memory_space<hbm>>) target(%dma_start3A_454 : memref<2x16x768xf32, #tpu.memory_space<vmem>>) target_semaphore(%arg8 : memref<!tpu.dma_semaphore, #tpu.memory_space<semaphore_mem>>)
    %dma_wait3A_460 = arith.constant 0 : i32
    %dma_wait3A_461 = arith.constant 0 : i32
    %dma_wait3A_462 = arith.constant 3 : i32
    %dma_wait3A_463 = arith.constant 0 : i32
    %dma_wait3A_464 = arith.constant 0 : i32
    %dma_wait3A_465 = arith.constant 0 : i32
    %dma_wait3A_466 = tpu.memref_slice %arg4[%dma_wait3A_462, %dma_wait3A_463, %dma_wait3A_464, %dma_wait3A_465] : memref<4x2x16x768xf32, #tpu.memory_space<vmem>> -> memref<1x2x16x768xf32, #tpu.memory_space<vmem>>
    %dma_wait3A_467 = tpu.memref_squeeze %dma_wait3A_466 : memref<1x2x16x768xf32, #tpu.memory_space<vmem>> -> memref<2x16x768xf32, #tpu.memory_space<vmem>>
    %dma_wait3A_468 = arith.constant 0 : i32
    %dma_wait3A_469 = arith.constant 0 : i32
    %dma_wait3A_470 = arith.constant 0 : i32
    %dma_wait3A_471 = tpu.memref_slice %arg2[%dma_wait3A_460, %dma_wait3A_461, %dma_wait3A_468, %dma_wait3A_469, %dma_wait3A_470] : memref<8x14x14x16x768xf32, #tpu.memory_space<hbm>> -> memref<1x1x2x16x768xf32, #tpu.memory_space<hbm>>
    %dma_wait3A_472 = tpu.memref_squeeze %dma_wait3A_471 : memref<1x1x2x16x768xf32, #tpu.memory_space<hbm>> -> memref<2x16x768xf32, #tpu.memory_space<hbm>>
    %dma_wait3A_473 = arith.constant 0 : i32
    %dma_wait3A_474 = arith.constant 0 : i32
    %dma_wait3A_475 = arith.constant 0 : i32
    %dma_wait3A_476 = tpu.memref_slice %arg4[%dma_wait3A_462, %dma_wait3A_473, %dma_wait3A_474, %dma_wait3A_475] : memref<4x2x16x768xf32, #tpu.memory_space<vmem>> -> memref<1x2x16x768xf32, #tpu.memory_space<vmem>>
    %dma_wait3A_477 = tpu.memref_squeeze %dma_wait3A_476 : memref<1x2x16x768xf32, #tpu.memory_space<vmem>> -> memref<2x16x768xf32, #tpu.memory_space<vmem>>
    %dma_wait3A_478 = arith.constant 0 : i32
    %dma_wait3A_479 = arith.constant 0 : i32
    %dma_wait3A_480 = arith.constant 0 : i32
    %dma_wait3A_481 = tpu.memref_slice %arg2[%dma_wait3A_460, %dma_wait3A_461, %dma_wait3A_478, %dma_wait3A_479, %dma_wait3A_480] : memref<8x14x14x16x768xf32, #tpu.memory_space<hbm>> -> memref<1x1x2x16x768xf32, #tpu.memory_space<hbm>>
    %dma_wait3A_482 = tpu.memref_squeeze %dma_wait3A_481 : memref<1x1x2x16x768xf32, #tpu.memory_space<hbm>> -> memref<2x16x768xf32, #tpu.memory_space<hbm>>
    tpu.wait_dma2 semaphore(%arg10 : memref<!tpu.dma_semaphore, #tpu.memory_space<semaphore_mem>>) src(%dma_wait3A_482 : memref<2x16x768xf32, #tpu.memory_space<hbm>>) dst(%dma_wait3A_477 : memref<2x16x768xf32, #tpu.memory_space<vmem>>)
    %parallel_loop3A_483 = arith.constant 0 : i32
    %parallel_loop3A_484 = arith.constant 768 : i32
    %parallel_loop3A_485 = arith.constant 1 : i32
    scf.for %parallel_loop3A_797 = %parallel_loop3A_483 to %parallel_loop3A_484 step %parallel_loop3A_485  : i32 {
      %parallel_loop3A_798 = arith.constant 15 : i32
      %parallel_loop3A_799 = arith.andi %parallel_loop3A_797, %parallel_loop3A_798 : i32
      %parallel_loop3A_800 = arith.constant 4 : i32
      %parallel_loop3A_801 = arith.shrsi %parallel_loop3A_797, %parallel_loop3A_800 : i32
      %parallel_loop3A_802 = arith.constant 16 : i32
      %parallel_loop3A_803 = arith.muli %parallel_loop3A_801, %parallel_loop3A_802 : i32
      %parallel_loop3A_804 = arith.constant 3 : i32
      %parallel_loop3A_805 = arith.constant 0 : i32
      %parallel_loop3A_806 = arith.index_cast %parallel_loop3A_804 : i32 to index
      %parallel_loop3A_807 = arith.index_cast %parallel_loop3A_805 : i32 to index
      %parallel_loop3A_808 = arith.index_cast %parallel_loop3A_799 : i32 to index
      %parallel_loop3A_809 = arith.index_cast %parallel_loop3A_803 : i32 to index
      %parallel_loop3A_810 = tpu.vector_load %arg4[%parallel_loop3A_806, %parallel_loop3A_807, %parallel_loop3A_808, %parallel_loop3A_809] {strides = array<i32>} : memref<4x2x16x768xf32, #tpu.memory_space<vmem>>, vector<1x1x1x16xf32>,
      %parallel_loop3A_811 = vector.shape_cast %parallel_loop3A_810 : vector<1x1x1x16xf32> to vector<16xf32>
      %parallel_loop3A_812 = arith.constant 3 : i32
      %parallel_loop3A_813 = arith.constant 1 : i32
      %parallel_loop3A_814 = arith.index_cast %parallel_loop3A_812 : i32 to index
      %parallel_loop3A_815 = arith.index_cast %parallel_loop3A_813 : i32 to index
      %parallel_loop3A_816 = arith.index_cast %parallel_loop3A_799 : i32 to index
      %parallel_loop3A_817 = arith.index_cast %parallel_loop3A_803 : i32 to index
      %parallel_loop3A_818 = tpu.vector_load %arg4[%parallel_loop3A_814, %parallel_loop3A_815, %parallel_loop3A_816, %parallel_loop3A_817] {strides = array<i32>} : memref<4x2x16x768xf32, #tpu.memory_space<vmem>>, vector<1x1x1x16xf32>,
      %parallel_loop3A_819 = vector.shape_cast %parallel_loop3A_818 : vector<1x1x1x16xf32> to vector<16xf32>
      %parallel_loop3A_820 = arith.addf %parallel_loop3A_811, %parallel_loop3A_819 : vector<16xf32>
      %parallel_loop3A_821 = arith.index_cast %parallel_loop3A_799 : i32 to index
      %parallel_loop3A_822 = arith.index_cast %parallel_loop3A_803 : i32 to index
      %parallel_loop3A_823 = tpu.vector_load %arg5[%parallel_loop3A_821, %parallel_loop3A_822] {strides = array<i32>} : memref<16x768xf32, #tpu.memory_space<vmem>>, vector<1x16xf32>,
      %parallel_loop3A_824 = vector.shape_cast %parallel_loop3A_823 : vector<1x16xf32> to vector<16xf32>
      %parallel_loop3A_825 = vector.shape_cast %parallel_loop3A_820 : vector<16xf32> to vector<1x16xf32>
      tpu.vector_store %arg5[%parallel_loop3A_821, %parallel_loop3A_822], %parallel_loop3A_825 {add = true, strides = array<i32>} : memref<16x768xf32, #tpu.memory_space<vmem>>, vector<1x16xf32>,
    } {sc.loop_unroll_factor = 16 : i64, sc.parallel_access}
    %mul3A_486 = arith.constant 3 : i32
    %mul3A_487 = arith.muli %mul3A_486, %select_n3A_30 : i32
    %add3A_488 = arith.constant 2 : i32
    %add3A_489 = arith.addi %mul3A_487, %add3A_488 : i32
    %dma_start3A_490 = arith.constant 2 : i32
    %dma_start3A_491 = arith.constant 0 : i32
    %dma_start3A_492 = arith.constant 0 : i32
    %dma_start3A_493 = arith.constant 0 : i32
    %dma_start3A_494 = tpu.memref_slice %arg4[%dma_start3A_490, %dma_start3A_491, %dma_start3A_492, %dma_start3A_493] : memref<4x2x16x768xf32, #tpu.memory_space<vmem>> -> memref<1x2x16x768xf32, #tpu.memory_space<vmem>>
    %dma_start3A_495 = tpu.memref_squeeze %dma_start3A_494 : memref<1x2x16x768xf32, #tpu.memory_space<vmem>> -> memref<2x16x768xf32, #tpu.memory_space<vmem>>
    %dma_start3A_496 = arith.constant 2 : i32
    %dma_start3A_497 = arith.constant 0 : i32
    %dma_start3A_498 = arith.constant 0 : i32
    %dma_start3A_499 = tpu.memref_slice %arg2[%add3A, %add3A_489, %dma_start3A_496, %dma_start3A_497, %dma_start3A_498] : memref<8x14x14x16x768xf32, #tpu.memory_space<hbm>> -> memref<1x1x2x16x768xf32, #tpu.memory_space<hbm>>
    %dma_start3A_500 = tpu.memref_squeeze %dma_start3A_499 : memref<1x1x2x16x768xf32, #tpu.memory_space<hbm>> -> memref<2x16x768xf32, #tpu.memory_space<hbm>>
    %dma_start3A_501 = arith.constant 0 : i32
    %dma_start3A_502 = arith.constant 0 : i32
    %dma_start3A_503 = arith.constant 0 : i32
    %dma_start3A_504 = tpu.memref_slice %arg4[%dma_start3A_490, %dma_start3A_501, %dma_start3A_502, %dma_start3A_503] : memref<4x2x16x768xf32, #tpu.memory_space<vmem>> -> memref<1x2x16x768xf32, #tpu.memory_space<vmem>>
    %dma_start3A_505 = tpu.memref_squeeze %dma_start3A_504 : memref<1x2x16x768xf32, #tpu.memory_space<vmem>> -> memref<2x16x768xf32, #tpu.memory_space<vmem>>
    %dma_start3A_506 = arith.constant 2 : i32
    %dma_start3A_507 = arith.constant 0 : i32
    %dma_start3A_508 = arith.constant 0 : i32
    %dma_start3A_509 = tpu.memref_slice %arg2[%add3A, %add3A_489, %dma_start3A_506, %dma_start3A_507, %dma_start3A_508] : memref<8x14x14x16x768xf32, #tpu.memory_space<hbm>> -> memref<1x1x2x16x768xf32, #tpu.memory_space<hbm>>
    %dma_start3A_510 = tpu.memref_squeeze %dma_start3A_509 : memref<1x1x2x16x768xf32, #tpu.memory_space<hbm>> -> memref<2x16x768xf32, #tpu.memory_space<hbm>>
    tpu.enqueue_dma source(%dma_start3A_510 : memref<2x16x768xf32, #tpu.memory_space<hbm>>) target(%dma_start3A_505 : memref<2x16x768xf32, #tpu.memory_space<vmem>>) target_semaphore(%arg9 : memref<!tpu.dma_semaphore, #tpu.memory_space<semaphore_mem>>)
    %dma_wait3A_511 = arith.constant 0 : i32
    %dma_wait3A_512 = arith.constant 0 : i32
    %dma_wait3A_513 = arith.constant 0 : i32
    %dma_wait3A_514 = arith.constant 0 : i32
    %dma_wait3A_515 = arith.constant 0 : i32
    %dma_wait3A_516 = arith.constant 0 : i32
    %dma_wait3A_517 = tpu.memref_slice %arg4[%dma_wait3A_513, %dma_wait3A_514, %dma_wait3A_515, %dma_wait3A_516] : memref<4x2x16x768xf32, #tpu.memory_space<vmem>> -> memref<1x2x16x768xf32, #tpu.memory_space<vmem>>
    %dma_wait3A_518 = tpu.memref_squeeze %dma_wait3A_517 : memref<1x2x16x768xf32, #tpu.memory_space<vmem>> -> memref<2x16x768xf32, #tpu.memory_space<vmem>>
    %dma_wait3A_519 = arith.constant 0 : i32
    %dma_wait3A_520 = arith.constant 0 : i32
    %dma_wait3A_521 = arith.constant 0 : i32
    %dma_wait3A_522 = tpu.memref_slice %arg2[%dma_wait3A_511, %dma_wait3A_512, %dma_wait3A_519, %dma_wait3A_520, %dma_wait3A_521] : memref<8x14x14x16x768xf32, #tpu.memory_space<hbm>> -> memref<1x1x2x16x768xf32, #tpu.memory_space<hbm>>
    %dma_wait3A_523 = tpu.memref_squeeze %dma_wait3A_522 : memref<1x1x2x16x768xf32, #tpu.memory_space<hbm>> -> memref<2x16x768xf32, #tpu.memory_space<hbm>>
    %dma_wait3A_524 = arith.constant 0 : i32
    %dma_wait3A_525 = arith.constant 0 : i32
    %dma_wait3A_526 = arith.constant 0 : i32
    %dma_wait3A_527 = tpu.memref_slice %arg4[%dma_wait3A_513, %dma_wait3A_524, %dma_wait3A_525, %dma_wait3A_526] : memref<4x2x16x768xf32, #tpu.memory_space<vmem>> -> memref<1x2x16x768xf32, #tpu.memory_space<vmem>>
    %dma_wait3A_528 = tpu.memref_squeeze %dma_wait3A_527 : memref<1x2x16x768xf32, #tpu.memory_space<vmem>> -> memref<2x16x768xf32, #tpu.memory_space<vmem>>
    %dma_wait3A_529 = arith.constant 0 : i32
    %dma_wait3A_530 = arith.constant 0 : i32
    %dma_wait3A_531 = arith.constant 0 : i32
    %dma_wait3A_532 = tpu.memref_slice %arg2[%dma_wait3A_511, %dma_wait3A_512, %dma_wait3A_529, %dma_wait3A_530, %dma_wait3A_531] : memref<8x14x14x16x768xf32, #tpu.memory_space<hbm>> -> memref<1x1x2x16x768xf32, #tpu.memory_space<hbm>>
    %dma_wait3A_533 = tpu.memref_squeeze %dma_wait3A_532 : memref<1x1x2x16x768xf32, #tpu.memory_space<hbm>> -> memref<2x16x768xf32, #tpu.memory_space<hbm>>
    tpu.wait_dma2 semaphore(%arg7 : memref<!tpu.dma_semaphore, #tpu.memory_space<semaphore_mem>>) src(%dma_wait3A_533 : memref<2x16x768xf32, #tpu.memory_space<hbm>>) dst(%dma_wait3A_528 : memref<2x16x768xf32, #tpu.memory_space<vmem>>)
    %parallel_loop3A_534 = arith.constant 0 : i32
    %parallel_loop3A_535 = arith.constant 768 : i32
    %parallel_loop3A_536 = arith.constant 1 : i32
    scf.for %parallel_loop3A_797 = %parallel_loop3A_534 to %parallel_loop3A_535 step %parallel_loop3A_536  : i32 {
      %parallel_loop3A_798 = arith.constant 15 : i32
      %parallel_loop3A_799 = arith.andi %parallel_loop3A_797, %parallel_loop3A_798 : i32
      %parallel_loop3A_800 = arith.constant 4 : i32
      %parallel_loop3A_801 = arith.shrsi %parallel_loop3A_797, %parallel_loop3A_800 : i32
      %parallel_loop3A_802 = arith.constant 16 : i32
      %parallel_loop3A_803 = arith.muli %parallel_loop3A_801, %parallel_loop3A_802 : i32
      %parallel_loop3A_804 = arith.constant 0 : i32
      %parallel_loop3A_805 = arith.constant 0 : i32
      %parallel_loop3A_806 = arith.index_cast %parallel_loop3A_804 : i32 to index
      %parallel_loop3A_807 = arith.index_cast %parallel_loop3A_805 : i32 to index
      %parallel_loop3A_808 = arith.index_cast %parallel_loop3A_799 : i32 to index
      %parallel_loop3A_809 = arith.index_cast %parallel_loop3A_803 : i32 to index
      %parallel_loop3A_810 = tpu.vector_load %arg4[%parallel_loop3A_806, %parallel_loop3A_807, %parallel_loop3A_808, %parallel_loop3A_809] {strides = array<i32>} : memref<4x2x16x768xf32, #tpu.memory_space<vmem>>, vector<1x1x1x16xf32>,
      %parallel_loop3A_811 = vector.shape_cast %parallel_loop3A_810 : vector<1x1x1x16xf32> to vector<16xf32>
      %parallel_loop3A_812 = arith.constant 0 : i32
      %parallel_loop3A_813 = arith.constant 1 : i32
      %parallel_loop3A_814 = arith.index_cast %parallel_loop3A_812 : i32 to index
      %parallel_loop3A_815 = arith.index_cast %parallel_loop3A_813 : i32 to index
      %parallel_loop3A_816 = arith.index_cast %parallel_loop3A_799 : i32 to index
      %parallel_loop3A_817 = arith.index_cast %parallel_loop3A_803 : i32 to index
      %parallel_loop3A_818 = tpu.vector_load %arg4[%parallel_loop3A_814, %parallel_loop3A_815, %parallel_loop3A_816, %parallel_loop3A_817] {strides = array<i32>} : memref<4x2x16x768xf32, #tpu.memory_space<vmem>>, vector<1x1x1x16xf32>,
      %parallel_loop3A_819 = vector.shape_cast %parallel_loop3A_818 : vector<1x1x1x16xf32> to vector<16xf32>
      %parallel_loop3A_820 = arith.addf %parallel_loop3A_811, %parallel_loop3A_819 : vector<16xf32>
      %parallel_loop3A_821 = arith.index_cast %parallel_loop3A_799 : i32 to index
      %parallel_loop3A_822 = arith.index_cast %parallel_loop3A_803 : i32 to index
      %parallel_loop3A_823 = tpu.vector_load %arg5[%parallel_loop3A_821, %parallel_loop3A_822] {strides = array<i32>} : memref<16x768xf32, #tpu.memory_space<vmem>>, vector<1x16xf32>,
      %parallel_loop3A_824 = vector.shape_cast %parallel_loop3A_823 : vector<1x16xf32> to vector<16xf32>
      %parallel_loop3A_825 = vector.shape_cast %parallel_loop3A_820 : vector<16xf32> to vector<1x16xf32>
      tpu.vector_store %arg5[%parallel_loop3A_821, %parallel_loop3A_822], %parallel_loop3A_825 {add = true, strides = array<i32>} : memref<16x768xf32, #tpu.memory_space<vmem>>, vector<1x16xf32>,
    } {sc.loop_unroll_factor = 16 : i64, sc.parallel_access}
    %mul3A_537 = arith.constant 3 : i32
    %mul3A_538 = arith.muli %mul3A_537, %select_n3A_30 : i32
    %add3A_539 = arith.constant 2 : i32
    %add3A_540 = arith.addi %mul3A_538, %add3A_539 : i32
    %dma_start3A_541 = arith.constant 3 : i32
    %dma_start3A_542 = arith.constant 0 : i32
    %dma_start3A_543 = arith.constant 0 : i32
    %dma_start3A_544 = arith.constant 0 : i32
    %dma_start3A_545 = tpu.memref_slice %arg4[%dma_start3A_541, %dma_start3A_542, %dma_start3A_543, %dma_start3A_544] : memref<4x2x16x768xf32, #tpu.memory_space<vmem>> -> memref<1x2x16x768xf32, #tpu.memory_space<vmem>>
    %dma_start3A_546 = tpu.memref_squeeze %dma_start3A_545 : memref<1x2x16x768xf32, #tpu.memory_space<vmem>> -> memref<2x16x768xf32, #tpu.memory_space<vmem>>
    %dma_start3A_547 = arith.constant 4 : i32
    %dma_start3A_548 = arith.constant 0 : i32
    %dma_start3A_549 = arith.constant 0 : i32
    %dma_start3A_550 = tpu.memref_slice %arg2[%add3A, %add3A_540, %dma_start3A_547, %dma_start3A_548, %dma_start3A_549] : memref<8x14x14x16x768xf32, #tpu.memory_space<hbm>> -> memref<1x1x2x16x768xf32, #tpu.memory_space<hbm>>
    %dma_start3A_551 = tpu.memref_squeeze %dma_start3A_550 : memref<1x1x2x16x768xf32, #tpu.memory_space<hbm>> -> memref<2x16x768xf32, #tpu.memory_space<hbm>>
    %dma_start3A_552 = arith.constant 0 : i32
    %dma_start3A_553 = arith.constant 0 : i32
    %dma_start3A_554 = arith.constant 0 : i32
    %dma_start3A_555 = tpu.memref_slice %arg4[%dma_start3A_541, %dma_start3A_552, %dma_start3A_553, %dma_start3A_554] : memref<4x2x16x768xf32, #tpu.memory_space<vmem>> -> memref<1x2x16x768xf32, #tpu.memory_space<vmem>>
    %dma_start3A_556 = tpu.memref_squeeze %dma_start3A_555 : memref<1x2x16x768xf32, #tpu.memory_space<vmem>> -> memref<2x16x768xf32, #tpu.memory_space<vmem>>
    %dma_start3A_557 = arith.constant 4 : i32
    %dma_start3A_558 = arith.constant 0 : i32
    %dma_start3A_559 = arith.constant 0 : i32
    %dma_start3A_560 = tpu.memref_slice %arg2[%add3A, %add3A_540, %dma_start3A_557, %dma_start3A_558, %dma_start3A_559] : memref<8x14x14x16x768xf32, #tpu.memory_space<hbm>> -> memref<1x1x2x16x768xf32, #tpu.memory_space<hbm>>
    %dma_start3A_561 = tpu.memref_squeeze %dma_start3A_560 : memref<1x1x2x16x768xf32, #tpu.memory_space<hbm>> -> memref<2x16x768xf32, #tpu.memory_space<hbm>>
    tpu.enqueue_dma source(%dma_start3A_561 : memref<2x16x768xf32, #tpu.memory_space<hbm>>) target(%dma_start3A_556 : memref<2x16x768xf32, #tpu.memory_space<vmem>>) target_semaphore(%arg10 : memref<!tpu.dma_semaphore, #tpu.memory_space<semaphore_mem>>)
    %dma_wait3A_562 = arith.constant 0 : i32
    %dma_wait3A_563 = arith.constant 0 : i32
    %dma_wait3A_564 = arith.constant 1 : i32
    %dma_wait3A_565 = arith.constant 0 : i32
    %dma_wait3A_566 = arith.constant 0 : i32
    %dma_wait3A_567 = arith.constant 0 : i32
    %dma_wait3A_568 = tpu.memref_slice %arg4[%dma_wait3A_564, %dma_wait3A_565, %dma_wait3A_566, %dma_wait3A_567] : memref<4x2x16x768xf32, #tpu.memory_space<vmem>> -> memref<1x2x16x768xf32, #tpu.memory_space<vmem>>
    %dma_wait3A_569 = tpu.memref_squeeze %dma_wait3A_568 : memref<1x2x16x768xf32, #tpu.memory_space<vmem>> -> memref<2x16x768xf32, #tpu.memory_space<vmem>>
    %dma_wait3A_570 = arith.constant 0 : i32
    %dma_wait3A_571 = arith.constant 0 : i32
    %dma_wait3A_572 = arith.constant 0 : i32
    %dma_wait3A_573 = tpu.memref_slice %arg2[%dma_wait3A_562, %dma_wait3A_563, %dma_wait3A_570, %dma_wait3A_571, %dma_wait3A_572] : memref<8x14x14x16x768xf32, #tpu.memory_space<hbm>> -> memref<1x1x2x16x768xf32, #tpu.memory_space<hbm>>
    %dma_wait3A_574 = tpu.memref_squeeze %dma_wait3A_573 : memref<1x1x2x16x768xf32, #tpu.memory_space<hbm>> -> memref<2x16x768xf32, #tpu.memory_space<hbm>>
    %dma_wait3A_575 = arith.constant 0 : i32
    %dma_wait3A_576 = arith.constant 0 : i32
    %dma_wait3A_577 = arith.constant 0 : i32
    %dma_wait3A_578 = tpu.memref_slice %arg4[%dma_wait3A_564, %dma_wait3A_575, %dma_wait3A_576, %dma_wait3A_577] : memref<4x2x16x768xf32, #tpu.memory_space<vmem>> -> memref<1x2x16x768xf32, #tpu.memory_space<vmem>>
    %dma_wait3A_579 = tpu.memref_squeeze %dma_wait3A_578 : memref<1x2x16x768xf32, #tpu.memory_space<vmem>> -> memref<2x16x768xf32, #tpu.memory_space<vmem>>
    %dma_wait3A_580 = arith.constant 0 : i32
    %dma_wait3A_581 = arith.constant 0 : i32
    %dma_wait3A_582 = arith.constant 0 : i32
    %dma_wait3A_583 = tpu.memref_slice %arg2[%dma_wait3A_562, %dma_wait3A_563, %dma_wait3A_580, %dma_wait3A_581, %dma_wait3A_582] : memref<8x14x14x16x768xf32, #tpu.memory_space<hbm>> -> memref<1x1x2x16x768xf32, #tpu.memory_space<hbm>>
    %dma_wait3A_584 = tpu.memref_squeeze %dma_wait3A_583 : memref<1x1x2x16x768xf32, #tpu.memory_space<hbm>> -> memref<2x16x768xf32, #tpu.memory_space<hbm>>
    tpu.wait_dma2 semaphore(%arg8 : memref<!tpu.dma_semaphore, #tpu.memory_space<semaphore_mem>>) src(%dma_wait3A_584 : memref<2x16x768xf32, #tpu.memory_space<hbm>>) dst(%dma_wait3A_579 : memref<2x16x768xf32, #tpu.memory_space<vmem>>)
    %parallel_loop3A_585 = arith.constant 0 : i32
    %parallel_loop3A_586 = arith.constant 768 : i32
    %parallel_loop3A_587 = arith.constant 1 : i32
    scf.for %parallel_loop3A_797 = %parallel_loop3A_585 to %parallel_loop3A_586 step %parallel_loop3A_587  : i32 {
      %parallel_loop3A_798 = arith.constant 15 : i32
      %parallel_loop3A_799 = arith.andi %parallel_loop3A_797, %parallel_loop3A_798 : i32
      %parallel_loop3A_800 = arith.constant 4 : i32
      %parallel_loop3A_801 = arith.shrsi %parallel_loop3A_797, %parallel_loop3A_800 : i32
      %parallel_loop3A_802 = arith.constant 16 : i32
      %parallel_loop3A_803 = arith.muli %parallel_loop3A_801, %parallel_loop3A_802 : i32
      %parallel_loop3A_804 = arith.constant 1 : i32
      %parallel_loop3A_805 = arith.constant 0 : i32
      %parallel_loop3A_806 = arith.index_cast %parallel_loop3A_804 : i32 to index
      %parallel_loop3A_807 = arith.index_cast %parallel_loop3A_805 : i32 to index
      %parallel_loop3A_808 = arith.index_cast %parallel_loop3A_799 : i32 to index
      %parallel_loop3A_809 = arith.index_cast %parallel_loop3A_803 : i32 to index
      %parallel_loop3A_810 = tpu.vector_load %arg4[%parallel_loop3A_806, %parallel_loop3A_807, %parallel_loop3A_808, %parallel_loop3A_809] {strides = array<i32>} : memref<4x2x16x768xf32, #tpu.memory_space<vmem>>, vector<1x1x1x16xf32>,
      %parallel_loop3A_811 = vector.shape_cast %parallel_loop3A_810 : vector<1x1x1x16xf32> to vector<16xf32>
      %parallel_loop3A_812 = arith.constant 1 : i32
      %parallel_loop3A_813 = arith.constant 1 : i32
      %parallel_loop3A_814 = arith.index_cast %parallel_loop3A_812 : i32 to index
      %parallel_loop3A_815 = arith.index_cast %parallel_loop3A_813 : i32 to index
      %parallel_loop3A_816 = arith.index_cast %parallel_loop3A_799 : i32 to index
      %parallel_loop3A_817 = arith.index_cast %parallel_loop3A_803 : i32 to index
      %parallel_loop3A_818 = tpu.vector_load %arg4[%parallel_loop3A_814, %parallel_loop3A_815, %parallel_loop3A_816, %parallel_loop3A_817] {strides = array<i32>} : memref<4x2x16x768xf32, #tpu.memory_space<vmem>>, vector<1x1x1x16xf32>,
      %parallel_loop3A_819 = vector.shape_cast %parallel_loop3A_818 : vector<1x1x1x16xf32> to vector<16xf32>
      %parallel_loop3A_820 = arith.addf %parallel_loop3A_811, %parallel_loop3A_819 : vector<16xf32>
      %parallel_loop3A_821 = arith.index_cast %parallel_loop3A_799 : i32 to index
      %parallel_loop3A_822 = arith.index_cast %parallel_loop3A_803 : i32 to index
      %parallel_loop3A_823 = tpu.vector_load %arg5[%parallel_loop3A_821, %parallel_loop3A_822] {strides = array<i32>} : memref<16x768xf32, #tpu.memory_space<vmem>>, vector<1x16xf32>,
      %parallel_loop3A_824 = vector.shape_cast %parallel_loop3A_823 : vector<1x16xf32> to vector<16xf32>
      %parallel_loop3A_825 = vector.shape_cast %parallel_loop3A_820 : vector<16xf32> to vector<1x16xf32>
      tpu.vector_store %arg5[%parallel_loop3A_821, %parallel_loop3A_822], %parallel_loop3A_825 {add = true, strides = array<i32>} : memref<16x768xf32, #tpu.memory_space<vmem>>, vector<1x16xf32>,
    } {sc.loop_unroll_factor = 16 : i64, sc.parallel_access}
    %mul3A_588 = arith.constant 3 : i32
    %mul3A_589 = arith.muli %mul3A_588, %select_n3A_30 : i32
    %add3A_590 = arith.constant 2 : i32
    %add3A_591 = arith.addi %mul3A_589, %add3A_590 : i32
    %dma_start3A_592 = arith.constant 0 : i32
    %dma_start3A_593 = arith.constant 0 : i32
    %dma_start3A_594 = arith.constant 0 : i32
    %dma_start3A_595 = arith.constant 0 : i32
    %dma_start3A_596 = tpu.memref_slice %arg4[%dma_start3A_592, %dma_start3A_593, %dma_start3A_594, %dma_start3A_595] : memref<4x2x16x768xf32, #tpu.memory_space<vmem>> -> memref<1x2x16x768xf32, #tpu.memory_space<vmem>>
    %dma_start3A_597 = tpu.memref_squeeze %dma_start3A_596 : memref<1x2x16x768xf32, #tpu.memory_space<vmem>> -> memref<2x16x768xf32, #tpu.memory_space<vmem>>
    %dma_start3A_598 = arith.constant 6 : i32
    %dma_start3A_599 = arith.constant 0 : i32
    %dma_start3A_600 = arith.constant 0 : i32
    %dma_start3A_601 = tpu.memref_slice %arg2[%add3A, %add3A_591, %dma_start3A_598, %dma_start3A_599, %dma_start3A_600] : memref<8x14x14x16x768xf32, #tpu.memory_space<hbm>> -> memref<1x1x2x16x768xf32, #tpu.memory_space<hbm>>
    %dma_start3A_602 = tpu.memref_squeeze %dma_start3A_601 : memref<1x1x2x16x768xf32, #tpu.memory_space<hbm>> -> memref<2x16x768xf32, #tpu.memory_space<hbm>>
    %dma_start3A_603 = arith.constant 0 : i32
    %dma_start3A_604 = arith.constant 0 : i32
    %dma_start3A_605 = arith.constant 0 : i32
    %dma_start3A_606 = tpu.memref_slice %arg4[%dma_start3A_592, %dma_start3A_603, %dma_start3A_604, %dma_start3A_605] : memref<4x2x16x768xf32, #tpu.memory_space<vmem>> -> memref<1x2x16x768xf32, #tpu.memory_space<vmem>>
    %dma_start3A_607 = tpu.memref_squeeze %dma_start3A_606 : memref<1x2x16x768xf32, #tpu.memory_space<vmem>> -> memref<2x16x768xf32, #tpu.memory_space<vmem>>
    %dma_start3A_608 = arith.constant 6 : i32
    %dma_start3A_609 = arith.constant 0 : i32
    %dma_start3A_610 = arith.constant 0 : i32
    %dma_start3A_611 = tpu.memref_slice %arg2[%add3A, %add3A_591, %dma_start3A_608, %dma_start3A_609, %dma_start3A_610] : memref<8x14x14x16x768xf32, #tpu.memory_space<hbm>> -> memref<1x1x2x16x768xf32, #tpu.memory_space<hbm>>
    %dma_start3A_612 = tpu.memref_squeeze %dma_start3A_611 : memref<1x1x2x16x768xf32, #tpu.memory_space<hbm>> -> memref<2x16x768xf32, #tpu.memory_space<hbm>>
    tpu.enqueue_dma source(%dma_start3A_612 : memref<2x16x768xf32, #tpu.memory_space<hbm>>) target(%dma_start3A_607 : memref<2x16x768xf32, #tpu.memory_space<vmem>>) target_semaphore(%arg7 : memref<!tpu.dma_semaphore, #tpu.memory_space<semaphore_mem>>)
    %dma_wait3A_613 = arith.constant 0 : i32
    %dma_wait3A_614 = arith.constant 0 : i32
    %dma_wait3A_615 = arith.constant 2 : i32
    %dma_wait3A_616 = arith.constant 0 : i32
    %dma_wait3A_617 = arith.constant 0 : i32
    %dma_wait3A_618 = arith.constant 0 : i32
    %dma_wait3A_619 = tpu.memref_slice %arg4[%dma_wait3A_615, %dma_wait3A_616, %dma_wait3A_617, %dma_wait3A_618] : memref<4x2x16x768xf32, #tpu.memory_space<vmem>> -> memref<1x2x16x768xf32, #tpu.memory_space<vmem>>
    %dma_wait3A_620 = tpu.memref_squeeze %dma_wait3A_619 : memref<1x2x16x768xf32, #tpu.memory_space<vmem>> -> memref<2x16x768xf32, #tpu.memory_space<vmem>>
    %dma_wait3A_621 = arith.constant 0 : i32
    %dma_wait3A_622 = arith.constant 0 : i32
    %dma_wait3A_623 = arith.constant 0 : i32
    %dma_wait3A_624 = tpu.memref_slice %arg2[%dma_wait3A_613, %dma_wait3A_614, %dma_wait3A_621, %dma_wait3A_622, %dma_wait3A_623] : memref<8x14x14x16x768xf32, #tpu.memory_space<hbm>> -> memref<1x1x2x16x768xf32, #tpu.memory_space<hbm>>
    %dma_wait3A_625 = tpu.memref_squeeze %dma_wait3A_624 : memref<1x1x2x16x768xf32, #tpu.memory_space<hbm>> -> memref<2x16x768xf32, #tpu.memory_space<hbm>>
    %dma_wait3A_626 = arith.constant 0 : i32
    %dma_wait3A_627 = arith.constant 0 : i32
    %dma_wait3A_628 = arith.constant 0 : i32
    %dma_wait3A_629 = tpu.memref_slice %arg4[%dma_wait3A_615, %dma_wait3A_626, %dma_wait3A_627, %dma_wait3A_628] : memref<4x2x16x768xf32, #tpu.memory_space<vmem>> -> memref<1x2x16x768xf32, #tpu.memory_space<vmem>>
    %dma_wait3A_630 = tpu.memref_squeeze %dma_wait3A_629 : memref<1x2x16x768xf32, #tpu.memory_space<vmem>> -> memref<2x16x768xf32, #tpu.memory_space<vmem>>
    %dma_wait3A_631 = arith.constant 0 : i32
    %dma_wait3A_632 = arith.constant 0 : i32
    %dma_wait3A_633 = arith.constant 0 : i32
    %dma_wait3A_634 = tpu.memref_slice %arg2[%dma_wait3A_613, %dma_wait3A_614, %dma_wait3A_631, %dma_wait3A_632, %dma_wait3A_633] : memref<8x14x14x16x768xf32, #tpu.memory_space<hbm>> -> memref<1x1x2x16x768xf32, #tpu.memory_space<hbm>>
    %dma_wait3A_635 = tpu.memref_squeeze %dma_wait3A_634 : memref<1x1x2x16x768xf32, #tpu.memory_space<hbm>> -> memref<2x16x768xf32, #tpu.memory_space<hbm>>
    tpu.wait_dma2 semaphore(%arg9 : memref<!tpu.dma_semaphore, #tpu.memory_space<semaphore_mem>>) src(%dma_wait3A_635 : memref<2x16x768xf32, #tpu.memory_space<hbm>>) dst(%dma_wait3A_630 : memref<2x16x768xf32, #tpu.memory_space<vmem>>)
    %parallel_loop3A_636 = arith.constant 0 : i32
    %parallel_loop3A_637 = arith.constant 768 : i32
    %parallel_loop3A_638 = arith.constant 1 : i32
    scf.for %parallel_loop3A_797 = %parallel_loop3A_636 to %parallel_loop3A_637 step %parallel_loop3A_638  : i32 {
      %parallel_loop3A_798 = arith.constant 15 : i32
      %parallel_loop3A_799 = arith.andi %parallel_loop3A_797, %parallel_loop3A_798 : i32
      %parallel_loop3A_800 = arith.constant 4 : i32
      %parallel_loop3A_801 = arith.shrsi %parallel_loop3A_797, %parallel_loop3A_800 : i32
      %parallel_loop3A_802 = arith.constant 16 : i32
      %parallel_loop3A_803 = arith.muli %parallel_loop3A_801, %parallel_loop3A_802 : i32
      %parallel_loop3A_804 = arith.constant 2 : i32
      %parallel_loop3A_805 = arith.constant 0 : i32
      %parallel_loop3A_806 = arith.index_cast %parallel_loop3A_804 : i32 to index
      %parallel_loop3A_807 = arith.index_cast %parallel_loop3A_805 : i32 to index
      %parallel_loop3A_808 = arith.index_cast %parallel_loop3A_799 : i32 to index
      %parallel_loop3A_809 = arith.index_cast %parallel_loop3A_803 : i32 to index
      %parallel_loop3A_810 = tpu.vector_load %arg4[%parallel_loop3A_806, %parallel_loop3A_807, %parallel_loop3A_808, %parallel_loop3A_809] {strides = array<i32>} : memref<4x2x16x768xf32, #tpu.memory_space<vmem>>, vector<1x1x1x16xf32>,
      %parallel_loop3A_811 = vector.shape_cast %parallel_loop3A_810 : vector<1x1x1x16xf32> to vector<16xf32>
      %parallel_loop3A_812 = arith.constant 2 : i32
      %parallel_loop3A_813 = arith.constant 1 : i32
      %parallel_loop3A_814 = arith.index_cast %parallel_loop3A_812 : i32 to index
      %parallel_loop3A_815 = arith.index_cast %parallel_loop3A_813 : i32 to index
      %parallel_loop3A_816 = arith.index_cast %parallel_loop3A_799 : i32 to index
      %parallel_loop3A_817 = arith.index_cast %parallel_loop3A_803 : i32 to index
      %parallel_loop3A_818 = tpu.vector_load %arg4[%parallel_loop3A_814, %parallel_loop3A_815, %parallel_loop3A_816, %parallel_loop3A_817] {strides = array<i32>} : memref<4x2x16x768xf32, #tpu.memory_space<vmem>>, vector<1x1x1x16xf32>,
      %parallel_loop3A_819 = vector.shape_cast %parallel_loop3A_818 : vector<1x1x1x16xf32> to vector<16xf32>
      %parallel_loop3A_820 = arith.addf %parallel_loop3A_811, %parallel_loop3A_819 : vector<16xf32>
      %parallel_loop3A_821 = arith.index_cast %parallel_loop3A_799 : i32 to index
      %parallel_loop3A_822 = arith.index_cast %parallel_loop3A_803 : i32 to index
      %parallel_loop3A_823 = tpu.vector_load %arg5[%parallel_loop3A_821, %parallel_loop3A_822] {strides = array<i32>} : memref<16x768xf32, #tpu.memory_space<vmem>>, vector<1x16xf32>,
      %parallel_loop3A_824 = vector.shape_cast %parallel_loop3A_823 : vector<1x16xf32> to vector<16xf32>
      %parallel_loop3A_825 = vector.shape_cast %parallel_loop3A_820 : vector<16xf32> to vector<1x16xf32>
      tpu.vector_store %arg5[%parallel_loop3A_821, %parallel_loop3A_822], %parallel_loop3A_825 {add = true, strides = array<i32>} : memref<16x768xf32, #tpu.memory_space<vmem>>, vector<1x16xf32>,
    } {sc.loop_unroll_factor = 16 : i64, sc.parallel_access}
    %mul3A_639 = arith.constant 3 : i32
    %mul3A_640 = arith.muli %mul3A_639, %select_n3A_30 : i32
    %add3A_641 = arith.constant 2 : i32
    %add3A_642 = arith.addi %mul3A_640, %add3A_641 : i32
    %dma_start3A_643 = arith.constant 1 : i32
    %dma_start3A_644 = arith.constant 0 : i32
    %dma_start3A_645 = arith.constant 0 : i32
    %dma_start3A_646 = arith.constant 0 : i32
    %dma_start3A_647 = tpu.memref_slice %arg4[%dma_start3A_643, %dma_start3A_644, %dma_start3A_645, %dma_start3A_646] : memref<4x2x16x768xf32, #tpu.memory_space<vmem>> -> memref<1x2x16x768xf32, #tpu.memory_space<vmem>>
    %dma_start3A_648 = tpu.memref_squeeze %dma_start3A_647 : memref<1x2x16x768xf32, #tpu.memory_space<vmem>> -> memref<2x16x768xf32, #tpu.memory_space<vmem>>
    %dma_start3A_649 = arith.constant 8 : i32
    %dma_start3A_650 = arith.constant 0 : i32
    %dma_start3A_651 = arith.constant 0 : i32
    %dma_start3A_652 = tpu.memref_slice %arg2[%add3A, %add3A_642, %dma_start3A_649, %dma_start3A_650, %dma_start3A_651] : memref<8x14x14x16x768xf32, #tpu.memory_space<hbm>> -> memref<1x1x2x16x768xf32, #tpu.memory_space<hbm>>
    %dma_start3A_653 = tpu.memref_squeeze %dma_start3A_652 : memref<1x1x2x16x768xf32, #tpu.memory_space<hbm>> -> memref<2x16x768xf32, #tpu.memory_space<hbm>>
    %dma_start3A_654 = arith.constant 0 : i32
    %dma_start3A_655 = arith.constant 0 : i32
    %dma_start3A_656 = arith.constant 0 : i32
    %dma_start3A_657 = tpu.memref_slice %arg4[%dma_start3A_643, %dma_start3A_654, %dma_start3A_655, %dma_start3A_656] : memref<4x2x16x768xf32, #tpu.memory_space<vmem>> -> memref<1x2x16x768xf32, #tpu.memory_space<vmem>>
    %dma_start3A_658 = tpu.memref_squeeze %dma_start3A_657 : memref<1x2x16x768xf32, #tpu.memory_space<vmem>> -> memref<2x16x768xf32, #tpu.memory_space<vmem>>
    %dma_start3A_659 = arith.constant 8 : i32
    %dma_start3A_660 = arith.constant 0 : i32
    %dma_start3A_661 = arith.constant 0 : i32
    %dma_start3A_662 = tpu.memref_slice %arg2[%add3A, %add3A_642, %dma_start3A_659, %dma_start3A_660, %dma_start3A_661] : memref<8x14x14x16x768xf32, #tpu.memory_space<hbm>> -> memref<1x1x2x16x768xf32, #tpu.memory_space<hbm>>
    %dma_start3A_663 = tpu.memref_squeeze %dma_start3A_662 : memref<1x1x2x16x768xf32, #tpu.memory_space<hbm>> -> memref<2x16x768xf32, #tpu.memory_space<hbm>>
    tpu.enqueue_dma source(%dma_start3A_663 : memref<2x16x768xf32, #tpu.memory_space<hbm>>) target(%dma_start3A_658 : memref<2x16x768xf32, #tpu.memory_space<vmem>>) target_semaphore(%arg8 : memref<!tpu.dma_semaphore, #tpu.memory_space<semaphore_mem>>)
    %dma_wait3A_664 = arith.constant 0 : i32
    %dma_wait3A_665 = arith.constant 0 : i32
    %dma_wait3A_666 = arith.constant 3 : i32
    %dma_wait3A_667 = arith.constant 0 : i32
    %dma_wait3A_668 = arith.constant 0 : i32
    %dma_wait3A_669 = arith.constant 0 : i32
    %dma_wait3A_670 = tpu.memref_slice %arg4[%dma_wait3A_666, %dma_wait3A_667, %dma_wait3A_668, %dma_wait3A_669] : memref<4x2x16x768xf32, #tpu.memory_space<vmem>> -> memref<1x2x16x768xf32, #tpu.memory_space<vmem>>
    %dma_wait3A_671 = tpu.memref_squeeze %dma_wait3A_670 : memref<1x2x16x768xf32, #tpu.memory_space<vmem>> -> memref<2x16x768xf32, #tpu.memory_space<vmem>>
    %dma_wait3A_672 = arith.constant 0 : i32
    %dma_wait3A_673 = arith.constant 0 : i32
    %dma_wait3A_674 = arith.constant 0 : i32
    %dma_wait3A_675 = tpu.memref_slice %arg2[%dma_wait3A_664, %dma_wait3A_665, %dma_wait3A_672, %dma_wait3A_673, %dma_wait3A_674] : memref<8x14x14x16x768xf32, #tpu.memory_space<hbm>> -> memref<1x1x2x16x768xf32, #tpu.memory_space<hbm>>
    %dma_wait3A_676 = tpu.memref_squeeze %dma_wait3A_675 : memref<1x1x2x16x768xf32, #tpu.memory_space<hbm>> -> memref<2x16x768xf32, #tpu.memory_space<hbm>>
    %dma_wait3A_677 = arith.constant 0 : i32
    %dma_wait3A_678 = arith.constant 0 : i32
    %dma_wait3A_679 = arith.constant 0 : i32
    %dma_wait3A_680 = tpu.memref_slice %arg4[%dma_wait3A_666, %dma_wait3A_677, %dma_wait3A_678, %dma_wait3A_679] : memref<4x2x16x768xf32, #tpu.memory_space<vmem>> -> memref<1x2x16x768xf32, #tpu.memory_space<vmem>>
    %dma_wait3A_681 = tpu.memref_squeeze %dma_wait3A_680 : memref<1x2x16x768xf32, #tpu.memory_space<vmem>> -> memref<2x16x768xf32, #tpu.memory_space<vmem>>
    %dma_wait3A_682 = arith.constant 0 : i32
    %dma_wait3A_683 = arith.constant 0 : i32
    %dma_wait3A_684 = arith.constant 0 : i32
    %dma_wait3A_685 = tpu.memref_slice %arg2[%dma_wait3A_664, %dma_wait3A_665, %dma_wait3A_682, %dma_wait3A_683, %dma_wait3A_684] : memref<8x14x14x16x768xf32, #tpu.memory_space<hbm>> -> memref<1x1x2x16x768xf32, #tpu.memory_space<hbm>>
    %dma_wait3A_686 = tpu.memref_squeeze %dma_wait3A_685 : memref<1x1x2x16x768xf32, #tpu.memory_space<hbm>> -> memref<2x16x768xf32, #tpu.memory_space<hbm>>
    tpu.wait_dma2 semaphore(%arg10 : memref<!tpu.dma_semaphore, #tpu.memory_space<semaphore_mem>>) src(%dma_wait3A_686 : memref<2x16x768xf32, #tpu.memory_space<hbm>>) dst(%dma_wait3A_681 : memref<2x16x768xf32, #tpu.memory_space<vmem>>)
    %parallel_loop3A_687 = arith.constant 0 : i32
    %parallel_loop3A_688 = arith.constant 768 : i32
    %parallel_loop3A_689 = arith.constant 1 : i32
    scf.for %parallel_loop3A_797 = %parallel_loop3A_687 to %parallel_loop3A_688 step %parallel_loop3A_689  : i32 {
      %parallel_loop3A_798 = arith.constant 15 : i32
      %parallel_loop3A_799 = arith.andi %parallel_loop3A_797, %parallel_loop3A_798 : i32
      %parallel_loop3A_800 = arith.constant 4 : i32
      %parallel_loop3A_801 = arith.shrsi %parallel_loop3A_797, %parallel_loop3A_800 : i32
      %parallel_loop3A_802 = arith.constant 16 : i32
      %parallel_loop3A_803 = arith.muli %parallel_loop3A_801, %parallel_loop3A_802 : i32
      %parallel_loop3A_804 = arith.constant 3 : i32
      %parallel_loop3A_805 = arith.constant 0 : i32
      %parallel_loop3A_806 = arith.index_cast %parallel_loop3A_804 : i32 to index
      %parallel_loop3A_807 = arith.index_cast %parallel_loop3A_805 : i32 to index
      %parallel_loop3A_808 = arith.index_cast %parallel_loop3A_799 : i32 to index
      %parallel_loop3A_809 = arith.index_cast %parallel_loop3A_803 : i32 to index
      %parallel_loop3A_810 = tpu.vector_load %arg4[%parallel_loop3A_806, %parallel_loop3A_807, %parallel_loop3A_808, %parallel_loop3A_809] {strides = array<i32>} : memref<4x2x16x768xf32, #tpu.memory_space<vmem>>, vector<1x1x1x16xf32>,
      %parallel_loop3A_811 = vector.shape_cast %parallel_loop3A_810 : vector<1x1x1x16xf32> to vector<16xf32>
      %parallel_loop3A_812 = arith.constant 3 : i32
      %parallel_loop3A_813 = arith.constant 1 : i32
      %parallel_loop3A_814 = arith.index_cast %parallel_loop3A_812 : i32 to index
      %parallel_loop3A_815 = arith.index_cast %parallel_loop3A_813 : i32 to index
      %parallel_loop3A_816 = arith.index_cast %parallel_loop3A_799 : i32 to index
      %parallel_loop3A_817 = arith.index_cast %parallel_loop3A_803 : i32 to index
      %parallel_loop3A_818 = tpu.vector_load %arg4[%parallel_loop3A_814, %parallel_loop3A_815, %parallel_loop3A_816, %parallel_loop3A_817] {strides = array<i32>} : memref<4x2x16x768xf32, #tpu.memory_space<vmem>>, vector<1x1x1x16xf32>,
      %parallel_loop3A_819 = vector.shape_cast %parallel_loop3A_818 : vector<1x1x1x16xf32> to vector<16xf32>
      %parallel_loop3A_820 = arith.addf %parallel_loop3A_811, %parallel_loop3A_819 : vector<16xf32>
      %parallel_loop3A_821 = arith.index_cast %parallel_loop3A_799 : i32 to index
      %parallel_loop3A_822 = arith.index_cast %parallel_loop3A_803 : i32 to index
      %parallel_loop3A_823 = tpu.vector_load %arg5[%parallel_loop3A_821, %parallel_loop3A_822] {strides = array<i32>} : memref<16x768xf32, #tpu.memory_space<vmem>>, vector<1x16xf32>,
      %parallel_loop3A_824 = vector.shape_cast %parallel_loop3A_823 : vector<1x16xf32> to vector<16xf32>
      %parallel_loop3A_825 = vector.shape_cast %parallel_loop3A_820 : vector<16xf32> to vector<1x16xf32>
      tpu.vector_store %arg5[%parallel_loop3A_821, %parallel_loop3A_822], %parallel_loop3A_825 {add = true, strides = array<i32>} : memref<16x768xf32, #tpu.memory_space<vmem>>, vector<1x16xf32>,
    } {sc.loop_unroll_factor = 16 : i64, sc.parallel_access}
    %mul3A_690 = arith.constant 3 : i32
    %mul3A_691 = arith.muli %mul3A_690, %select_n3A_30 : i32
    %add3A_692 = arith.constant 2 : i32
    %add3A_693 = arith.addi %mul3A_691, %add3A_692 : i32
    %dma_start3A_694 = arith.constant 2 : i32
    %dma_start3A_695 = arith.constant 0 : i32
    %dma_start3A_696 = arith.constant 0 : i32
    %dma_start3A_697 = arith.constant 0 : i32
    %dma_start3A_698 = tpu.memref_slice %arg4[%dma_start3A_694, %dma_start3A_695, %dma_start3A_696, %dma_start3A_697] : memref<4x2x16x768xf32, #tpu.memory_space<vmem>> -> memref<1x2x16x768xf32, #tpu.memory_space<vmem>>
    %dma_start3A_699 = tpu.memref_squeeze %dma_start3A_698 : memref<1x2x16x768xf32, #tpu.memory_space<vmem>> -> memref<2x16x768xf32, #tpu.memory_space<vmem>>
    %dma_start3A_700 = arith.constant 10 : i32
    %dma_start3A_701 = arith.constant 0 : i32
    %dma_start3A_702 = arith.constant 0 : i32
    %dma_start3A_703 = tpu.memref_slice %arg2[%add3A, %add3A_693, %dma_start3A_700, %dma_start3A_701, %dma_start3A_702] : memref<8x14x14x16x768xf32, #tpu.memory_space<hbm>> -> memref<1x1x2x16x768xf32, #tpu.memory_space<hbm>>
    %dma_start3A_704 = tpu.memref_squeeze %dma_start3A_703 : memref<1x1x2x16x768xf32, #tpu.memory_space<hbm>> -> memref<2x16x768xf32, #tpu.memory_space<hbm>>
    %dma_start3A_705 = arith.constant 0 : i32
    %dma_start3A_706 = arith.constant 0 : i32
    %dma_start3A_707 = arith.constant 0 : i32
    %dma_start3A_708 = tpu.memref_slice %arg4[%dma_start3A_694, %dma_start3A_705, %dma_start3A_706, %dma_start3A_707] : memref<4x2x16x768xf32, #tpu.memory_space<vmem>> -> memref<1x2x16x768xf32, #tpu.memory_space<vmem>>
    %dma_start3A_709 = tpu.memref_squeeze %dma_start3A_708 : memref<1x2x16x768xf32, #tpu.memory_space<vmem>> -> memref<2x16x768xf32, #tpu.memory_space<vmem>>
    %dma_start3A_710 = arith.constant 10 : i32
    %dma_start3A_711 = arith.constant 0 : i32
    %dma_start3A_712 = arith.constant 0 : i32
    %dma_start3A_713 = tpu.memref_slice %arg2[%add3A, %add3A_693, %dma_start3A_710, %dma_start3A_711, %dma_start3A_712] : memref<8x14x14x16x768xf32, #tpu.memory_space<hbm>> -> memref<1x1x2x16x768xf32, #tpu.memory_space<hbm>>
    %dma_start3A_714 = tpu.memref_squeeze %dma_start3A_713 : memref<1x1x2x16x768xf32, #tpu.memory_space<hbm>> -> memref<2x16x768xf32, #tpu.memory_space<hbm>>
    tpu.enqueue_dma source(%dma_start3A_714 : memref<2x16x768xf32, #tpu.memory_space<hbm>>) target(%dma_start3A_709 : memref<2x16x768xf32, #tpu.memory_space<vmem>>) target_semaphore(%arg9 : memref<!tpu.dma_semaphore, #tpu.memory_space<semaphore_mem>>)
    %dma_wait3A_715 = arith.constant 0 : i32
    %dma_wait3A_716 = arith.constant 0 : i32
    %dma_wait3A_717 = arith.constant 0 : i32
    %dma_wait3A_718 = arith.constant 0 : i32
    %dma_wait3A_719 = arith.constant 0 : i32
    %dma_wait3A_720 = arith.constant 0 : i32
    %dma_wait3A_721 = tpu.memref_slice %arg4[%dma_wait3A_717, %dma_wait3A_718, %dma_wait3A_719, %dma_wait3A_720] : memref<4x2x16x768xf32, #tpu.memory_space<vmem>> -> memref<1x2x16x768xf32, #tpu.memory_space<vmem>>
    %dma_wait3A_722 = tpu.memref_squeeze %dma_wait3A_721 : memref<1x2x16x768xf32, #tpu.memory_space<vmem>> -> memref<2x16x768xf32, #tpu.memory_space<vmem>>
    %dma_wait3A_723 = arith.constant 0 : i32
    %dma_wait3A_724 = arith.constant 0 : i32
    %dma_wait3A_725 = arith.constant 0 : i32
    %dma_wait3A_726 = tpu.memref_slice %arg2[%dma_wait3A_715, %dma_wait3A_716, %dma_wait3A_723, %dma_wait3A_724, %dma_wait3A_725] : memref<8x14x14x16x768xf32, #tpu.memory_space<hbm>> -> memref<1x1x2x16x768xf32, #tpu.memory_space<hbm>>
    %dma_wait3A_727 = tpu.memref_squeeze %dma_wait3A_726 : memref<1x1x2x16x768xf32, #tpu.memory_space<hbm>> -> memref<2x16x768xf32, #tpu.memory_space<hbm>>
    %dma_wait3A_728 = arith.constant 0 : i32
    %dma_wait3A_729 = arith.constant 0 : i32
    %dma_wait3A_730 = arith.constant 0 : i32
    %dma_wait3A_731 = tpu.memref_slice %arg4[%dma_wait3A_717, %dma_wait3A_728, %dma_wait3A_729, %dma_wait3A_730] : memref<4x2x16x768xf32, #tpu.memory_space<vmem>> -> memref<1x2x16x768xf32, #tpu.memory_space<vmem>>
    %dma_wait3A_732 = tpu.memref_squeeze %dma_wait3A_731 : memref<1x2x16x768xf32, #tpu.memory_space<vmem>> -> memref<2x16x768xf32, #tpu.memory_space<vmem>>
    %dma_wait3A_733 = arith.constant 0 : i32
    %dma_wait3A_734 = arith.constant 0 : i32
    %dma_wait3A_735 = arith.constant 0 : i32
    %dma_wait3A_736 = tpu.memref_slice %arg2[%dma_wait3A_715, %dma_wait3A_716, %dma_wait3A_733, %dma_wait3A_734, %dma_wait3A_735] : memref<8x14x14x16x768xf32, #tpu.memory_space<hbm>> -> memref<1x1x2x16x768xf32, #tpu.memory_space<hbm>>
    %dma_wait3A_737 = tpu.memref_squeeze %dma_wait3A_736 : memref<1x1x2x16x768xf32, #tpu.memory_space<hbm>> -> memref<2x16x768xf32, #tpu.memory_space<hbm>>
    tpu.wait_dma2 semaphore(%arg7 : memref<!tpu.dma_semaphore, #tpu.memory_space<semaphore_mem>>) src(%dma_wait3A_737 : memref<2x16x768xf32, #tpu.memory_space<hbm>>) dst(%dma_wait3A_732 : memref<2x16x768xf32, #tpu.memory_space<vmem>>)
    %parallel_loop3A_738 = arith.constant 0 : i32
    %parallel_loop3A_739 = arith.constant 768 : i32
    %parallel_loop3A_740 = arith.constant 1 : i32
    scf.for %parallel_loop3A_797 = %parallel_loop3A_738 to %parallel_loop3A_739 step %parallel_loop3A_740  : i32 {
      %parallel_loop3A_798 = arith.constant 15 : i32
      %parallel_loop3A_799 = arith.andi %parallel_loop3A_797, %parallel_loop3A_798 : i32
      %parallel_loop3A_800 = arith.constant 4 : i32
      %parallel_loop3A_801 = arith.shrsi %parallel_loop3A_797, %parallel_loop3A_800 : i32
      %parallel_loop3A_802 = arith.constant 16 : i32
      %parallel_loop3A_803 = arith.muli %parallel_loop3A_801, %parallel_loop3A_802 : i32
      %parallel_loop3A_804 = arith.constant 0 : i32
      %parallel_loop3A_805 = arith.constant 0 : i32
      %parallel_loop3A_806 = arith.index_cast %parallel_loop3A_804 : i32 to index
      %parallel_loop3A_807 = arith.index_cast %parallel_loop3A_805 : i32 to index
      %parallel_loop3A_808 = arith.index_cast %parallel_loop3A_799 : i32 to index
      %parallel_loop3A_809 = arith.index_cast %parallel_loop3A_803 : i32 to index
      %parallel_loop3A_810 = tpu.vector_load %arg4[%parallel_loop3A_806, %parallel_loop3A_807, %parallel_loop3A_808, %parallel_loop3A_809] {strides = array<i32>} : memref<4x2x16x768xf32, #tpu.memory_space<vmem>>, vector<1x1x1x16xf32>,
      %parallel_loop3A_811 = vector.shape_cast %parallel_loop3A_810 : vector<1x1x1x16xf32> to vector<16xf32>
      %parallel_loop3A_812 = arith.constant 0 : i32
      %parallel_loop3A_813 = arith.constant 1 : i32
      %parallel_loop3A_814 = arith.index_cast %parallel_loop3A_812 : i32 to index
      %parallel_loop3A_815 = arith.index_cast %parallel_loop3A_813 : i32 to index
      %parallel_loop3A_816 = arith.index_cast %parallel_loop3A_799 : i32 to index
      %parallel_loop3A_817 = arith.index_cast %parallel_loop3A_803 : i32 to index
      %parallel_loop3A_818 = tpu.vector_load %arg4[%parallel_loop3A_814, %parallel_loop3A_815, %parallel_loop3A_816, %parallel_loop3A_817] {strides = array<i32>} : memref<4x2x16x768xf32, #tpu.memory_space<vmem>>, vector<1x1x1x16xf32>,
      %parallel_loop3A_819 = vector.shape_cast %parallel_loop3A_818 : vector<1x1x1x16xf32> to vector<16xf32>
      %parallel_loop3A_820 = arith.addf %parallel_loop3A_811, %parallel_loop3A_819 : vector<16xf32>
      %parallel_loop3A_821 = arith.index_cast %parallel_loop3A_799 : i32 to index
      %parallel_loop3A_822 = arith.index_cast %parallel_loop3A_803 : i32 to index
      %parallel_loop3A_823 = tpu.vector_load %arg5[%parallel_loop3A_821, %parallel_loop3A_822] {strides = array<i32>} : memref<16x768xf32, #tpu.memory_space<vmem>>, vector<1x16xf32>,
      %parallel_loop3A_824 = vector.shape_cast %parallel_loop3A_823 : vector<1x16xf32> to vector<16xf32>
      %parallel_loop3A_825 = vector.shape_cast %parallel_loop3A_820 : vector<16xf32> to vector<1x16xf32>
      tpu.vector_store %arg5[%parallel_loop3A_821, %parallel_loop3A_822], %parallel_loop3A_825 {add = true, strides = array<i32>} : memref<16x768xf32, #tpu.memory_space<vmem>>, vector<1x16xf32>,
    } {sc.loop_unroll_factor = 16 : i64, sc.parallel_access}
    %dma_wait3A_741 = arith.constant 0 : i32
    %dma_wait3A_742 = arith.constant 0 : i32
    %dma_wait3A_743 = arith.constant 1 : i32
    %dma_wait3A_744 = arith.constant 0 : i32
    %dma_wait3A_745 = arith.constant 0 : i32
    %dma_wait3A_746 = arith.constant 0 : i32
    %dma_wait3A_747 = tpu.memref_slice %arg4[%dma_wait3A_743, %dma_wait3A_744, %dma_wait3A_745, %dma_wait3A_746] : memref<4x2x16x768xf32, #tpu.memory_space<vmem>> -> memref<1x2x16x768xf32, #tpu.memory_space<vmem>>
    %dma_wait3A_748 = tpu.memref_squeeze %dma_wait3A_747 : memref<1x2x16x768xf32, #tpu.memory_space<vmem>> -> memref<2x16x768xf32, #tpu.memory_space<vmem>>
    %dma_wait3A_749 = arith.constant 0 : i32
    %dma_wait3A_750 = arith.constant 0 : i32
    %dma_wait3A_751 = arith.constant 0 : i32
    %dma_wait3A_752 = tpu.memref_slice %arg2[%dma_wait3A_741, %dma_wait3A_742, %dma_wait3A_749, %dma_wait3A_750, %dma_wait3A_751] : memref<8x14x14x16x768xf32, #tpu.memory_space<hbm>> -> memref<1x1x2x16x768xf32, #tpu.memory_space<hbm>>
    %dma_wait3A_753 = tpu.memref_squeeze %dma_wait3A_752 : memref<1x1x2x16x768xf32, #tpu.memory_space<hbm>> -> memref<2x16x768xf32, #tpu.memory_space<hbm>>
    %dma_wait3A_754 = arith.constant 0 : i32
    %dma_wait3A_755 = arith.constant 0 : i32
    %dma_wait3A_756 = arith.constant 0 : i32
    %dma_wait3A_757 = tpu.memref_slice %arg4[%dma_wait3A_743, %dma_wait3A_754, %dma_wait3A_755, %dma_wait3A_756] : memref<4x2x16x768xf32, #tpu.memory_space<vmem>> -> memref<1x2x16x768xf32, #tpu.memory_space<vmem>>
    %dma_wait3A_758 = tpu.memref_squeeze %dma_wait3A_757 : memref<1x2x16x768xf32, #tpu.memory_space<vmem>> -> memref<2x16x768xf32, #tpu.memory_space<vmem>>
    %dma_wait3A_759 = arith.constant 0 : i32
    %dma_wait3A_760 = arith.constant 0 : i32
    %dma_wait3A_761 = arith.constant 0 : i32
    %dma_wait3A_762 = tpu.memref_slice %arg2[%dma_wait3A_741, %dma_wait3A_742, %dma_wait3A_759, %dma_wait3A_760, %dma_wait3A_761] : memref<8x14x14x16x768xf32, #tpu.memory_space<hbm>> -> memref<1x1x2x16x768xf32, #tpu.memory_space<hbm>>
    %dma_wait3A_763 = tpu.memref_squeeze %dma_wait3A_762 : memref<1x1x2x16x768xf32, #tpu.memory_space<hbm>> -> memref<2x16x768xf32, #tpu.memory_space<hbm>>
    tpu.wait_dma2 semaphore(%arg8 : memref<!tpu.dma_semaphore, #tpu.memory_space<semaphore_mem>>) src(%dma_wait3A_763 : memref<2x16x768xf32, #tpu.memory_space<hbm>>) dst(%dma_wait3A_758 : memref<2x16x768xf32, #tpu.memory_space<vmem>>)
    %parallel_loop3A_764 = arith.constant 0 : i32
    %parallel_loop3A_765 = arith.constant 768 : i32
    %parallel_loop3A_766 = arith.constant 1 : i32
    scf.for %parallel_loop3A_797 = %parallel_loop3A_764 to %parallel_loop3A_765 step %parallel_loop3A_766  : i32 {
      %parallel_loop3A_798 = arith.constant 15 : i32
      %parallel_loop3A_799 = arith.andi %parallel_loop3A_797, %parallel_loop3A_798 : i32
      %parallel_loop3A_800 = arith.constant 4 : i32
      %parallel_loop3A_801 = arith.shrsi %parallel_loop3A_797, %parallel_loop3A_800 : i32
      %parallel_loop3A_802 = arith.constant 16 : i32
      %parallel_loop3A_803 = arith.muli %parallel_loop3A_801, %parallel_loop3A_802 : i32
      %parallel_loop3A_804 = arith.constant 1 : i32
      %parallel_loop3A_805 = arith.constant 0 : i32
      %parallel_loop3A_806 = arith.index_cast %parallel_loop3A_804 : i32 to index
      %parallel_loop3A_807 = arith.index_cast %parallel_loop3A_805 : i32 to index
      %parallel_loop3A_808 = arith.index_cast %parallel_loop3A_799 : i32 to index
      %parallel_loop3A_809 = arith.index_cast %parallel_loop3A_803 : i32 to index
      %parallel_loop3A_810 = tpu.vector_load %arg4[%parallel_loop3A_806, %parallel_loop3A_807, %parallel_loop3A_808, %parallel_loop3A_809] {strides = array<i32>} : memref<4x2x16x768xf32, #tpu.memory_space<vmem>>, vector<1x1x1x16xf32>,
      %parallel_loop3A_811 = vector.shape_cast %parallel_loop3A_810 : vector<1x1x1x16xf32> to vector<16xf32>
      %parallel_loop3A_812 = arith.constant 1 : i32
      %parallel_loop3A_813 = arith.constant 1 : i32
      %parallel_loop3A_814 = arith.index_cast %parallel_loop3A_812 : i32 to index
      %parallel_loop3A_815 = arith.index_cast %parallel_loop3A_813 : i32 to index
      %parallel_loop3A_816 = arith.index_cast %parallel_loop3A_799 : i32 to index
      %parallel_loop3A_817 = arith.index_cast %parallel_loop3A_803 : i32 to index
      %parallel_loop3A_818 = tpu.vector_load %arg4[%parallel_loop3A_814, %parallel_loop3A_815, %parallel_loop3A_816, %parallel_loop3A_817] {strides = array<i32>} : memref<4x2x16x768xf32, #tpu.memory_space<vmem>>, vector<1x1x1x16xf32>,
      %parallel_loop3A_819 = vector.shape_cast %parallel_loop3A_818 : vector<1x1x1x16xf32> to vector<16xf32>
      %parallel_loop3A_820 = arith.addf %parallel_loop3A_811, %parallel_loop3A_819 : vector<16xf32>
      %parallel_loop3A_821 = arith.index_cast %parallel_loop3A_799 : i32 to index
      %parallel_loop3A_822 = arith.index_cast %parallel_loop3A_803 : i32 to index
      %parallel_loop3A_823 = tpu.vector_load %arg5[%parallel_loop3A_821, %parallel_loop3A_822] {strides = array<i32>} : memref<16x768xf32, #tpu.memory_space<vmem>>, vector<1x16xf32>,
      %parallel_loop3A_824 = vector.shape_cast %parallel_loop3A_823 : vector<1x16xf32> to vector<16xf32>
      %parallel_loop3A_825 = vector.shape_cast %parallel_loop3A_820 : vector<16xf32> to vector<1x16xf32>
      tpu.vector_store %arg5[%parallel_loop3A_821, %parallel_loop3A_822], %parallel_loop3A_825 {add = true, strides = array<i32>} : memref<16x768xf32, #tpu.memory_space<vmem>>, vector<1x16xf32>,
    } {sc.loop_unroll_factor = 16 : i64, sc.parallel_access}
    %dma_wait3A_767 = arith.constant 0 : i32
    %dma_wait3A_768 = arith.constant 0 : i32
    %dma_wait3A_769 = arith.constant 2 : i32
    %dma_wait3A_770 = arith.constant 0 : i32
    %dma_wait3A_771 = arith.constant 0 : i32
    %dma_wait3A_772 = arith.constant 0 : i32
    %dma_wait3A_773 = tpu.memref_slice %arg4[%dma_wait3A_769, %dma_wait3A_770, %dma_wait3A_771, %dma_wait3A_772] : memref<4x2x16x768xf32, #tpu.memory_space<vmem>> -> memref<1x2x16x768xf32, #tpu.memory_space<vmem>>
    %dma_wait3A_774 = tpu.memref_squeeze %dma_wait3A_773 : memref<1x2x16x768xf32, #tpu.memory_space<vmem>> -> memref<2x16x768xf32, #tpu.memory_space<vmem>>
    %dma_wait3A_775 = arith.constant 0 : i32
    %dma_wait3A_776 = arith.constant 0 : i32
    %dma_wait3A_777 = arith.constant 0 : i32
    %dma_wait3A_778 = tpu.memref_slice %arg2[%dma_wait3A_767, %dma_wait3A_768, %dma_wait3A_775, %dma_wait3A_776, %dma_wait3A_777] : memref<8x14x14x16x768xf32, #tpu.memory_space<hbm>> -> memref<1x1x2x16x768xf32, #tpu.memory_space<hbm>>
    %dma_wait3A_779 = tpu.memref_squeeze %dma_wait3A_778 : memref<1x1x2x16x768xf32, #tpu.memory_space<hbm>> -> memref<2x16x768xf32, #tpu.memory_space<hbm>>
    %dma_wait3A_780 = arith.constant 0 : i32
    %dma_wait3A_781 = arith.constant 0 : i32
    %dma_wait3A_782 = arith.constant 0 : i32
    %dma_wait3A_783 = tpu.memref_slice %arg4[%dma_wait3A_769, %dma_wait3A_780, %dma_wait3A_781, %dma_wait3A_782] : memref<4x2x16x768xf32, #tpu.memory_space<vmem>> -> memref<1x2x16x768xf32, #tpu.memory_space<vmem>>
    %dma_wait3A_784 = tpu.memref_squeeze %dma_wait3A_783 : memref<1x2x16x768xf32, #tpu.memory_space<vmem>> -> memref<2x16x768xf32, #tpu.memory_space<vmem>>
    %dma_wait3A_785 = arith.constant 0 : i32
    %dma_wait3A_786 = arith.constant 0 : i32
    %dma_wait3A_787 = arith.constant 0 : i32
    %dma_wait3A_788 = tpu.memref_slice %arg2[%dma_wait3A_767, %dma_wait3A_768, %dma_wait3A_785, %dma_wait3A_786, %dma_wait3A_787] : memref<8x14x14x16x768xf32, #tpu.memory_space<hbm>> -> memref<1x1x2x16x768xf32, #tpu.memory_space<hbm>>
    %dma_wait3A_789 = tpu.memref_squeeze %dma_wait3A_788 : memref<1x1x2x16x768xf32, #tpu.memory_space<hbm>> -> memref<2x16x768xf32, #tpu.memory_space<hbm>>
    tpu.wait_dma2 semaphore(%arg9 : memref<!tpu.dma_semaphore, #tpu.memory_space<semaphore_mem>>) src(%dma_wait3A_789 : memref<2x16x768xf32, #tpu.memory_space<hbm>>) dst(%dma_wait3A_784 : memref<2x16x768xf32, #tpu.memory_space<vmem>>)
    %parallel_loop3A_790 = arith.constant 0 : i32
    %parallel_loop3A_791 = arith.constant 768 : i32
    %parallel_loop3A_792 = arith.constant 1 : i32
    scf.for %parallel_loop3A_797 = %parallel_loop3A_790 to %parallel_loop3A_791 step %parallel_loop3A_792  : i32 {
      %parallel_loop3A_798 = arith.constant 15 : i32
      %parallel_loop3A_799 = arith.andi %parallel_loop3A_797, %parallel_loop3A_798 : i32
      %parallel_loop3A_800 = arith.constant 4 : i32
      %parallel_loop3A_801 = arith.shrsi %parallel_loop3A_797, %parallel_loop3A_800 : i32
      %parallel_loop3A_802 = arith.constant 16 : i32
      %parallel_loop3A_803 = arith.muli %parallel_loop3A_801, %parallel_loop3A_802 : i32
      %parallel_loop3A_804 = arith.constant 2 : i32
      %parallel_loop3A_805 = arith.constant 0 : i32
      %parallel_loop3A_806 = arith.index_cast %parallel_loop3A_804 : i32 to index
      %parallel_loop3A_807 = arith.index_cast %parallel_loop3A_805 : i32 to index
      %parallel_loop3A_808 = arith.index_cast %parallel_loop3A_799 : i32 to index
      %parallel_loop3A_809 = arith.index_cast %parallel_loop3A_803 : i32 to index
      %parallel_loop3A_810 = tpu.vector_load %arg4[%parallel_loop3A_806, %parallel_loop3A_807, %parallel_loop3A_808, %parallel_loop3A_809] {strides = array<i32>} : memref<4x2x16x768xf32, #tpu.memory_space<vmem>>, vector<1x1x1x16xf32>,
      %parallel_loop3A_811 = vector.shape_cast %parallel_loop3A_810 : vector<1x1x1x16xf32> to vector<16xf32>
      %parallel_loop3A_812 = arith.constant 2 : i32
      %parallel_loop3A_813 = arith.constant 1 : i32
      %parallel_loop3A_814 = arith.index_cast %parallel_loop3A_812 : i32 to index
      %parallel_loop3A_815 = arith.index_cast %parallel_loop3A_813 : i32 to index
      %parallel_loop3A_816 = arith.index_cast %parallel_loop3A_799 : i32 to index
      %parallel_loop3A_817 = arith.index_cast %parallel_loop3A_803 : i32 to index
      %parallel_loop3A_818 = tpu.vector_load %arg4[%parallel_loop3A_814, %parallel_loop3A_815, %parallel_loop3A_816, %parallel_loop3A_817] {strides = array<i32>} : memref<4x2x16x768xf32, #tpu.memory_space<vmem>>, vector<1x1x1x16xf32>,
      %parallel_loop3A_819 = vector.shape_cast %parallel_loop3A_818 : vector<1x1x1x16xf32> to vector<16xf32>
      %parallel_loop3A_820 = arith.addf %parallel_loop3A_811, %parallel_loop3A_819 : vector<16xf32>
      %parallel_loop3A_821 = arith.index_cast %parallel_loop3A_799 : i32 to index
      %parallel_loop3A_822 = arith.index_cast %parallel_loop3A_803 : i32 to index
      %parallel_loop3A_823 = tpu.vector_load %arg5[%parallel_loop3A_821, %parallel_loop3A_822] {strides = array<i32>} : memref<16x768xf32, #tpu.memory_space<vmem>>, vector<1x16xf32>,
      %parallel_loop3A_824 = vector.shape_cast %parallel_loop3A_823 : vector<1x16xf32> to vector<16xf32>
      %parallel_loop3A_825 = vector.shape_cast %parallel_loop3A_820 : vector<16xf32> to vector<1x16xf32>
      tpu.vector_store %arg5[%parallel_loop3A_821, %parallel_loop3A_822], %parallel_loop3A_825 {add = true, strides = array<i32>} : memref<16x768xf32, #tpu.memory_space<vmem>>, vector<1x16xf32>,
    } {sc.loop_unroll_factor = 16 : i64, sc.parallel_access}
    "tpu.region"() ({
      %run_scoped3A = tpu.sem_alloc : memref<!tpu.dma_semaphore, #tpu.memory_space<semaphore_mem>>
      %dma_start3A_797 = arith.constant 0 : i32
      %dma_start3A_798 = arith.constant 0 : i32
      %dma_start3A_799 = tpu.memref_slice %arg6[%arg1, %dma_start3A_797, %dma_start3A_798] : memref<16x16x768xf32, #tpu.memory_space<vmem_shared>> -> memref<1x16x768xf32, #tpu.memory_space<vmem_shared>>
      %dma_start3A_800 = tpu.memref_squeeze %dma_start3A_799 : memref<1x16x768xf32, #tpu.memory_space<vmem_shared>> -> memref<16x768xf32, #tpu.memory_space<vmem_shared>>
      %dma_start3A_801 = arith.constant 0 : i32
      %dma_start3A_802 = arith.constant 0 : i32
      %dma_start3A_803 = tpu.memref_slice %arg6[%arg1, %dma_start3A_801, %dma_start3A_802] : memref<16x16x768xf32, #tpu.memory_space<vmem_shared>> -> memref<1x16x768xf32, #tpu.memory_space<vmem_shared>>
      %dma_start3A_804 = tpu.memref_squeeze %dma_start3A_803 : memref<1x16x768xf32, #tpu.memory_space<vmem_shared>> -> memref<16x768xf32, #tpu.memory_space<vmem_shared>>
      tpu.enqueue_dma source(%arg5 : memref<16x768xf32, #tpu.memory_space<vmem>>) target(%dma_start3A_804 : memref<16x768xf32, #tpu.memory_space<vmem_shared>>) target_semaphore(%run_scoped3A : memref<!tpu.dma_semaphore, #tpu.memory_space<semaphore_mem>>)
      %dma_wait3A_805 = arith.constant 0 : i32
      %dma_wait3A_806 = arith.constant 0 : i32
      %dma_wait3A_807 = tpu.memref_slice %arg6[%arg1, %dma_wait3A_805, %dma_wait3A_806] : memref<16x16x768xf32, #tpu.memory_space<vmem_shared>> -> memref<1x16x768xf32, #tpu.memory_space<vmem_shared>>
      %dma_wait3A_808 = tpu.memref_squeeze %dma_wait3A_807 : memref<1x16x768xf32, #tpu.memory_space<vmem_shared>> -> memref<16x768xf32, #tpu.memory_space<vmem_shared>>
      %dma_wait3A_809 = arith.constant 0 : i32
      %dma_wait3A_810 = arith.constant 0 : i32
      %dma_wait3A_811 = tpu.memref_slice %arg6[%arg1, %dma_wait3A_809, %dma_wait3A_810] : memref<16x16x768xf32, #tpu.memory_space<vmem_shared>> -> memref<1x16x768xf32, #tpu.memory_space<vmem_shared>>
      %dma_wait3A_812 = tpu.memref_squeeze %dma_wait3A_811 : memref<1x16x768xf32, #tpu.memory_space<vmem_shared>> -> memref<16x768xf32, #tpu.memory_space<vmem_shared>>
      tpu.wait_dma2 semaphore(%run_scoped3A : memref<!tpu.dma_semaphore, #tpu.memory_space<semaphore_mem>>) src(%arg5 : memref<16x768xf32, #tpu.memory_space<vmem>>) dst(%dma_wait3A_812 : memref<16x768xf32, #tpu.memory_space<vmem_shared>>)
      tpu.yield
    }) : () -> ()
    %barrier3A = arith.constant 0 : index
    tpu.barrier barrier_id(%barrier3A)
    %lt3A_793 = arith.constant 2 : i32
    %lt3A_794 = arith.cmpi slt, %select_n3A_30, %lt3A_793 : i32
    %convert_element_type3A = arith.extui %lt3A_794 : i1 to i32
    %cond3A = arith.constant 0.00833333377 : f32
    %cond3A_795 = arith.constant 0 : i32
    %cond3A_796 = arith.cmpi ne, %convert_element_type3A, %cond3A_795 : i32
    scf.if %cond3A_796 {
      %jit3A_797 = arith.constant 4 : i32
      %div3A_798 = arith.divsi %arg1, %jit3A_797 : i32
      %sign3A_799 = arith.constant 0 : i32
      %sign3A_800 = arith.cmpi sgt, %arg1, %sign3A_799 : i32
      %sign3A_801 = arith.extui %sign3A_800 : i1 to i32
      %sign3A_802 = arith.constant 0 : i32
      %sign3A_803 = arith.cmpi slt, %arg1, %sign3A_802 : i32
      %sign3A_804 = arith.extui %sign3A_803 : i1 to i32
      %sign3A_805 = arith.subi %sign3A_801, %sign3A_804 : i32
      %sign3A_806 = arith.constant 0 : i32
      %sign3A_807 = arith.cmpi sgt, %jit3A_797, %sign3A_806 : i32
      %sign3A_808 = arith.extui %sign3A_807 : i1 to i32
      %sign3A_809 = arith.constant 0 : i32
      %sign3A_810 = arith.cmpi slt, %jit3A_797, %sign3A_809 : i32
      %sign3A_811 = arith.extui %sign3A_810 : i1 to i32
      %sign3A_812 = arith.subi %sign3A_808, %sign3A_811 : i32
      %ne3A_813 = arith.cmpi ne, %sign3A_805, %sign3A_812 : i32
      %rem3A_814 = arith.remsi %arg1, %jit3A_797 : i32
      %ne3A_815 = arith.constant 0 : i32
      %ne3A_816 = arith.cmpi ne, %rem3A_814, %ne3A_815 : i32
      %and3A_817 = arith.andi %ne3A_813, %ne3A_816 : i1
      %sub3A_818 = arith.constant 1 : i32
      %sub3A_819 = arith.subi %div3A_798, %sub3A_818 : i32
      %select_n3A_820 = arith.select %and3A_817, %sub3A_819, %div3A_798 : i32
      %mul3A_821 = arith.constant 4 : i32
      %mul3A_822 = arith.muli %select_n3A_820, %mul3A_821 : i32
      %mul3A_823 = arith.constant 8 : i32
      %mul3A_824 = arith.muli %select_n3A_30, %mul3A_823 : i32
      %add3A_825 = arith.constant 0 : i32
      %add3A_826 = arith.addi %mul3A_822, %add3A_825 : i32
      %run_scoped3A = arith.constant 0 : i32
      %run_scoped3A_827 = arith.constant 0 : i32
      "tpu.region"() ({
        %run_scoped3A_843 = tpu.sem_alloc : memref<!tpu.dma_semaphore, #tpu.memory_space<semaphore_mem>>
        %dma_start3A_844 = arith.constant 0 : i32
        %dma_start3A_845 = arith.constant 0 : i32
        %dma_start3A_846 = tpu.memref_slice %arg4[%run_scoped3A, %run_scoped3A_827, %dma_start3A_844, %dma_start3A_845] : memref<4x2x16x768xf32, #tpu.memory_space<vmem>> -> memref<1x1x8x768xf32, #tpu.memory_space<vmem>>
        %dma_start3A_847 = tpu.memref_squeeze %dma_start3A_846 : memref<1x1x8x768xf32, #tpu.memory_space<vmem>> -> memref<8x768xf32, #tpu.memory_space<vmem>>
        %dma_start3A_848 = arith.constant 0 : i32
        %dma_start3A_849 = tpu.memref_slice %arg6[%add3A_826, %mul3A_824, %dma_start3A_848] : memref<16x16x768xf32, #tpu.memory_space<vmem_shared>> -> memref<1x8x768xf32, #tpu.memory_space<vmem_shared>>
        %dma_start3A_850 = tpu.memref_squeeze %dma_start3A_849 : memref<1x8x768xf32, #tpu.memory_space<vmem_shared>> -> memref<8x768xf32, #tpu.memory_space<vmem_shared>>
        %dma_start3A_851 = arith.constant 0 : i32
        %dma_start3A_852 = arith.constant 0 : i32
        %dma_start3A_853 = tpu.memref_slice %arg4[%run_scoped3A, %run_scoped3A_827, %dma_start3A_851, %dma_start3A_852] : memref<4x2x16x768xf32, #tpu.memory_space<vmem>> -> memref<1x1x8x768xf32, #tpu.memory_space<vmem>>
        %dma_start3A_854 = tpu.memref_squeeze %dma_start3A_853 : memref<1x1x8x768xf32, #tpu.memory_space<vmem>> -> memref<8x768xf32, #tpu.memory_space<vmem>>
        %dma_start3A_855 = arith.constant 0 : i32
        %dma_start3A_856 = tpu.memref_slice %arg6[%add3A_826, %mul3A_824, %dma_start3A_855] : memref<16x16x768xf32, #tpu.memory_space<vmem_shared>> -> memref<1x8x768xf32, #tpu.memory_space<vmem_shared>>
        %dma_start3A_857 = tpu.memref_squeeze %dma_start3A_856 : memref<1x8x768xf32, #tpu.memory_space<vmem_shared>> -> memref<8x768xf32, #tpu.memory_space<vmem_shared>>
        tpu.enqueue_dma source(%dma_start3A_857 : memref<8x768xf32, #tpu.memory_space<vmem_shared>>) target(%dma_start3A_854 : memref<8x768xf32, #tpu.memory_space<vmem>>) target_semaphore(%run_scoped3A_843 : memref<!tpu.dma_semaphore, #tpu.memory_space<semaphore_mem>>)
        %dma_wait3A_858 = arith.constant 0 : i32
        %dma_wait3A_859 = arith.constant 0 : i32
        %dma_wait3A_860 = tpu.memref_slice %arg4[%run_scoped3A, %run_scoped3A_827, %dma_wait3A_858, %dma_wait3A_859] : memref<4x2x16x768xf32, #tpu.memory_space<vmem>> -> memref<1x1x8x768xf32, #tpu.memory_space<vmem>>
        %dma_wait3A_861 = tpu.memref_squeeze %dma_wait3A_860 : memref<1x1x8x768xf32, #tpu.memory_space<vmem>> -> memref<8x768xf32, #tpu.memory_space<vmem>>
        %dma_wait3A_862 = arith.constant 0 : i32
        %dma_wait3A_863 = tpu.memref_slice %arg6[%add3A_826, %mul3A_824, %dma_wait3A_862] : memref<16x16x768xf32, #tpu.memory_space<vmem_shared>> -> memref<1x8x768xf32, #tpu.memory_space<vmem_shared>>
        %dma_wait3A_864 = tpu.memref_squeeze %dma_wait3A_863 : memref<1x8x768xf32, #tpu.memory_space<vmem_shared>> -> memref<8x768xf32, #tpu.memory_space<vmem_shared>>
        %dma_wait3A_865 = arith.constant 0 : i32
        %dma_wait3A_866 = arith.constant 0 : i32
        %dma_wait3A_867 = tpu.memref_slice %arg4[%run_scoped3A, %run_scoped3A_827, %dma_wait3A_865, %dma_wait3A_866] : memref<4x2x16x768xf32, #tpu.memory_space<vmem>> -> memref<1x1x8x768xf32, #tpu.memory_space<vmem>>
        %dma_wait3A_868 = tpu.memref_squeeze %dma_wait3A_867 : memref<1x1x8x768xf32, #tpu.memory_space<vmem>> -> memref<8x768xf32, #tpu.memory_space<vmem>>
        %dma_wait3A_869 = arith.constant 0 : i32
        %dma_wait3A_870 = tpu.memref_slice %arg6[%add3A_826, %mul3A_824, %dma_wait3A_869] : memref<16x16x768xf32, #tpu.memory_space<vmem_shared>> -> memref<1x8x768xf32, #tpu.memory_space<vmem_shared>>
        %dma_wait3A_871 = tpu.memref_squeeze %dma_wait3A_870 : memref<1x8x768xf32, #tpu.memory_space<vmem_shared>> -> memref<8x768xf32, #tpu.memory_space<vmem_shared>>
        tpu.wait_dma2 semaphore(%run_scoped3A_843 : memref<!tpu.dma_semaphore, #tpu.memory_space<semaphore_mem>>) src(%dma_wait3A_871 : memref<8x768xf32, #tpu.memory_space<vmem_shared>>) dst(%dma_wait3A_868 : memref<8x768xf32, #tpu.memory_space<vmem>>)
        tpu.yield
      }) : () -> ()
      %add3A_828 = arith.constant 1 : i32
      %add3A_829 = arith.addi %mul3A_822, %add3A_828 : i32
      %run_scoped3A_830 = arith.constant 1 : i32
      %run_scoped3A_831 = arith.constant 0 : i32
      "tpu.region"() ({
        %run_scoped3A_843 = tpu.sem_alloc : memref<!tpu.dma_semaphore, #tpu.memory_space<semaphore_mem>>
        %dma_start3A_844 = arith.constant 0 : i32
        %dma_start3A_845 = arith.constant 0 : i32
        %dma_start3A_846 = tpu.memref_slice %arg4[%run_scoped3A_830, %run_scoped3A_831, %dma_start3A_844, %dma_start3A_845] : memref<4x2x16x768xf32, #tpu.memory_space<vmem>> -> memref<1x1x8x768xf32, #tpu.memory_space<vmem>>
        %dma_start3A_847 = tpu.memref_squeeze %dma_start3A_846 : memref<1x1x8x768xf32, #tpu.memory_space<vmem>> -> memref<8x768xf32, #tpu.memory_space<vmem>>
        %dma_start3A_848 = arith.constant 0 : i32
        %dma_start3A_849 = tpu.memref_slice %arg6[%add3A_829, %mul3A_824, %dma_start3A_848] : memref<16x16x768xf32, #tpu.memory_space<vmem_shared>> -> memref<1x8x768xf32, #tpu.memory_space<vmem_shared>>
        %dma_start3A_850 = tpu.memref_squeeze %dma_start3A_849 : memref<1x8x768xf32, #tpu.memory_space<vmem_shared>> -> memref<8x768xf32, #tpu.memory_space<vmem_shared>>
        %dma_start3A_851 = arith.constant 0 : i32
        %dma_start3A_852 = arith.constant 0 : i32
        %dma_start3A_853 = tpu.memref_slice %arg4[%run_scoped3A_830, %run_scoped3A_831, %dma_start3A_851, %dma_start3A_852] : memref<4x2x16x768xf32, #tpu.memory_space<vmem>> -> memref<1x1x8x768xf32, #tpu.memory_space<vmem>>
        %dma_start3A_854 = tpu.memref_squeeze %dma_start3A_853 : memref<1x1x8x768xf32, #tpu.memory_space<vmem>> -> memref<8x768xf32, #tpu.memory_space<vmem>>
        %dma_start3A_855 = arith.constant 0 : i32
        %dma_start3A_856 = tpu.memref_slice %arg6[%add3A_829, %mul3A_824, %dma_start3A_855] : memref<16x16x768xf32, #tpu.memory_space<vmem_shared>> -> memref<1x8x768xf32, #tpu.memory_space<vmem_shared>>
        %dma_start3A_857 = tpu.memref_squeeze %dma_start3A_856 : memref<1x8x768xf32, #tpu.memory_space<vmem_shared>> -> memref<8x768xf32, #tpu.memory_space<vmem_shared>>
        tpu.enqueue_dma source(%dma_start3A_857 : memref<8x768xf32, #tpu.memory_space<vmem_shared>>) target(%dma_start3A_854 : memref<8x768xf32, #tpu.memory_space<vmem>>) target_semaphore(%run_scoped3A_843 : memref<!tpu.dma_semaphore, #tpu.memory_space<semaphore_mem>>)
        %dma_wait3A_858 = arith.constant 0 : i32
        %dma_wait3A_859 = arith.constant 0 : i32
        %dma_wait3A_860 = tpu.memref_slice %arg4[%run_scoped3A_830, %run_scoped3A_831, %dma_wait3A_858, %dma_wait3A_859] : memref<4x2x16x768xf32, #tpu.memory_space<vmem>> -> memref<1x1x8x768xf32, #tpu.memory_space<vmem>>
        %dma_wait3A_861 = tpu.memref_squeeze %dma_wait3A_860 : memref<1x1x8x768xf32, #tpu.memory_space<vmem>> -> memref<8x768xf32, #tpu.memory_space<vmem>>
        %dma_wait3A_862 = arith.constant 0 : i32
        %dma_wait3A_863 = tpu.memref_slice %arg6[%add3A_829, %mul3A_824, %dma_wait3A_862] : memref<16x16x768xf32, #tpu.memory_space<vmem_shared>> -> memref<1x8x768xf32, #tpu.memory_space<vmem_shared>>
        %dma_wait3A_864 = tpu.memref_squeeze %dma_wait3A_863 : memref<1x8x768xf32, #tpu.memory_space<vmem_shared>> -> memref<8x768xf32, #tpu.memory_space<vmem_shared>>
        %dma_wait3A_865 = arith.constant 0 : i32
        %dma_wait3A_866 = arith.constant 0 : i32
        %dma_wait3A_867 = tpu.memref_slice %arg4[%run_scoped3A_830, %run_scoped3A_831, %dma_wait3A_865, %dma_wait3A_866] : memref<4x2x16x768xf32, #tpu.memory_space<vmem>> -> memref<1x1x8x768xf32, #tpu.memory_space<vmem>>
        %dma_wait3A_868 = tpu.memref_squeeze %dma_wait3A_867 : memref<1x1x8x768xf32, #tpu.memory_space<vmem>> -> memref<8x768xf32, #tpu.memory_space<vmem>>
        %dma_wait3A_869 = arith.constant 0 : i32
        %dma_wait3A_870 = tpu.memref_slice %arg6[%add3A_829, %mul3A_824, %dma_wait3A_869] : memref<16x16x768xf32, #tpu.memory_space<vmem_shared>> -> memref<1x8x768xf32, #tpu.memory_space<vmem_shared>>
        %dma_wait3A_871 = tpu.memref_squeeze %dma_wait3A_870 : memref<1x8x768xf32, #tpu.memory_space<vmem_shared>> -> memref<8x768xf32, #tpu.memory_space<vmem_shared>>
        tpu.wait_dma2 semaphore(%run_scoped3A_843 : memref<!tpu.dma_semaphore, #tpu.memory_space<semaphore_mem>>) src(%dma_wait3A_871 : memref<8x768xf32, #tpu.memory_space<vmem_shared>>) dst(%dma_wait3A_868 : memref<8x768xf32, #tpu.memory_space<vmem>>)
        tpu.yield
      }) : () -> ()
      %add3A_832 = arith.constant 2 : i32
      %add3A_833 = arith.addi %mul3A_822, %add3A_832 : i32
      %run_scoped3A_834 = arith.constant 2 : i32
      %run_scoped3A_835 = arith.constant 0 : i32
      "tpu.region"() ({
        %run_scoped3A_843 = tpu.sem_alloc : memref<!tpu.dma_semaphore, #tpu.memory_space<semaphore_mem>>
        %dma_start3A_844 = arith.constant 0 : i32
        %dma_start3A_845 = arith.constant 0 : i32
        %dma_start3A_846 = tpu.memref_slice %arg4[%run_scoped3A_834, %run_scoped3A_835, %dma_start3A_844, %dma_start3A_845] : memref<4x2x16x768xf32, #tpu.memory_space<vmem>> -> memref<1x1x8x768xf32, #tpu.memory_space<vmem>>
        %dma_start3A_847 = tpu.memref_squeeze %dma_start3A_846 : memref<1x1x8x768xf32, #tpu.memory_space<vmem>> -> memref<8x768xf32, #tpu.memory_space<vmem>>
        %dma_start3A_848 = arith.constant 0 : i32
        %dma_start3A_849 = tpu.memref_slice %arg6[%add3A_833, %mul3A_824, %dma_start3A_848] : memref<16x16x768xf32, #tpu.memory_space<vmem_shared>> -> memref<1x8x768xf32, #tpu.memory_space<vmem_shared>>
        %dma_start3A_850 = tpu.memref_squeeze %dma_start3A_849 : memref<1x8x768xf32, #tpu.memory_space<vmem_shared>> -> memref<8x768xf32, #tpu.memory_space<vmem_shared>>
        %dma_start3A_851 = arith.constant 0 : i32
        %dma_start3A_852 = arith.constant 0 : i32
        %dma_start3A_853 = tpu.memref_slice %arg4[%run_scoped3A_834, %run_scoped3A_835, %dma_start3A_851, %dma_start3A_852] : memref<4x2x16x768xf32, #tpu.memory_space<vmem>> -> memref<1x1x8x768xf32, #tpu.memory_space<vmem>>
        %dma_start3A_854 = tpu.memref_squeeze %dma_start3A_853 : memref<1x1x8x768xf32, #tpu.memory_space<vmem>> -> memref<8x768xf32, #tpu.memory_space<vmem>>
        %dma_start3A_855 = arith.constant 0 : i32
        %dma_start3A_856 = tpu.memref_slice %arg6[%add3A_833, %mul3A_824, %dma_start3A_855] : memref<16x16x768xf32, #tpu.memory_space<vmem_shared>> -> memref<1x8x768xf32, #tpu.memory_space<vmem_shared>>
        %dma_start3A_857 = tpu.memref_squeeze %dma_start3A_856 : memref<1x8x768xf32, #tpu.memory_space<vmem_shared>> -> memref<8x768xf32, #tpu.memory_space<vmem_shared>>
        tpu.enqueue_dma source(%dma_start3A_857 : memref<8x768xf32, #tpu.memory_space<vmem_shared>>) target(%dma_start3A_854 : memref<8x768xf32, #tpu.memory_space<vmem>>) target_semaphore(%run_scoped3A_843 : memref<!tpu.dma_semaphore, #tpu.memory_space<semaphore_mem>>)
        %dma_wait3A_858 = arith.constant 0 : i32
        %dma_wait3A_859 = arith.constant 0 : i32
        %dma_wait3A_860 = tpu.memref_slice %arg4[%run_scoped3A_834, %run_scoped3A_835, %dma_wait3A_858, %dma_wait3A_859] : memref<4x2x16x768xf32, #tpu.memory_space<vmem>> -> memref<1x1x8x768xf32, #tpu.memory_space<vmem>>
        %dma_wait3A_861 = tpu.memref_squeeze %dma_wait3A_860 : memref<1x1x8x768xf32, #tpu.memory_space<vmem>> -> memref<8x768xf32, #tpu.memory_space<vmem>>
        %dma_wait3A_862 = arith.constant 0 : i32
        %dma_wait3A_863 = tpu.memref_slice %arg6[%add3A_833, %mul3A_824, %dma_wait3A_862] : memref<16x16x768xf32, #tpu.memory_space<vmem_shared>> -> memref<1x8x768xf32, #tpu.memory_space<vmem_shared>>
        %dma_wait3A_864 = tpu.memref_squeeze %dma_wait3A_863 : memref<1x8x768xf32, #tpu.memory_space<vmem_shared>> -> memref<8x768xf32, #tpu.memory_space<vmem_shared>>
        %dma_wait3A_865 = arith.constant 0 : i32
        %dma_wait3A_866 = arith.constant 0 : i32
        %dma_wait3A_867 = tpu.memref_slice %arg4[%run_scoped3A_834, %run_scoped3A_835, %dma_wait3A_865, %dma_wait3A_866] : memref<4x2x16x768xf32, #tpu.memory_space<vmem>> -> memref<1x1x8x768xf32, #tpu.memory_space<vmem>>
        %dma_wait3A_868 = tpu.memref_squeeze %dma_wait3A_867 : memref<1x1x8x768xf32, #tpu.memory_space<vmem>> -> memref<8x768xf32, #tpu.memory_space<vmem>>
        %dma_wait3A_869 = arith.constant 0 : i32
        %dma_wait3A_870 = tpu.memref_slice %arg6[%add3A_833, %mul3A_824, %dma_wait3A_869] : memref<16x16x768xf32, #tpu.memory_space<vmem_shared>> -> memref<1x8x768xf32, #tpu.memory_space<vmem_shared>>
        %dma_wait3A_871 = tpu.memref_squeeze %dma_wait3A_870 : memref<1x8x768xf32, #tpu.memory_space<vmem_shared>> -> memref<8x768xf32, #tpu.memory_space<vmem_shared>>
        tpu.wait_dma2 semaphore(%run_scoped3A_843 : memref<!tpu.dma_semaphore, #tpu.memory_space<semaphore_mem>>) src(%dma_wait3A_871 : memref<8x768xf32, #tpu.memory_space<vmem_shared>>) dst(%dma_wait3A_868 : memref<8x768xf32, #tpu.memory_space<vmem>>)
        tpu.yield
      }) : () -> ()
      %add3A_836 = arith.constant 3 : i32
      %add3A_837 = arith.addi %mul3A_822, %add3A_836 : i32
      %run_scoped3A_838 = arith.constant 3 : i32
      %run_scoped3A_839 = arith.constant 0 : i32
      "tpu.region"() ({
        %run_scoped3A_843 = tpu.sem_alloc : memref<!tpu.dma_semaphore, #tpu.memory_space<semaphore_mem>>
        %dma_start3A_844 = arith.constant 0 : i32
        %dma_start3A_845 = arith.constant 0 : i32
        %dma_start3A_846 = tpu.memref_slice %arg4[%run_scoped3A_838, %run_scoped3A_839, %dma_start3A_844, %dma_start3A_845] : memref<4x2x16x768xf32, #tpu.memory_space<vmem>> -> memref<1x1x8x768xf32, #tpu.memory_space<vmem>>
        %dma_start3A_847 = tpu.memref_squeeze %dma_start3A_846 : memref<1x1x8x768xf32, #tpu.memory_space<vmem>> -> memref<8x768xf32, #tpu.memory_space<vmem>>
        %dma_start3A_848 = arith.constant 0 : i32
        %dma_start3A_849 = tpu.memref_slice %arg6[%add3A_837, %mul3A_824, %dma_start3A_848] : memref<16x16x768xf32, #tpu.memory_space<vmem_shared>> -> memref<1x8x768xf32, #tpu.memory_space<vmem_shared>>
        %dma_start3A_850 = tpu.memref_squeeze %dma_start3A_849 : memref<1x8x768xf32, #tpu.memory_space<vmem_shared>> -> memref<8x768xf32, #tpu.memory_space<vmem_shared>>
        %dma_start3A_851 = arith.constant 0 : i32
        %dma_start3A_852 = arith.constant 0 : i32
        %dma_start3A_853 = tpu.memref_slice %arg4[%run_scoped3A_838, %run_scoped3A_839, %dma_start3A_851, %dma_start3A_852] : memref<4x2x16x768xf32, #tpu.memory_space<vmem>> -> memref<1x1x8x768xf32, #tpu.memory_space<vmem>>
        %dma_start3A_854 = tpu.memref_squeeze %dma_start3A_853 : memref<1x1x8x768xf32, #tpu.memory_space<vmem>> -> memref<8x768xf32, #tpu.memory_space<vmem>>
        %dma_start3A_855 = arith.constant 0 : i32
        %dma_start3A_856 = tpu.memref_slice %arg6[%add3A_837, %mul3A_824, %dma_start3A_855] : memref<16x16x768xf32, #tpu.memory_space<vmem_shared>> -> memref<1x8x768xf32, #tpu.memory_space<vmem_shared>>
        %dma_start3A_857 = tpu.memref_squeeze %dma_start3A_856 : memref<1x8x768xf32, #tpu.memory_space<vmem_shared>> -> memref<8x768xf32, #tpu.memory_space<vmem_shared>>
        tpu.enqueue_dma source(%dma_start3A_857 : memref<8x768xf32, #tpu.memory_space<vmem_shared>>) target(%dma_start3A_854 : memref<8x768xf32, #tpu.memory_space<vmem>>) target_semaphore(%run_scoped3A_843 : memref<!tpu.dma_semaphore, #tpu.memory_space<semaphore_mem>>)
        %dma_wait3A_858 = arith.constant 0 : i32
        %dma_wait3A_859 = arith.constant 0 : i32
        %dma_wait3A_860 = tpu.memref_slice %arg4[%run_scoped3A_838, %run_scoped3A_839, %dma_wait3A_858, %dma_wait3A_859] : memref<4x2x16x768xf32, #tpu.memory_space<vmem>> -> memref<1x1x8x768xf32, #tpu.memory_space<vmem>>
        %dma_wait3A_861 = tpu.memref_squeeze %dma_wait3A_860 : memref<1x1x8x768xf32, #tpu.memory_space<vmem>> -> memref<8x768xf32, #tpu.memory_space<vmem>>
        %dma_wait3A_862 = arith.constant 0 : i32
        %dma_wait3A_863 = tpu.memref_slice %arg6[%add3A_837, %mul3A_824, %dma_wait3A_862] : memref<16x16x768xf32, #tpu.memory_space<vmem_shared>> -> memref<1x8x768xf32, #tpu.memory_space<vmem_shared>>
        %dma_wait3A_864 = tpu.memref_squeeze %dma_wait3A_863 : memref<1x8x768xf32, #tpu.memory_space<vmem_shared>> -> memref<8x768xf32, #tpu.memory_space<vmem_shared>>
        %dma_wait3A_865 = arith.constant 0 : i32
        %dma_wait3A_866 = arith.constant 0 : i32
        %dma_wait3A_867 = tpu.memref_slice %arg4[%run_scoped3A_838, %run_scoped3A_839, %dma_wait3A_865, %dma_wait3A_866] : memref<4x2x16x768xf32, #tpu.memory_space<vmem>> -> memref<1x1x8x768xf32, #tpu.memory_space<vmem>>
        %dma_wait3A_868 = tpu.memref_squeeze %dma_wait3A_867 : memref<1x1x8x768xf32, #tpu.memory_space<vmem>> -> memref<8x768xf32, #tpu.memory_space<vmem>>
        %dma_wait3A_869 = arith.constant 0 : i32
        %dma_wait3A_870 = tpu.memref_slice %arg6[%add3A_837, %mul3A_824, %dma_wait3A_869] : memref<16x16x768xf32, #tpu.memory_space<vmem_shared>> -> memref<1x8x768xf32, #tpu.memory_space<vmem_shared>>
        %dma_wait3A_871 = tpu.memref_squeeze %dma_wait3A_870 : memref<1x8x768xf32, #tpu.memory_space<vmem_shared>> -> memref<8x768xf32, #tpu.memory_space<vmem_shared>>
        tpu.wait_dma2 semaphore(%run_scoped3A_843 : memref<!tpu.dma_semaphore, #tpu.memory_space<semaphore_mem>>) src(%dma_wait3A_871 : memref<8x768xf32, #tpu.memory_space<vmem_shared>>) dst(%dma_wait3A_868 : memref<8x768xf32, #tpu.memory_space<vmem>>)
        tpu.yield
      }) : () -> ()
      %parallel_loop3A_840 = arith.constant 0 : i32
      %parallel_loop3A_841 = arith.constant 384 : i32
      %parallel_loop3A_842 = arith.constant 1 : i32
      scf.for %parallel_loop3A_843 = %parallel_loop3A_840 to %parallel_loop3A_841 step %parallel_loop3A_842  : i32 {
        %parallel_loop3A_844 = arith.constant 7 : i32
        %parallel_loop3A_845 = arith.andi %parallel_loop3A_843, %parallel_loop3A_844 : i32
        %parallel_loop3A_846 = arith.constant 3 : i32
        %parallel_loop3A_847 = arith.shrsi %parallel_loop3A_843, %parallel_loop3A_846 : i32
        %parallel_loop3A_848 = arith.constant 16 : i32
        %parallel_loop3A_849 = arith.muli %parallel_loop3A_847, %parallel_loop3A_848 : i32
        %parallel_loop3A_850 = arith.constant 0 : i32
        %parallel_loop3A_851 = arith.constant 0 : i32
        %parallel_loop3A_852 = arith.index_cast %parallel_loop3A_850 : i32 to index
        %parallel_loop3A_853 = arith.index_cast %parallel_loop3A_851 : i32 to index
        %parallel_loop3A_854 = arith.index_cast %parallel_loop3A_845 : i32 to index
        %parallel_loop3A_855 = arith.index_cast %parallel_loop3A_849 : i32 to index
        %parallel_loop3A_856 = tpu.vector_load %arg4[%parallel_loop3A_852, %parallel_loop3A_853, %parallel_loop3A_854, %parallel_loop3A_855] {strides = array<i32>} : memref<4x2x16x768xf32, #tpu.memory_space<vmem>>, vector<1x1x1x16xf32>,
        %parallel_loop3A_857 = vector.shape_cast %parallel_loop3A_856 : vector<1x1x1x16xf32> to vector<16xf32>
        %parallel_loop3A_858 = arith.constant 1 : i32
        %parallel_loop3A_859 = arith.constant 0 : i32
        %parallel_loop3A_860 = arith.index_cast %parallel_loop3A_858 : i32 to index
        %parallel_loop3A_861 = arith.index_cast %parallel_loop3A_859 : i32 to index
        %parallel_loop3A_862 = arith.index_cast %parallel_loop3A_845 : i32 to index
        %parallel_loop3A_863 = arith.index_cast %parallel_loop3A_849 : i32 to index
        %parallel_loop3A_864 = tpu.vector_load %arg4[%parallel_loop3A_860, %parallel_loop3A_861, %parallel_loop3A_862, %parallel_loop3A_863] {strides = array<i32>} : memref<4x2x16x768xf32, #tpu.memory_space<vmem>>, vector<1x1x1x16xf32>,
        %parallel_loop3A_865 = vector.shape_cast %parallel_loop3A_864 : vector<1x1x1x16xf32> to vector<16xf32>
        %parallel_loop3A_866 = arith.addf %parallel_loop3A_857, %parallel_loop3A_865 : vector<16xf32>
        %parallel_loop3A_867 = arith.constant 2 : i32
        %parallel_loop3A_868 = arith.constant 0 : i32
        %parallel_loop3A_869 = arith.index_cast %parallel_loop3A_867 : i32 to index
        %parallel_loop3A_870 = arith.index_cast %parallel_loop3A_868 : i32 to index
        %parallel_loop3A_871 = arith.index_cast %parallel_loop3A_845 : i32 to index
        %parallel_loop3A_872 = arith.index_cast %parallel_loop3A_849 : i32 to index
        %parallel_loop3A_873 = tpu.vector_load %arg4[%parallel_loop3A_869, %parallel_loop3A_870, %parallel_loop3A_871, %parallel_loop3A_872] {strides = array<i32>} : memref<4x2x16x768xf32, #tpu.memory_space<vmem>>, vector<1x1x1x16xf32>,
        %parallel_loop3A_874 = vector.shape_cast %parallel_loop3A_873 : vector<1x1x1x16xf32> to vector<16xf32>
        %parallel_loop3A_875 = arith.constant 3 : i32
        %parallel_loop3A_876 = arith.constant 0 : i32
        %parallel_loop3A_877 = arith.index_cast %parallel_loop3A_875 : i32 to index
        %parallel_loop3A_878 = arith.index_cast %parallel_loop3A_876 : i32 to index
        %parallel_loop3A_879 = arith.index_cast %parallel_loop3A_845 : i32 to index
        %parallel_loop3A_880 = arith.index_cast %parallel_loop3A_849 : i32 to index
        %parallel_loop3A_881 = tpu.vector_load %arg4[%parallel_loop3A_877, %parallel_loop3A_878, %parallel_loop3A_879, %parallel_loop3A_880] {strides = array<i32>} : memref<4x2x16x768xf32, #tpu.memory_space<vmem>>, vector<1x1x1x16xf32>,
        %parallel_loop3A_882 = vector.shape_cast %parallel_loop3A_881 : vector<1x1x1x16xf32> to vector<16xf32>
        %parallel_loop3A_883 = arith.addf %parallel_loop3A_874, %parallel_loop3A_882 : vector<16xf32>
        %parallel_loop3A_884 = arith.addf %parallel_loop3A_866, %parallel_loop3A_883 : vector<16xf32>
        %parallel_loop3A_885 = vector.broadcast %cond3A : f32 to vector<16xf32>
        %parallel_loop3A_886 = arith.mulf %parallel_loop3A_884, %parallel_loop3A_885 : vector<16xf32>
        %parallel_loop3A_887 = arith.index_cast %parallel_loop3A_845 : i32 to index
        %parallel_loop3A_888 = arith.index_cast %parallel_loop3A_849 : i32 to index
        %parallel_loop3A_889 = tpu.vector_load %arg5[%parallel_loop3A_887, %parallel_loop3A_888] {strides = array<i32>} : memref<16x768xf32, #tpu.memory_space<vmem>>, vector<1x16xf32>,
        %parallel_loop3A_890 = vector.shape_cast %parallel_loop3A_889 : vector<1x16xf32> to vector<16xf32>
        %parallel_loop3A_891 = vector.shape_cast %parallel_loop3A_886 : vector<16xf32> to vector<1x16xf32>
        tpu.vector_store %arg5[%parallel_loop3A_887, %parallel_loop3A_888], %parallel_loop3A_891 {strides = array<i32>} : memref<16x768xf32, #tpu.memory_space<vmem>>, vector<1x16xf32>,
      } {sc.loop_unroll_factor = 16 : i64, sc.parallel_access}
      "tpu.region"() ({
        %run_scoped3A_843 = tpu.sem_alloc : memref<!tpu.dma_semaphore, #tpu.memory_space<semaphore_mem>>
        %dma_start3A_844 = arith.constant 0 : i32
        %dma_start3A_845 = arith.constant 0 : i32
        %dma_start3A_846 = tpu.memref_slice %arg5[%dma_start3A_844, %dma_start3A_845] : memref<16x768xf32, #tpu.memory_space<vmem>> -> memref<8x768xf32, #tpu.memory_space<vmem>>
        %dma_start3A_847 = arith.constant 0 : i32
        %dma_start3A_848 = tpu.memref_slice %arg3[%add3A, %mul3A_824, %dma_start3A_847] : memref<8x16x768xf32, #tpu.memory_space<hbm>> -> memref<1x8x768xf32, #tpu.memory_space<hbm>>
        %dma_start3A_849 = tpu.memref_squeeze %dma_start3A_848 : memref<1x8x768xf32, #tpu.memory_space<hbm>> -> memref<8x768xf32, #tpu.memory_space<hbm>>
        %dma_start3A_850 = arith.constant 0 : i32
        %dma_start3A_851 = tpu.memref_slice %arg3[%add3A, %mul3A_824, %dma_start3A_850] : memref<8x16x768xf32, #tpu.memory_space<hbm>> -> memref<1x8x768xf32, #tpu.memory_space<hbm>>
        %dma_start3A_852 = tpu.memref_squeeze %dma_start3A_851 : memref<1x8x768xf32, #tpu.memory_space<hbm>> -> memref<8x768xf32, #tpu.memory_space<hbm>>
        %dma_start3A_853 = arith.constant 0 : i32
        %dma_start3A_854 = arith.constant 0 : i32
        %dma_start3A_855 = tpu.memref_slice %arg5[%dma_start3A_853, %dma_start3A_854] : memref<16x768xf32, #tpu.memory_space<vmem>> -> memref<8x768xf32, #tpu.memory_space<vmem>>
        tpu.enqueue_dma source(%dma_start3A_855 : memref<8x768xf32, #tpu.memory_space<vmem>>) target(%dma_start3A_852 : memref<8x768xf32, #tpu.memory_space<hbm>>) target_semaphore(%run_scoped3A_843 : memref<!tpu.dma_semaphore, #tpu.memory_space<semaphore_mem>>)
        %dma_wait3A_856 = arith.constant 0 : i32
        %dma_wait3A_857 = arith.constant 0 : i32
        %dma_wait3A_858 = tpu.memref_slice %arg5[%dma_wait3A_856, %dma_wait3A_857] : memref<16x768xf32, #tpu.memory_space<vmem>> -> memref<8x768xf32, #tpu.memory_space<vmem>>
        %dma_wait3A_859 = arith.constant 0 : i32
        %dma_wait3A_860 = tpu.memref_slice %arg3[%add3A, %mul3A_824, %dma_wait3A_859] : memref<8x16x768xf32, #tpu.memory_space<hbm>> -> memref<1x8x768xf32, #tpu.memory_space<hbm>>
        %dma_wait3A_861 = tpu.memref_squeeze %dma_wait3A_860 : memref<1x8x768xf32, #tpu.memory_space<hbm>> -> memref<8x768xf32, #tpu.memory_space<hbm>>
        %dma_wait3A_862 = arith.constant 0 : i32
        %dma_wait3A_863 = tpu.memref_slice %arg3[%add3A, %mul3A_824, %dma_wait3A_862] : memref<8x16x768xf32, #tpu.memory_space<hbm>> -> memref<1x8x768xf32, #tpu.memory_space<hbm>>
        %dma_wait3A_864 = tpu.memref_squeeze %dma_wait3A_863 : memref<1x8x768xf32, #tpu.memory_space<hbm>> -> memref<8x768xf32, #tpu.memory_space<hbm>>
        %dma_wait3A_865 = arith.constant 0 : i32
        %dma_wait3A_866 = arith.constant 0 : i32
        %dma_wait3A_867 = tpu.memref_slice %arg5[%dma_wait3A_865, %dma_wait3A_866] : memref<16x768xf32, #tpu.memory_space<vmem>> -> memref<8x768xf32, #tpu.memory_space<vmem>>
        tpu.wait_dma2 semaphore(%run_scoped3A_843 : memref<!tpu.dma_semaphore, #tpu.memory_space<semaphore_mem>>) src(%dma_wait3A_867 : memref<8x768xf32, #tpu.memory_space<vmem>>) dst(%dma_wait3A_864 : memref<8x768xf32, #tpu.memory_space<hbm>>)
        tpu.yield
      }) : () -> ()
    } else {
    }
    return
  }
}

</mosaic_0001>

<sc_bundles>
// kernel: kernel.3.cloned.1.call-start
scs
__scs_entry_jumppad:
0x0: {  	(pc) =	sbr.rel $0x88, $3  }
0x1: {  	(tag) =	ssettag $0x0;
	lr =	simm.s32 $0x1  }
0x2: {  	[smem:$0x3FA0] =	sst lr;
	_ =	strace $0xD0000000  }
0x3: {  	_ = 	snop  }
0x4: {  	_ = 	snop  }
0x5: {  	_ = 	snop  }
0x6: {  	_ = 	snop  }
0x7: {  	_ = 	snop  }
__scs_overlays_trampoline_lowered:
0x8: {  	[smem:$0x3FAF] =	sst s0  }
0x9: {  	[smem:$0x3FB0] =	sst s1  }
0xa: {  	[smem:$0x3FB1] =	sst s2  }
0xb: {  	[smem:$0x3FB2] =	sst s3  }
0xc: {  	[smem:$0x3FB3] =	sst s4  }
0xd: {  	[smem:$0x3FB4] =	sst s5  }
0xe: {  	[smem:$0x3FB5] =	sst s6  }
0xf: {  	[smem:$0x3FB6] =	sst s7  }
0x10: {  	[smem:$0x3FB7] =	sst s8  }
0x11: {  	[smem:$0x3FB8] =	sst s9;
	s0 =	simm.s32 @!p0 $0x0  }
0x12: {  	s1 =	sld [smem:$0x3F9E];
	s0 =	simm.s32 @p0 $0x1  }
0x13: {  	[smem:$0x3FB9] =	sst s0;
	s0 =	simm.s32 @!p1 $0x0  }
0x14: {  	s2 =	sld [smem:$0x3F9D];
	s0 =	simm.s32 @p1 $0x1  }
0x15: {  	[smem:$0x3FBA] =	sst s0;
	s0 =	simm.s32 @!p2 $0x0  }
0x16: {  	s3 =	sld [smem:$0x3FDB];
	s0 =	simm.s32 @p2 $0x1  }
0x17: {  	s4 =	simm.s32 $0x1BF5;
	[smem:$0x3FBC] =	sst s0  }
0x18: {  	s0 =	sld [smem:$0x3F9F];
	_ =	swait.ge [sflag:s4], $0x0  }
0x19: {  	s7 =	sld [smem:$0x3FA0]  }
0x1a: {  	s8 =	sadd.s32 $0xFFFFE003, lr  }
0x1b: {  	s9 =	sadd.s32 $0xFFFFFEF7, lr;
	s5 =	simm.s32 $0xFFFFFFFF;
	p2 =	slt.u32 s8, $0xFFFFF086  }
0x1c: {  	p1 =	slt.u32 s9, $0xF7A;
	s5 =	simm.s32 @!p2 $0x0  }
0x1d: {  	s5 =	simm.s32 @p1 $0x1;
	p0 =	seq.s32 s7, s2  }
0x1e: {  	s7 =	smul.u32 @!p0 $0xF7A, s2;
	p2 =	seq.s32 @!p0 s5, $0x0  }
0x1f: {  	s9 =	smul.u32 $0xF7A, s1;
	s8 =	simm.s32 @!p0 $0x1BF5;
	p2 =	por !p2, p0  }
0x20: {  	[sflag:s8] =	ssyncset.s32 @!p0 $0xFFFFF086;
	s6 =	sadd.s32 @!p0 s3, s7;
	s7 =	simm.s32 @!p0 $0x108  }
0x21: {  	s3 =	sadd.s32 s3, s9;
	s6 =	sadd.s32 @!p0 $0x88, s6;
	s7 =	simm.s32 @p2 $0x1082  }
0x22: {  	[simem:s7], [sflag:s8] =	dma.local @!p0 [hbm:s6], $0xF7A  }
0x23: {  	s9 =	sor.u32 $0xD0000000, s2;
	s6 =	simm.s32 $0x108;
	_ =	swait.ge @!p0 [sflag:s8], $0x0  }
0x24: {  	s3 =	sadd.s32 $0x88, s3;
	s6 =	simm.s32 @!p1 $0x1082;
	[sflag:s4] =	ssyncset.s32 $0xFFFFF086  }
0x25: {  	[simem:s6], [sflag:s4] =	dma.local [hbm:s3], $0xF7A  }
0x26: {  	[smem:$0x3FA0] =	sst s1;
	(tag) =	ssettag s2;
	_ =	strace s9  }
0x27: {  	s1 =	sld [smem:$0x3FB0]  }
0x28: {  	s2 =	sld [smem:$0x3FB1]  }
0x29: {  	s4 =	sld [smem:$0x3FB3]  }
0x2a: {  	p0 =	seq.s32 s5, $0x0;
	s5 =	sld [smem:$0x3FB4]  }
0x2b: {  	s6 =	sld [smem:$0x3FB5]  }
0x2c: {  	s7 =	sld [smem:$0x3FB6]  }
0x2d: {  	s3 =	simm.s32 $0x108;
	s8 =	sld [smem:$0x3FB7]  }
0x2e: {  	s3 =	simm.s32 @!p0 $0x1082;
	s9 =	sld [smem:$0x3FB8]  }
0x2f: {  	lr =	sadd.s32 s0, s3;
	s0 =	sld [smem:$0x3FAF]  }
0x30: {  	s3 =	sld [smem:$0x3FB2]  }
0x31: {  	[smem:$0x3FBB] =	sst s10  }
0x32: {  	s10 =	sld [smem:$0x3FB9];
	_ =	sdelay $0x3  }
0x33: {  	p0 =	seq.s32 s10, $0x1;
	s10 =	sld [smem:$0x3FBB];
	_ =	sdelay $0x3  }
0x34: {  	[smem:$0x3FBB] =	sst s10  }
0x35: {  	s10 =	sld [smem:$0x3FBA];
	_ =	sdelay $0x3  }
0x36: {  	p1 =	seq.s32 s10, $0x1;
	s10 =	sld [smem:$0x3FBB];
	_ =	sdelay $0x3  }
0x37: {  	[smem:$0x3FBB] =	sst s10  }
0x38: {  	s10 =	sld [smem:$0x3FBC]  }
0x39: {  	_ = 	snop;
	(pc) =	sbr.ind lr, $3  }
0x3a: {  	_ = 	snop  }
0x3b: {  	_ = 	snop  }
0x3c: {  	p2 =	seq.s32 s10, $0x1;
	s10 =	sld [smem:$0x3FBB]  }
0x3d: {  	_ =	shalt  }
0x3e: {  	_ =	shalt  }
0x3f: {  	_ =	shalt  }
0x40: {  	_ =	shalt  }
0x41: {  	_ =	shalt  }
0x42: {  	_ =	shalt  }
0x43: {  	_ =	shalt  }
0x44: {  	_ =	shalt  }
0x45: {  	_ =	shalt  }
0x46: {  	_ =	shalt  }
0x47: {  	_ =	shalt  }
0x48: {  	_ =	shalt  }
0x49: {  	_ =	shalt  }
0x4a: {  	_ =	shalt  }
0x4b: {  	_ =	shalt  }
0x4c: {  	_ =	shalt  }
0x4d: {  	_ =	shalt  }
0x4e: {  	_ =	shalt  }
0x4f: {  	_ =	shalt  }
0x50: {  	_ =	shalt  }
0x51: {  	_ =	shalt  }
0x52: {  	_ =	shalt  }
0x53: {  	_ =	shalt  }
0x54: {  	_ =	shalt  }
0x55: {  	_ =	shalt  }
0x56: {  	_ =	shalt  }
0x57: {  	_ =	shalt  }
0x58: {  	_ =	shalt  }
0x59: {  	_ =	shalt  }
0x5a: {  	_ =	shalt  }
0x5b: {  	_ =	shalt  }
0x5c: {  	_ =	shalt  }
0x5d: {  	_ =	shalt  }
0x5e: {  	_ =	shalt  }
0x5f: {  	_ =	shalt  }
0x60: {  	_ =	shalt  }
0x61: {  	_ =	shalt  }
0x62: {  	_ =	shalt  }
0x63: {  	_ =	shalt  }
0x64: {  	_ =	shalt  }
0x65: {  	_ =	shalt  }
0x66: {  	_ =	shalt  }
0x67: {  	_ =	shalt  }
0x68: {  	_ =	shalt  }
0x69: {  	_ =	shalt  }
0x6a: {  	_ =	shalt  }
0x6b: {  	_ =	shalt  }
0x6c: {  	_ =	shalt  }
0x6d: {  	_ =	shalt  }
0x6e: {  	_ =	shalt  }
0x6f: {  	_ =	shalt  }
0x70: {  	_ =	shalt  }
0x71: {  	_ =	shalt  }
0x72: {  	_ =	shalt  }
0x73: {  	_ =	shalt  }
0x74: {  	_ =	shalt  }
0x75: {  	_ =	shalt  }
0x76: {  	_ =	shalt  }
0x77: {  	_ =	shalt  }
0x78: {  	_ =	shalt  }
0x79: {  	_ =	shalt  }
0x7a: {  	_ =	shalt  }
0x7b: {  	_ =	shalt  }
0x7c: {  	_ =	shalt  }
0x7d: {  	_ =	shalt  }
0x7e: {  	_ =	shalt  }
0x7f: {  	_ =	shalt  }
0x80: {  	_ =	shalt  }
0x81: {  	_ =	shalt  }
0x82: {  	_ =	shalt  }
0x83: {  	_ =	shalt  }
0x84: {  	_ =	shalt  }
0x85: {  	_ =	shalt  }
0x86: {  	_ =	shalt  }
0x87: {  	_ =	shalt  }
.Lfunc_end0:
.L_simem_size_0:
called_computation_lowered:
.L_overlay_start_0:
0x88: {  	s2 =	sld [smem:$0x3FD9]  }
0x89: {  	s3 =	sld [smem:$0x3FFE];
	_ =	sdelay $0x1  }
0x8a: {  	s1 =	srdreg.scid  }
0x8b: {  	s0 =	sand.u32 $0x1, s1  }
0x8c: {  	s18 =	sshll.u32 s0, $0xA;
	s2 =	sadd.s32 s3, s2  }
0x8d: {  	s2 =	sadd.s32 s2, s18  }
0x8e: {  	[smem:$0x3FC7] =	sst s2  }
0x8f: {  	_ = 	snop  }
0x90: {  	s2 =	sld [smem:$0x3FC9]  }
0x91: {  	s19 =	sld [smem:$0x3FD0];
	(tm) =	ssettm $0x1  }
0x92: {  	s4 =	sld [smem:$0x3FFB];
	_ =	sdelay $0x3  }
0x93: {  	_ =	strace s4  }
0x94: {  	s4 =	sld [smem:$0x3FFC];
	_ =	sdelay $0x3  }
0x95: {  	_ =	strace s4  }
0x96: {  	s4 =	sld [smem:$0x3FFD];
	_ =	sdelay $0x3  }
0x97: {  	_ =	strace s4  }
0x98: {  	_ =	strace $0x8FFFFFFF  }
0x99: {  	s20 =	sld [smem:$0x3FDB];
	_ =	sdelay $0x1  }
0x9a: {  	s5 =	simm.s32 $_scs_section_size  }
0x9b: {  	s6 =	simm.s32 $_size__tile_overlayer_lowered;
	s7 =	simm.s32 $_tile_overlayer_lowered  }
0x9c: {  	s23 =	simm.s32 $0x1BFF;
	s22 =	sshll.u32 s7, $0x1;
	s4 =	sadd.s32 s5, s20  }
0x9d: {  	s8 =	simm.s32 $0x0;
	s21 =	sshll.u32 s6, $0x1;
	s6 =	sadd.s32 s22, s4  }
0x9e: {  	[timem:s8], [sflag:s23] =	dma.local [hbm:s6], s21  }
0x9f: {  	_ =	swait.ge [sflag:s23], s21  }
0xa0: {  	s5 =	ssub.s32 $0x0, s21;
	[sflag:s23] =	ssyncset.done $0x0  }
0xa1: {  	[sflag:s23] =	ssyncadd.s32 s5;
	_ =	sdelay $0x1  }
0xa2: {  	s24 =	simm.s32 $0x1B8B  }
0xa3: {  	_ =	swait.ge [sflag:s24], $0x1  }
0xa4: {  	[sflag:s24] =	ssyncset.done $0x0  }
0xa5: {  	s25 =	simm.s32 $0x1B8E;
	[sflag:s24] =	ssyncadd.s32 $0xFFFFFFFF  }
0xa6: {  	s26 =	simm.s32 $execute0_lowered;
	[smem:$0x3FD2] =	sst s25  }
0xa7: {  	s5 =	sshll.u32 s26, $0x1;
	_ =	strace $0x80000046;
	[dreg:$0x1] =	wrdreg $0xFFFFFFFF  }
0xa8: {  	s28 =	simm.s32 $_size_execute0_lowered;
	s4 =	sadd.s32 s4, s5;
	[dreg:$0x0] =	wrdreg $0x0  }
0xa9: {  	s5 =	sshll.u32 s28, $0x1;
	[dreg:$0x2] =	wrdreg s4  }
0xaa: {  	[dreg:$0x3] =	wrdreg s5  }
0xab: {  	[dreg:$0x4] =	wrdreg $0xC0  }
0xac: {  	_ =	task [dreg:s8], $0x5FFFF  }
0xad: {  	[dreg:$0x1] =	wrdreg $0xFFFFFFFF  }
0xae: {  	[dreg:$0x0] =	wrdreg $0x60  }
0xaf: {  	[dreg:$0x2] =	wrdreg s2  }
0xb0: {  	[dreg:$0x3] =	wrdreg s19  }
0xb1: {  	[dreg:$0x4] =	wrdreg $0x1B0000  }
0xb2: {  	[dreg:$0x5] =	wrdreg $0x9  }
0xb3: {  	_ =	task.clear_ibuf [dreg:s8], $0x6FFFF;
	_ =	strace $0x90000046  }
0xb4: {  	s29 =	simm.s32 $0x9;
	_ =	strace $0x80000048  }
0xb5: {  	_ =	swait.ge [sflag:s29], $0x1  }
0xb6: {  	[sflag:s29] =	ssyncadd.s32 $0xFFFFFFFF  }
0xb7: {  	_ =	strace $0x90000048  }
0xb8: {  	_ =	sfence  }
0xb9: {  	s30 =	sld [smem:$0x0];
	_ =	sdelay $0x2  }
0xba: {  	s31 =	sshll.u32 s1, $0xD;
	s1 =	sshrl.u32 s1, $0x2  }
0xbb: {  	s3 =	sand.u32 $0x4000, s31;
	s1 =	sadd.s32 s1, s30  }
0xbc: {  	s0 =	sor.u32 s3, s0;
	s1 =	sshll.u32 s1, $0x11  }
0xbd: {  	s0 =	sor.u32 s1, s0  }
0xbe: {  	s0 =	sadd.s32 $0x8F2B, s0  }
0xbf: {  	[sflag:s0] =	ssyncadd.remote.s32 $0x1  }
0xc0: {  	_ =	sfence.sel $0xFFFF  }
0xc1: {  	[dreg:$0x0] =	wrdreg $0xFFFFFFFF;
	(pc) =	sbr.abs _section_cstart, $3  }
0xc2: {  	[dreg:$0x1] =	wrdreg $0xFFFFFFFF  }
0xc3: {  	_ =	task.clear_ibuf [dreg:s8], $0x2FFFF;
	_ =	strace $0x9FFFFFFF  }
0xc4: {  	(tm) =	ssettm $0x7FFFFFFF  }
0xc5: {  	_ =	shalt  }
tec
execute0_lowered:
.L_overlay_start_1:
0x0: {  	(tag) =	ssettag $0x1  }
0x1: {  	s0 =	srdreg.scid;
	s3 =	rddreg [dreg:$0x0]  }
0x2: {  	s9 =	stileid.u32;
	s4 =	rddreg [dreg:$0x1]  }
0x3: {  	s2 =	sshrl.u32 s9, $0x2;
	s5 =	sand.u32 $0x3, s9;
	s9 =	smul.u32 $0xC000, s9  }
0x4: {  	s7 =	rddreg [dreg:$0x2];
	s0 =	sand.u32 $0x1, s0;
	s8 =	smul.u32 $0x7E000, s5  }
0x5: {  	s11 =	simm.s32 $0x0;
	s1 =	sshll.u32 s0, $0x2;
	s10 =	smul.u32 $0x1800, s5  }
0x6: {  	s0 =	ssub.s32 $0x2, s0;
	s1 =	sor.u32 s2, s1;
	s2 =	smul.u32 $0x30000, s2  }
0x7: {  	[smem:$0x7FF] =	sst s11;
	s26 =	sshrl.u32 s0, $0x1;
	s6 =	smul.u32 $0x24C000, s1  }
0x8: {  	_ =	strace $0x80000047;
	s0 =	ssub.s32 s0, s26;
	s1 =	smul.u32 $0x3000, s1  }
0x9: {  	s2 =	sshrl.u32 s2, $0x2;
	s29 =	smax.u32 s0, $0x1;
	s6 =	sadd.s32 s8, s6  }
0xa: {  	s2 =	sadd.s32 s2, s7;
	s1 =	sadd.s32 s10, s1;
	[smem:$0x7FD] =	sst s29  }
0xb: {  	s6 =	sshrl.u32 s6, $0x3;
	s2 =	sadd.s32 s10, s2;
	s1 =	sshrl.u32 s1, $0x3  }
0xc: {  	s3 =	sadd.s32 s3, s6;
	s8 =	sadd.s32 $0x3000, s2;
	[smem:$0x7EB] =	sst s2  }
0xd: {  	s6 =	sshrl.u32 s9, $0x2;
	s9 =	sadd.s32 $0x6000, s2;
	[smem:$0x7E8] =	sst s8  }
0xe: {  	s1 =	sadd.s32 s4, s1;
	[smem:$0x7E9] =	sst s9  }
0xf: {  	s10 =	sadd.s32 $0x9000, s2;
	[smem:$0x7EA] =	sst s1  }
0x10: {  	s12 =	sadd.s32 $0xC00, s3;
	[smem:$0x7EC] =	sst s10  }
0x11: {  	s13 =	sadd.s32 $0x1800, s3;
	[smem:$0x7ED] =	sst s12  }
0x12: {  	s14 =	sadd.s32 $0x2400, s3;
	[smem:$0x7EE] =	sst s13  }
0x13: {  	s15 =	sadd.s32 $0x3000, s3;
	[smem:$0x7EF] =	sst s14  }
0x14: {  	s16 =	sadd.s32 $0x3C00, s3;
	[smem:$0x7F0] =	sst s15  }
0x15: {  	s17 =	sadd.s32 $0x6000, s3;
	[smem:$0x7F1] =	sst s16  }
0x16: {  	s18 =	sadd.s32 $0x6C00, s3;
	[smem:$0x7F2] =	sst s17  }
0x17: {  	s19 =	sadd.s32 $0x7800, s3;
	[smem:$0x7F3] =	sst s18  }
0x18: {  	s20 =	sadd.s32 $0x8400, s3;
	[smem:$0x7F4] =	sst s19  }
0x19: {  	s21 =	sadd.s32 $0x9000, s3;
	[smem:$0x7F5] =	sst s20  }
0x1a: {  	s22 =	sadd.s32 $0xB400, s3;
	[smem:$0x7F6] =	sst s21  }
0x1b: {  	s23 =	sadd.s32 $0xC000, s3;
	[smem:$0x7F7] =	sst s22  }
.Ltmp0:
0x1c: {  	s24 =	sadd.s32 $0xCC00, s3;
	[smem:$0x7F8] =	sst s23;
	(pc) =	sbr.rel .LBB2_1-.Ltmp0, $4  }
0x1d: {  	s25 =	sadd.s32 $0xD800, s3;
	[smem:$0x7F9] =	sst s24  }
0x1e: {  	s30 =	simm.s32 $0x6000;
	s26 =	sadd.s32 $0xE400, s3;
	[smem:$0x7FA] =	sst s25  }
0x1f: {  	s31 =	simm.s32 $0xC000;
	s28 =	sadd.s32 s6, s7;
	[smem:$0x7FB] =	sst s26  }
0x20: {  	p0 =	sgt.u32 s5, $0x1;
	s0 =	simm.s32 $0x0;
	[smem:$0x7FC] =	sst s28  }
.LBB2_34:
0x21: {  	v23 =	vld [tilespmem:s11+$0x0]  }
0x22: {  	v24 =	vld [tilespmem:s12+$0x0]  }
0x23: {  	v25 =	vld [tilespmem:s13+$0x0]  }
0x24: {  	v26 =	vld [tilespmem:s18+$0x0]  }
0x25: {  	v15 =	vadd.f32 v18, v15;
	v46 =	vld [tilespmem:s18+$0x80]  }
0x26: {  	v47 =	vld [tilespmem:s18+$0x100];
	v17 =	vadd.f32 v17, v20  }
0x27: {  	v49 =	vld [tilespmem:s18+$0x180];
	v16 =	vadd.f32 v19, v16;
	v15 =	vadd.f32 v15, v21  }
0x28: {  	v50 =	vld [tilespmem:s18+$0x200];
	v13 =	vadd.f32 v23, v13;
	v48 =	vadd.f32 v25, v24  }
0x29: {  	v51 =	vmul.f32 $8.333333770e-03, v22;
	v52 =	vld [tilespmem:s18+$0x280];
	v16 =	vadd.f32 v16, v17;
	v1 =	vadd.f32 v1, v26  }
0x2a: {  	v53 =	vld [tilespmem:s6+$0x0];
	v15 =	vmul.f32 $8.333333770e-03, v15;
	v0 =	vadd.f32 v0, v46;
	v13 =	vadd.f32 v48, v13  }
0x2b: {  	[tilespmem:s23+$0x18180] =	vst v51;
	v54 =	vmul.f32 $8.333333770e-03, v16;
	v2 =	vadd.f32 v2, v47;
	v1 =	vadd.f32 v10, v1  }
0x2c: {  	v3 =	vadd.f32 v3, v49;
	[tilespmem:s23+$0x18200] =	vst v15;
	v0 =	vadd.f32 v7, v0;
	v13 =	vmul.f32 $8.333333770e-03, v13  }
0x2d: {  	v4 =	vadd.f32 v4, v50;
	[tilespmem:s23+$0x18280] =	vst v54;
	v2 =	vadd.f32 v9, v2;
	v1 =	vmul.f32 $8.333333770e-03, v1  }
0x2e: {  	v56 =	vadd.f32 v5, v52;
	v55 =	vadd.f32 v11, v3;
	v0 =	vmul.f32 $8.333333770e-03, v0;
	[tilespmem:s7+$0x18000] =	vst v13  }
0x2f: {  	v57 =	vadd.f32 v6, v53;
	v4 =	vadd.f32 v8, v4;
	v2 =	vmul.f32 $8.333333770e-03, v2;
	[tilespmem:s18+$0x18000] =	vst v1  }
0x30: {  	v59 =	vadd.f32 v12, v56;
	v58 =	vmul.f32 $8.333333770e-03, v55;
	[tilespmem:s18+$0x18080] =	vst v0  }
0x31: {  	v61 =	vadd.f32 v14, v57;
	v60 =	vmul.f32 $8.333333770e-03, v4;
	[tilespmem:s18+$0x18100] =	vst v2  }
0x32: {  	v62 =	vmul.f32 $8.333333770e-03, v59;
	[tilespmem:s18+$0x18180] =	vst v58  }
0x33: {  	v63 =	vmul.f32 $8.333333770e-03, v61;
	[tilespmem:s18+$0x18200] =	vst v60  }
0x34: {  	[tilespmem:s18+$0x18280] =	vst v62  }
0x35: {  	[tilespmem:s6+$0x18000] =	vst v63  }
0x36: {  	s0 =	sld [smem:$0x7EA];
	_ =	sdelay $0x1  }
0x37: {  	s11 =	simm.s32 $0x0;
	s1 =	simm.s32 $0x18000;
	s26 =	simm.s32 $0x5  }
0x38: {  	[hbm4b:s0+s11] =	stream.linear.scatter [tilespmem:s1], [sflag:$0x5], $0x1800, $0x38;
	[tilespmem:$0x1E000] =	vst v63  }
0x39: {  	_ =	swait.ge [sflag:s26], $0x1800  }
0x3a: {  	s12 =	sld [smem:$0x7ED]  }
0x3b: {  	s13 =	sld [smem:$0x7EE]  }
0x3c: {  	s14 =	sld [smem:$0x7EF]  }
0x3d: {  	s15 =	sld [smem:$0x7F0]  }
0x3e: {  	s16 =	sld [smem:$0x7F1]  }
0x3f: {  	s17 =	sld [smem:$0x7F2]  }
0x40: {  	s18 =	sld [smem:$0x7F3]  }
0x41: {  	s19 =	sld [smem:$0x7F4]  }
0x42: {  	s20 =	sld [smem:$0x7F5]  }
0x43: {  	s21 =	sld [smem:$0x7F6]  }
0x44: {  	s22 =	sld [smem:$0x7F7]  }
0x45: {  	s23 =	sld [smem:$0x7F8]  }
0x46: {  	s24 =	sld [smem:$0x7F9]  }
0x47: {  	s25 =	sld [smem:$0x7FA]  }
0x48: {  	s28 =	sld [smem:$0x7FC]  }
0x49: {  	s29 =	sld [smem:$0x7FD]  }
0x4a: {  	s30 =	simm.s32 $0x6000;
	[sflag:s26] =	ssyncset.done $0x0;
	s0 =	sld [smem:$0x7E7]  }
0x4b: {  	s31 =	simm.s32 $0xC000;
	[sflag:s26] =	ssyncadd.s32 $0xFFFFE800;
	s26 =	sld [smem:$0x7FB]  }
.LBB2_35:
0x4c: {  	_ = 	snop  }
0x4d: {  	s0 =	sadd.s32 $0x1, s0  }
0x4e: {  	p1 =	sne.s32 s0, s29  }
.Ltmp1:
0x4f: {  	_ = 	snop;
	(pc) =	sbr.rel @!p1 .LBB2_36-.Ltmp1, $1  }
0x50: {  	_ =	sdelay $0x3  }
.LBB2_1:
0x51: {  	[tilespmem:s11], [sflag:$0x1] =	stream.linear.gather [hbm4b:s12+s11], $0x6000, $0x38;
	[tilespmem:$0x1E000] =	vst v63  }
0x52: {  	_ = 	snop  }
0x53: {  	[tilespmem:s30], [sflag:$0x2] =	stream.linear.gather [hbm4b:s13+s11], $0x6000, $0x38;
	[tilespmem:$0x1E000] =	vst v63  }
0x54: {  	[smem:$0x7E7] =	sst s0;
	s2 =	simm.s32 $0x1  }
0x55: {  	[tilespmem:s31], [sflag:$0x3] =	stream.linear.gather [hbm4b:s14+s11], $0x6000, $0x38;
	[tilespmem:$0x1E000] =	vst v63  }
0x56: {  	s3 =	simm.s32 $0x0;
	_ =	swait.ge [sflag:s2], $0x6000  }
0x57: {  	s1 =	sand.u32 $0x1C00, s11;
	s9 =	sand.u32 $0x70, s3;
	[sflag:s2] =	ssyncset.done $0x0  }
0x58: {  	s0 =	sor.u32 s9, s1;
	[sflag:s2] =	ssyncadd.s32 $0xFFFFA000  }
0x59: {  	v0 =	vld [tilespmem:s0+$0x1B80]  }
0x5a: {  	v1 =	vld [tilespmem:s0+$0x4B80]  }
0x5b: {  	v2 =	vld [tilespmem:s0+$0x0]  }
0x5c: {  	v3 =	vld [tilespmem:s0+$0x3000]  }
0x5d: {  	v4 =	vld [tilespmem:s0+$0x80]  }
0x5e: {  	v5 =	vld [tilespmem:s0+$0x3080]  }
0x5f: {  	v6 =	vld [tilespmem:s0+$0x100]  }
0x60: {  	v7 =	vld [tilespmem:s0+$0x3100]  }
0x61: {  	v8 =	vld [tilespmem:s0+$0x180]  }
0x62: {  	v9 =	vld [tilespmem:s0+$0x3180]  }
0x63: {  	v10 =	vld [tilespmem:s0+$0x200]  }
0x64: {  	v11 =	vld [tilespmem:s0+$0x3200]  }
0x65: {  	v12 =	vld [tilespmem:s0+$0x280]  }
0x66: {  	v13 =	vld [tilespmem:s0+$0x3280]  }
0x67: {  	s10 =	sor.u32 s11, s3;
	v14 =	vld [tilespmem:s0+$0x300]  }
0x68: {  	s1 =	sor.u32 $0x380, s10;
	v15 =	vld [tilespmem:s0+$0x3300]  }
0x69: {  	v0 =	vadd.f32 v1, v0;
	v1 =	vld [tilespmem:s1+$0x0]  }
0x6a: {  	v2 =	vadd.f32 v3, v2;
	v3 =	vld [tilespmem:s0+$0x3380]  }
0x6b: {  	[tilespmem:s0+$0x19B80] =	vst v0;
	v0 =	vadd.f32 v5, v4;
	v4 =	vld [tilespmem:s0+$0x1800]  }
0x6c: {  	[tilespmem:s0+$0x18000] =	vst v2;
	v2 =	vadd.f32 v7, v6;
	v5 =	vld [tilespmem:s0+$0x4800]  }
0x6d: {  	v6 =	vld [tilespmem:s0+$0x1880];
	[tilespmem:s0+$0x18080] =	vst v0;
	v0 =	vadd.f32 v9, v8  }
0x6e: {  	v7 =	vld [tilespmem:s0+$0x4880];
	[tilespmem:s0+$0x18100] =	vst v2;
	v2 =	vadd.f32 v11, v10  }
0x6f: {  	v62 =	vld [tilespmem:s0+$0x1900];
	[tilespmem:s0+$0x18180] =	vst v0;
	v0 =	vadd.f32 v13, v12  }
0x70: {  	v63 =	vld [tilespmem:s0+$0x4900];
	[tilespmem:s0+$0x18200] =	vst v2;
	v2 =	vadd.f32 v15, v14  }
0x71: {  	v1 =	vadd.f32 v3, v1;
	[tilespmem:s0+$0x18280] =	vst v0;
	v0 =	vld [tilespmem:s0+$0x1980]  }
0x72: {  	[tilespmem:s0+$0x18300] =	vst v2;
	v2 =	vadd.f32 v5, v4;
	v4 =	vld [tilespmem:s0+$0x4980]  }
0x73: {  	v3 =	vld [tilespmem:s0+$0x4A00];
	[tilespmem:s1+$0x18000] =	vst v1;
	v5 =	vadd.f32 v7, v6  }
0x74: {  	v1 =	vld [tilespmem:s0+$0x1A00];
	[tilespmem:s0+$0x19800] =	vst v2  }
0x75: {  	s1 =	simm.s32 $0x0;
	[tilespmem:s0+$0x19880] =	vst v5;
	v5 =	vadd.f32 v63, v62;
	v2 =	vld [tilespmem:s0+$0x1A80]  }
.LBB2_2:
0x76: {  	s3 =	sadd.s32 $0x10, s3;
	v6 =	vld [tilespmem:s0+$0x4A80];
	s1 =	sadd.s32 $0x80, s1  }
0x77: {  	s2 =	sand.u32 $0x70, s3;
	s4 =	sand.u32 $0x1C00, s1;
	s5 =	sor.u32 s1, s3;
	[tilespmem:s0+$0x19900] =	vst v5;
	v0 =	vadd.f32 v4, v0;
	v4 =	vld [tilespmem:s0+$0x1B00]  }
0x78: {  	p1 =	slt.u32 s3, $0x2F0;
	s4 =	sor.u32 s2, s4;
	s2 =	sor.u32 $0x380, s5;
	v5 =	vld [tilespmem:s0+$0x4B00]  }
0x79: {  	v7 =	vld [tilespmem:s4+$0x1B80];
	[tilespmem:s0+$0x19980] =	vst v0;
	v0 =	vadd.f32 v3, v1  }
0x7a: {  	v1 =	vld [tilespmem:s4+$0x4B80]  }
0x7b: {  	v3 =	vld [tilespmem:s4+$0x0];
	[tilespmem:s0+$0x19A00] =	vst v0;
	v0 =	vadd.f32 v6, v2  }
0x7c: {  	v2 =	vld [tilespmem:s4+$0x3000]  }
0x7d: {  	v6 =	vld [tilespmem:s4+$0x80];
	[tilespmem:s0+$0x19A80] =	vst v0;
	v0 =	vadd.f32 v5, v4  }
0x7e: {  	v4 =	vld [tilespmem:s4+$0x3080]  }
0x7f: {  	v5 =	vld [tilespmem:s4+$0x100];
	v1 =	vadd.f32 v1, v7;
	[tilespmem:s0+$0x19B00] =	vst v0;
	s0 =	smov.u32 s4  }
0x80: {  	v0 =	vld [tilespmem:s0+$0x3100]  }
0x81: {  	v2 =	vadd.f32 v2, v3;
	v3 =	vld [tilespmem:s0+$0x180];
	[tilespmem:s0+$0x19B80] =	vst v1  }
0x82: {  	v1 =	vld [tilespmem:s0+$0x3180]  }
0x83: {  	[tilespmem:s0+$0x18000] =	vst v2;
	v2 =	vadd.f32 v4, v6;
	v4 =	vld [tilespmem:s0+$0x200]  }
0x84: {  	v6 =	vld [tilespmem:s0+$0x3200]  }
0x85: {  	[tilespmem:s0+$0x18080] =	vst v2;
	v0 =	vadd.f32 v0, v5;
	v2 =	vld [tilespmem:s0+$0x280]  }
0x86: {  	v5 =	vld [tilespmem:s0+$0x3280]  }
0x87: {  	[tilespmem:s0+$0x18100] =	vst v0;
	v0 =	vadd.f32 v1, v3;
	v1 =	vld [tilespmem:s0+$0x300]  }
0x88: {  	v3 =	vld [tilespmem:s0+$0x3300]  }
0x89: {  	[tilespmem:s0+$0x18180] =	vst v0;
	v0 =	vadd.f32 v6, v4;
	v4 =	vld [tilespmem:s2+$0x0]  }
0x8a: {  	v6 =	vld [tilespmem:s0+$0x3380]  }
0x8b: {  	[tilespmem:s0+$0x18200] =	vst v0;
	v0 =	vadd.f32 v5, v2;
	v2 =	vld [tilespmem:s0+$0x1800]  }
0x8c: {  	v5 =	vld [tilespmem:s0+$0x4800]  }
0x8d: {  	[tilespmem:s0+$0x18280] =	vst v0;
	v0 =	vadd.f32 v3, v1;
	v1 =	vld [tilespmem:s0+$0x1880]  }
0x8e: {  	v3 =	vld [tilespmem:s0+$0x4880]  }
0x8f: {  	[tilespmem:s0+$0x18300] =	vst v0;
	v0 =	vadd.f32 v6, v4;
	v6 =	vld [tilespmem:s0+$0x1900]  }
0x90: {  	v7 =	vld [tilespmem:s0+$0x4900]  }
.Ltmp2:
0x91: {  	[tilespmem:s2+$0x18000] =	vst v0;
	v2 =	vadd.f32 v5, v2;
	v0 =	vld [tilespmem:s0+$0x1980];
	(pc) =	sbr.rel @p1 .LBB2_2-.Ltmp2, $4  }
0x92: {  	v4 =	vld [tilespmem:s0+$0x4980]  }
0x93: {  	[tilespmem:s0+$0x19800] =	vst v2;
	v2 =	vadd.f32 v3, v1;
	v1 =	vld [tilespmem:s0+$0x1A00]  }
0x94: {  	v3 =	vld [tilespmem:s0+$0x4A00]  }
0x95: {  	[tilespmem:s0+$0x19880] =	vst v2;
	v5 =	vadd.f32 v7, v6;
	v2 =	vld [tilespmem:s0+$0x1A80]  }
0x96: {  	v6 =	vld [tilespmem:s0+$0x4A80]  }
0x97: {  	v7 =	vld [tilespmem:s0+$0x1B00]  }
0x98: {  	v8 =	vld [tilespmem:s0+$0x4B00];
	_ =	sdelay $0x1  }
0x99: {  	v0 =	vadd.f32 v4, v0  }
0x9a: {  	[tilespmem:s0+$0x19900] =	vst v5;
	v1 =	vadd.f32 v3, v1  }
0x9b: {  	[tilespmem:s0+$0x19980] =	vst v0;
	v0 =	vadd.f32 v6, v2  }
0x9c: {  	[tilespmem:s0+$0x19A00] =	vst v1;
	v1 =	vadd.f32 v8, v7  }
0x9d: {  	[tilespmem:s0+$0x19A80] =	vst v0  }
0x9e: {  	s1 =	simm.s32 $0x12000;
	s4 =	simm.s32 $0x2;
	[tilespmem:s0+$0x19B00] =	vst v1;
	s0 =	simm.s32 $0x0  }
0x9f: {  	[tilespmem:s1], [sflag:$0x4] =	stream.linear.gather [hbm4b:s15+s0], $0x6000, $0x38;
	[tilespmem:$0x1E000] =	vst v63  }
0xa0: {  	s3 =	simm.s32 $0x0;
	_ =	swait.ge [sflag:s4], $0x6000  }
0xa1: {  	s10 =	sand.u32 $0x70, s3;
	s2 =	sand.u32 $0x1C00, s0;
	[sflag:s4] =	ssyncset.done $0x0  }
0xa2: {  	[sflag:s4] =	ssyncadd.s32 $0xFFFFA000;
	s4 =	sor.u32 s10, s2  }
0xa3: {  	v0 =	vld [tilespmem:s4+$0x7B80]  }
0xa4: {  	v1 =	vld [tilespmem:s4+$0xAB80]  }
0xa5: {  	v2 =	vld [tilespmem:s4+$0x6000]  }
0xa6: {  	v3 =	vld [tilespmem:s4+$0x9000]  }
0xa7: {  	v49 =	vld [tilespmem:s4+$0x6080]  }
0xa8: {  	v50 =	vld [tilespmem:s4+$0x9080]  }
0xa9: {  	v51 =	vld [tilespmem:s4+$0x6100]  }
0xaa: {  	v52 =	vld [tilespmem:s4+$0x9180]  }
0xab: {  	v53 =	vld [tilespmem:s4+$0x6200]  }
0xac: {  	v9 =	vld [tilespmem:s4+$0x9200]  }
0xad: {  	v10 =	vld [tilespmem:s4+$0x6280]  }
0xae: {  	v11 =	vld [tilespmem:s4+$0x9280]  }
0xaf: {  	v12 =	vld [tilespmem:s4+$0x6300]  }
0xb0: {  	v13 =	vld [tilespmem:s4+$0x9300]  }
0xb1: {  	v14 =	vld [tilespmem:s4+$0x6380]  }
0xb2: {  	v15 =	vld [tilespmem:s4+$0x9380]  }
0xb3: {  	v16 =	vld [tilespmem:s4+$0x7800]  }
0xb4: {  	v17 =	vld [tilespmem:s4+$0xA800]  }
0xb5: {  	v18 =	vld [tilespmem:s4+$0x7880]  }
0xb6: {  	v19 =	vld [tilespmem:s4+$0xA880]  }
0xb7: {  	v20 =	vld [tilespmem:s4+$0x7900]  }
0xb8: {  	v21 =	vld [tilespmem:s4+$0x7980]  }
0xb9: {  	v54 =	vld [tilespmem:s4+$0x7A00]  }
0xba: {  	v56 =	vld [tilespmem:s4+$0x7A80]  }
0xbb: {  	v57 =	vld [tilespmem:s4+$0xAA80]  }
0xbc: {  	v58 =	vld [tilespmem:s4+$0x7B00]  }
0xbd: {  	v60 =	vld [tilespmem:s4+$0xAB00]  }
0xbe: {  	v0 =	vadd.f32 v1, v0;
	v1 =	vld [tilespmem:s4+$0x9100]  }
0xbf: {  	v2 =	vadd.f32 v3, v2;
	v3 =	vld [tilespmem:s4+$0xA900]  }
0xc0: {  	[tilespmem:s4+$0x19B80] =	vst.add.f32.msk $0xffff, v0  }
0xc1: {  	s1 =	sor.u32 $0x18000, s4;
	v0 =	vld [tilespmem:s4+$0x6180]  }
0xc2: {  	v4 =	vadd.f32 v50, v49;
	[tilespmem:s1+$0x0] =	vst.add.f32.msk $0xffff, v2  }
0xc3: {  	s2 =	sor.u32 $0x18080, s4;
	v55 =	vadd.f32 v9, v53;
	v2 =	vld [tilespmem:s4+$0xA980]  }
0xc4: {  	s9 =	sor.u32 s0, s3;
	s7 =	sor.u32 $0x18200, s4;
	v61 =	vadd.f32 v15, v14;
	[tilespmem:s2+$0x0] =	vst.add.f32.msk $0xffff, v4  }
0xc5: {  	s10 =	sor.u32 $0x380, s9;
	v62 =	vadd.f32 v19, v18;
	[tilespmem:s7+$0x0] =	vst.add.f32.msk $0xffff, v55  }
0xc6: {  	[tilespmem:s10+$0x18000] =	vst.add.f32.msk $0xffff, v61;
	v1 =	vadd.f32 v1, v51  }
0xc7: {  	s5 =	sor.u32 $0x18100, s4;
	[tilespmem:s4+$0x19880] =	vst.add.f32.msk $0xffff, v62  }
0xc8: {  	v0 =	vadd.f32 v52, v0;
	[tilespmem:s5+$0x0] =	vst.add.f32.msk $0xffff, v1  }
0xc9: {  	s6 =	sor.u32 $0x18180, s4;
	v3 =	vadd.f32 v3, v20;
	v1 =	vld [tilespmem:s4+$0xAA00]  }
0xca: {  	[tilespmem:s6+$0x0] =	vst.add.f32.msk $0xffff, v0;
	v0 =	vadd.f32 v11, v10  }
0xcb: {  	s8 =	sor.u32 $0x18280, s4;
	v59 =	vadd.f32 v13, v12;
	[tilespmem:s4+$0x19900] =	vst.add.f32.msk $0xffff, v3  }
0xcc: {  	s5 =	sor.u32 $0x18300, s4;
	[tilespmem:s8+$0x0] =	vst.add.f32.msk $0xffff, v0;
	v0 =	vadd.f32 v17, v16  }
0xcd: {  	v63 =	vadd.f32 v2, v21;
	[tilespmem:s5+$0x0] =	vst.add.f32.msk $0xffff, v59  }
0xce: {  	[tilespmem:s4+$0x19800] =	vst.add.f32.msk $0xffff, v0;
	v0 =	vadd.f32 v1, v54  }
0xcf: {  	v2 =	vadd.f32 v60, v58;
	[tilespmem:s4+$0x19980] =	vst.add.f32.msk $0xffff, v63;
	v1 =	vadd.f32 v57, v56  }
.LBB2_4:
0xd0: {  	s3 =	sadd.s32 $0x10, s3;
	[tilespmem:s4+$0x19A00] =	vst.add.f32.msk $0xffff, v0;
	s0 =	sadd.s32 $0x80, s0  }
0xd1: {  	s2 =	sand.u32 $0x70, s3;
	s5 =	sand.u32 $0x1C00, s0;
	s1 =	sor.u32 s0, s3;
	[tilespmem:s4+$0x19A80] =	vst.add.f32.msk $0xffff, v1  }
0xd2: {  	p1 =	slt.u32 s3, $0x2F0;
	s1 =	sor.u32 $0x380, s1;
	[tilespmem:s4+$0x19B00] =	vst.add.f32.msk $0xffff, v2;
	s4 =	sor.u32 s2, s5  }
0xd3: {  	s10 =	sor.u32 $0x18000, s4;
	s9 =	sor.u32 $0x18080, s4;
	s7 =	sor.u32 $0x18100, s4;
	v0 =	vld [tilespmem:s4+$0x7B80]  }
0xd4: {  	s8 =	sor.u32 $0x18180, s4;
	s5 =	sor.u32 $0x18200, s4;
	s2 =	sor.u32 $0x18280, s4;
	v1 =	vld [tilespmem:s4+$0xAB80]  }
0xd5: {  	s6 =	sor.u32 $0x18300, s4;
	v2 =	vld [tilespmem:s4+$0x6000]  }
0xd6: {  	v3 =	vld [tilespmem:s4+$0x9000]  }
0xd7: {  	v4 =	vld [tilespmem:s4+$0x6080]  }
0xd8: {  	v5 =	vld [tilespmem:s4+$0x9080]  }
0xd9: {  	v6 =	vld [tilespmem:s4+$0x6100];
	v0 =	vadd.f32 v1, v0  }
0xda: {  	v1 =	vld [tilespmem:s4+$0x9100]  }
0xdb: {  	v2 =	vadd.f32 v3, v2;
	[tilespmem:s4+$0x19B80] =	vst.add.f32.msk $0xffff, v0  }
0xdc: {  	v0 =	vld [tilespmem:s4+$0x6180]  }
0xdd: {  	v3 =	vadd.f32 v5, v4;
	v4 =	vld [tilespmem:s4+$0x9180]  }
0xde: {  	v5 =	vld [tilespmem:s4+$0x6200]  }
0xdf: {  	v1 =	vadd.f32 v1, v6;
	v6 =	vld [tilespmem:s4+$0x9200]  }
0xe0: {  	v7 =	vld [tilespmem:s4+$0x6280]  }
0xe1: {  	v8 =	vld [tilespmem:s4+$0x9280]  }
0xe2: {  	v4 =	vadd.f32 v4, v0;
	v0 =	vld [tilespmem:s4+$0x6300]  }
0xe3: {  	v9 =	vld [tilespmem:s4+$0x9300]  }
0xe4: {  	v5 =	vadd.f32 v6, v5;
	v6 =	vld [tilespmem:s4+$0x6380]  }
0xe5: {  	v10 =	vld [tilespmem:s4+$0x9380]  }
0xe6: {  	v7 =	vadd.f32 v8, v7;
	v8 =	vld [tilespmem:s4+$0x7800]  }
0xe7: {  	v11 =	vld [tilespmem:s4+$0xA800]  }
0xe8: {  	v9 =	vadd.f32 v9, v0;
	v0 =	vld [tilespmem:s4+$0x7880]  }
0xe9: {  	v12 =	vld [tilespmem:s4+$0xA880]  }
0xea: {  	v6 =	vadd.f32 v10, v6;
	v10 =	vld [tilespmem:s4+$0x7900]  }
0xeb: {  	v13 =	vld [tilespmem:s4+$0xA900]  }
0xec: {  	v8 =	vadd.f32 v11, v8;
	v11 =	vld [tilespmem:s4+$0x7980]  }
0xed: {  	v14 =	vld [tilespmem:s4+$0xA980]  }
0xee: {  	v12 =	vadd.f32 v12, v0;
	v0 =	vld [tilespmem:s4+$0x7A00]  }
0xef: {  	v15 =	vld [tilespmem:s4+$0xAA00]  }
0xf0: {  	v10 =	vadd.f32 v13, v10;
	v13 =	vld [tilespmem:s4+$0x7A80]  }
0xf1: {  	v16 =	vld [tilespmem:s4+$0xAA80]  }
0xf2: {  	v11 =	vadd.f32 v14, v11;
	v14 =	vld [tilespmem:s4+$0x7B00]  }
0xf3: {  	v17 =	vld [tilespmem:s4+$0xAB00]  }
0xf4: {  	[tilespmem:s10+$0x0] =	vst.add.f32.msk $0xffff, v2;
	v0 =	vadd.f32 v15, v0  }
0xf5: {  	[tilespmem:s9+$0x0] =	vst.add.f32.msk $0xffff, v3  }
0xf6: {  	[tilespmem:s7+$0x0] =	vst.add.f32.msk $0xffff, v1;
	v1 =	vadd.f32 v16, v13  }
0xf7: {  	[tilespmem:s8+$0x0] =	vst.add.f32.msk $0xffff, v4  }
0xf8: {  	[tilespmem:s5+$0x0] =	vst.add.f32.msk $0xffff, v5;
	v2 =	vadd.f32 v17, v14  }
0xf9: {  	[tilespmem:s2+$0x0] =	vst.add.f32.msk $0xffff, v7  }
0xfa: {  	[tilespmem:s6+$0x0] =	vst.add.f32.msk $0xffff, v9  }
.Ltmp3:
0xfb: {  	[tilespmem:s1+$0x18000] =	vst.add.f32.msk $0xffff, v6;
	(pc) =	sbr.rel @p1 .LBB2_4-.Ltmp3, $4  }
0xfc: {  	[tilespmem:s4+$0x19800] =	vst.add.f32.msk $0xffff, v8  }
0xfd: {  	[tilespmem:s4+$0x19880] =	vst.add.f32.msk $0xffff, v12  }
0xfe: {  	[tilespmem:s4+$0x19900] =	vst.add.f32.msk $0xffff, v10  }
0xff: {  	[tilespmem:s4+$0x19980] =	vst.add.f32.msk $0xffff, v11  }
0x100: {  	[tilespmem:s4+$0x19A00] =	vst.add.f32.msk $0xffff, v0  }
0x101: {  	[tilespmem:s4+$0x19A80] =	vst.add.f32.msk $0xffff, v1  }
0x102: {  	[tilespmem:s4+$0x19B00] =	vst.add.f32.msk $0xffff, v2;
	s0 =	simm.s32 $0x0;
	s10 =	simm.s32 $0x3  }
0x103: {  	[tilespmem:s0], [sflag:$0x1] =	stream.linear.gather [hbm4b:s16+s0], $0x6000, $0x38;
	[tilespmem:$0x1E000] =	vst v63  }
0x104: {  	s3 =	simm.s32 $0x0;
	_ =	swait.ge [sflag:s10], $0x6000  }
0x105: {  	s1 =	sand.u32 $0x70, s3;
	s2 =	sand.u32 $0x1C00, s0;
	[sflag:s10] =	ssyncset.done $0x0  }
0x106: {  	s4 =	sor.u32 s1, s2;
	[sflag:s10] =	ssyncadd.s32 $0xFFFFA000  }
0x107: {  	v0 =	vld [tilespmem:s4+$0xDB80]  }
0x108: {  	v1 =	vld [tilespmem:s4+$0x10B80]  }
0x109: {  	v2 =	vld [tilespmem:s4+$0xC000]  }
0x10a: {  	v3 =	vld [tilespmem:s4+$0xF000]  }
0x10b: {  	v4 =	vld [tilespmem:s4+$0xC080]  }
0x10c: {  	v5 =	vld [tilespmem:s4+$0xF080]  }
0x10d: {  	v6 =	vld [tilespmem:s4+$0xC100]  }
0x10e: {  	v7 =	vld [tilespmem:s4+$0xF180]  }
0x10f: {  	v8 =	vld [tilespmem:s4+$0xC200]  }
0x110: {  	v9 =	vld [tilespmem:s4+$0xF200]  }
0x111: {  	v10 =	vld [tilespmem:s4+$0xC280]  }
0x112: {  	v11 =	vld [tilespmem:s4+$0xF280]  }
0x113: {  	v12 =	vld [tilespmem:s4+$0xC300]  }
0x114: {  	v13 =	vld [tilespmem:s4+$0xF300]  }
0x115: {  	v14 =	vld [tilespmem:s4+$0xC380]  }
0x116: {  	v15 =	vld [tilespmem:s4+$0xF380]  }
0x117: {  	v16 =	vld [tilespmem:s4+$0xD800]  }
0x118: {  	v17 =	vld [tilespmem:s4+$0x10800]  }
0x119: {  	v18 =	vld [tilespmem:s4+$0xD880]  }
0x11a: {  	v19 =	vld [tilespmem:s4+$0x10880]  }
0x11b: {  	v20 =	vld [tilespmem:s4+$0xD900]  }
0x11c: {  	v21 =	vld [tilespmem:s4+$0xD980]  }
0x11d: {  	v54 =	vld [tilespmem:s4+$0xDA00]  }
0x11e: {  	v56 =	vld [tilespmem:s4+$0xDA80]  }
0x11f: {  	v57 =	vld [tilespmem:s4+$0x10A80]  }
0x120: {  	v58 =	vld [tilespmem:s4+$0xDB00]  }
0x121: {  	v60 =	vld [tilespmem:s4+$0x10B00]  }
0x122: {  	v0 =	vadd.f32 v1, v0;
	v1 =	vld [tilespmem:s4+$0xF100]  }
0x123: {  	v2 =	vadd.f32 v3, v2;
	v3 =	vld [tilespmem:s4+$0x10900]  }
0x124: {  	[tilespmem:s4+$0x19B80] =	vst.add.f32.msk $0xffff, v0  }
0x125: {  	s1 =	sor.u32 $0x18000, s4;
	v0 =	vld [tilespmem:s4+$0xC180]  }
0x126: {  	v4 =	vadd.f32 v5, v4;
	[tilespmem:s1+$0x0] =	vst.add.f32.msk $0xffff, v2  }
0x127: {  	s2 =	sor.u32 $0x18080, s4;
	v55 =	vadd.f32 v9, v8;
	v2 =	vld [tilespmem:s4+$0x10980]  }
0x128: {  	s9 =	sor.u32 s0, s3;
	s7 =	sor.u32 $0x18200, s4;
	v61 =	vadd.f32 v15, v14;
	[tilespmem:s2+$0x0] =	vst.add.f32.msk $0xffff, v4  }
0x129: {  	s10 =	sor.u32 $0x380, s9;
	v62 =	vadd.f32 v19, v18;
	[tilespmem:s7+$0x0] =	vst.add.f32.msk $0xffff, v55  }
0x12a: {  	[tilespmem:s10+$0x18000] =	vst.add.f32.msk $0xffff, v61;
	v1 =	vadd.f32 v1, v6  }
0x12b: {  	s5 =	sor.u32 $0x18100, s4;
	[tilespmem:s4+$0x19880] =	vst.add.f32.msk $0xffff, v62  }
0x12c: {  	v0 =	vadd.f32 v7, v0;
	[tilespmem:s5+$0x0] =	vst.add.f32.msk $0xffff, v1  }
0x12d: {  	s6 =	sor.u32 $0x18180, s4;
	v3 =	vadd.f32 v3, v20;
	v1 =	vld [tilespmem:s4+$0x10A00]  }
0x12e: {  	[tilespmem:s6+$0x0] =	vst.add.f32.msk $0xffff, v0;
	v0 =	vadd.f32 v11, v10  }
0x12f: {  	s8 =	sor.u32 $0x18280, s4;
	v59 =	vadd.f32 v13, v12;
	[tilespmem:s4+$0x19900] =	vst.add.f32.msk $0xffff, v3  }
0x130: {  	s5 =	sor.u32 $0x18300, s4;
	[tilespmem:s8+$0x0] =	vst.add.f32.msk $0xffff, v0;
	v0 =	vadd.f32 v17, v16  }
0x131: {  	v63 =	vadd.f32 v2, v21;
	[tilespmem:s5+$0x0] =	vst.add.f32.msk $0xffff, v59  }
0x132: {  	[tilespmem:s4+$0x19800] =	vst.add.f32.msk $0xffff, v0;
	v0 =	vadd.f32 v1, v54  }
0x133: {  	v2 =	vadd.f32 v60, v58;
	[tilespmem:s4+$0x19980] =	vst.add.f32.msk $0xffff, v63;
	v1 =	vadd.f32 v57, v56  }
.LBB2_6:
0x134: {  	s3 =	sadd.s32 $0x10, s3;
	[tilespmem:s4+$0x19A00] =	vst.add.f32.msk $0xffff, v0;
	s0 =	sadd.s32 $0x80, s0  }
0x135: {  	s2 =	sand.u32 $0x70, s3;
	s5 =	sand.u32 $0x1C00, s0;
	s1 =	sor.u32 s0, s3;
	[tilespmem:s4+$0x19A80] =	vst.add.f32.msk $0xffff, v1  }
0x136: {  	p1 =	slt.u32 s3, $0x2F0;
	s1 =	sor.u32 $0x380, s1;
	[tilespmem:s4+$0x19B00] =	vst.add.f32.msk $0xffff, v2;
	s4 =	sor.u32 s2, s5  }
0x137: {  	s10 =	sor.u32 $0x18000, s4;
	s9 =	sor.u32 $0x18080, s4;
	s7 =	sor.u32 $0x18100, s4;
	v0 =	vld [tilespmem:s4+$0xDB80]  }
0x138: {  	s8 =	sor.u32 $0x18180, s4;
	s5 =	sor.u32 $0x18200, s4;
	s2 =	sor.u32 $0x18280, s4;
	v1 =	vld [tilespmem:s4+$0x10B80]  }
0x139: {  	s6 =	sor.u32 $0x18300, s4;
	v2 =	vld [tilespmem:s4+$0xC000]  }
0x13a: {  	v3 =	vld [tilespmem:s4+$0xF000]  }
0x13b: {  	v4 =	vld [tilespmem:s4+$0xC080]  }
0x13c: {  	v5 =	vld [tilespmem:s4+$0xF080]  }
0x13d: {  	v6 =	vld [tilespmem:s4+$0xC100];
	v0 =	vadd.f32 v1, v0  }
0x13e: {  	v1 =	vld [tilespmem:s4+$0xF100]  }
0x13f: {  	v2 =	vadd.f32 v3, v2;
	[tilespmem:s4+$0x19B80] =	vst.add.f32.msk $0xffff, v0  }
0x140: {  	v0 =	vld [tilespmem:s4+$0xC180]  }
0x141: {  	v3 =	vadd.f32 v5, v4;
	v4 =	vld [tilespmem:s4+$0xF180]  }
0x142: {  	v5 =	vld [tilespmem:s4+$0xC200]  }
0x143: {  	v1 =	vadd.f32 v1, v6;
	v6 =	vld [tilespmem:s4+$0xF200]  }
0x144: {  	v7 =	vld [tilespmem:s4+$0xC280]  }
0x145: {  	v8 =	vld [tilespmem:s4+$0xF280]  }
0x146: {  	v4 =	vadd.f32 v4, v0;
	v0 =	vld [tilespmem:s4+$0xC300]  }
0x147: {  	v9 =	vld [tilespmem:s4+$0xF300]  }
0x148: {  	v5 =	vadd.f32 v6, v5;
	v6 =	vld [tilespmem:s4+$0xC380]  }
0x149: {  	v10 =	vld [tilespmem:s4+$0xF380]  }
0x14a: {  	v7 =	vadd.f32 v8, v7;
	v8 =	vld [tilespmem:s4+$0xD800]  }
0x14b: {  	v11 =	vld [tilespmem:s4+$0x10800]  }
0x14c: {  	v9 =	vadd.f32 v9, v0;
	v0 =	vld [tilespmem:s4+$0xD880]  }
0x14d: {  	v12 =	vld [tilespmem:s4+$0x10880]  }
0x14e: {  	v6 =	vadd.f32 v10, v6;
	v10 =	vld [tilespmem:s4+$0xD900]  }
0x14f: {  	v13 =	vld [tilespmem:s4+$0x10900]  }
0x150: {  	v8 =	vadd.f32 v11, v8;
	v11 =	vld [tilespmem:s4+$0xD980]  }
0x151: {  	v14 =	vld [tilespmem:s4+$0x10980]  }
0x152: {  	v12 =	vadd.f32 v12, v0;
	v0 =	vld [tilespmem:s4+$0xDA00]  }
0x153: {  	v15 =	vld [tilespmem:s4+$0x10A00]  }
0x154: {  	v10 =	vadd.f32 v13, v10;
	v13 =	vld [tilespmem:s4+$0xDA80]  }
0x155: {  	v16 =	vld [tilespmem:s4+$0x10A80]  }
0x156: {  	v11 =	vadd.f32 v14, v11;
	v14 =	vld [tilespmem:s4+$0xDB00]  }
0x157: {  	v17 =	vld [tilespmem:s4+$0x10B00]  }
0x158: {  	[tilespmem:s10+$0x0] =	vst.add.f32.msk $0xffff, v2;
	v0 =	vadd.f32 v15, v0  }
0x159: {  	[tilespmem:s9+$0x0] =	vst.add.f32.msk $0xffff, v3  }
0x15a: {  	[tilespmem:s7+$0x0] =	vst.add.f32.msk $0xffff, v1;
	v1 =	vadd.f32 v16, v13  }
0x15b: {  	[tilespmem:s8+$0x0] =	vst.add.f32.msk $0xffff, v4  }
0x15c: {  	[tilespmem:s5+$0x0] =	vst.add.f32.msk $0xffff, v5;
	v2 =	vadd.f32 v17, v14  }
0x15d: {  	[tilespmem:s2+$0x0] =	vst.add.f32.msk $0xffff, v7  }
0x15e: {  	[tilespmem:s6+$0x0] =	vst.add.f32.msk $0xffff, v9  }
.Ltmp4:
0x15f: {  	[tilespmem:s1+$0x18000] =	vst.add.f32.msk $0xffff, v6;
	(pc) =	sbr.rel @p1 .LBB2_6-.Ltmp4, $4  }
0x160: {  	[tilespmem:s4+$0x19800] =	vst.add.f32.msk $0xffff, v8  }
0x161: {  	[tilespmem:s4+$0x19880] =	vst.add.f32.msk $0xffff, v12  }
0x162: {  	[tilespmem:s4+$0x19900] =	vst.add.f32.msk $0xffff, v10  }
0x163: {  	[tilespmem:s4+$0x19980] =	vst.add.f32.msk $0xffff, v11  }
0x164: {  	[tilespmem:s4+$0x19A00] =	vst.add.f32.msk $0xffff, v0  }
0x165: {  	[tilespmem:s4+$0x19A80] =	vst.add.f32.msk $0xffff, v1  }
0x166: {  	[tilespmem:s4+$0x19B00] =	vst.add.f32.msk $0xffff, v2;
	s0 =	simm.s32 $0x0;
	s10 =	simm.s32 $0x4  }
0x167: {  	[tilespmem:s30], [sflag:$0x2] =	stream.linear.gather [hbm4b:s17+s0], $0x6000, $0x38;
	[tilespmem:$0x1E000] =	vst v63  }
0x168: {  	s3 =	simm.s32 $0x0;
	_ =	swait.ge [sflag:s10], $0x6000  }
0x169: {  	s1 =	sand.u32 $0x70, s3;
	s2 =	sand.u32 $0x1C00, s0;
	[sflag:s10] =	ssyncset.done $0x0  }
0x16a: {  	s4 =	sor.u32 s1, s2;
	[sflag:s10] =	ssyncadd.s32 $0xFFFFA000  }
0x16b: {  	v0 =	vld [tilespmem:s4+$0x13B80]  }
0x16c: {  	v1 =	vld [tilespmem:s4+$0x16B80]  }
0x16d: {  	v2 =	vld [tilespmem:s4+$0x12000]  }
0x16e: {  	v3 =	vld [tilespmem:s4+$0x15000]  }
0x16f: {  	v4 =	vld [tilespmem:s4+$0x12080]  }
0x170: {  	v5 =	vld [tilespmem:s4+$0x15080]  }
0x171: {  	v6 =	vld [tilespmem:s4+$0x12100]  }
0x172: {  	v7 =	vld [tilespmem:s4+$0x15180]  }
0x173: {  	v8 =	vld [tilespmem:s4+$0x12200]  }
0x174: {  	v9 =	vld [tilespmem:s4+$0x15200]  }
0x175: {  	v10 =	vld [tilespmem:s4+$0x12280]  }
0x176: {  	v11 =	vld [tilespmem:s4+$0x15280]  }
0x177: {  	v12 =	vld [tilespmem:s4+$0x12300]  }
0x178: {  	v13 =	vld [tilespmem:s4+$0x15300]  }
0x179: {  	v14 =	vld [tilespmem:s4+$0x12380]  }
0x17a: {  	v15 =	vld [tilespmem:s4+$0x15380]  }
0x17b: {  	v16 =	vld [tilespmem:s4+$0x13800]  }
0x17c: {  	v17 =	vld [tilespmem:s4+$0x16800]  }
0x17d: {  	v18 =	vld [tilespmem:s4+$0x13880]  }
0x17e: {  	v19 =	vld [tilespmem:s4+$0x16880]  }
0x17f: {  	v20 =	vld [tilespmem:s4+$0x13900]  }
0x180: {  	v21 =	vld [tilespmem:s4+$0x13980]  }
0x181: {  	v54 =	vld [tilespmem:s4+$0x13A00]  }
0x182: {  	v56 =	vld [tilespmem:s4+$0x13A80]  }
0x183: {  	v57 =	vld [tilespmem:s4+$0x16A80]  }
0x184: {  	v58 =	vld [tilespmem:s4+$0x13B00]  }
0x185: {  	v60 =	vld [tilespmem:s4+$0x16B00]  }
0x186: {  	v0 =	vadd.f32 v1, v0;
	v1 =	vld [tilespmem:s4+$0x15100]  }
0x187: {  	v2 =	vadd.f32 v3, v2;
	v3 =	vld [tilespmem:s4+$0x16900]  }
0x188: {  	[tilespmem:s4+$0x19B80] =	vst.add.f32.msk $0xffff, v0  }
0x189: {  	s1 =	sor.u32 $0x18000, s4;
	v0 =	vld [tilespmem:s4+$0x12180]  }
0x18a: {  	v4 =	vadd.f32 v5, v4;
	[tilespmem:s1+$0x0] =	vst.add.f32.msk $0xffff, v2  }
0x18b: {  	s2 =	sor.u32 $0x18080, s4;
	v55 =	vadd.f32 v9, v8;
	v2 =	vld [tilespmem:s4+$0x16980]  }
0x18c: {  	s9 =	sor.u32 s0, s3;
	s7 =	sor.u32 $0x18200, s4;
	v61 =	vadd.f32 v15, v14;
	[tilespmem:s2+$0x0] =	vst.add.f32.msk $0xffff, v4  }
0x18d: {  	s10 =	sor.u32 $0x380, s9;
	v62 =	vadd.f32 v19, v18;
	[tilespmem:s7+$0x0] =	vst.add.f32.msk $0xffff, v55  }
0x18e: {  	[tilespmem:s10+$0x18000] =	vst.add.f32.msk $0xffff, v61;
	v1 =	vadd.f32 v1, v6  }
0x18f: {  	s5 =	sor.u32 $0x18100, s4;
	[tilespmem:s4+$0x19880] =	vst.add.f32.msk $0xffff, v62  }
0x190: {  	v0 =	vadd.f32 v7, v0;
	[tilespmem:s5+$0x0] =	vst.add.f32.msk $0xffff, v1  }
0x191: {  	s6 =	sor.u32 $0x18180, s4;
	v3 =	vadd.f32 v3, v20;
	v1 =	vld [tilespmem:s4+$0x16A00]  }
0x192: {  	[tilespmem:s6+$0x0] =	vst.add.f32.msk $0xffff, v0;
	v0 =	vadd.f32 v11, v10  }
0x193: {  	s8 =	sor.u32 $0x18280, s4;
	v59 =	vadd.f32 v13, v12;
	[tilespmem:s4+$0x19900] =	vst.add.f32.msk $0xffff, v3  }
0x194: {  	s5 =	sor.u32 $0x18300, s4;
	[tilespmem:s8+$0x0] =	vst.add.f32.msk $0xffff, v0;
	v0 =	vadd.f32 v17, v16  }
0x195: {  	v63 =	vadd.f32 v2, v21;
	[tilespmem:s5+$0x0] =	vst.add.f32.msk $0xffff, v59  }
0x196: {  	[tilespmem:s4+$0x19800] =	vst.add.f32.msk $0xffff, v0;
	v0 =	vadd.f32 v1, v54  }
0x197: {  	v2 =	vadd.f32 v60, v58;
	[tilespmem:s4+$0x19980] =	vst.add.f32.msk $0xffff, v63;
	v1 =	vadd.f32 v57, v56  }
.LBB2_8:
0x198: {  	s3 =	sadd.s32 $0x10, s3;
	[tilespmem:s4+$0x19A00] =	vst.add.f32.msk $0xffff, v0;
	s0 =	sadd.s32 $0x80, s0  }
0x199: {  	s2 =	sand.u32 $0x70, s3;
	s5 =	sand.u32 $0x1C00, s0;
	s1 =	sor.u32 s0, s3;
	[tilespmem:s4+$0x19A80] =	vst.add.f32.msk $0xffff, v1  }
0x19a: {  	p1 =	slt.u32 s3, $0x2F0;
	s1 =	sor.u32 $0x380, s1;
	[tilespmem:s4+$0x19B00] =	vst.add.f32.msk $0xffff, v2;
	s4 =	sor.u32 s2, s5  }
0x19b: {  	s10 =	sor.u32 $0x18000, s4;
	s9 =	sor.u32 $0x18080, s4;
	s7 =	sor.u32 $0x18100, s4;
	v0 =	vld [tilespmem:s4+$0x13B80]  }
0x19c: {  	s8 =	sor.u32 $0x18180, s4;
	s5 =	sor.u32 $0x18200, s4;
	s2 =	sor.u32 $0x18280, s4;
	v1 =	vld [tilespmem:s4+$0x16B80]  }
0x19d: {  	s6 =	sor.u32 $0x18300, s4;
	v2 =	vld [tilespmem:s4+$0x12000]  }
0x19e: {  	v3 =	vld [tilespmem:s4+$0x15000]  }
0x19f: {  	v4 =	vld [tilespmem:s4+$0x12080]  }
0x1a0: {  	v5 =	vld [tilespmem:s4+$0x15080]  }
0x1a1: {  	v6 =	vld [tilespmem:s4+$0x12100];
	v0 =	vadd.f32 v1, v0  }
0x1a2: {  	v1 =	vld [tilespmem:s4+$0x15100]  }
0x1a3: {  	v2 =	vadd.f32 v3, v2;
	[tilespmem:s4+$0x19B80] =	vst.add.f32.msk $0xffff, v0  }
0x1a4: {  	v0 =	vld [tilespmem:s4+$0x12180]  }
0x1a5: {  	v3 =	vadd.f32 v5, v4;
	v4 =	vld [tilespmem:s4+$0x15180]  }
0x1a6: {  	v5 =	vld [tilespmem:s4+$0x12200]  }
0x1a7: {  	v1 =	vadd.f32 v1, v6;
	v6 =	vld [tilespmem:s4+$0x15200]  }
0x1a8: {  	v7 =	vld [tilespmem:s4+$0x12280]  }
0x1a9: {  	v8 =	vld [tilespmem:s4+$0x15280]  }
0x1aa: {  	v4 =	vadd.f32 v4, v0;
	v0 =	vld [tilespmem:s4+$0x12300]  }
0x1ab: {  	v9 =	vld [tilespmem:s4+$0x15300]  }
0x1ac: {  	v5 =	vadd.f32 v6, v5;
	v6 =	vld [tilespmem:s4+$0x12380]  }
0x1ad: {  	v10 =	vld [tilespmem:s4+$0x15380]  }
0x1ae: {  	v7 =	vadd.f32 v8, v7;
	v8 =	vld [tilespmem:s4+$0x13800]  }
0x1af: {  	v11 =	vld [tilespmem:s4+$0x16800]  }
0x1b0: {  	v9 =	vadd.f32 v9, v0;
	v0 =	vld [tilespmem:s4+$0x13880]  }
0x1b1: {  	v12 =	vld [tilespmem:s4+$0x16880]  }
0x1b2: {  	v6 =	vadd.f32 v10, v6;
	v10 =	vld [tilespmem:s4+$0x13900]  }
0x1b3: {  	v13 =	vld [tilespmem:s4+$0x16900]  }
0x1b4: {  	v8 =	vadd.f32 v11, v8;
	v11 =	vld [tilespmem:s4+$0x13980]  }
0x1b5: {  	v14 =	vld [tilespmem:s4+$0x16980]  }
0x1b6: {  	v12 =	vadd.f32 v12, v0;
	v0 =	vld [tilespmem:s4+$0x13A00]  }
0x1b7: {  	v15 =	vld [tilespmem:s4+$0x16A00]  }
0x1b8: {  	v10 =	vadd.f32 v13, v10;
	v13 =	vld [tilespmem:s4+$0x13A80]  }
0x1b9: {  	v16 =	vld [tilespmem:s4+$0x16A80]  }
0x1ba: {  	v11 =	vadd.f32 v14, v11;
	v14 =	vld [tilespmem:s4+$0x13B00]  }
0x1bb: {  	v17 =	vld [tilespmem:s4+$0x16B00]  }
0x1bc: {  	[tilespmem:s10+$0x0] =	vst.add.f32.msk $0xffff, v2;
	v0 =	vadd.f32 v15, v0  }
0x1bd: {  	[tilespmem:s9+$0x0] =	vst.add.f32.msk $0xffff, v3  }
0x1be: {  	[tilespmem:s7+$0x0] =	vst.add.f32.msk $0xffff, v1;
	v1 =	vadd.f32 v16, v13  }
0x1bf: {  	[tilespmem:s8+$0x0] =	vst.add.f32.msk $0xffff, v4  }
0x1c0: {  	[tilespmem:s5+$0x0] =	vst.add.f32.msk $0xffff, v5;
	v2 =	vadd.f32 v17, v14  }
0x1c1: {  	[tilespmem:s2+$0x0] =	vst.add.f32.msk $0xffff, v7  }
0x1c2: {  	[tilespmem:s6+$0x0] =	vst.add.f32.msk $0xffff, v9  }
.Ltmp5:
0x1c3: {  	[tilespmem:s1+$0x18000] =	vst.add.f32.msk $0xffff, v6;
	(pc) =	sbr.rel @p1 .LBB2_8-.Ltmp5, $4  }
0x1c4: {  	[tilespmem:s4+$0x19800] =	vst.add.f32.msk $0xffff, v8  }
0x1c5: {  	[tilespmem:s4+$0x19880] =	vst.add.f32.msk $0xffff, v12  }
0x1c6: {  	[tilespmem:s4+$0x19900] =	vst.add.f32.msk $0xffff, v10  }
0x1c7: {  	[tilespmem:s4+$0x19980] =	vst.add.f32.msk $0xffff, v11  }
0x1c8: {  	[tilespmem:s4+$0x19A00] =	vst.add.f32.msk $0xffff, v0  }
0x1c9: {  	[tilespmem:s4+$0x19A80] =	vst.add.f32.msk $0xffff, v1  }
0x1ca: {  	[tilespmem:s4+$0x19B00] =	vst.add.f32.msk $0xffff, v2;
	s0 =	simm.s32 $0x0;
	s10 =	simm.s32 $0x1  }
0x1cb: {  	[tilespmem:s31], [sflag:$0x3] =	stream.linear.gather [hbm4b:s18+s0], $0x6000, $0x38;
	[tilespmem:$0x1E000] =	vst v63  }
0x1cc: {  	s3 =	simm.s32 $0x0;
	_ =	swait.ge [sflag:s10], $0x6000  }
0x1cd: {  	s1 =	sand.u32 $0x70, s3;
	s2 =	sand.u32 $0x1C00, s0;
	[sflag:s10] =	ssyncset.done $0x0  }
0x1ce: {  	s4 =	sor.u32 s1, s2;
	[sflag:s10] =	ssyncadd.s32 $0xFFFFA000  }
0x1cf: {  	v0 =	vld [tilespmem:s4+$0x1B80]  }
0x1d0: {  	v1 =	vld [tilespmem:s4+$0x4B80]  }
0x1d1: {  	v2 =	vld [tilespmem:s4+$0x0]  }
0x1d2: {  	v3 =	vld [tilespmem:s4+$0x3000]  }
0x1d3: {  	v4 =	vld [tilespmem:s4+$0x80]  }
0x1d4: {  	v5 =	vld [tilespmem:s4+$0x3080]  }
0x1d5: {  	v6 =	vld [tilespmem:s4+$0x100]  }
0x1d6: {  	v7 =	vld [tilespmem:s4+$0x3180]  }
0x1d7: {  	v8 =	vld [tilespmem:s4+$0x200]  }
0x1d8: {  	v9 =	vld [tilespmem:s4+$0x3200]  }
0x1d9: {  	v10 =	vld [tilespmem:s4+$0x280]  }
0x1da: {  	v11 =	vld [tilespmem:s4+$0x3280]  }
0x1db: {  	s5 =	sor.u32 s0, s3;
	v12 =	vld [tilespmem:s4+$0x300]  }
0x1dc: {  	s1 =	sor.u32 $0x380, s5;
	v13 =	vld [tilespmem:s4+$0x3300]  }
0x1dd: {  	v14 =	vld [tilespmem:s1+$0x0]  }
0x1de: {  	v15 =	vld [tilespmem:s4+$0x3380]  }
0x1df: {  	v16 =	vld [tilespmem:s4+$0x1800]  }
0x1e0: {  	v17 =	vld [tilespmem:s4+$0x4800]  }
0x1e1: {  	v18 =	vld [tilespmem:s4+$0x1880]  }
0x1e2: {  	v19 =	vld [tilespmem:s4+$0x4880]  }
0x1e3: {  	v20 =	vld [tilespmem:s4+$0x1900]  }
0x1e4: {  	v21 =	vld [tilespmem:s4+$0x1980]  }
0x1e5: {  	v54 =	vld [tilespmem:s4+$0x1A00]  }
0x1e6: {  	v56 =	vld [tilespmem:s4+$0x1A80]  }
0x1e7: {  	v57 =	vld [tilespmem:s4+$0x4A80]  }
0x1e8: {  	v58 =	vld [tilespmem:s4+$0x1B00]  }
0x1e9: {  	v60 =	vld [tilespmem:s4+$0x4B00]  }
0x1ea: {  	v0 =	vadd.f32 v1, v0;
	v1 =	vld [tilespmem:s4+$0x3100]  }
0x1eb: {  	v2 =	vadd.f32 v3, v2;
	v3 =	vld [tilespmem:s4+$0x4900]  }
0x1ec: {  	[tilespmem:s4+$0x19B80] =	vst.add.f32.msk $0xffff, v0  }
0x1ed: {  	s2 =	sor.u32 $0x18000, s4;
	v0 =	vld [tilespmem:s4+$0x180]  }
0x1ee: {  	v4 =	vadd.f32 v5, v4;
	[tilespmem:s2+$0x0] =	vst.add.f32.msk $0xffff, v2  }
0x1ef: {  	s6 =	sor.u32 $0x18080, s4;
	v55 =	vadd.f32 v9, v8;
	v2 =	vld [tilespmem:s4+$0x4980]  }
0x1f0: {  	s9 =	sor.u32 $0x18200, s4;
	v59 =	vadd.f32 v13, v12;
	[tilespmem:s6+$0x0] =	vst.add.f32.msk $0xffff, v4  }
0x1f1: {  	s5 =	sor.u32 $0x18300, s4;
	v61 =	vadd.f32 v15, v14;
	[tilespmem:s9+$0x0] =	vst.add.f32.msk $0xffff, v55  }
0x1f2: {  	[tilespmem:s5+$0x0] =	vst.add.f32.msk $0xffff, v59;
	v1 =	vadd.f32 v1, v6  }
0x1f3: {  	s7 =	sor.u32 $0x18100, s4;
	[tilespmem:s1+$0x18000] =	vst.add.f32.msk $0xffff, v61  }
0x1f4: {  	v0 =	vadd.f32 v7, v0;
	[tilespmem:s7+$0x0] =	vst.add.f32.msk $0xffff, v1  }
0x1f5: {  	s8 =	sor.u32 $0x18180, s4;
	v62 =	vadd.f32 v19, v18;
	v1 =	vld [tilespmem:s4+$0x4A00]  }
0x1f6: {  	[tilespmem:s8+$0x0] =	vst.add.f32.msk $0xffff, v0;
	v0 =	vadd.f32 v11, v10  }
0x1f7: {  	s10 =	sor.u32 $0x18280, s4;
	[tilespmem:s4+$0x19880] =	vst.add.f32.msk $0xffff, v62;
	v3 =	vadd.f32 v3, v20  }
0x1f8: {  	[tilespmem:s10+$0x0] =	vst.add.f32.msk $0xffff, v0;
	v0 =	vadd.f32 v17, v16  }
0x1f9: {  	v63 =	vadd.f32 v2, v21;
	[tilespmem:s4+$0x19900] =	vst.add.f32.msk $0xffff, v3  }
0x1fa: {  	[tilespmem:s4+$0x19800] =	vst.add.f32.msk $0xffff, v0;
	v0 =	vadd.f32 v1, v54  }
0x1fb: {  	v2 =	vadd.f32 v60, v58;
	[tilespmem:s4+$0x19980] =	vst.add.f32.msk $0xffff, v63;
	v1 =	vadd.f32 v57, v56  }
.LBB2_10:
0x1fc: {  	s3 =	sadd.s32 $0x10, s3;
	[tilespmem:s4+$0x19A00] =	vst.add.f32.msk $0xffff, v0;
	s0 =	sadd.s32 $0x80, s0  }
0x1fd: {  	s2 =	sand.u32 $0x70, s3;
	s5 =	sand.u32 $0x1C00, s0;
	s1 =	sor.u32 s0, s3;
	[tilespmem:s4+$0x19A80] =	vst.add.f32.msk $0xffff, v1  }
0x1fe: {  	p1 =	slt.u32 s3, $0x2F0;
	s1 =	sor.u32 $0x380, s1;
	[tilespmem:s4+$0x19B00] =	vst.add.f32.msk $0xffff, v2;
	s4 =	sor.u32 s2, s5  }
0x1ff: {  	s10 =	sor.u32 $0x18000, s4;
	s9 =	sor.u32 $0x18080, s4;
	s7 =	sor.u32 $0x18100, s4;
	v0 =	vld [tilespmem:s4+$0x1B80]  }
0x200: {  	s8 =	sor.u32 $0x18180, s4;
	s5 =	sor.u32 $0x18200, s4;
	s2 =	sor.u32 $0x18280, s4;
	v1 =	vld [tilespmem:s4+$0x4B80]  }
0x201: {  	s6 =	sor.u32 $0x18300, s4;
	v2 =	vld [tilespmem:s4+$0x0]  }
0x202: {  	v3 =	vld [tilespmem:s4+$0x3000]  }
0x203: {  	v4 =	vld [tilespmem:s4+$0x80]  }
0x204: {  	v5 =	vld [tilespmem:s4+$0x3080]  }
0x205: {  	v6 =	vld [tilespmem:s4+$0x100];
	v0 =	vadd.f32 v1, v0  }
0x206: {  	v1 =	vld [tilespmem:s4+$0x3100]  }
0x207: {  	v2 =	vadd.f32 v3, v2;
	[tilespmem:s4+$0x19B80] =	vst.add.f32.msk $0xffff, v0  }
0x208: {  	v0 =	vld [tilespmem:s4+$0x180]  }
0x209: {  	v3 =	vadd.f32 v5, v4;
	v4 =	vld [tilespmem:s4+$0x3180]  }
0x20a: {  	v5 =	vld [tilespmem:s4+$0x200]  }
0x20b: {  	v1 =	vadd.f32 v1, v6;
	v6 =	vld [tilespmem:s4+$0x3200]  }
0x20c: {  	v7 =	vld [tilespmem:s4+$0x280]  }
0x20d: {  	v8 =	vld [tilespmem:s4+$0x3280]  }
0x20e: {  	v4 =	vadd.f32 v4, v0;
	v0 =	vld [tilespmem:s4+$0x300]  }
0x20f: {  	v9 =	vld [tilespmem:s4+$0x3300]  }
0x210: {  	v5 =	vadd.f32 v6, v5;
	v6 =	vld [tilespmem:s1+$0x0]  }
0x211: {  	v10 =	vld [tilespmem:s4+$0x3380]  }
0x212: {  	v7 =	vadd.f32 v8, v7;
	v8 =	vld [tilespmem:s4+$0x1800]  }
0x213: {  	v11 =	vld [tilespmem:s4+$0x4800]  }
0x214: {  	v9 =	vadd.f32 v9, v0;
	v0 =	vld [tilespmem:s4+$0x1880]  }
0x215: {  	v12 =	vld [tilespmem:s4+$0x4880]  }
0x216: {  	v6 =	vadd.f32 v10, v6;
	v10 =	vld [tilespmem:s4+$0x1900]  }
0x217: {  	v13 =	vld [tilespmem:s4+$0x4900]  }
0x218: {  	v8 =	vadd.f32 v11, v8;
	v11 =	vld [tilespmem:s4+$0x1980]  }
0x219: {  	v14 =	vld [tilespmem:s4+$0x4980]  }
0x21a: {  	v12 =	vadd.f32 v12, v0;
	v0 =	vld [tilespmem:s4+$0x1A00]  }
0x21b: {  	v15 =	vld [tilespmem:s4+$0x4A00]  }
0x21c: {  	v10 =	vadd.f32 v13, v10;
	v13 =	vld [tilespmem:s4+$0x1A80]  }
0x21d: {  	v16 =	vld [tilespmem:s4+$0x4A80]  }
0x21e: {  	v11 =	vadd.f32 v14, v11;
	v14 =	vld [tilespmem:s4+$0x1B00]  }
0x21f: {  	v17 =	vld [tilespmem:s4+$0x4B00]  }
0x220: {  	[tilespmem:s10+$0x0] =	vst.add.f32.msk $0xffff, v2;
	v0 =	vadd.f32 v15, v0  }
0x221: {  	[tilespmem:s9+$0x0] =	vst.add.f32.msk $0xffff, v3  }
0x222: {  	[tilespmem:s7+$0x0] =	vst.add.f32.msk $0xffff, v1;
	v1 =	vadd.f32 v16, v13  }
0x223: {  	[tilespmem:s8+$0x0] =	vst.add.f32.msk $0xffff, v4  }
0x224: {  	[tilespmem:s5+$0x0] =	vst.add.f32.msk $0xffff, v5;
	v2 =	vadd.f32 v17, v14  }
0x225: {  	[tilespmem:s2+$0x0] =	vst.add.f32.msk $0xffff, v7  }
0x226: {  	[tilespmem:s6+$0x0] =	vst.add.f32.msk $0xffff, v9  }
.Ltmp6:
0x227: {  	[tilespmem:s1+$0x18000] =	vst.add.f32.msk $0xffff, v6;
	(pc) =	sbr.rel @p1 .LBB2_10-.Ltmp6, $4  }
0x228: {  	[tilespmem:s4+$0x19800] =	vst.add.f32.msk $0xffff, v8  }
0x229: {  	[tilespmem:s4+$0x19880] =	vst.add.f32.msk $0xffff, v12  }
0x22a: {  	[tilespmem:s4+$0x19900] =	vst.add.f32.msk $0xffff, v10  }
0x22b: {  	[tilespmem:s4+$0x19980] =	vst.add.f32.msk $0xffff, v11  }
0x22c: {  	[tilespmem:s4+$0x19A00] =	vst.add.f32.msk $0xffff, v0  }
0x22d: {  	[tilespmem:s4+$0x19A80] =	vst.add.f32.msk $0xffff, v1  }
0x22e: {  	[tilespmem:s4+$0x19B00] =	vst.add.f32.msk $0xffff, v2;
	s0 =	simm.s32 $0x0;
	s1 =	simm.s32 $0x12000;
	s9 =	simm.s32 $0x2  }
0x22f: {  	[tilespmem:s1], [sflag:$0x4] =	stream.linear.gather [hbm4b:s19+s0], $0x6000, $0x38;
	[tilespmem:$0x1E000] =	vst v63  }
0x230: {  	s3 =	simm.s32 $0x0;
	_ =	swait.ge [sflag:s9], $0x6000  }
0x231: {  	s10 =	sand.u32 $0x70, s3;
	s2 =	sand.u32 $0x1C00, s0;
	[sflag:s9] =	ssyncset.done $0x0  }
0x232: {  	s4 =	sor.u32 s10, s2;
	[sflag:s9] =	ssyncadd.s32 $0xFFFFA000  }
0x233: {  	v0 =	vld [tilespmem:s4+$0x7B80]  }
0x234: {  	v1 =	vld [tilespmem:s4+$0xAB80]  }
0x235: {  	v2 =	vld [tilespmem:s4+$0x6000]  }
0x236: {  	v3 =	vld [tilespmem:s4+$0x9000]  }
0x237: {  	v4 =	vld [tilespmem:s4+$0x6080]  }
0x238: {  	v5 =	vld [tilespmem:s4+$0x9080]  }
0x239: {  	v6 =	vld [tilespmem:s4+$0x6100]  }
0x23a: {  	v7 =	vld [tilespmem:s4+$0x9180]  }
0x23b: {  	v8 =	vld [tilespmem:s4+$0x6200]  }
0x23c: {  	v9 =	vld [tilespmem:s4+$0x9200]  }
0x23d: {  	v10 =	vld [tilespmem:s4+$0x6280]  }
0x23e: {  	v11 =	vld [tilespmem:s4+$0x9280]  }
0x23f: {  	v12 =	vld [tilespmem:s4+$0x6300]  }
0x240: {  	v13 =	vld [tilespmem:s4+$0x9300]  }
0x241: {  	v14 =	vld [tilespmem:s4+$0x6380]  }
0x242: {  	v15 =	vld [tilespmem:s4+$0x9380]  }
0x243: {  	v16 =	vld [tilespmem:s4+$0x7800]  }
0x244: {  	v17 =	vld [tilespmem:s4+$0xA800]  }
0x245: {  	v18 =	vld [tilespmem:s4+$0x7880]  }
0x246: {  	v19 =	vld [tilespmem:s4+$0xA880]  }
0x247: {  	v20 =	vld [tilespmem:s4+$0x7900]  }
0x248: {  	v21 =	vld [tilespmem:s4+$0x7980]  }
0x249: {  	v54 =	vld [tilespmem:s4+$0x7A00]  }
0x24a: {  	v56 =	vld [tilespmem:s4+$0x7A80]  }
0x24b: {  	v57 =	vld [tilespmem:s4+$0xAA80]  }
0x24c: {  	v58 =	vld [tilespmem:s4+$0x7B00]  }
0x24d: {  	v60 =	vld [tilespmem:s4+$0xAB00]  }
0x24e: {  	v0 =	vadd.f32 v1, v0;
	v1 =	vld [tilespmem:s4+$0x9100]  }
0x24f: {  	v2 =	vadd.f32 v3, v2;
	v3 =	vld [tilespmem:s4+$0xA900]  }
0x250: {  	[tilespmem:s4+$0x19B80] =	vst.add.f32.msk $0xffff, v0  }
0x251: {  	s1 =	sor.u32 $0x18000, s4;
	v0 =	vld [tilespmem:s4+$0x6180]  }
0x252: {  	v4 =	vadd.f32 v5, v4;
	[tilespmem:s1+$0x0] =	vst.add.f32.msk $0xffff, v2  }
0x253: {  	s2 =	sor.u32 $0x18080, s4;
	v55 =	vadd.f32 v9, v8;
	v2 =	vld [tilespmem:s4+$0xA980]  }
0x254: {  	s7 =	sor.u32 $0x18200, s4;
	s9 =	sor.u32 s0, s3;
	v61 =	vadd.f32 v15, v14;
	[tilespmem:s2+$0x0] =	vst.add.f32.msk $0xffff, v4  }
0x255: {  	s10 =	sor.u32 $0x380, s9;
	v62 =	vadd.f32 v19, v18;
	[tilespmem:s7+$0x0] =	vst.add.f32.msk $0xffff, v55  }
0x256: {  	[tilespmem:s10+$0x18000] =	vst.add.f32.msk $0xffff, v61;
	v1 =	vadd.f32 v1, v6  }
0x257: {  	s5 =	sor.u32 $0x18100, s4;
	[tilespmem:s4+$0x19880] =	vst.add.f32.msk $0xffff, v62  }
0x258: {  	v0 =	vadd.f32 v7, v0;
	[tilespmem:s5+$0x0] =	vst.add.f32.msk $0xffff, v1  }
0x259: {  	s6 =	sor.u32 $0x18180, s4;
	v3 =	vadd.f32 v3, v20;
	v1 =	vld [tilespmem:s4+$0xAA00]  }
0x25a: {  	[tilespmem:s6+$0x0] =	vst.add.f32.msk $0xffff, v0;
	v0 =	vadd.f32 v11, v10  }
0x25b: {  	s8 =	sor.u32 $0x18280, s4;
	v59 =	vadd.f32 v13, v12;
	[tilespmem:s4+$0x19900] =	vst.add.f32.msk $0xffff, v3  }
0x25c: {  	s5 =	sor.u32 $0x18300, s4;
	[tilespmem:s8+$0x0] =	vst.add.f32.msk $0xffff, v0;
	v0 =	vadd.f32 v17, v16  }
0x25d: {  	v63 =	vadd.f32 v2, v21;
	[tilespmem:s5+$0x0] =	vst.add.f32.msk $0xffff, v59  }
0x25e: {  	[tilespmem:s4+$0x19800] =	vst.add.f32.msk $0xffff, v0;
	v0 =	vadd.f32 v1, v54  }
0x25f: {  	v2 =	vadd.f32 v60, v58;
	[tilespmem:s4+$0x19980] =	vst.add.f32.msk $0xffff, v63;
	v1 =	vadd.f32 v57, v56  }
.LBB2_12:
0x260: {  	s3 =	sadd.s32 $0x10, s3;
	[tilespmem:s4+$0x19A00] =	vst.add.f32.msk $0xffff, v0;
	s0 =	sadd.s32 $0x80, s0  }
0x261: {  	s2 =	sand.u32 $0x70, s3;
	s5 =	sand.u32 $0x1C00, s0;
	s1 =	sor.u32 s0, s3;
	[tilespmem:s4+$0x19A80] =	vst.add.f32.msk $0xffff, v1  }
0x262: {  	p1 =	slt.u32 s3, $0x2F0;
	s1 =	sor.u32 $0x380, s1;
	[tilespmem:s4+$0x19B00] =	vst.add.f32.msk $0xffff, v2;
	s4 =	sor.u32 s2, s5  }
0x263: {  	s10 =	sor.u32 $0x18000, s4;
	s9 =	sor.u32 $0x18080, s4;
	s7 =	sor.u32 $0x18100, s4;
	v0 =	vld [tilespmem:s4+$0x7B80]  }
0x264: {  	s8 =	sor.u32 $0x18180, s4;
	s5 =	sor.u32 $0x18200, s4;
	s2 =	sor.u32 $0x18280, s4;
	v1 =	vld [tilespmem:s4+$0xAB80]  }
0x265: {  	s6 =	sor.u32 $0x18300, s4;
	v2 =	vld [tilespmem:s4+$0x6000]  }
0x266: {  	v3 =	vld [tilespmem:s4+$0x9000]  }
0x267: {  	v4 =	vld [tilespmem:s4+$0x6080]  }
0x268: {  	v5 =	vld [tilespmem:s4+$0x9080]  }
0x269: {  	v6 =	vld [tilespmem:s4+$0x6100];
	v0 =	vadd.f32 v1, v0  }
0x26a: {  	v1 =	vld [tilespmem:s4+$0x9100]  }
0x26b: {  	v2 =	vadd.f32 v3, v2;
	[tilespmem:s4+$0x19B80] =	vst.add.f32.msk $0xffff, v0  }
0x26c: {  	v0 =	vld [tilespmem:s4+$0x6180]  }
0x26d: {  	v3 =	vadd.f32 v5, v4;
	v4 =	vld [tilespmem:s4+$0x9180]  }
0x26e: {  	v5 =	vld [tilespmem:s4+$0x6200]  }
0x26f: {  	v1 =	vadd.f32 v1, v6;
	v6 =	vld [tilespmem:s4+$0x9200]  }
0x270: {  	v7 =	vld [tilespmem:s4+$0x6280]  }
0x271: {  	v8 =	vld [tilespmem:s4+$0x9280]  }
0x272: {  	v4 =	vadd.f32 v4, v0;
	v0 =	vld [tilespmem:s4+$0x6300]  }
0x273: {  	v9 =	vld [tilespmem:s4+$0x9300]  }
0x274: {  	v5 =	vadd.f32 v6, v5;
	v6 =	vld [tilespmem:s4+$0x6380]  }
0x275: {  	v10 =	vld [tilespmem:s4+$0x9380]  }
0x276: {  	v7 =	vadd.f32 v8, v7;
	v8 =	vld [tilespmem:s4+$0x7800]  }
0x277: {  	v11 =	vld [tilespmem:s4+$0xA800]  }
0x278: {  	v9 =	vadd.f32 v9, v0;
	v0 =	vld [tilespmem:s4+$0x7880]  }
0x279: {  	v12 =	vld [tilespmem:s4+$0xA880]  }
0x27a: {  	v6 =	vadd.f32 v10, v6;
	v10 =	vld [tilespmem:s4+$0x7900]  }
0x27b: {  	v13 =	vld [tilespmem:s4+$0xA900]  }
0x27c: {  	v8 =	vadd.f32 v11, v8;
	v11 =	vld [tilespmem:s4+$0x7980]  }
0x27d: {  	v14 =	vld [tilespmem:s4+$0xA980]  }
0x27e: {  	v12 =	vadd.f32 v12, v0;
	v0 =	vld [tilespmem:s4+$0x7A00]  }
0x27f: {  	v15 =	vld [tilespmem:s4+$0xAA00]  }
0x280: {  	v10 =	vadd.f32 v13, v10;
	v13 =	vld [tilespmem:s4+$0x7A80]  }
0x281: {  	v16 =	vld [tilespmem:s4+$0xAA80]  }
0x282: {  	v11 =	vadd.f32 v14, v11;
	v14 =	vld [tilespmem:s4+$0x7B00]  }
0x283: {  	v17 =	vld [tilespmem:s4+$0xAB00]  }
0x284: {  	[tilespmem:s10+$0x0] =	vst.add.f32.msk $0xffff, v2;
	v0 =	vadd.f32 v15, v0  }
0x285: {  	[tilespmem:s9+$0x0] =	vst.add.f32.msk $0xffff, v3  }
0x286: {  	[tilespmem:s7+$0x0] =	vst.add.f32.msk $0xffff, v1;
	v1 =	vadd.f32 v16, v13  }
0x287: {  	[tilespmem:s8+$0x0] =	vst.add.f32.msk $0xffff, v4  }
0x288: {  	[tilespmem:s5+$0x0] =	vst.add.f32.msk $0xffff, v5;
	v2 =	vadd.f32 v17, v14  }
0x289: {  	[tilespmem:s2+$0x0] =	vst.add.f32.msk $0xffff, v7  }
0x28a: {  	[tilespmem:s6+$0x0] =	vst.add.f32.msk $0xffff, v9  }
.Ltmp7:
0x28b: {  	[tilespmem:s1+$0x18000] =	vst.add.f32.msk $0xffff, v6;
	(pc) =	sbr.rel @p1 .LBB2_12-.Ltmp7, $4  }
0x28c: {  	[tilespmem:s4+$0x19800] =	vst.add.f32.msk $0xffff, v8  }
0x28d: {  	[tilespmem:s4+$0x19880] =	vst.add.f32.msk $0xffff, v12  }
0x28e: {  	[tilespmem:s4+$0x19900] =	vst.add.f32.msk $0xffff, v10  }
0x28f: {  	[tilespmem:s4+$0x19980] =	vst.add.f32.msk $0xffff, v11  }
0x290: {  	[tilespmem:s4+$0x19A00] =	vst.add.f32.msk $0xffff, v0  }
0x291: {  	[tilespmem:s4+$0x19A80] =	vst.add.f32.msk $0xffff, v1  }
0x292: {  	[tilespmem:s4+$0x19B00] =	vst.add.f32.msk $0xffff, v2;
	s0 =	simm.s32 $0x0;
	s10 =	simm.s32 $0x3  }
0x293: {  	[tilespmem:s0], [sflag:$0x1] =	stream.linear.gather [hbm4b:s20+s0], $0x6000, $0x38;
	[tilespmem:$0x1E000] =	vst v63  }
0x294: {  	s3 =	simm.s32 $0x0;
	_ =	swait.ge [sflag:s10], $0x6000  }
0x295: {  	s1 =	sand.u32 $0x70, s3;
	s2 =	sand.u32 $0x1C00, s0;
	[sflag:s10] =	ssyncset.done $0x0  }
0x296: {  	s4 =	sor.u32 s1, s2;
	[sflag:s10] =	ssyncadd.s32 $0xFFFFA000  }
0x297: {  	v0 =	vld [tilespmem:s4+$0xDB80]  }
0x298: {  	v1 =	vld [tilespmem:s4+$0x10B80]  }
0x299: {  	v2 =	vld [tilespmem:s4+$0xC000]  }
0x29a: {  	v3 =	vld [tilespmem:s4+$0xF000]  }
0x29b: {  	v4 =	vld [tilespmem:s4+$0xC080]  }
0x29c: {  	v5 =	vld [tilespmem:s4+$0xF080]  }
0x29d: {  	v6 =	vld [tilespmem:s4+$0xC100]  }
0x29e: {  	v7 =	vld [tilespmem:s4+$0xF180]  }
0x29f: {  	v8 =	vld [tilespmem:s4+$0xC200]  }
0x2a0: {  	v9 =	vld [tilespmem:s4+$0xF200]  }
0x2a1: {  	v10 =	vld [tilespmem:s4+$0xC280]  }
0x2a2: {  	v11 =	vld [tilespmem:s4+$0xF280]  }
0x2a3: {  	v12 =	vld [tilespmem:s4+$0xC300]  }
0x2a4: {  	v13 =	vld [tilespmem:s4+$0xF300]  }
0x2a5: {  	v14 =	vld [tilespmem:s4+$0xC380]  }
0x2a6: {  	v15 =	vld [tilespmem:s4+$0xF380]  }
0x2a7: {  	v16 =	vld [tilespmem:s4+$0xD800]  }
0x2a8: {  	v17 =	vld [tilespmem:s4+$0x10800]  }
0x2a9: {  	v18 =	vld [tilespmem:s4+$0xD880]  }
0x2aa: {  	v19 =	vld [tilespmem:s4+$0x10880]  }
0x2ab: {  	v20 =	vld [tilespmem:s4+$0xD900]  }
0x2ac: {  	v21 =	vld [tilespmem:s4+$0xD980]  }
0x2ad: {  	v54 =	vld [tilespmem:s4+$0xDA00]  }
0x2ae: {  	v56 =	vld [tilespmem:s4+$0xDA80]  }
0x2af: {  	v57 =	vld [tilespmem:s4+$0x10A80]  }
0x2b0: {  	v58 =	vld [tilespmem:s4+$0xDB00]  }
0x2b1: {  	v60 =	vld [tilespmem:s4+$0x10B00]  }
0x2b2: {  	v0 =	vadd.f32 v1, v0;
	v1 =	vld [tilespmem:s4+$0xF100]  }
0x2b3: {  	v2 =	vadd.f32 v3, v2;
	v3 =	vld [tilespmem:s4+$0x10900]  }
0x2b4: {  	[tilespmem:s4+$0x19B80] =	vst.add.f32.msk $0xffff, v0  }
0x2b5: {  	s1 =	sor.u32 $0x18000, s4;
	v0 =	vld [tilespmem:s4+$0xC180]  }
0x2b6: {  	v4 =	vadd.f32 v5, v4;
	[tilespmem:s1+$0x0] =	vst.add.f32.msk $0xffff, v2  }
0x2b7: {  	s2 =	sor.u32 $0x18080, s4;
	v55 =	vadd.f32 v9, v8;
	v2 =	vld [tilespmem:s4+$0x10980]  }
0x2b8: {  	s9 =	sor.u32 s0, s3;
	s7 =	sor.u32 $0x18200, s4;
	v61 =	vadd.f32 v15, v14;
	[tilespmem:s2+$0x0] =	vst.add.f32.msk $0xffff, v4  }
0x2b9: {  	s10 =	sor.u32 $0x380, s9;
	v62 =	vadd.f32 v19, v18;
	[tilespmem:s7+$0x0] =	vst.add.f32.msk $0xffff, v55  }
0x2ba: {  	[tilespmem:s10+$0x18000] =	vst.add.f32.msk $0xffff, v61;
	v1 =	vadd.f32 v1, v6  }
0x2bb: {  	s5 =	sor.u32 $0x18100, s4;
	[tilespmem:s4+$0x19880] =	vst.add.f32.msk $0xffff, v62  }
0x2bc: {  	v0 =	vadd.f32 v7, v0;
	[tilespmem:s5+$0x0] =	vst.add.f32.msk $0xffff, v1  }
0x2bd: {  	s6 =	sor.u32 $0x18180, s4;
	v3 =	vadd.f32 v3, v20;
	v1 =	vld [tilespmem:s4+$0x10A00]  }
0x2be: {  	[tilespmem:s6+$0x0] =	vst.add.f32.msk $0xffff, v0;
	v0 =	vadd.f32 v11, v10  }
0x2bf: {  	s8 =	sor.u32 $0x18280, s4;
	v59 =	vadd.f32 v13, v12;
	[tilespmem:s4+$0x19900] =	vst.add.f32.msk $0xffff, v3  }
0x2c0: {  	s5 =	sor.u32 $0x18300, s4;
	[tilespmem:s8+$0x0] =	vst.add.f32.msk $0xffff, v0;
	v0 =	vadd.f32 v17, v16  }
0x2c1: {  	v63 =	vadd.f32 v2, v21;
	[tilespmem:s5+$0x0] =	vst.add.f32.msk $0xffff, v59  }
0x2c2: {  	[tilespmem:s4+$0x19800] =	vst.add.f32.msk $0xffff, v0;
	v0 =	vadd.f32 v1, v54  }
0x2c3: {  	v2 =	vadd.f32 v60, v58;
	[tilespmem:s4+$0x19980] =	vst.add.f32.msk $0xffff, v63;
	v1 =	vadd.f32 v57, v56  }
.LBB2_14:
0x2c4: {  	s3 =	sadd.s32 $0x10, s3;
	[tilespmem:s4+$0x19A00] =	vst.add.f32.msk $0xffff, v0;
	s0 =	sadd.s32 $0x80, s0  }
0x2c5: {  	s2 =	sand.u32 $0x70, s3;
	s5 =	sand.u32 $0x1C00, s0;
	s1 =	sor.u32 s0, s3;
	[tilespmem:s4+$0x19A80] =	vst.add.f32.msk $0xffff, v1  }
0x2c6: {  	p1 =	slt.u32 s3, $0x2F0;
	s1 =	sor.u32 $0x380, s1;
	[tilespmem:s4+$0x19B00] =	vst.add.f32.msk $0xffff, v2;
	s4 =	sor.u32 s2, s5  }
0x2c7: {  	s10 =	sor.u32 $0x18000, s4;
	s9 =	sor.u32 $0x18080, s4;
	s7 =	sor.u32 $0x18100, s4;
	v0 =	vld [tilespmem:s4+$0xDB80]  }
0x2c8: {  	s8 =	sor.u32 $0x18180, s4;
	s5 =	sor.u32 $0x18200, s4;
	s2 =	sor.u32 $0x18280, s4;
	v1 =	vld [tilespmem:s4+$0x10B80]  }
0x2c9: {  	s6 =	sor.u32 $0x18300, s4;
	v2 =	vld [tilespmem:s4+$0xC000]  }
0x2ca: {  	v3 =	vld [tilespmem:s4+$0xF000]  }
0x2cb: {  	v4 =	vld [tilespmem:s4+$0xC080]  }
0x2cc: {  	v5 =	vld [tilespmem:s4+$0xF080]  }
0x2cd: {  	v6 =	vld [tilespmem:s4+$0xC100];
	v0 =	vadd.f32 v1, v0  }
0x2ce: {  	v1 =	vld [tilespmem:s4+$0xF100]  }
0x2cf: {  	v2 =	vadd.f32 v3, v2;
	[tilespmem:s4+$0x19B80] =	vst.add.f32.msk $0xffff, v0  }
0x2d0: {  	v0 =	vld [tilespmem:s4+$0xC180]  }
0x2d1: {  	v3 =	vadd.f32 v5, v4;
	v4 =	vld [tilespmem:s4+$0xF180]  }
0x2d2: {  	v5 =	vld [tilespmem:s4+$0xC200]  }
0x2d3: {  	v1 =	vadd.f32 v1, v6;
	v6 =	vld [tilespmem:s4+$0xF200]  }
0x2d4: {  	v7 =	vld [tilespmem:s4+$0xC280]  }
0x2d5: {  	v8 =	vld [tilespmem:s4+$0xF280]  }
0x2d6: {  	v4 =	vadd.f32 v4, v0;
	v0 =	vld [tilespmem:s4+$0xC300]  }
0x2d7: {  	v9 =	vld [tilespmem:s4+$0xF300]  }
0x2d8: {  	v5 =	vadd.f32 v6, v5;
	v6 =	vld [tilespmem:s4+$0xC380]  }
0x2d9: {  	v10 =	vld [tilespmem:s4+$0xF380]  }
0x2da: {  	v7 =	vadd.f32 v8, v7;
	v8 =	vld [tilespmem:s4+$0xD800]  }
0x2db: {  	v11 =	vld [tilespmem:s4+$0x10800]  }
0x2dc: {  	v9 =	vadd.f32 v9, v0;
	v0 =	vld [tilespmem:s4+$0xD880]  }
0x2dd: {  	v12 =	vld [tilespmem:s4+$0x10880]  }
0x2de: {  	v6 =	vadd.f32 v10, v6;
	v10 =	vld [tilespmem:s4+$0xD900]  }
0x2df: {  	v13 =	vld [tilespmem:s4+$0x10900]  }
0x2e0: {  	v8 =	vadd.f32 v11, v8;
	v11 =	vld [tilespmem:s4+$0xD980]  }
0x2e1: {  	v14 =	vld [tilespmem:s4+$0x10980]  }
0x2e2: {  	v12 =	vadd.f32 v12, v0;
	v0 =	vld [tilespmem:s4+$0xDA00]  }
0x2e3: {  	v15 =	vld [tilespmem:s4+$0x10A00]  }
0x2e4: {  	v10 =	vadd.f32 v13, v10;
	v13 =	vld [tilespmem:s4+$0xDA80]  }
0x2e5: {  	v16 =	vld [tilespmem:s4+$0x10A80]  }
0x2e6: {  	v11 =	vadd.f32 v14, v11;
	v14 =	vld [tilespmem:s4+$0xDB00]  }
0x2e7: {  	v17 =	vld [tilespmem:s4+$0x10B00]  }
0x2e8: {  	[tilespmem:s10+$0x0] =	vst.add.f32.msk $0xffff, v2;
	v0 =	vadd.f32 v15, v0  }
0x2e9: {  	[tilespmem:s9+$0x0] =	vst.add.f32.msk $0xffff, v3  }
0x2ea: {  	[tilespmem:s7+$0x0] =	vst.add.f32.msk $0xffff, v1;
	v1 =	vadd.f32 v16, v13  }
0x2eb: {  	[tilespmem:s8+$0x0] =	vst.add.f32.msk $0xffff, v4  }
0x2ec: {  	[tilespmem:s5+$0x0] =	vst.add.f32.msk $0xffff, v5;
	v2 =	vadd.f32 v17, v14  }
0x2ed: {  	[tilespmem:s2+$0x0] =	vst.add.f32.msk $0xffff, v7  }
0x2ee: {  	[tilespmem:s6+$0x0] =	vst.add.f32.msk $0xffff, v9  }
.Ltmp8:
0x2ef: {  	[tilespmem:s1+$0x18000] =	vst.add.f32.msk $0xffff, v6;
	(pc) =	sbr.rel @p1 .LBB2_14-.Ltmp8, $4  }
0x2f0: {  	[tilespmem:s4+$0x19800] =	vst.add.f32.msk $0xffff, v8  }
0x2f1: {  	[tilespmem:s4+$0x19880] =	vst.add.f32.msk $0xffff, v12  }
0x2f2: {  	[tilespmem:s4+$0x19900] =	vst.add.f32.msk $0xffff, v10  }
0x2f3: {  	[tilespmem:s4+$0x19980] =	vst.add.f32.msk $0xffff, v11  }
0x2f4: {  	[tilespmem:s4+$0x19A00] =	vst.add.f32.msk $0xffff, v0  }
0x2f5: {  	[tilespmem:s4+$0x19A80] =	vst.add.f32.msk $0xffff, v1  }
0x2f6: {  	[tilespmem:s4+$0x19B00] =	vst.add.f32.msk $0xffff, v2;
	s0 =	simm.s32 $0x0;
	s10 =	simm.s32 $0x4  }
0x2f7: {  	[tilespmem:s30], [sflag:$0x2] =	stream.linear.gather [hbm4b:s21+s0], $0x6000, $0x38;
	[tilespmem:$0x1E000] =	vst v63  }
0x2f8: {  	s3 =	simm.s32 $0x0;
	_ =	swait.ge [sflag:s10], $0x6000  }
0x2f9: {  	s1 =	sand.u32 $0x70, s3;
	s2 =	sand.u32 $0x1C00, s0;
	[sflag:s10] =	ssyncset.done $0x0  }
0x2fa: {  	s4 =	sor.u32 s1, s2;
	[sflag:s10] =	ssyncadd.s32 $0xFFFFA000  }
0x2fb: {  	v0 =	vld [tilespmem:s4+$0x13B80]  }
0x2fc: {  	v1 =	vld [tilespmem:s4+$0x16B80]  }
0x2fd: {  	v2 =	vld [tilespmem:s4+$0x12000]  }
0x2fe: {  	v3 =	vld [tilespmem:s4+$0x15000]  }
0x2ff: {  	v4 =	vld [tilespmem:s4+$0x12080]  }
0x300: {  	v5 =	vld [tilespmem:s4+$0x15080]  }
0x301: {  	v6 =	vld [tilespmem:s4+$0x12100]  }
0x302: {  	v7 =	vld [tilespmem:s4+$0x15180]  }
0x303: {  	v8 =	vld [tilespmem:s4+$0x12200]  }
0x304: {  	v9 =	vld [tilespmem:s4+$0x15200]  }
0x305: {  	v10 =	vld [tilespmem:s4+$0x12280]  }
0x306: {  	v11 =	vld [tilespmem:s4+$0x15280]  }
0x307: {  	v12 =	vld [tilespmem:s4+$0x12300]  }
0x308: {  	v13 =	vld [tilespmem:s4+$0x15300]  }
0x309: {  	v14 =	vld [tilespmem:s4+$0x12380]  }
0x30a: {  	v15 =	vld [tilespmem:s4+$0x15380]  }
0x30b: {  	v16 =	vld [tilespmem:s4+$0x13800]  }
0x30c: {  	v17 =	vld [tilespmem:s4+$0x16800]  }
0x30d: {  	v18 =	vld [tilespmem:s4+$0x13880]  }
0x30e: {  	v19 =	vld [tilespmem:s4+$0x16880]  }
0x30f: {  	v20 =	vld [tilespmem:s4+$0x13900]  }
0x310: {  	v21 =	vld [tilespmem:s4+$0x13980]  }
0x311: {  	v54 =	vld [tilespmem:s4+$0x13A00]  }
0x312: {  	v56 =	vld [tilespmem:s4+$0x13A80]  }
0x313: {  	v57 =	vld [tilespmem:s4+$0x16A80]  }
0x314: {  	v58 =	vld [tilespmem:s4+$0x13B00]  }
0x315: {  	v60 =	vld [tilespmem:s4+$0x16B00]  }
0x316: {  	v0 =	vadd.f32 v1, v0;
	v1 =	vld [tilespmem:s4+$0x15100]  }
0x317: {  	v2 =	vadd.f32 v3, v2;
	v3 =	vld [tilespmem:s4+$0x16900]  }
0x318: {  	[tilespmem:s4+$0x19B80] =	vst.add.f32.msk $0xffff, v0  }
0x319: {  	s1 =	sor.u32 $0x18000, s4;
	v0 =	vld [tilespmem:s4+$0x12180]  }
0x31a: {  	v4 =	vadd.f32 v5, v4;
	[tilespmem:s1+$0x0] =	vst.add.f32.msk $0xffff, v2  }
0x31b: {  	s2 =	sor.u32 $0x18080, s4;
	v55 =	vadd.f32 v9, v8;
	v2 =	vld [tilespmem:s4+$0x16980]  }
0x31c: {  	s9 =	sor.u32 s0, s3;
	s7 =	sor.u32 $0x18200, s4;
	v61 =	vadd.f32 v15, v14;
	[tilespmem:s2+$0x0] =	vst.add.f32.msk $0xffff, v4  }
0x31d: {  	s10 =	sor.u32 $0x380, s9;
	v62 =	vadd.f32 v19, v18;
	[tilespmem:s7+$0x0] =	vst.add.f32.msk $0xffff, v55  }
0x31e: {  	[tilespmem:s10+$0x18000] =	vst.add.f32.msk $0xffff, v61;
	v1 =	vadd.f32 v1, v6  }
0x31f: {  	s5 =	sor.u32 $0x18100, s4;
	[tilespmem:s4+$0x19880] =	vst.add.f32.msk $0xffff, v62  }
0x320: {  	v0 =	vadd.f32 v7, v0;
	[tilespmem:s5+$0x0] =	vst.add.f32.msk $0xffff, v1  }
0x321: {  	s6 =	sor.u32 $0x18180, s4;
	v3 =	vadd.f32 v3, v20;
	v1 =	vld [tilespmem:s4+$0x16A00]  }
0x322: {  	[tilespmem:s6+$0x0] =	vst.add.f32.msk $0xffff, v0;
	v0 =	vadd.f32 v11, v10  }
0x323: {  	s8 =	sor.u32 $0x18280, s4;
	v59 =	vadd.f32 v13, v12;
	[tilespmem:s4+$0x19900] =	vst.add.f32.msk $0xffff, v3  }
0x324: {  	s5 =	sor.u32 $0x18300, s4;
	[tilespmem:s8+$0x0] =	vst.add.f32.msk $0xffff, v0;
	v0 =	vadd.f32 v17, v16  }
0x325: {  	v63 =	vadd.f32 v2, v21;
	[tilespmem:s5+$0x0] =	vst.add.f32.msk $0xffff, v59  }
0x326: {  	[tilespmem:s4+$0x19800] =	vst.add.f32.msk $0xffff, v0;
	v0 =	vadd.f32 v1, v54  }
0x327: {  	v2 =	vadd.f32 v60, v58;
	[tilespmem:s4+$0x19980] =	vst.add.f32.msk $0xffff, v63;
	v1 =	vadd.f32 v57, v56  }
.LBB2_16:
0x328: {  	s3 =	sadd.s32 $0x10, s3;
	[tilespmem:s4+$0x19A00] =	vst.add.f32.msk $0xffff, v0;
	s0 =	sadd.s32 $0x80, s0  }
0x329: {  	s2 =	sand.u32 $0x70, s3;
	s5 =	sand.u32 $0x1C00, s0;
	s1 =	sor.u32 s0, s3;
	[tilespmem:s4+$0x19A80] =	vst.add.f32.msk $0xffff, v1  }
0x32a: {  	p1 =	slt.u32 s3, $0x2F0;
	s1 =	sor.u32 $0x380, s1;
	[tilespmem:s4+$0x19B00] =	vst.add.f32.msk $0xffff, v2;
	s4 =	sor.u32 s2, s5  }
0x32b: {  	s10 =	sor.u32 $0x18000, s4;
	s9 =	sor.u32 $0x18080, s4;
	s7 =	sor.u32 $0x18100, s4;
	v0 =	vld [tilespmem:s4+$0x13B80]  }
0x32c: {  	s8 =	sor.u32 $0x18180, s4;
	s5 =	sor.u32 $0x18200, s4;
	s2 =	sor.u32 $0x18280, s4;
	v1 =	vld [tilespmem:s4+$0x16B80]  }
0x32d: {  	s6 =	sor.u32 $0x18300, s4;
	v2 =	vld [tilespmem:s4+$0x12000]  }
0x32e: {  	v3 =	vld [tilespmem:s4+$0x15000]  }
0x32f: {  	v4 =	vld [tilespmem:s4+$0x12080]  }
0x330: {  	v5 =	vld [tilespmem:s4+$0x15080]  }
0x331: {  	v6 =	vld [tilespmem:s4+$0x12100];
	v0 =	vadd.f32 v1, v0  }
0x332: {  	v1 =	vld [tilespmem:s4+$0x15100]  }
0x333: {  	v2 =	vadd.f32 v3, v2;
	[tilespmem:s4+$0x19B80] =	vst.add.f32.msk $0xffff, v0  }
0x334: {  	v0 =	vld [tilespmem:s4+$0x12180]  }
0x335: {  	v3 =	vadd.f32 v5, v4;
	v4 =	vld [tilespmem:s4+$0x15180]  }
0x336: {  	v5 =	vld [tilespmem:s4+$0x12200]  }
0x337: {  	v1 =	vadd.f32 v1, v6;
	v6 =	vld [tilespmem:s4+$0x15200]  }
0x338: {  	v7 =	vld [tilespmem:s4+$0x12280]  }
0x339: {  	v8 =	vld [tilespmem:s4+$0x15280]  }
0x33a: {  	v4 =	vadd.f32 v4, v0;
	v0 =	vld [tilespmem:s4+$0x12300]  }
0x33b: {  	v9 =	vld [tilespmem:s4+$0x15300]  }
0x33c: {  	v5 =	vadd.f32 v6, v5;
	v6 =	vld [tilespmem:s4+$0x12380]  }
0x33d: {  	v10 =	vld [tilespmem:s4+$0x15380]  }
0x33e: {  	v7 =	vadd.f32 v8, v7;
	v8 =	vld [tilespmem:s4+$0x13800]  }
0x33f: {  	v11 =	vld [tilespmem:s4+$0x16800]  }
0x340: {  	v9 =	vadd.f32 v9, v0;
	v0 =	vld [tilespmem:s4+$0x13880]  }
0x341: {  	v12 =	vld [tilespmem:s4+$0x16880]  }
0x342: {  	v6 =	vadd.f32 v10, v6;
	v10 =	vld [tilespmem:s4+$0x13900]  }
0x343: {  	v13 =	vld [tilespmem:s4+$0x16900]  }
0x344: {  	v8 =	vadd.f32 v11, v8;
	v11 =	vld [tilespmem:s4+$0x13980]  }
0x345: {  	v14 =	vld [tilespmem:s4+$0x16980]  }
0x346: {  	v12 =	vadd.f32 v12, v0;
	v0 =	vld [tilespmem:s4+$0x13A00]  }
0x347: {  	v15 =	vld [tilespmem:s4+$0x16A00]  }
0x348: {  	v10 =	vadd.f32 v13, v10;
	v13 =	vld [tilespmem:s4+$0x13A80]  }
0x349: {  	v16 =	vld [tilespmem:s4+$0x16A80]  }
0x34a: {  	v11 =	vadd.f32 v14, v11;
	v14 =	vld [tilespmem:s4+$0x13B00]  }
0x34b: {  	v17 =	vld [tilespmem:s4+$0x16B00]  }
0x34c: {  	[tilespmem:s10+$0x0] =	vst.add.f32.msk $0xffff, v2;
	v0 =	vadd.f32 v15, v0  }
0x34d: {  	[tilespmem:s9+$0x0] =	vst.add.f32.msk $0xffff, v3  }
0x34e: {  	[tilespmem:s7+$0x0] =	vst.add.f32.msk $0xffff, v1;
	v1 =	vadd.f32 v16, v13  }
0x34f: {  	[tilespmem:s8+$0x0] =	vst.add.f32.msk $0xffff, v4  }
0x350: {  	[tilespmem:s5+$0x0] =	vst.add.f32.msk $0xffff, v5;
	v2 =	vadd.f32 v17, v14  }
0x351: {  	[tilespmem:s2+$0x0] =	vst.add.f32.msk $0xffff, v7  }
0x352: {  	[tilespmem:s6+$0x0] =	vst.add.f32.msk $0xffff, v9  }
.Ltmp9:
0x353: {  	[tilespmem:s1+$0x18000] =	vst.add.f32.msk $0xffff, v6;
	(pc) =	sbr.rel @p1 .LBB2_16-.Ltmp9, $4  }
0x354: {  	[tilespmem:s4+$0x19800] =	vst.add.f32.msk $0xffff, v8  }
0x355: {  	[tilespmem:s4+$0x19880] =	vst.add.f32.msk $0xffff, v12  }
0x356: {  	[tilespmem:s4+$0x19900] =	vst.add.f32.msk $0xffff, v10  }
0x357: {  	[tilespmem:s4+$0x19980] =	vst.add.f32.msk $0xffff, v11  }
0x358: {  	[tilespmem:s4+$0x19A00] =	vst.add.f32.msk $0xffff, v0  }
0x359: {  	[tilespmem:s4+$0x19A80] =	vst.add.f32.msk $0xffff, v1  }
0x35a: {  	[tilespmem:s4+$0x19B00] =	vst.add.f32.msk $0xffff, v2;
	s0 =	simm.s32 $0x0;
	s10 =	simm.s32 $0x1  }
0x35b: {  	[tilespmem:s31], [sflag:$0x3] =	stream.linear.gather [hbm4b:s22+s0], $0x6000, $0x38;
	[tilespmem:$0x1E000] =	vst v63  }
0x35c: {  	s3 =	simm.s32 $0x0;
	_ =	swait.ge [sflag:s10], $0x6000  }
0x35d: {  	s1 =	sand.u32 $0x70, s3;
	s2 =	sand.u32 $0x1C00, s0;
	[sflag:s10] =	ssyncset.done $0x0  }
0x35e: {  	s4 =	sor.u32 s1, s2;
	[sflag:s10] =	ssyncadd.s32 $0xFFFFA000  }
0x35f: {  	v0 =	vld [tilespmem:s4+$0x1B80]  }
0x360: {  	v1 =	vld [tilespmem:s4+$0x4B80]  }
0x361: {  	v2 =	vld [tilespmem:s4+$0x0]  }
0x362: {  	v3 =	vld [tilespmem:s4+$0x3000]  }
0x363: {  	v4 =	vld [tilespmem:s4+$0x80]  }
0x364: {  	v5 =	vld [tilespmem:s4+$0x3080]  }
0x365: {  	v6 =	vld [tilespmem:s4+$0x100]  }
0x366: {  	v7 =	vld [tilespmem:s4+$0x3180]  }
0x367: {  	v8 =	vld [tilespmem:s4+$0x200]  }
0x368: {  	v9 =	vld [tilespmem:s4+$0x3200]  }
0x369: {  	v10 =	vld [tilespmem:s4+$0x280]  }
0x36a: {  	v11 =	vld [tilespmem:s4+$0x3280]  }
0x36b: {  	s5 =	sor.u32 s0, s3;
	v12 =	vld [tilespmem:s4+$0x300]  }
0x36c: {  	s1 =	sor.u32 $0x380, s5;
	v13 =	vld [tilespmem:s4+$0x3300]  }
0x36d: {  	v14 =	vld [tilespmem:s1+$0x0]  }
0x36e: {  	v15 =	vld [tilespmem:s4+$0x3380]  }
0x36f: {  	v16 =	vld [tilespmem:s4+$0x1800]  }
0x370: {  	v17 =	vld [tilespmem:s4+$0x4800]  }
0x371: {  	v18 =	vld [tilespmem:s4+$0x1880]  }
0x372: {  	v19 =	vld [tilespmem:s4+$0x4880]  }
0x373: {  	v20 =	vld [tilespmem:s4+$0x1900]  }
0x374: {  	v21 =	vld [tilespmem:s4+$0x1980]  }
0x375: {  	v54 =	vld [tilespmem:s4+$0x1A00]  }
0x376: {  	v56 =	vld [tilespmem:s4+$0x1A80]  }
0x377: {  	v57 =	vld [tilespmem:s4+$0x4A80]  }
0x378: {  	v58 =	vld [tilespmem:s4+$0x1B00]  }
0x379: {  	v60 =	vld [tilespmem:s4+$0x4B00]  }
0x37a: {  	v0 =	vadd.f32 v1, v0;
	v1 =	vld [tilespmem:s4+$0x3100]  }
0x37b: {  	v2 =	vadd.f32 v3, v2;
	v3 =	vld [tilespmem:s4+$0x4900]  }
0x37c: {  	[tilespmem:s4+$0x19B80] =	vst.add.f32.msk $0xffff, v0  }
0x37d: {  	s2 =	sor.u32 $0x18000, s4;
	v0 =	vld [tilespmem:s4+$0x180]  }
0x37e: {  	v4 =	vadd.f32 v5, v4;
	[tilespmem:s2+$0x0] =	vst.add.f32.msk $0xffff, v2  }
0x37f: {  	s6 =	sor.u32 $0x18080, s4;
	v55 =	vadd.f32 v9, v8;
	v2 =	vld [tilespmem:s4+$0x4980]  }
0x380: {  	s9 =	sor.u32 $0x18200, s4;
	v59 =	vadd.f32 v13, v12;
	[tilespmem:s6+$0x0] =	vst.add.f32.msk $0xffff, v4  }
0x381: {  	s5 =	sor.u32 $0x18300, s4;
	v61 =	vadd.f32 v15, v14;
	[tilespmem:s9+$0x0] =	vst.add.f32.msk $0xffff, v55  }
0x382: {  	[tilespmem:s5+$0x0] =	vst.add.f32.msk $0xffff, v59;
	v1 =	vadd.f32 v1, v6  }
0x383: {  	s7 =	sor.u32 $0x18100, s4;
	[tilespmem:s1+$0x18000] =	vst.add.f32.msk $0xffff, v61  }
0x384: {  	v0 =	vadd.f32 v7, v0;
	[tilespmem:s7+$0x0] =	vst.add.f32.msk $0xffff, v1  }
0x385: {  	s8 =	sor.u32 $0x18180, s4;
	v62 =	vadd.f32 v19, v18;
	v1 =	vld [tilespmem:s4+$0x4A00]  }
0x386: {  	[tilespmem:s8+$0x0] =	vst.add.f32.msk $0xffff, v0;
	v0 =	vadd.f32 v11, v10  }
0x387: {  	s10 =	sor.u32 $0x18280, s4;
	[tilespmem:s4+$0x19880] =	vst.add.f32.msk $0xffff, v62;
	v3 =	vadd.f32 v3, v20  }
0x388: {  	[tilespmem:s10+$0x0] =	vst.add.f32.msk $0xffff, v0;
	v0 =	vadd.f32 v17, v16  }
0x389: {  	v63 =	vadd.f32 v2, v21;
	[tilespmem:s4+$0x19900] =	vst.add.f32.msk $0xffff, v3  }
0x38a: {  	[tilespmem:s4+$0x19800] =	vst.add.f32.msk $0xffff, v0;
	v0 =	vadd.f32 v1, v54  }
0x38b: {  	v2 =	vadd.f32 v60, v58;
	[tilespmem:s4+$0x19980] =	vst.add.f32.msk $0xffff, v63;
	v1 =	vadd.f32 v57, v56  }
.LBB2_18:
0x38c: {  	s3 =	sadd.s32 $0x10, s3;
	[tilespmem:s4+$0x19A00] =	vst.add.f32.msk $0xffff, v0;
	s0 =	sadd.s32 $0x80, s0  }
0x38d: {  	s2 =	sand.u32 $0x70, s3;
	s5 =	sand.u32 $0x1C00, s0;
	s1 =	sor.u32 s0, s3;
	[tilespmem:s4+$0x19A80] =	vst.add.f32.msk $0xffff, v1  }
0x38e: {  	p1 =	slt.u32 s3, $0x2F0;
	s1 =	sor.u32 $0x380, s1;
	[tilespmem:s4+$0x19B00] =	vst.add.f32.msk $0xffff, v2;
	s4 =	sor.u32 s2, s5  }
0x38f: {  	s10 =	sor.u32 $0x18000, s4;
	s9 =	sor.u32 $0x18080, s4;
	s7 =	sor.u32 $0x18100, s4;
	v0 =	vld [tilespmem:s4+$0x1B80]  }
0x390: {  	s8 =	sor.u32 $0x18180, s4;
	s5 =	sor.u32 $0x18200, s4;
	s2 =	sor.u32 $0x18280, s4;
	v1 =	vld [tilespmem:s4+$0x4B80]  }
0x391: {  	s6 =	sor.u32 $0x18300, s4;
	v2 =	vld [tilespmem:s4+$0x0]  }
0x392: {  	v3 =	vld [tilespmem:s4+$0x3000]  }
0x393: {  	v4 =	vld [tilespmem:s4+$0x80]  }
0x394: {  	v5 =	vld [tilespmem:s4+$0x3080]  }
0x395: {  	v6 =	vld [tilespmem:s4+$0x100];
	v0 =	vadd.f32 v1, v0  }
0x396: {  	v1 =	vld [tilespmem:s4+$0x3100]  }
0x397: {  	v2 =	vadd.f32 v3, v2;
	[tilespmem:s4+$0x19B80] =	vst.add.f32.msk $0xffff, v0  }
0x398: {  	v0 =	vld [tilespmem:s4+$0x180]  }
0x399: {  	v3 =	vadd.f32 v5, v4;
	v4 =	vld [tilespmem:s4+$0x3180]  }
0x39a: {  	v5 =	vld [tilespmem:s4+$0x200]  }
0x39b: {  	v1 =	vadd.f32 v1, v6;
	v6 =	vld [tilespmem:s4+$0x3200]  }
0x39c: {  	v7 =	vld [tilespmem:s4+$0x280]  }
0x39d: {  	v8 =	vld [tilespmem:s4+$0x3280]  }
0x39e: {  	v4 =	vadd.f32 v4, v0;
	v0 =	vld [tilespmem:s4+$0x300]  }
0x39f: {  	v9 =	vld [tilespmem:s4+$0x3300]  }
0x3a0: {  	v5 =	vadd.f32 v6, v5;
	v6 =	vld [tilespmem:s1+$0x0]  }
0x3a1: {  	v10 =	vld [tilespmem:s4+$0x3380]  }
0x3a2: {  	v7 =	vadd.f32 v8, v7;
	v8 =	vld [tilespmem:s4+$0x1800]  }
0x3a3: {  	v11 =	vld [tilespmem:s4+$0x4800]  }
0x3a4: {  	v9 =	vadd.f32 v9, v0;
	v0 =	vld [tilespmem:s4+$0x1880]  }
0x3a5: {  	v12 =	vld [tilespmem:s4+$0x4880]  }
0x3a6: {  	v6 =	vadd.f32 v10, v6;
	v10 =	vld [tilespmem:s4+$0x1900]  }
0x3a7: {  	v13 =	vld [tilespmem:s4+$0x4900]  }
0x3a8: {  	v8 =	vadd.f32 v11, v8;
	v11 =	vld [tilespmem:s4+$0x1980]  }
0x3a9: {  	v14 =	vld [tilespmem:s4+$0x4980]  }
0x3aa: {  	v12 =	vadd.f32 v12, v0;
	v0 =	vld [tilespmem:s4+$0x1A00]  }
0x3ab: {  	v15 =	vld [tilespmem:s4+$0x4A00]  }
0x3ac: {  	v10 =	vadd.f32 v13, v10;
	v13 =	vld [tilespmem:s4+$0x1A80]  }
0x3ad: {  	v16 =	vld [tilespmem:s4+$0x4A80]  }
0x3ae: {  	v11 =	vadd.f32 v14, v11;
	v14 =	vld [tilespmem:s4+$0x1B00]  }
0x3af: {  	v17 =	vld [tilespmem:s4+$0x4B00]  }
0x3b0: {  	[tilespmem:s10+$0x0] =	vst.add.f32.msk $0xffff, v2;
	v0 =	vadd.f32 v15, v0  }
0x3b1: {  	[tilespmem:s9+$0x0] =	vst.add.f32.msk $0xffff, v3  }
0x3b2: {  	[tilespmem:s7+$0x0] =	vst.add.f32.msk $0xffff, v1;
	v1 =	vadd.f32 v16, v13  }
0x3b3: {  	[tilespmem:s8+$0x0] =	vst.add.f32.msk $0xffff, v4  }
0x3b4: {  	[tilespmem:s5+$0x0] =	vst.add.f32.msk $0xffff, v5;
	v2 =	vadd.f32 v17, v14  }
0x3b5: {  	[tilespmem:s2+$0x0] =	vst.add.f32.msk $0xffff, v7  }
0x3b6: {  	[tilespmem:s6+$0x0] =	vst.add.f32.msk $0xffff, v9  }
.Ltmp10:
0x3b7: {  	[tilespmem:s1+$0x18000] =	vst.add.f32.msk $0xffff, v6;
	(pc) =	sbr.rel @p1 .LBB2_18-.Ltmp10, $4  }
0x3b8: {  	[tilespmem:s4+$0x19800] =	vst.add.f32.msk $0xffff, v8  }
0x3b9: {  	[tilespmem:s4+$0x19880] =	vst.add.f32.msk $0xffff, v12  }
0x3ba: {  	[tilespmem:s4+$0x19900] =	vst.add.f32.msk $0xffff, v10  }
0x3bb: {  	[tilespmem:s4+$0x19980] =	vst.add.f32.msk $0xffff, v11  }
0x3bc: {  	[tilespmem:s4+$0x19A00] =	vst.add.f32.msk $0xffff, v0  }
0x3bd: {  	[tilespmem:s4+$0x19A80] =	vst.add.f32.msk $0xffff, v1  }
0x3be: {  	[tilespmem:s4+$0x19B00] =	vst.add.f32.msk $0xffff, v2;
	s0 =	simm.s32 $0x0;
	s1 =	simm.s32 $0x12000;
	s9 =	simm.s32 $0x2  }
0x3bf: {  	[tilespmem:s1], [sflag:$0x4] =	stream.linear.gather [hbm4b:s23+s0], $0x6000, $0x38;
	[tilespmem:$0x1E000] =	vst v63  }
0x3c0: {  	s3 =	simm.s32 $0x0;
	_ =	swait.ge [sflag:s9], $0x6000  }
0x3c1: {  	s10 =	sand.u32 $0x70, s3;
	s2 =	sand.u32 $0x1C00, s0;
	[sflag:s9] =	ssyncset.done $0x0  }
0x3c2: {  	s4 =	sor.u32 s10, s2;
	[sflag:s9] =	ssyncadd.s32 $0xFFFFA000  }
0x3c3: {  	v0 =	vld [tilespmem:s4+$0x7B80]  }
0x3c4: {  	v1 =	vld [tilespmem:s4+$0xAB80]  }
0x3c5: {  	v2 =	vld [tilespmem:s4+$0x6000]  }
0x3c6: {  	v3 =	vld [tilespmem:s4+$0x9000]  }
0x3c7: {  	v4 =	vld [tilespmem:s4+$0x6080]  }
0x3c8: {  	v5 =	vld [tilespmem:s4+$0x9080]  }
0x3c9: {  	v6 =	vld [tilespmem:s4+$0x6100]  }
0x3ca: {  	v7 =	vld [tilespmem:s4+$0x9180]  }
0x3cb: {  	v8 =	vld [tilespmem:s4+$0x6200]  }
0x3cc: {  	v9 =	vld [tilespmem:s4+$0x9200]  }
0x3cd: {  	v10 =	vld [tilespmem:s4+$0x6280]  }
0x3ce: {  	v11 =	vld [tilespmem:s4+$0x9280]  }
0x3cf: {  	v12 =	vld [tilespmem:s4+$0x6300]  }
0x3d0: {  	v13 =	vld [tilespmem:s4+$0x9300]  }
0x3d1: {  	v14 =	vld [tilespmem:s4+$0x6380]  }
0x3d2: {  	v15 =	vld [tilespmem:s4+$0x9380]  }
0x3d3: {  	v16 =	vld [tilespmem:s4+$0x7800]  }
0x3d4: {  	v17 =	vld [tilespmem:s4+$0xA800]  }
0x3d5: {  	v18 =	vld [tilespmem:s4+$0x7880]  }
0x3d6: {  	v19 =	vld [tilespmem:s4+$0xA880]  }
0x3d7: {  	v20 =	vld [tilespmem:s4+$0x7900]  }
0x3d8: {  	v21 =	vld [tilespmem:s4+$0x7980]  }
0x3d9: {  	v54 =	vld [tilespmem:s4+$0x7A00]  }
0x3da: {  	v56 =	vld [tilespmem:s4+$0x7A80]  }
0x3db: {  	v57 =	vld [tilespmem:s4+$0xAA80]  }
0x3dc: {  	v58 =	vld [tilespmem:s4+$0x7B00]  }
0x3dd: {  	v60 =	vld [tilespmem:s4+$0xAB00]  }
0x3de: {  	v0 =	vadd.f32 v1, v0;
	v1 =	vld [tilespmem:s4+$0x9100]  }
0x3df: {  	v2 =	vadd.f32 v3, v2;
	v3 =	vld [tilespmem:s4+$0xA900]  }
0x3e0: {  	[tilespmem:s4+$0x19B80] =	vst.add.f32.msk $0xffff, v0  }
0x3e1: {  	s1 =	sor.u32 $0x18000, s4;
	v0 =	vld [tilespmem:s4+$0x6180]  }
0x3e2: {  	v4 =	vadd.f32 v5, v4;
	[tilespmem:s1+$0x0] =	vst.add.f32.msk $0xffff, v2  }
0x3e3: {  	s2 =	sor.u32 $0x18080, s4;
	v55 =	vadd.f32 v9, v8;
	v2 =	vld [tilespmem:s4+$0xA980]  }
0x3e4: {  	s7 =	sor.u32 $0x18200, s4;
	s9 =	sor.u32 s0, s3;
	v61 =	vadd.f32 v15, v14;
	[tilespmem:s2+$0x0] =	vst.add.f32.msk $0xffff, v4  }
0x3e5: {  	s10 =	sor.u32 $0x380, s9;
	v62 =	vadd.f32 v19, v18;
	[tilespmem:s7+$0x0] =	vst.add.f32.msk $0xffff, v55  }
0x3e6: {  	[tilespmem:s10+$0x18000] =	vst.add.f32.msk $0xffff, v61;
	v1 =	vadd.f32 v1, v6  }
0x3e7: {  	s5 =	sor.u32 $0x18100, s4;
	[tilespmem:s4+$0x19880] =	vst.add.f32.msk $0xffff, v62  }
0x3e8: {  	v0 =	vadd.f32 v7, v0;
	[tilespmem:s5+$0x0] =	vst.add.f32.msk $0xffff, v1  }
0x3e9: {  	s6 =	sor.u32 $0x18180, s4;
	v3 =	vadd.f32 v3, v20;
	v1 =	vld [tilespmem:s4+$0xAA00]  }
0x3ea: {  	[tilespmem:s6+$0x0] =	vst.add.f32.msk $0xffff, v0;
	v0 =	vadd.f32 v11, v10  }
0x3eb: {  	s8 =	sor.u32 $0x18280, s4;
	v59 =	vadd.f32 v13, v12;
	[tilespmem:s4+$0x19900] =	vst.add.f32.msk $0xffff, v3  }
0x3ec: {  	s5 =	sor.u32 $0x18300, s4;
	[tilespmem:s8+$0x0] =	vst.add.f32.msk $0xffff, v0;
	v0 =	vadd.f32 v17, v16  }
0x3ed: {  	v63 =	vadd.f32 v2, v21;
	[tilespmem:s5+$0x0] =	vst.add.f32.msk $0xffff, v59  }
0x3ee: {  	[tilespmem:s4+$0x19800] =	vst.add.f32.msk $0xffff, v0;
	v0 =	vadd.f32 v1, v54  }
0x3ef: {  	v2 =	vadd.f32 v60, v58;
	[tilespmem:s4+$0x19980] =	vst.add.f32.msk $0xffff, v63;
	v1 =	vadd.f32 v57, v56  }
.LBB2_20:
0x3f0: {  	s3 =	sadd.s32 $0x10, s3;
	[tilespmem:s4+$0x19A00] =	vst.add.f32.msk $0xffff, v0;
	s0 =	sadd.s32 $0x80, s0  }
0x3f1: {  	s2 =	sand.u32 $0x70, s3;
	s5 =	sand.u32 $0x1C00, s0;
	s1 =	sor.u32 s0, s3;
	[tilespmem:s4+$0x19A80] =	vst.add.f32.msk $0xffff, v1  }
0x3f2: {  	p1 =	slt.u32 s3, $0x2F0;
	s1 =	sor.u32 $0x380, s1;
	[tilespmem:s4+$0x19B00] =	vst.add.f32.msk $0xffff, v2;
	s4 =	sor.u32 s2, s5  }
0x3f3: {  	s10 =	sor.u32 $0x18000, s4;
	s9 =	sor.u32 $0x18080, s4;
	s7 =	sor.u32 $0x18100, s4;
	v0 =	vld [tilespmem:s4+$0x7B80]  }
0x3f4: {  	s8 =	sor.u32 $0x18180, s4;
	s5 =	sor.u32 $0x18200, s4;
	s2 =	sor.u32 $0x18280, s4;
	v1 =	vld [tilespmem:s4+$0xAB80]  }
0x3f5: {  	s6 =	sor.u32 $0x18300, s4;
	v2 =	vld [tilespmem:s4+$0x6000]  }
0x3f6: {  	v3 =	vld [tilespmem:s4+$0x9000]  }
0x3f7: {  	v4 =	vld [tilespmem:s4+$0x6080]  }
0x3f8: {  	v5 =	vld [tilespmem:s4+$0x9080]  }
0x3f9: {  	v6 =	vld [tilespmem:s4+$0x6100];
	v0 =	vadd.f32 v1, v0  }
0x3fa: {  	v1 =	vld [tilespmem:s4+$0x9100]  }
0x3fb: {  	v2 =	vadd.f32 v3, v2;
	[tilespmem:s4+$0x19B80] =	vst.add.f32.msk $0xffff, v0  }
0x3fc: {  	v0 =	vld [tilespmem:s4+$0x6180]  }
0x3fd: {  	v3 =	vadd.f32 v5, v4;
	v4 =	vld [tilespmem:s4+$0x9180]  }
0x3fe: {  	v5 =	vld [tilespmem:s4+$0x6200]  }
0x3ff: {  	v1 =	vadd.f32 v1, v6;
	v6 =	vld [tilespmem:s4+$0x9200]  }
0x400: {  	v7 =	vld [tilespmem:s4+$0x6280]  }
0x401: {  	v8 =	vld [tilespmem:s4+$0x9280]  }
0x402: {  	v4 =	vadd.f32 v4, v0;
	v0 =	vld [tilespmem:s4+$0x6300]  }
0x403: {  	v9 =	vld [tilespmem:s4+$0x9300]  }
0x404: {  	v5 =	vadd.f32 v6, v5;
	v6 =	vld [tilespmem:s4+$0x6380]  }
0x405: {  	v10 =	vld [tilespmem:s4+$0x9380]  }
0x406: {  	v7 =	vadd.f32 v8, v7;
	v8 =	vld [tilespmem:s4+$0x7800]  }
0x407: {  	v11 =	vld [tilespmem:s4+$0xA800]  }
0x408: {  	v9 =	vadd.f32 v9, v0;
	v0 =	vld [tilespmem:s4+$0x7880]  }
0x409: {  	v12 =	vld [tilespmem:s4+$0xA880]  }
0x40a: {  	v6 =	vadd.f32 v10, v6;
	v10 =	vld [tilespmem:s4+$0x7900]  }
0x40b: {  	v13 =	vld [tilespmem:s4+$0xA900]  }
0x40c: {  	v8 =	vadd.f32 v11, v8;
	v11 =	vld [tilespmem:s4+$0x7980]  }
0x40d: {  	v14 =	vld [tilespmem:s4+$0xA980]  }
0x40e: {  	v12 =	vadd.f32 v12, v0;
	v0 =	vld [tilespmem:s4+$0x7A00]  }
0x40f: {  	v15 =	vld [tilespmem:s4+$0xAA00]  }
0x410: {  	v10 =	vadd.f32 v13, v10;
	v13 =	vld [tilespmem:s4+$0x7A80]  }
0x411: {  	v16 =	vld [tilespmem:s4+$0xAA80]  }
0x412: {  	v11 =	vadd.f32 v14, v11;
	v14 =	vld [tilespmem:s4+$0x7B00]  }
0x413: {  	v17 =	vld [tilespmem:s4+$0xAB00]  }
0x414: {  	[tilespmem:s10+$0x0] =	vst.add.f32.msk $0xffff, v2;
	v0 =	vadd.f32 v15, v0  }
0x415: {  	[tilespmem:s9+$0x0] =	vst.add.f32.msk $0xffff, v3  }
0x416: {  	[tilespmem:s7+$0x0] =	vst.add.f32.msk $0xffff, v1;
	v1 =	vadd.f32 v16, v13  }
0x417: {  	[tilespmem:s8+$0x0] =	vst.add.f32.msk $0xffff, v4  }
0x418: {  	[tilespmem:s5+$0x0] =	vst.add.f32.msk $0xffff, v5;
	v2 =	vadd.f32 v17, v14  }
0x419: {  	[tilespmem:s2+$0x0] =	vst.add.f32.msk $0xffff, v7  }
0x41a: {  	[tilespmem:s6+$0x0] =	vst.add.f32.msk $0xffff, v9  }
.Ltmp11:
0x41b: {  	[tilespmem:s1+$0x18000] =	vst.add.f32.msk $0xffff, v6;
	(pc) =	sbr.rel @p1 .LBB2_20-.Ltmp11, $4  }
0x41c: {  	[tilespmem:s4+$0x19800] =	vst.add.f32.msk $0xffff, v8  }
0x41d: {  	[tilespmem:s4+$0x19880] =	vst.add.f32.msk $0xffff, v12  }
0x41e: {  	[tilespmem:s4+$0x19900] =	vst.add.f32.msk $0xffff, v10  }
0x41f: {  	[tilespmem:s4+$0x19980] =	vst.add.f32.msk $0xffff, v11  }
0x420: {  	[tilespmem:s4+$0x19A00] =	vst.add.f32.msk $0xffff, v0  }
0x421: {  	[tilespmem:s4+$0x19A80] =	vst.add.f32.msk $0xffff, v1  }
0x422: {  	[tilespmem:s4+$0x19B00] =	vst.add.f32.msk $0xffff, v2;
	s0 =	simm.s32 $0x0;
	s10 =	simm.s32 $0x3  }
0x423: {  	[tilespmem:s0], [sflag:$0x1] =	stream.linear.gather [hbm4b:s24+s0], $0x6000, $0x38;
	[tilespmem:$0x1E000] =	vst v63  }
0x424: {  	s3 =	simm.s32 $0x0;
	_ =	swait.ge [sflag:s10], $0x6000  }
0x425: {  	s1 =	sand.u32 $0x70, s3;
	s2 =	sand.u32 $0x1C00, s0;
	[sflag:s10] =	ssyncset.done $0x0  }
0x426: {  	s4 =	sor.u32 s1, s2;
	[sflag:s10] =	ssyncadd.s32 $0xFFFFA000  }
0x427: {  	v0 =	vld [tilespmem:s4+$0xDB80]  }
0x428: {  	v1 =	vld [tilespmem:s4+$0x10B80]  }
0x429: {  	v2 =	vld [tilespmem:s4+$0xC000]  }
0x42a: {  	v3 =	vld [tilespmem:s4+$0xF000]  }
0x42b: {  	v4 =	vld [tilespmem:s4+$0xC080]  }
0x42c: {  	v5 =	vld [tilespmem:s4+$0xF080]  }
0x42d: {  	v6 =	vld [tilespmem:s4+$0xC100]  }
0x42e: {  	v7 =	vld [tilespmem:s4+$0xF180]  }
0x42f: {  	v8 =	vld [tilespmem:s4+$0xC200]  }
0x430: {  	v9 =	vld [tilespmem:s4+$0xF200]  }
0x431: {  	v10 =	vld [tilespmem:s4+$0xC280]  }
0x432: {  	v11 =	vld [tilespmem:s4+$0xF280]  }
0x433: {  	v12 =	vld [tilespmem:s4+$0xC300]  }
0x434: {  	v13 =	vld [tilespmem:s4+$0xF300]  }
0x435: {  	v14 =	vld [tilespmem:s4+$0xC380]  }
0x436: {  	v15 =	vld [tilespmem:s4+$0xF380]  }
0x437: {  	v16 =	vld [tilespmem:s4+$0xD800]  }
0x438: {  	v17 =	vld [tilespmem:s4+$0x10800]  }
0x439: {  	v18 =	vld [tilespmem:s4+$0xD880]  }
0x43a: {  	v19 =	vld [tilespmem:s4+$0x10880]  }
0x43b: {  	v20 =	vld [tilespmem:s4+$0xD900]  }
0x43c: {  	v21 =	vld [tilespmem:s4+$0xD980]  }
0x43d: {  	v54 =	vld [tilespmem:s4+$0xDA00]  }
0x43e: {  	v56 =	vld [tilespmem:s4+$0xDA80]  }
0x43f: {  	v57 =	vld [tilespmem:s4+$0x10A80]  }
0x440: {  	v58 =	vld [tilespmem:s4+$0xDB00]  }
0x441: {  	v60 =	vld [tilespmem:s4+$0x10B00]  }
0x442: {  	v0 =	vadd.f32 v1, v0;
	v1 =	vld [tilespmem:s4+$0xF100]  }
0x443: {  	v2 =	vadd.f32 v3, v2;
	v3 =	vld [tilespmem:s4+$0x10900]  }
0x444: {  	[tilespmem:s4+$0x19B80] =	vst.add.f32.msk $0xffff, v0  }
0x445: {  	s1 =	sor.u32 $0x18000, s4;
	v0 =	vld [tilespmem:s4+$0xC180]  }
0x446: {  	v4 =	vadd.f32 v5, v4;
	[tilespmem:s1+$0x0] =	vst.add.f32.msk $0xffff, v2  }
0x447: {  	s2 =	sor.u32 $0x18080, s4;
	v55 =	vadd.f32 v9, v8;
	v2 =	vld [tilespmem:s4+$0x10980]  }
0x448: {  	s9 =	sor.u32 s0, s3;
	s7 =	sor.u32 $0x18200, s4;
	v61 =	vadd.f32 v15, v14;
	[tilespmem:s2+$0x0] =	vst.add.f32.msk $0xffff, v4  }
0x449: {  	s10 =	sor.u32 $0x380, s9;
	v62 =	vadd.f32 v19, v18;
	[tilespmem:s7+$0x0] =	vst.add.f32.msk $0xffff, v55  }
0x44a: {  	[tilespmem:s10+$0x18000] =	vst.add.f32.msk $0xffff, v61;
	v1 =	vadd.f32 v1, v6  }
0x44b: {  	s5 =	sor.u32 $0x18100, s4;
	[tilespmem:s4+$0x19880] =	vst.add.f32.msk $0xffff, v62  }
0x44c: {  	v0 =	vadd.f32 v7, v0;
	[tilespmem:s5+$0x0] =	vst.add.f32.msk $0xffff, v1  }
0x44d: {  	s6 =	sor.u32 $0x18180, s4;
	v3 =	vadd.f32 v3, v20;
	v1 =	vld [tilespmem:s4+$0x10A00]  }
0x44e: {  	[tilespmem:s6+$0x0] =	vst.add.f32.msk $0xffff, v0;
	v0 =	vadd.f32 v11, v10  }
0x44f: {  	s8 =	sor.u32 $0x18280, s4;
	v59 =	vadd.f32 v13, v12;
	[tilespmem:s4+$0x19900] =	vst.add.f32.msk $0xffff, v3  }
0x450: {  	s5 =	sor.u32 $0x18300, s4;
	[tilespmem:s8+$0x0] =	vst.add.f32.msk $0xffff, v0;
	v0 =	vadd.f32 v17, v16  }
0x451: {  	v63 =	vadd.f32 v2, v21;
	[tilespmem:s5+$0x0] =	vst.add.f32.msk $0xffff, v59  }
0x452: {  	[tilespmem:s4+$0x19800] =	vst.add.f32.msk $0xffff, v0;
	v0 =	vadd.f32 v1, v54  }
0x453: {  	v2 =	vadd.f32 v60, v58;
	[tilespmem:s4+$0x19980] =	vst.add.f32.msk $0xffff, v63;
	v1 =	vadd.f32 v57, v56  }
.LBB2_22:
0x454: {  	s3 =	sadd.s32 $0x10, s3;
	[tilespmem:s4+$0x19A00] =	vst.add.f32.msk $0xffff, v0;
	s0 =	sadd.s32 $0x80, s0  }
0x455: {  	s2 =	sand.u32 $0x70, s3;
	s5 =	sand.u32 $0x1C00, s0;
	s1 =	sor.u32 s0, s3;
	[tilespmem:s4+$0x19A80] =	vst.add.f32.msk $0xffff, v1  }
0x456: {  	p1 =	slt.u32 s3, $0x2F0;
	s1 =	sor.u32 $0x380, s1;
	[tilespmem:s4+$0x19B00] =	vst.add.f32.msk $0xffff, v2;
	s4 =	sor.u32 s2, s5  }
0x457: {  	s10 =	sor.u32 $0x18000, s4;
	s9 =	sor.u32 $0x18080, s4;
	s7 =	sor.u32 $0x18100, s4;
	v0 =	vld [tilespmem:s4+$0xDB80]  }
0x458: {  	s8 =	sor.u32 $0x18180, s4;
	s5 =	sor.u32 $0x18200, s4;
	s2 =	sor.u32 $0x18280, s4;
	v1 =	vld [tilespmem:s4+$0x10B80]  }
0x459: {  	s6 =	sor.u32 $0x18300, s4;
	v2 =	vld [tilespmem:s4+$0xC000]  }
0x45a: {  	v3 =	vld [tilespmem:s4+$0xF000]  }
0x45b: {  	v4 =	vld [tilespmem:s4+$0xC080]  }
0x45c: {  	v5 =	vld [tilespmem:s4+$0xF080]  }
0x45d: {  	v6 =	vld [tilespmem:s4+$0xC100];
	v0 =	vadd.f32 v1, v0  }
0x45e: {  	v1 =	vld [tilespmem:s4+$0xF100]  }
0x45f: {  	v2 =	vadd.f32 v3, v2;
	[tilespmem:s4+$0x19B80] =	vst.add.f32.msk $0xffff, v0  }
0x460: {  	v0 =	vld [tilespmem:s4+$0xC180]  }
0x461: {  	v3 =	vadd.f32 v5, v4;
	v4 =	vld [tilespmem:s4+$0xF180]  }
0x462: {  	v5 =	vld [tilespmem:s4+$0xC200]  }
0x463: {  	v1 =	vadd.f32 v1, v6;
	v6 =	vld [tilespmem:s4+$0xF200]  }
0x464: {  	v7 =	vld [tilespmem:s4+$0xC280]  }
0x465: {  	v8 =	vld [tilespmem:s4+$0xF280]  }
0x466: {  	v4 =	vadd.f32 v4, v0;
	v0 =	vld [tilespmem:s4+$0xC300]  }
0x467: {  	v9 =	vld [tilespmem:s4+$0xF300]  }
0x468: {  	v5 =	vadd.f32 v6, v5;
	v6 =	vld [tilespmem:s4+$0xC380]  }
0x469: {  	v10 =	vld [tilespmem:s4+$0xF380]  }
0x46a: {  	v7 =	vadd.f32 v8, v7;
	v8 =	vld [tilespmem:s4+$0xD800]  }
0x46b: {  	v11 =	vld [tilespmem:s4+$0x10800]  }
0x46c: {  	v9 =	vadd.f32 v9, v0;
	v0 =	vld [tilespmem:s4+$0xD880]  }
0x46d: {  	v12 =	vld [tilespmem:s4+$0x10880]  }
0x46e: {  	v6 =	vadd.f32 v10, v6;
	v10 =	vld [tilespmem:s4+$0xD900]  }
0x46f: {  	v13 =	vld [tilespmem:s4+$0x10900]  }
0x470: {  	v8 =	vadd.f32 v11, v8;
	v11 =	vld [tilespmem:s4+$0xD980]  }
0x471: {  	v14 =	vld [tilespmem:s4+$0x10980]  }
0x472: {  	v12 =	vadd.f32 v12, v0;
	v0 =	vld [tilespmem:s4+$0xDA00]  }
0x473: {  	v15 =	vld [tilespmem:s4+$0x10A00]  }
0x474: {  	v10 =	vadd.f32 v13, v10;
	v13 =	vld [tilespmem:s4+$0xDA80]  }
0x475: {  	v16 =	vld [tilespmem:s4+$0x10A80]  }
0x476: {  	v11 =	vadd.f32 v14, v11;
	v14 =	vld [tilespmem:s4+$0xDB00]  }
0x477: {  	v17 =	vld [tilespmem:s4+$0x10B00]  }
0x478: {  	[tilespmem:s10+$0x0] =	vst.add.f32.msk $0xffff, v2;
	v0 =	vadd.f32 v15, v0  }
0x479: {  	[tilespmem:s9+$0x0] =	vst.add.f32.msk $0xffff, v3  }
0x47a: {  	[tilespmem:s7+$0x0] =	vst.add.f32.msk $0xffff, v1;
	v1 =	vadd.f32 v16, v13  }
0x47b: {  	[tilespmem:s8+$0x0] =	vst.add.f32.msk $0xffff, v4  }
0x47c: {  	[tilespmem:s5+$0x0] =	vst.add.f32.msk $0xffff, v5;
	v2 =	vadd.f32 v17, v14  }
0x47d: {  	[tilespmem:s2+$0x0] =	vst.add.f32.msk $0xffff, v7  }
0x47e: {  	[tilespmem:s6+$0x0] =	vst.add.f32.msk $0xffff, v9  }
.Ltmp12:
0x47f: {  	[tilespmem:s1+$0x18000] =	vst.add.f32.msk $0xffff, v6;
	(pc) =	sbr.rel @p1 .LBB2_22-.Ltmp12, $4  }
0x480: {  	[tilespmem:s4+$0x19800] =	vst.add.f32.msk $0xffff, v8  }
0x481: {  	[tilespmem:s4+$0x19880] =	vst.add.f32.msk $0xffff, v12  }
0x482: {  	[tilespmem:s4+$0x19900] =	vst.add.f32.msk $0xffff, v10  }
0x483: {  	[tilespmem:s4+$0x19980] =	vst.add.f32.msk $0xffff, v11  }
0x484: {  	[tilespmem:s4+$0x19A00] =	vst.add.f32.msk $0xffff, v0  }
0x485: {  	[tilespmem:s4+$0x19A80] =	vst.add.f32.msk $0xffff, v1  }
0x486: {  	[tilespmem:s4+$0x19B00] =	vst.add.f32.msk $0xffff, v2;
	s0 =	simm.s32 $0x0;
	s10 =	simm.s32 $0x4  }
0x487: {  	[tilespmem:s30], [sflag:$0x2] =	stream.linear.gather [hbm4b:s25+s0], $0x6000, $0x38;
	[tilespmem:$0x1E000] =	vst v63  }
0x488: {  	s3 =	simm.s32 $0x0;
	_ =	swait.ge [sflag:s10], $0x6000  }
0x489: {  	s1 =	sand.u32 $0x70, s3;
	s2 =	sand.u32 $0x1C00, s0;
	[sflag:s10] =	ssyncset.done $0x0  }
0x48a: {  	s4 =	sor.u32 s1, s2;
	[sflag:s10] =	ssyncadd.s32 $0xFFFFA000  }
0x48b: {  	v0 =	vld [tilespmem:s4+$0x13B80]  }
0x48c: {  	v1 =	vld [tilespmem:s4+$0x16B80]  }
0x48d: {  	v2 =	vld [tilespmem:s4+$0x12000]  }
0x48e: {  	v3 =	vld [tilespmem:s4+$0x15000]  }
0x48f: {  	v4 =	vld [tilespmem:s4+$0x12080]  }
0x490: {  	v5 =	vld [tilespmem:s4+$0x15080]  }
0x491: {  	v6 =	vld [tilespmem:s4+$0x12100]  }
0x492: {  	v7 =	vld [tilespmem:s4+$0x15180]  }
0x493: {  	v8 =	vld [tilespmem:s4+$0x12200]  }
0x494: {  	v9 =	vld [tilespmem:s4+$0x15200]  }
0x495: {  	v10 =	vld [tilespmem:s4+$0x12280]  }
0x496: {  	v11 =	vld [tilespmem:s4+$0x15280]  }
0x497: {  	v12 =	vld [tilespmem:s4+$0x12300]  }
0x498: {  	v13 =	vld [tilespmem:s4+$0x15300]  }
0x499: {  	v14 =	vld [tilespmem:s4+$0x12380]  }
0x49a: {  	v15 =	vld [tilespmem:s4+$0x15380]  }
0x49b: {  	v16 =	vld [tilespmem:s4+$0x13800]  }
0x49c: {  	v17 =	vld [tilespmem:s4+$0x16800]  }
0x49d: {  	v18 =	vld [tilespmem:s4+$0x13880]  }
0x49e: {  	v19 =	vld [tilespmem:s4+$0x16880]  }
0x49f: {  	v20 =	vld [tilespmem:s4+$0x13900]  }
0x4a0: {  	v21 =	vld [tilespmem:s4+$0x13980]  }
0x4a1: {  	v54 =	vld [tilespmem:s4+$0x13A00]  }
0x4a2: {  	v56 =	vld [tilespmem:s4+$0x13A80]  }
0x4a3: {  	v57 =	vld [tilespmem:s4+$0x16A80]  }
0x4a4: {  	v58 =	vld [tilespmem:s4+$0x13B00]  }
0x4a5: {  	v60 =	vld [tilespmem:s4+$0x16B00]  }
0x4a6: {  	v0 =	vadd.f32 v1, v0;
	v1 =	vld [tilespmem:s4+$0x15100]  }
0x4a7: {  	v2 =	vadd.f32 v3, v2;
	v3 =	vld [tilespmem:s4+$0x16900]  }
0x4a8: {  	[tilespmem:s4+$0x19B80] =	vst.add.f32.msk $0xffff, v0  }
0x4a9: {  	s1 =	sor.u32 $0x18000, s4;
	v0 =	vld [tilespmem:s4+$0x12180]  }
0x4aa: {  	v4 =	vadd.f32 v5, v4;
	[tilespmem:s1+$0x0] =	vst.add.f32.msk $0xffff, v2  }
0x4ab: {  	s2 =	sor.u32 $0x18080, s4;
	v55 =	vadd.f32 v9, v8;
	v2 =	vld [tilespmem:s4+$0x16980]  }
0x4ac: {  	s9 =	sor.u32 s0, s3;
	s7 =	sor.u32 $0x18200, s4;
	v61 =	vadd.f32 v15, v14;
	[tilespmem:s2+$0x0] =	vst.add.f32.msk $0xffff, v4  }
0x4ad: {  	s10 =	sor.u32 $0x380, s9;
	v62 =	vadd.f32 v19, v18;
	[tilespmem:s7+$0x0] =	vst.add.f32.msk $0xffff, v55  }
0x4ae: {  	[tilespmem:s10+$0x18000] =	vst.add.f32.msk $0xffff, v61;
	v1 =	vadd.f32 v1, v6  }
0x4af: {  	s5 =	sor.u32 $0x18100, s4;
	[tilespmem:s4+$0x19880] =	vst.add.f32.msk $0xffff, v62  }
0x4b0: {  	v0 =	vadd.f32 v7, v0;
	[tilespmem:s5+$0x0] =	vst.add.f32.msk $0xffff, v1  }
0x4b1: {  	s6 =	sor.u32 $0x18180, s4;
	v3 =	vadd.f32 v3, v20;
	v1 =	vld [tilespmem:s4+$0x16A00]  }
0x4b2: {  	[tilespmem:s6+$0x0] =	vst.add.f32.msk $0xffff, v0;
	v0 =	vadd.f32 v11, v10  }
0x4b3: {  	s8 =	sor.u32 $0x18280, s4;
	v59 =	vadd.f32 v13, v12;
	[tilespmem:s4+$0x19900] =	vst.add.f32.msk $0xffff, v3  }
0x4b4: {  	s5 =	sor.u32 $0x18300, s4;
	[tilespmem:s8+$0x0] =	vst.add.f32.msk $0xffff, v0;
	v0 =	vadd.f32 v17, v16  }
0x4b5: {  	v63 =	vadd.f32 v2, v21;
	[tilespmem:s5+$0x0] =	vst.add.f32.msk $0xffff, v59  }
0x4b6: {  	[tilespmem:s4+$0x19800] =	vst.add.f32.msk $0xffff, v0;
	v0 =	vadd.f32 v1, v54  }
0x4b7: {  	v2 =	vadd.f32 v60, v58;
	[tilespmem:s4+$0x19980] =	vst.add.f32.msk $0xffff, v63;
	v1 =	vadd.f32 v57, v56  }
.LBB2_24:
0x4b8: {  	s3 =	sadd.s32 $0x10, s3;
	[tilespmem:s4+$0x19A00] =	vst.add.f32.msk $0xffff, v0;
	s0 =	sadd.s32 $0x80, s0  }
0x4b9: {  	s2 =	sand.u32 $0x70, s3;
	s5 =	sand.u32 $0x1C00, s0;
	s1 =	sor.u32 s0, s3;
	[tilespmem:s4+$0x19A80] =	vst.add.f32.msk $0xffff, v1  }
0x4ba: {  	p1 =	slt.u32 s3, $0x2F0;
	s1 =	sor.u32 $0x380, s1;
	[tilespmem:s4+$0x19B00] =	vst.add.f32.msk $0xffff, v2;
	s4 =	sor.u32 s2, s5  }
0x4bb: {  	s10 =	sor.u32 $0x18000, s4;
	s9 =	sor.u32 $0x18080, s4;
	s7 =	sor.u32 $0x18100, s4;
	v0 =	vld [tilespmem:s4+$0x13B80]  }
0x4bc: {  	s8 =	sor.u32 $0x18180, s4;
	s5 =	sor.u32 $0x18200, s4;
	s2 =	sor.u32 $0x18280, s4;
	v1 =	vld [tilespmem:s4+$0x16B80]  }
0x4bd: {  	s6 =	sor.u32 $0x18300, s4;
	v2 =	vld [tilespmem:s4+$0x12000]  }
0x4be: {  	v3 =	vld [tilespmem:s4+$0x15000]  }
0x4bf: {  	v4 =	vld [tilespmem:s4+$0x12080]  }
0x4c0: {  	v5 =	vld [tilespmem:s4+$0x15080]  }
0x4c1: {  	v6 =	vld [tilespmem:s4+$0x12100];
	v0 =	vadd.f32 v1, v0  }
0x4c2: {  	v1 =	vld [tilespmem:s4+$0x15100]  }
0x4c3: {  	v2 =	vadd.f32 v3, v2;
	[tilespmem:s4+$0x19B80] =	vst.add.f32.msk $0xffff, v0  }
0x4c4: {  	v0 =	vld [tilespmem:s4+$0x12180]  }
0x4c5: {  	v3 =	vadd.f32 v5, v4;
	v4 =	vld [tilespmem:s4+$0x15180]  }
0x4c6: {  	v5 =	vld [tilespmem:s4+$0x12200]  }
0x4c7: {  	v1 =	vadd.f32 v1, v6;
	v6 =	vld [tilespmem:s4+$0x15200]  }
0x4c8: {  	v7 =	vld [tilespmem:s4+$0x12280]  }
0x4c9: {  	v8 =	vld [tilespmem:s4+$0x15280]  }
0x4ca: {  	v4 =	vadd.f32 v4, v0;
	v0 =	vld [tilespmem:s4+$0x12300]  }
0x4cb: {  	v9 =	vld [tilespmem:s4+$0x15300]  }
0x4cc: {  	v5 =	vadd.f32 v6, v5;
	v6 =	vld [tilespmem:s4+$0x12380]  }
0x4cd: {  	v10 =	vld [tilespmem:s4+$0x15380]  }
0x4ce: {  	v7 =	vadd.f32 v8, v7;
	v8 =	vld [tilespmem:s4+$0x13800]  }
0x4cf: {  	v11 =	vld [tilespmem:s4+$0x16800]  }
0x4d0: {  	v9 =	vadd.f32 v9, v0;
	v0 =	vld [tilespmem:s4+$0x13880]  }
0x4d1: {  	v12 =	vld [tilespmem:s4+$0x16880]  }
0x4d2: {  	v6 =	vadd.f32 v10, v6;
	v10 =	vld [tilespmem:s4+$0x13900]  }
0x4d3: {  	v13 =	vld [tilespmem:s4+$0x16900]  }
0x4d4: {  	v8 =	vadd.f32 v11, v8;
	v11 =	vld [tilespmem:s4+$0x13980]  }
0x4d5: {  	v14 =	vld [tilespmem:s4+$0x16980]  }
0x4d6: {  	v12 =	vadd.f32 v12, v0;
	v0 =	vld [tilespmem:s4+$0x13A00]  }
0x4d7: {  	v15 =	vld [tilespmem:s4+$0x16A00]  }
0x4d8: {  	v10 =	vadd.f32 v13, v10;
	v13 =	vld [tilespmem:s4+$0x13A80]  }
0x4d9: {  	v16 =	vld [tilespmem:s4+$0x16A80]  }
0x4da: {  	v11 =	vadd.f32 v14, v11;
	v14 =	vld [tilespmem:s4+$0x13B00]  }
0x4db: {  	v17 =	vld [tilespmem:s4+$0x16B00]  }
0x4dc: {  	[tilespmem:s10+$0x0] =	vst.add.f32.msk $0xffff, v2;
	v0 =	vadd.f32 v15, v0  }
0x4dd: {  	[tilespmem:s9+$0x0] =	vst.add.f32.msk $0xffff, v3  }
0x4de: {  	[tilespmem:s7+$0x0] =	vst.add.f32.msk $0xffff, v1;
	v1 =	vadd.f32 v16, v13  }
0x4df: {  	[tilespmem:s8+$0x0] =	vst.add.f32.msk $0xffff, v4  }
0x4e0: {  	[tilespmem:s5+$0x0] =	vst.add.f32.msk $0xffff, v5;
	v2 =	vadd.f32 v17, v14  }
0x4e1: {  	[tilespmem:s2+$0x0] =	vst.add.f32.msk $0xffff, v7  }
0x4e2: {  	[tilespmem:s6+$0x0] =	vst.add.f32.msk $0xffff, v9  }
.Ltmp13:
0x4e3: {  	[tilespmem:s1+$0x18000] =	vst.add.f32.msk $0xffff, v6;
	(pc) =	sbr.rel @p1 .LBB2_24-.Ltmp13, $4  }
0x4e4: {  	[tilespmem:s4+$0x19800] =	vst.add.f32.msk $0xffff, v8  }
0x4e5: {  	[tilespmem:s4+$0x19880] =	vst.add.f32.msk $0xffff, v12  }
0x4e6: {  	[tilespmem:s4+$0x19900] =	vst.add.f32.msk $0xffff, v10  }
0x4e7: {  	[tilespmem:s4+$0x19980] =	vst.add.f32.msk $0xffff, v11  }
0x4e8: {  	[tilespmem:s4+$0x19A00] =	vst.add.f32.msk $0xffff, v0  }
0x4e9: {  	[tilespmem:s4+$0x19A80] =	vst.add.f32.msk $0xffff, v1  }
0x4ea: {  	[tilespmem:s4+$0x19B00] =	vst.add.f32.msk $0xffff, v2;
	s0 =	simm.s32 $0x0;
	s10 =	simm.s32 $0x1  }
0x4eb: {  	[tilespmem:s31], [sflag:$0x3] =	stream.linear.gather [hbm4b:s26+s0], $0x6000, $0x38;
	[tilespmem:$0x1E000] =	vst v63  }
0x4ec: {  	s3 =	simm.s32 $0x0;
	_ =	swait.ge [sflag:s10], $0x6000  }
0x4ed: {  	s1 =	sand.u32 $0x70, s3;
	s2 =	sand.u32 $0x1C00, s0;
	[sflag:s10] =	ssyncset.done $0x0  }
0x4ee: {  	s4 =	sor.u32 s1, s2;
	[sflag:s10] =	ssyncadd.s32 $0xFFFFA000  }
0x4ef: {  	v0 =	vld [tilespmem:s4+$0x1B80]  }
0x4f0: {  	v1 =	vld [tilespmem:s4+$0x4B80]  }
0x4f1: {  	v2 =	vld [tilespmem:s4+$0x0]  }
0x4f2: {  	v3 =	vld [tilespmem:s4+$0x3000]  }
0x4f3: {  	v4 =	vld [tilespmem:s4+$0x80]  }
0x4f4: {  	v5 =	vld [tilespmem:s4+$0x3080]  }
0x4f5: {  	v6 =	vld [tilespmem:s4+$0x100]  }
0x4f6: {  	v7 =	vld [tilespmem:s4+$0x3180]  }
0x4f7: {  	v8 =	vld [tilespmem:s4+$0x200]  }
0x4f8: {  	v9 =	vld [tilespmem:s4+$0x3200]  }
0x4f9: {  	v10 =	vld [tilespmem:s4+$0x280]  }
0x4fa: {  	v11 =	vld [tilespmem:s4+$0x3280]  }
0x4fb: {  	s5 =	sor.u32 s0, s3;
	v12 =	vld [tilespmem:s4+$0x300]  }
0x4fc: {  	s1 =	sor.u32 $0x380, s5;
	v13 =	vld [tilespmem:s4+$0x3300]  }
0x4fd: {  	v14 =	vld [tilespmem:s1+$0x0]  }
0x4fe: {  	v15 =	vld [tilespmem:s4+$0x3380]  }
0x4ff: {  	v16 =	vld [tilespmem:s4+$0x1800]  }
0x500: {  	v17 =	vld [tilespmem:s4+$0x4800]  }
0x501: {  	v18 =	vld [tilespmem:s4+$0x1880]  }
0x502: {  	v19 =	vld [tilespmem:s4+$0x4880]  }
0x503: {  	v20 =	vld [tilespmem:s4+$0x1900]  }
0x504: {  	v21 =	vld [tilespmem:s4+$0x1980]  }
0x505: {  	v54 =	vld [tilespmem:s4+$0x1A00]  }
0x506: {  	v56 =	vld [tilespmem:s4+$0x1A80]  }
0x507: {  	v57 =	vld [tilespmem:s4+$0x4A80]  }
0x508: {  	v58 =	vld [tilespmem:s4+$0x1B00]  }
0x509: {  	v60 =	vld [tilespmem:s4+$0x4B00]  }
0x50a: {  	v0 =	vadd.f32 v1, v0;
	v1 =	vld [tilespmem:s4+$0x3100]  }
0x50b: {  	v2 =	vadd.f32 v3, v2;
	v3 =	vld [tilespmem:s4+$0x4900]  }
0x50c: {  	[tilespmem:s4+$0x19B80] =	vst.add.f32.msk $0xffff, v0  }
0x50d: {  	s2 =	sor.u32 $0x18000, s4;
	v0 =	vld [tilespmem:s4+$0x180]  }
0x50e: {  	v4 =	vadd.f32 v5, v4;
	[tilespmem:s2+$0x0] =	vst.add.f32.msk $0xffff, v2  }
0x50f: {  	s6 =	sor.u32 $0x18080, s4;
	v55 =	vadd.f32 v9, v8;
	v2 =	vld [tilespmem:s4+$0x4980]  }
0x510: {  	s9 =	sor.u32 $0x18200, s4;
	v59 =	vadd.f32 v13, v12;
	[tilespmem:s6+$0x0] =	vst.add.f32.msk $0xffff, v4  }
0x511: {  	s5 =	sor.u32 $0x18300, s4;
	v61 =	vadd.f32 v15, v14;
	[tilespmem:s9+$0x0] =	vst.add.f32.msk $0xffff, v55  }
0x512: {  	[tilespmem:s5+$0x0] =	vst.add.f32.msk $0xffff, v59;
	v1 =	vadd.f32 v1, v6  }
0x513: {  	s7 =	sor.u32 $0x18100, s4;
	[tilespmem:s1+$0x18000] =	vst.add.f32.msk $0xffff, v61  }
0x514: {  	v0 =	vadd.f32 v7, v0;
	[tilespmem:s7+$0x0] =	vst.add.f32.msk $0xffff, v1  }
0x515: {  	s8 =	sor.u32 $0x18180, s4;
	v62 =	vadd.f32 v19, v18;
	v1 =	vld [tilespmem:s4+$0x4A00]  }
0x516: {  	[tilespmem:s8+$0x0] =	vst.add.f32.msk $0xffff, v0;
	v0 =	vadd.f32 v11, v10  }
0x517: {  	s10 =	sor.u32 $0x18280, s4;
	[tilespmem:s4+$0x19880] =	vst.add.f32.msk $0xffff, v62;
	v3 =	vadd.f32 v3, v20  }
0x518: {  	[tilespmem:s10+$0x0] =	vst.add.f32.msk $0xffff, v0;
	v0 =	vadd.f32 v17, v16  }
0x519: {  	v63 =	vadd.f32 v2, v21;
	[tilespmem:s4+$0x19900] =	vst.add.f32.msk $0xffff, v3  }
0x51a: {  	[tilespmem:s4+$0x19800] =	vst.add.f32.msk $0xffff, v0;
	v0 =	vadd.f32 v1, v54  }
0x51b: {  	v2 =	vadd.f32 v60, v58;
	[tilespmem:s4+$0x19980] =	vst.add.f32.msk $0xffff, v63;
	v1 =	vadd.f32 v57, v56  }
.LBB2_26:
0x51c: {  	s3 =	sadd.s32 $0x10, s3;
	[tilespmem:s4+$0x19A00] =	vst.add.f32.msk $0xffff, v0;
	s0 =	sadd.s32 $0x80, s0  }
0x51d: {  	s2 =	sand.u32 $0x70, s3;
	s5 =	sand.u32 $0x1C00, s0;
	s1 =	sor.u32 s0, s3;
	[tilespmem:s4+$0x19A80] =	vst.add.f32.msk $0xffff, v1  }
0x51e: {  	p1 =	slt.u32 s3, $0x2F0;
	s1 =	sor.u32 $0x380, s1;
	[tilespmem:s4+$0x19B00] =	vst.add.f32.msk $0xffff, v2;
	s4 =	sor.u32 s2, s5  }
0x51f: {  	s10 =	sor.u32 $0x18000, s4;
	s9 =	sor.u32 $0x18080, s4;
	s7 =	sor.u32 $0x18100, s4;
	v0 =	vld [tilespmem:s4+$0x1B80]  }
0x520: {  	s8 =	sor.u32 $0x18180, s4;
	s5 =	sor.u32 $0x18200, s4;
	s2 =	sor.u32 $0x18280, s4;
	v1 =	vld [tilespmem:s4+$0x4B80]  }
0x521: {  	s6 =	sor.u32 $0x18300, s4;
	v2 =	vld [tilespmem:s4+$0x0]  }
0x522: {  	v3 =	vld [tilespmem:s4+$0x3000]  }
0x523: {  	v4 =	vld [tilespmem:s4+$0x80]  }
0x524: {  	v5 =	vld [tilespmem:s4+$0x3080]  }
0x525: {  	v6 =	vld [tilespmem:s4+$0x100];
	v0 =	vadd.f32 v1, v0  }
0x526: {  	v1 =	vld [tilespmem:s4+$0x3100]  }
0x527: {  	v2 =	vadd.f32 v3, v2;
	[tilespmem:s4+$0x19B80] =	vst.add.f32.msk $0xffff, v0  }
0x528: {  	v0 =	vld [tilespmem:s4+$0x180]  }
0x529: {  	v3 =	vadd.f32 v5, v4;
	v4 =	vld [tilespmem:s4+$0x3180]  }
0x52a: {  	v5 =	vld [tilespmem:s4+$0x200]  }
0x52b: {  	v1 =	vadd.f32 v1, v6;
	v6 =	vld [tilespmem:s4+$0x3200]  }
0x52c: {  	v7 =	vld [tilespmem:s4+$0x280]  }
0x52d: {  	v8 =	vld [tilespmem:s4+$0x3280]  }
0x52e: {  	v4 =	vadd.f32 v4, v0;
	v0 =	vld [tilespmem:s4+$0x300]  }
0x52f: {  	v9 =	vld [tilespmem:s4+$0x3300]  }
0x530: {  	v5 =	vadd.f32 v6, v5;
	v6 =	vld [tilespmem:s1+$0x0]  }
0x531: {  	v10 =	vld [tilespmem:s4+$0x3380]  }
0x532: {  	v7 =	vadd.f32 v8, v7;
	v8 =	vld [tilespmem:s4+$0x1800]  }
0x533: {  	v11 =	vld [tilespmem:s4+$0x4800]  }
0x534: {  	v9 =	vadd.f32 v9, v0;
	v0 =	vld [tilespmem:s4+$0x1880]  }
0x535: {  	v12 =	vld [tilespmem:s4+$0x4880]  }
0x536: {  	v6 =	vadd.f32 v10, v6;
	v10 =	vld [tilespmem:s4+$0x1900]  }
0x537: {  	v13 =	vld [tilespmem:s4+$0x4900]  }
0x538: {  	v8 =	vadd.f32 v11, v8;
	v11 =	vld [tilespmem:s4+$0x1980]  }
0x539: {  	v14 =	vld [tilespmem:s4+$0x4980]  }
0x53a: {  	v12 =	vadd.f32 v12, v0;
	v0 =	vld [tilespmem:s4+$0x1A00]  }
0x53b: {  	v15 =	vld [tilespmem:s4+$0x4A00]  }
0x53c: {  	v10 =	vadd.f32 v13, v10;
	v13 =	vld [tilespmem:s4+$0x1A80]  }
0x53d: {  	v16 =	vld [tilespmem:s4+$0x4A80]  }
0x53e: {  	v11 =	vadd.f32 v14, v11;
	v14 =	vld [tilespmem:s4+$0x1B00]  }
0x53f: {  	v17 =	vld [tilespmem:s4+$0x4B00]  }
0x540: {  	[tilespmem:s10+$0x0] =	vst.add.f32.msk $0xffff, v2;
	v0 =	vadd.f32 v15, v0  }
0x541: {  	[tilespmem:s9+$0x0] =	vst.add.f32.msk $0xffff, v3  }
0x542: {  	[tilespmem:s7+$0x0] =	vst.add.f32.msk $0xffff, v1;
	v1 =	vadd.f32 v16, v13  }
0x543: {  	[tilespmem:s8+$0x0] =	vst.add.f32.msk $0xffff, v4  }
0x544: {  	[tilespmem:s5+$0x0] =	vst.add.f32.msk $0xffff, v5;
	v2 =	vadd.f32 v17, v14  }
0x545: {  	[tilespmem:s2+$0x0] =	vst.add.f32.msk $0xffff, v7  }
0x546: {  	[tilespmem:s6+$0x0] =	vst.add.f32.msk $0xffff, v9  }
.Ltmp14:
0x547: {  	[tilespmem:s1+$0x18000] =	vst.add.f32.msk $0xffff, v6;
	(pc) =	sbr.rel @p1 .LBB2_26-.Ltmp14, $4  }
0x548: {  	[tilespmem:s4+$0x19800] =	vst.add.f32.msk $0xffff, v8  }
0x549: {  	[tilespmem:s4+$0x19880] =	vst.add.f32.msk $0xffff, v12  }
0x54a: {  	[tilespmem:s4+$0x19900] =	vst.add.f32.msk $0xffff, v10  }
0x54b: {  	[tilespmem:s4+$0x19980] =	vst.add.f32.msk $0xffff, v11  }
0x54c: {  	[tilespmem:s4+$0x19A00] =	vst.add.f32.msk $0xffff, v0  }
0x54d: {  	[tilespmem:s4+$0x19A80] =	vst.add.f32.msk $0xffff, v1  }
0x54e: {  	[tilespmem:s4+$0x19B00] =	vst.add.f32.msk $0xffff, v2;
	s10 =	simm.s32 $0x2  }
0x54f: {  	s0 =	simm.s32 $0x0;
	s3 =	simm.s32 $0x0;
	_ =	swait.ge [sflag:s10], $0x6000  }
0x550: {  	s1 =	sand.u32 $0x70, s3;
	s2 =	sand.u32 $0x1C00, s0;
	[sflag:s10] =	ssyncset.done $0x0  }
0x551: {  	s4 =	sor.u32 s1, s2;
	[sflag:s10] =	ssyncadd.s32 $0xFFFFA000  }
0x552: {  	v0 =	vld [tilespmem:s4+$0x7B80]  }
0x553: {  	v1 =	vld [tilespmem:s4+$0xAB80]  }
0x554: {  	v2 =	vld [tilespmem:s4+$0x6000]  }
0x555: {  	v3 =	vld [tilespmem:s4+$0x9000]  }
0x556: {  	v4 =	vld [tilespmem:s4+$0x6080]  }
0x557: {  	v5 =	vld [tilespmem:s4+$0x9080]  }
0x558: {  	v6 =	vld [tilespmem:s4+$0x6100]  }
0x559: {  	v7 =	vld [tilespmem:s4+$0x9180]  }
0x55a: {  	v8 =	vld [tilespmem:s4+$0x6200]  }
0x55b: {  	v9 =	vld [tilespmem:s4+$0x9200]  }
0x55c: {  	v10 =	vld [tilespmem:s4+$0x6280]  }
0x55d: {  	v11 =	vld [tilespmem:s4+$0x9280]  }
0x55e: {  	v12 =	vld [tilespmem:s4+$0x6300]  }
0x55f: {  	v13 =	vld [tilespmem:s4+$0x9300]  }
0x560: {  	v14 =	vld [tilespmem:s4+$0x6380]  }
0x561: {  	v15 =	vld [tilespmem:s4+$0x9380]  }
0x562: {  	v16 =	vld [tilespmem:s4+$0x7800]  }
0x563: {  	v17 =	vld [tilespmem:s4+$0xA800]  }
0x564: {  	v18 =	vld [tilespmem:s4+$0x7880]  }
0x565: {  	v19 =	vld [tilespmem:s4+$0xA880]  }
0x566: {  	v20 =	vld [tilespmem:s4+$0x7900]  }
0x567: {  	v21 =	vld [tilespmem:s4+$0x7980]  }
0x568: {  	v54 =	vld [tilespmem:s4+$0x7A00]  }
0x569: {  	v56 =	vld [tilespmem:s4+$0x7A80]  }
0x56a: {  	v57 =	vld [tilespmem:s4+$0xAA80]  }
0x56b: {  	v58 =	vld [tilespmem:s4+$0x7B00]  }
0x56c: {  	v60 =	vld [tilespmem:s4+$0xAB00]  }
0x56d: {  	v0 =	vadd.f32 v1, v0;
	v1 =	vld [tilespmem:s4+$0x9100]  }
0x56e: {  	v2 =	vadd.f32 v3, v2;
	v3 =	vld [tilespmem:s4+$0xA900]  }
0x56f: {  	[tilespmem:s4+$0x19B80] =	vst.add.f32.msk $0xffff, v0  }
0x570: {  	s1 =	sor.u32 $0x18000, s4;
	v0 =	vld [tilespmem:s4+$0x6180]  }
0x571: {  	v4 =	vadd.f32 v5, v4;
	[tilespmem:s1+$0x0] =	vst.add.f32.msk $0xffff, v2  }
0x572: {  	s2 =	sor.u32 $0x18080, s4;
	v55 =	vadd.f32 v9, v8;
	v2 =	vld [tilespmem:s4+$0xA980]  }
0x573: {  	s9 =	sor.u32 s0, s3;
	s7 =	sor.u32 $0x18200, s4;
	v61 =	vadd.f32 v15, v14;
	[tilespmem:s2+$0x0] =	vst.add.f32.msk $0xffff, v4  }
0x574: {  	s10 =	sor.u32 $0x380, s9;
	v62 =	vadd.f32 v19, v18;
	[tilespmem:s7+$0x0] =	vst.add.f32.msk $0xffff, v55  }
0x575: {  	[tilespmem:s10+$0x18000] =	vst.add.f32.msk $0xffff, v61;
	v1 =	vadd.f32 v1, v6  }
0x576: {  	s5 =	sor.u32 $0x18100, s4;
	[tilespmem:s4+$0x19880] =	vst.add.f32.msk $0xffff, v62  }
0x577: {  	v0 =	vadd.f32 v7, v0;
	[tilespmem:s5+$0x0] =	vst.add.f32.msk $0xffff, v1  }
0x578: {  	s6 =	sor.u32 $0x18180, s4;
	v3 =	vadd.f32 v3, v20;
	v1 =	vld [tilespmem:s4+$0xAA00]  }
0x579: {  	[tilespmem:s6+$0x0] =	vst.add.f32.msk $0xffff, v0;
	v0 =	vadd.f32 v11, v10  }
0x57a: {  	s8 =	sor.u32 $0x18280, s4;
	v59 =	vadd.f32 v13, v12;
	[tilespmem:s4+$0x19900] =	vst.add.f32.msk $0xffff, v3  }
0x57b: {  	s5 =	sor.u32 $0x18300, s4;
	[tilespmem:s8+$0x0] =	vst.add.f32.msk $0xffff, v0;
	v0 =	vadd.f32 v17, v16  }
0x57c: {  	v63 =	vadd.f32 v2, v21;
	[tilespmem:s5+$0x0] =	vst.add.f32.msk $0xffff, v59  }
0x57d: {  	[tilespmem:s4+$0x19800] =	vst.add.f32.msk $0xffff, v0;
	v0 =	vadd.f32 v1, v54  }
0x57e: {  	v2 =	vadd.f32 v60, v58;
	[tilespmem:s4+$0x19980] =	vst.add.f32.msk $0xffff, v63;
	v1 =	vadd.f32 v57, v56  }
.LBB2_28:
0x57f: {  	s3 =	sadd.s32 $0x10, s3;
	[tilespmem:s4+$0x19A00] =	vst.add.f32.msk $0xffff, v0;
	s0 =	sadd.s32 $0x80, s0  }
0x580: {  	s2 =	sand.u32 $0x70, s3;
	s5 =	sand.u32 $0x1C00, s0;
	s1 =	sor.u32 s0, s3;
	[tilespmem:s4+$0x19A80] =	vst.add.f32.msk $0xffff, v1  }
0x581: {  	p1 =	slt.u32 s3, $0x2F0;
	s1 =	sor.u32 $0x380, s1;
	[tilespmem:s4+$0x19B00] =	vst.add.f32.msk $0xffff, v2;
	s4 =	sor.u32 s2, s5  }
0x582: {  	s10 =	sor.u32 $0x18000, s4;
	s9 =	sor.u32 $0x18080, s4;
	s7 =	sor.u32 $0x18100, s4;
	v0 =	vld [tilespmem:s4+$0x7B80]  }
0x583: {  	s8 =	sor.u32 $0x18180, s4;
	s5 =	sor.u32 $0x18200, s4;
	s2 =	sor.u32 $0x18280, s4;
	v1 =	vld [tilespmem:s4+$0xAB80]  }
0x584: {  	s6 =	sor.u32 $0x18300, s4;
	v2 =	vld [tilespmem:s4+$0x6000]  }
0x585: {  	v3 =	vld [tilespmem:s4+$0x9000]  }
0x586: {  	v4 =	vld [tilespmem:s4+$0x6080]  }
0x587: {  	v5 =	vld [tilespmem:s4+$0x9080]  }
0x588: {  	v6 =	vld [tilespmem:s4+$0x6100];
	v0 =	vadd.f32 v1, v0  }
0x589: {  	v1 =	vld [tilespmem:s4+$0x9100]  }
0x58a: {  	v2 =	vadd.f32 v3, v2;
	[tilespmem:s4+$0x19B80] =	vst.add.f32.msk $0xffff, v0  }
0x58b: {  	v0 =	vld [tilespmem:s4+$0x6180]  }
0x58c: {  	v3 =	vadd.f32 v5, v4;
	v4 =	vld [tilespmem:s4+$0x9180]  }
0x58d: {  	v5 =	vld [tilespmem:s4+$0x6200]  }
0x58e: {  	v1 =	vadd.f32 v1, v6;
	v6 =	vld [tilespmem:s4+$0x9200]  }
0x58f: {  	v7 =	vld [tilespmem:s4+$0x6280]  }
0x590: {  	v8 =	vld [tilespmem:s4+$0x9280]  }
0x591: {  	v4 =	vadd.f32 v4, v0;
	v0 =	vld [tilespmem:s4+$0x6300]  }
0x592: {  	v9 =	vld [tilespmem:s4+$0x9300]  }
0x593: {  	v5 =	vadd.f32 v6, v5;
	v6 =	vld [tilespmem:s4+$0x6380]  }
0x594: {  	v10 =	vld [tilespmem:s4+$0x9380]  }
0x595: {  	v7 =	vadd.f32 v8, v7;
	v8 =	vld [tilespmem:s4+$0x7800]  }
0x596: {  	v11 =	vld [tilespmem:s4+$0xA800]  }
0x597: {  	v9 =	vadd.f32 v9, v0;
	v0 =	vld [tilespmem:s4+$0x7880]  }
0x598: {  	v12 =	vld [tilespmem:s4+$0xA880]  }
0x599: {  	v6 =	vadd.f32 v10, v6;
	v10 =	vld [tilespmem:s4+$0x7900]  }
0x59a: {  	v13 =	vld [tilespmem:s4+$0xA900]  }
0x59b: {  	v8 =	vadd.f32 v11, v8;
	v11 =	vld [tilespmem:s4+$0x7980]  }
0x59c: {  	v14 =	vld [tilespmem:s4+$0xA980]  }
0x59d: {  	v12 =	vadd.f32 v12, v0;
	v0 =	vld [tilespmem:s4+$0x7A00]  }
0x59e: {  	v15 =	vld [tilespmem:s4+$0xAA00]  }
0x59f: {  	v10 =	vadd.f32 v13, v10;
	v13 =	vld [tilespmem:s4+$0x7A80]  }
0x5a0: {  	v16 =	vld [tilespmem:s4+$0xAA80]  }
0x5a1: {  	v11 =	vadd.f32 v14, v11;
	v14 =	vld [tilespmem:s4+$0x7B00]  }
0x5a2: {  	v17 =	vld [tilespmem:s4+$0xAB00]  }
0x5a3: {  	[tilespmem:s10+$0x0] =	vst.add.f32.msk $0xffff, v2;
	v0 =	vadd.f32 v15, v0  }
0x5a4: {  	[tilespmem:s9+$0x0] =	vst.add.f32.msk $0xffff, v3  }
0x5a5: {  	[tilespmem:s7+$0x0] =	vst.add.f32.msk $0xffff, v1;
	v1 =	vadd.f32 v16, v13  }
0x5a6: {  	[tilespmem:s8+$0x0] =	vst.add.f32.msk $0xffff, v4  }
0x5a7: {  	[tilespmem:s5+$0x0] =	vst.add.f32.msk $0xffff, v5;
	v2 =	vadd.f32 v17, v14  }
0x5a8: {  	[tilespmem:s2+$0x0] =	vst.add.f32.msk $0xffff, v7  }
0x5a9: {  	[tilespmem:s6+$0x0] =	vst.add.f32.msk $0xffff, v9  }
.Ltmp15:
0x5aa: {  	[tilespmem:s1+$0x18000] =	vst.add.f32.msk $0xffff, v6;
	(pc) =	sbr.rel @p1 .LBB2_28-.Ltmp15, $4  }
0x5ab: {  	[tilespmem:s4+$0x19800] =	vst.add.f32.msk $0xffff, v8  }
0x5ac: {  	[tilespmem:s4+$0x19880] =	vst.add.f32.msk $0xffff, v12  }
0x5ad: {  	[tilespmem:s4+$0x19900] =	vst.add.f32.msk $0xffff, v10  }
0x5ae: {  	[tilespmem:s4+$0x19980] =	vst.add.f32.msk $0xffff, v11  }
0x5af: {  	[tilespmem:s4+$0x19A00] =	vst.add.f32.msk $0xffff, v0  }
0x5b0: {  	[tilespmem:s4+$0x19A80] =	vst.add.f32.msk $0xffff, v1  }
0x5b1: {  	[tilespmem:s4+$0x19B00] =	vst.add.f32.msk $0xffff, v2;
	s10 =	simm.s32 $0x3  }
0x5b2: {  	s0 =	simm.s32 $0x0;
	s3 =	simm.s32 $0x0;
	_ =	swait.ge [sflag:s10], $0x6000  }
0x5b3: {  	s1 =	sand.u32 $0x70, s3;
	s2 =	sand.u32 $0x1C00, s0;
	[sflag:s10] =	ssyncset.done $0x0  }
0x5b4: {  	s4 =	sor.u32 s1, s2;
	[sflag:s10] =	ssyncadd.s32 $0xFFFFA000  }
0x5b5: {  	v0 =	vld [tilespmem:s4+$0xDB80]  }
0x5b6: {  	v1 =	vld [tilespmem:s4+$0x10B80]  }
0x5b7: {  	v2 =	vld [tilespmem:s4+$0xC000]  }
0x5b8: {  	v3 =	vld [tilespmem:s4+$0xF000]  }
0x5b9: {  	v4 =	vld [tilespmem:s4+$0xC080]  }
0x5ba: {  	v5 =	vld [tilespmem:s4+$0xF080]  }
0x5bb: {  	v6 =	vld [tilespmem:s4+$0xC100]  }
0x5bc: {  	v7 =	vld [tilespmem:s4+$0xF180]  }
0x5bd: {  	v8 =	vld [tilespmem:s4+$0xC200]  }
0x5be: {  	v9 =	vld [tilespmem:s4+$0xF200]  }
0x5bf: {  	v10 =	vld [tilespmem:s4+$0xC280]  }
0x5c0: {  	v11 =	vld [tilespmem:s4+$0xF280]  }
0x5c1: {  	v12 =	vld [tilespmem:s4+$0xC300]  }
0x5c2: {  	v13 =	vld [tilespmem:s4+$0xF300]  }
0x5c3: {  	v14 =	vld [tilespmem:s4+$0xC380]  }
0x5c4: {  	v15 =	vld [tilespmem:s4+$0xF380]  }
0x5c5: {  	v16 =	vld [tilespmem:s4+$0xD800]  }
0x5c6: {  	v17 =	vld [tilespmem:s4+$0x10800]  }
0x5c7: {  	v18 =	vld [tilespmem:s4+$0xD880]  }
0x5c8: {  	v19 =	vld [tilespmem:s4+$0x10880]  }
0x5c9: {  	v20 =	vld [tilespmem:s4+$0xD900]  }
0x5ca: {  	v21 =	vld [tilespmem:s4+$0xD980]  }
0x5cb: {  	v54 =	vld [tilespmem:s4+$0xDA00]  }
0x5cc: {  	v56 =	vld [tilespmem:s4+$0xDA80]  }
0x5cd: {  	v57 =	vld [tilespmem:s4+$0x10A80]  }
0x5ce: {  	v58 =	vld [tilespmem:s4+$0xDB00]  }
0x5cf: {  	v60 =	vld [tilespmem:s4+$0x10B00]  }
0x5d0: {  	v0 =	vadd.f32 v1, v0;
	v1 =	vld [tilespmem:s4+$0xF100]  }
0x5d1: {  	v2 =	vadd.f32 v3, v2;
	v3 =	vld [tilespmem:s4+$0x10900]  }
0x5d2: {  	[tilespmem:s4+$0x19B80] =	vst.add.f32.msk $0xffff, v0  }
0x5d3: {  	s1 =	sor.u32 $0x18000, s4;
	v0 =	vld [tilespmem:s4+$0xC180]  }
0x5d4: {  	v4 =	vadd.f32 v5, v4;
	[tilespmem:s1+$0x0] =	vst.add.f32.msk $0xffff, v2  }
0x5d5: {  	s2 =	sor.u32 $0x18080, s4;
	v55 =	vadd.f32 v9, v8;
	v2 =	vld [tilespmem:s4+$0x10980]  }
0x5d6: {  	s9 =	sor.u32 s0, s3;
	s7 =	sor.u32 $0x18200, s4;
	v61 =	vadd.f32 v15, v14;
	[tilespmem:s2+$0x0] =	vst.add.f32.msk $0xffff, v4  }
0x5d7: {  	s10 =	sor.u32 $0x380, s9;
	v62 =	vadd.f32 v19, v18;
	[tilespmem:s7+$0x0] =	vst.add.f32.msk $0xffff, v55  }
0x5d8: {  	[tilespmem:s10+$0x18000] =	vst.add.f32.msk $0xffff, v61;
	v1 =	vadd.f32 v1, v6  }
0x5d9: {  	s5 =	sor.u32 $0x18100, s4;
	[tilespmem:s4+$0x19880] =	vst.add.f32.msk $0xffff, v62  }
0x5da: {  	v0 =	vadd.f32 v7, v0;
	[tilespmem:s5+$0x0] =	vst.add.f32.msk $0xffff, v1  }
0x5db: {  	s6 =	sor.u32 $0x18180, s4;
	v3 =	vadd.f32 v3, v20;
	v1 =	vld [tilespmem:s4+$0x10A00]  }
0x5dc: {  	[tilespmem:s6+$0x0] =	vst.add.f32.msk $0xffff, v0;
	v0 =	vadd.f32 v11, v10  }
0x5dd: {  	s8 =	sor.u32 $0x18280, s4;
	v59 =	vadd.f32 v13, v12;
	[tilespmem:s4+$0x19900] =	vst.add.f32.msk $0xffff, v3  }
0x5de: {  	s5 =	sor.u32 $0x18300, s4;
	[tilespmem:s8+$0x0] =	vst.add.f32.msk $0xffff, v0;
	v0 =	vadd.f32 v17, v16  }
0x5df: {  	v63 =	vadd.f32 v2, v21;
	[tilespmem:s5+$0x0] =	vst.add.f32.msk $0xffff, v59  }
0x5e0: {  	[tilespmem:s4+$0x19800] =	vst.add.f32.msk $0xffff, v0;
	v0 =	vadd.f32 v1, v54  }
0x5e1: {  	v2 =	vadd.f32 v60, v58;
	[tilespmem:s4+$0x19980] =	vst.add.f32.msk $0xffff, v63;
	v1 =	vadd.f32 v57, v56  }
.LBB2_30:
0x5e2: {  	s3 =	sadd.s32 $0x10, s3;
	[tilespmem:s4+$0x19A00] =	vst.add.f32.msk $0xffff, v0;
	s0 =	sadd.s32 $0x80, s0  }
0x5e3: {  	s2 =	sand.u32 $0x70, s3;
	s5 =	sand.u32 $0x1C00, s0;
	s1 =	sor.u32 s0, s3;
	[tilespmem:s4+$0x19A80] =	vst.add.f32.msk $0xffff, v1  }
0x5e4: {  	p1 =	slt.u32 s3, $0x2F0;
	s1 =	sor.u32 $0x380, s1;
	[tilespmem:s4+$0x19B00] =	vst.add.f32.msk $0xffff, v2;
	s4 =	sor.u32 s2, s5  }
0x5e5: {  	s10 =	sor.u32 $0x18000, s4;
	s9 =	sor.u32 $0x18080, s4;
	s7 =	sor.u32 $0x18100, s4;
	v0 =	vld [tilespmem:s4+$0xDB80]  }
0x5e6: {  	s8 =	sor.u32 $0x18180, s4;
	s5 =	sor.u32 $0x18200, s4;
	s2 =	sor.u32 $0x18280, s4;
	v1 =	vld [tilespmem:s4+$0x10B80]  }
0x5e7: {  	s6 =	sor.u32 $0x18300, s4;
	v2 =	vld [tilespmem:s4+$0xC000]  }
0x5e8: {  	v3 =	vld [tilespmem:s4+$0xF000]  }
0x5e9: {  	v4 =	vld [tilespmem:s4+$0xC080]  }
0x5ea: {  	v5 =	vld [tilespmem:s4+$0xF080]  }
0x5eb: {  	v6 =	vld [tilespmem:s4+$0xC100];
	v0 =	vadd.f32 v1, v0  }
0x5ec: {  	v1 =	vld [tilespmem:s4+$0xF100]  }
0x5ed: {  	v2 =	vadd.f32 v3, v2;
	[tilespmem:s4+$0x19B80] =	vst.add.f32.msk $0xffff, v0  }
0x5ee: {  	v0 =	vld [tilespmem:s4+$0xC180]  }
0x5ef: {  	v3 =	vadd.f32 v5, v4;
	v4 =	vld [tilespmem:s4+$0xF180]  }
0x5f0: {  	v5 =	vld [tilespmem:s4+$0xC200]  }
0x5f1: {  	v1 =	vadd.f32 v1, v6;
	v6 =	vld [tilespmem:s4+$0xF200]  }
0x5f2: {  	v7 =	vld [tilespmem:s4+$0xC280]  }
0x5f3: {  	v8 =	vld [tilespmem:s4+$0xF280]  }
0x5f4: {  	v4 =	vadd.f32 v4, v0;
	v0 =	vld [tilespmem:s4+$0xC300]  }
0x5f5: {  	v9 =	vld [tilespmem:s4+$0xF300]  }
0x5f6: {  	v5 =	vadd.f32 v6, v5;
	v6 =	vld [tilespmem:s4+$0xC380]  }
0x5f7: {  	v10 =	vld [tilespmem:s4+$0xF380]  }
0x5f8: {  	v7 =	vadd.f32 v8, v7;
	v8 =	vld [tilespmem:s4+$0xD800]  }
0x5f9: {  	v11 =	vld [tilespmem:s4+$0x10800]  }
0x5fa: {  	v9 =	vadd.f32 v9, v0;
	v0 =	vld [tilespmem:s4+$0xD880]  }
0x5fb: {  	v12 =	vld [tilespmem:s4+$0x10880]  }
0x5fc: {  	v6 =	vadd.f32 v10, v6;
	v10 =	vld [tilespmem:s4+$0xD900]  }
0x5fd: {  	v13 =	vld [tilespmem:s4+$0x10900]  }
0x5fe: {  	v8 =	vadd.f32 v11, v8;
	v11 =	vld [tilespmem:s4+$0xD980]  }
0x5ff: {  	v14 =	vld [tilespmem:s4+$0x10980]  }
0x600: {  	v12 =	vadd.f32 v12, v0;
	v0 =	vld [tilespmem:s4+$0xDA00]  }
0x601: {  	v15 =	vld [tilespmem:s4+$0x10A00]  }
0x602: {  	v10 =	vadd.f32 v13, v10;
	v13 =	vld [tilespmem:s4+$0xDA80]  }
0x603: {  	v16 =	vld [tilespmem:s4+$0x10A80]  }
0x604: {  	v11 =	vadd.f32 v14, v11;
	v14 =	vld [tilespmem:s4+$0xDB00]  }
0x605: {  	v17 =	vld [tilespmem:s4+$0x10B00]  }
0x606: {  	[tilespmem:s10+$0x0] =	vst.add.f32.msk $0xffff, v2;
	v0 =	vadd.f32 v15, v0  }
0x607: {  	[tilespmem:s9+$0x0] =	vst.add.f32.msk $0xffff, v3  }
0x608: {  	[tilespmem:s7+$0x0] =	vst.add.f32.msk $0xffff, v1;
	v1 =	vadd.f32 v16, v13  }
0x609: {  	[tilespmem:s8+$0x0] =	vst.add.f32.msk $0xffff, v4  }
0x60a: {  	[tilespmem:s5+$0x0] =	vst.add.f32.msk $0xffff, v5;
	v2 =	vadd.f32 v17, v14  }
0x60b: {  	[tilespmem:s2+$0x0] =	vst.add.f32.msk $0xffff, v7  }
0x60c: {  	[tilespmem:s6+$0x0] =	vst.add.f32.msk $0xffff, v9  }
.Ltmp16:
0x60d: {  	[tilespmem:s1+$0x18000] =	vst.add.f32.msk $0xffff, v6;
	(pc) =	sbr.rel @p1 .LBB2_30-.Ltmp16, $4  }
0x60e: {  	[tilespmem:s4+$0x19800] =	vst.add.f32.msk $0xffff, v8  }
0x60f: {  	[tilespmem:s4+$0x19880] =	vst.add.f32.msk $0xffff, v12  }
0x610: {  	[tilespmem:s4+$0x19900] =	vst.add.f32.msk $0xffff, v10  }
0x611: {  	[tilespmem:s4+$0x19980] =	vst.add.f32.msk $0xffff, v11  }
0x612: {  	[tilespmem:s4+$0x19A00] =	vst.add.f32.msk $0xffff, v0  }
0x613: {  	[tilespmem:s4+$0x19A80] =	vst.add.f32.msk $0xffff, v1  }
0x614: {  	[tilespmem:s4+$0x19B00] =	vst.add.f32.msk $0xffff, v2;
	s0 =	simm.s32 $0x18000;
	s10 =	simm.s32 $0x5  }
0x615: {  	[spmem:s28] =	stream.linear.scatter [tilespmem:s0], [sflag:$0x5], $0x3000, $0x38;
	[tilespmem:$0x1E000] =	vst v63  }
0x616: {  	_ =	swait.ge [sflag:s10], $0x3000  }
.Ltmp17:
0x617: {  	[sflag:s10] =	ssyncset.done $0x0;
	(pc) =	sbr.rel @p0 .LBB2_35-.Ltmp17, $3  }
0x618: {  	[sflag:s10] =	ssyncadd.s32 $0xFFFFD000  }
0x619: {  	[bflag:$0x0] =	sbarrier.arrive $0xFFFF  }
0x61a: {  	s0 =	sld [smem:$0x7E7];
	_ =	sdelay $0x1  }
0x61b: {  	s0 =	sld [smem:$0x7EB];
	_ =	sdelay $0x1  }
0x61c: {  	s29 =	simm.s32 $0x0;
	s2 =	simm.s32 $0x5  }
0x61d: {  	[tilespmem:s29], [sflag:$0x5] =	stream.linear.gather [spmem:s0], $0x1800, $0x38;
	[tilespmem:$0x1E000] =	vst v63  }
0x61e: {  	_ =	swait.ge [sflag:s2], $0x1800  }
0x61f: {  	s21 =	sld [smem:$0x7E8]  }
0x620: {  	[sflag:s2] =	ssyncset.done $0x0  }
0x621: {  	[sflag:s2] =	ssyncadd.s32 $0xFFFFE800  }
0x622: {  	[tilespmem:s30], [sflag:$0x5] =	stream.linear.gather [spmem:s21], $0x1800, $0x38;
	[tilespmem:$0x1E000] =	vst v63  }
0x623: {  	_ =	swait.ge [sflag:s2], $0x1800  }
0x624: {  	s22 =	sld [smem:$0x7E9]  }
0x625: {  	[sflag:s2] =	ssyncset.done $0x0  }
0x626: {  	[sflag:s2] =	ssyncadd.s32 $0xFFFFE800  }
0x627: {  	[tilespmem:s31], [sflag:$0x5] =	stream.linear.gather [spmem:s22], $0x1800, $0x38;
	[tilespmem:$0x1E000] =	vst v63  }
0x628: {  	_ =	swait.ge [sflag:s2], $0x1800  }
0x629: {  	s23 =	sld [smem:$0x7EC]  }
0x62a: {  	[sflag:s2] =	ssyncset.done $0x0  }
0x62b: {  	s1 =	simm.s32 $0x12000;
	[sflag:s2] =	ssyncadd.s32 $0xFFFFE800  }
0x62c: {  	[tilespmem:s1], [sflag:$0x5] =	stream.linear.gather [spmem:s23], $0x1800, $0x38;
	[tilespmem:$0x1E000] =	vst v63  }
0x62d: {  	s5 =	sand.u32 $0x60, s29;
	s0 =	sand.u32 $0x1C00, s29;
	_ =	swait.ge [sflag:s2], $0x1800  }
0x62e: {  	s4 =	sor.u32 $0x10, s5;
	s12 =	sor.u32 $0x6380, s0;
	[sflag:s2] =	ssyncset.done $0x0  }
0x62f: {  	s14 =	sor.u32 $0xC380, s0;
	s24 =	sor.u32 s4, s12;
	[sflag:s2] =	ssyncadd.s32 $0xFFFFE800  }
0x630: {  	s15 =	sor.u32 $0x12380, s0;
	s25 =	sor.u32 s4, s14;
	v7 =	vld [tilespmem:s24+$0x0]  }
0x631: {  	s16 =	sor.u32 $0x6000, s0;
	s26 =	sor.u32 s4, s15;
	v8 =	vld [tilespmem:s25+$0x0]  }
0x632: {  	s20 =	sor.u32 $0xC000, s0;
	s28 =	sor.u32 s5, s16;
	v9 =	vld [tilespmem:s26+$0x0]  }
0x633: {  	s21 =	sor.u32 $0x12000, s0;
	s30 =	sor.u32 s5, s20;
	v1 =	vld [tilespmem:s28+$0x0]  }
0x634: {  	s22 =	sor.u32 $0x6080, s0;
	s31 =	sor.u32 s5, s21;
	v10 =	vld [tilespmem:s30+$0x0]  }
0x635: {  	s3 =	sor.u32 s5, s22;
	s23 =	sor.u32 $0xC080, s0;
	v11 =	vld [tilespmem:s31+$0x0]  }
0x636: {  	s17 =	sor.u32 $0x12100, s0;
	s6 =	sor.u32 s5, s23;
	v0 =	vld [tilespmem:s3+$0x0]  }
0x637: {  	s18 =	sor.u32 $0x6180, s0;
	s10 =	sor.u32 s5, s17;
	v12 =	vld [tilespmem:s6+$0x0]  }
0x638: {  	s11 =	sor.u32 s5, s18;
	v16 =	vld [tilespmem:s10+$0x0]  }
0x639: {  	s12 =	sor.u32 s5, s12;
	v3 =	vld [tilespmem:s11+$0x0]  }
0x63a: {  	s14 =	sor.u32 s5, s14;
	v6 =	vld [tilespmem:s12+$0x0]  }
0x63b: {  	s19 =	sor.u32 $0xC180, s0;
	s15 =	sor.u32 s5, s15;
	v25 =	vld [tilespmem:s14+$0x0]  }
0x63c: {  	s13 =	sor.u32 $0x12180, s0;
	s28 =	sor.u32 s5, s19;
	v26 =	vld [tilespmem:s15+$0x0]  }
0x63d: {  	s30 =	sor.u32 s5, s13;
	v19 =	vld [tilespmem:s28+$0x0]  }
0x63e: {  	s14 =	sor.u32 s4, s22;
	v20 =	vld [tilespmem:s30+$0x0]  }
0x63f: {  	s24 =	sor.u32 $0x12080, s0;
	s13 =	sor.u32 s4, s13;
	v30 =	vld [tilespmem:s14+$0x0]  }
0x640: {  	s25 =	sor.u32 $0x6100, s0;
	s7 =	sor.u32 s5, s24;
	v41 =	vld [tilespmem:s13+$0x0]  }
0x641: {  	s26 =	sor.u32 $0xC100, s0;
	s8 =	sor.u32 s5, s25;
	v13 =	vld [tilespmem:s7+$0x0]  }
0x642: {  	s11 =	sor.u32 $0x6200, s0;
	s9 =	sor.u32 s5, s26;
	v2 =	vld [tilespmem:s8+$0x0]  }
0x643: {  	s10 =	sor.u32 $0xC200, s0;
	s31 =	sor.u32 s5, s11;
	v14 =	vld [tilespmem:s9+$0x0]  }
0x644: {  	s3 =	sor.u32 s5, s10;
	v4 =	vld [tilespmem:s31+$0x0]  }
0x645: {  	s1 =	sor.u32 $0x12280, s0;
	s11 =	sor.u32 s4, s11;
	v21 =	vld [tilespmem:s3+$0x0]  }
0x646: {  	s2 =	sor.u32 $0x6300, s0;
	s3 =	sor.u32 s5, s1;
	v57 =	vld [tilespmem:s11+$0x0]  }
0x647: {  	s9 =	sor.u32 $0x12200, s0;
	s31 =	sor.u32 s5, s2;
	v24 =	vld [tilespmem:s3+$0x0]  }
0x648: {  	s8 =	sor.u32 $0x6280, s0;
	s6 =	sor.u32 s5, s9;
	v15 =	vld [tilespmem:s31+$0x0]  }
0x649: {  	s7 =	sor.u32 $0xC280, s0;
	s28 =	sor.u32 s5, s8;
	v22 =	vld [tilespmem:s6+$0x0]  }
0x64a: {  	s15 =	sand.u32 $0x3, s29;
	s30 =	sor.u32 s5, s7;
	v5 =	vld [tilespmem:s28+$0x0]  }
0x64b: {  	s12 =	sshll.u32 s15, $0x5;
	s31 =	sor.u32 s4, s20;
	v23 =	vld [tilespmem:s30+$0x0]  }
0x64c: {  	s12 =	sadd.s32 $0x0, s12;
	s20 =	sor.u32 s4, s24;
	v28 =	vld [tilespmem:s31+$0x0]  }
0x64d: {  	s22 =	sadd.s32 $0x10, s12;
	s12 =	sor.u32 $0x300, s12;
	v32 =	vld [tilespmem:s20+$0x0]  }
0x64e: {  	s6 =	sor.u32 $0xC300, s0;
	s24 =	sor.u32 $0x380, s22;
	v36 =	vld [tilespmem:s12+$0x0]  }
0x64f: {  	s30 =	sor.u32 $0x12300, s0;
	s28 =	sor.u32 s5, s6;
	v35 =	vld [tilespmem:s24+$0x0]  }
0x650: {  	s3 =	sor.u32 s5, s30;
	v17 =	vld [tilespmem:s28+$0x0]  }
0x651: {  	v18 =	vld [tilespmem:s3+$0x0];
	s28 =	sor.u32 s4, s16  }
0x652: {  	s3 =	sor.u32 s4, s21;
	v27 =	vld [tilespmem:s28+$0x0]  }
0x653: {  	s16 =	sor.u32 s4, s23;
	v29 =	vld [tilespmem:s3+$0x0]  }
0x654: {  	s21 =	sor.u32 s4, s25;
	v31 =	vld [tilespmem:s16+$0x0]  }
0x655: {  	s23 =	sor.u32 s4, s26;
	v33 =	vld [tilespmem:s21+$0x0]  }
0x656: {  	s25 =	sor.u32 s4, s17;
	v34 =	vld [tilespmem:s23+$0x0]  }
0x657: {  	v37 =	vld [tilespmem:s25+$0x0];
	s23 =	sor.u32 s0, s4  }
0x658: {  	v38 =	vld [tilespmem:s23+$0x0]  }
0x659: {  	v8 =	vadd.f32 v9, v8;
	v10 =	vadd.f32 v11, v10;
	v9 =	vld [tilespmem:s23+$0x80]  }
0x65a: {  	s26 =	sor.u32 s4, s18;
	v55 =	vld [tilespmem:s23+$0x100];
	v54 =	vadd.f32 v15, v36;
	v7 =	vadd.f32 v7, v35  }
0x65b: {  	v39 =	vld [tilespmem:s26+$0x0];
	s28 =	sor.u32 s4, s19;
	v17 =	vadd.f32 v18, v17;
	v56 =	vadd.f32 v29, v28  }
0x65c: {  	v40 =	vld [tilespmem:s28+$0x0];
	v7 =	vadd.f32 v8, v7;
	v60 =	vadd.f32 v37, v34  }
0x65d: {  	v58 =	vld [tilespmem:s23+$0x180];
	v18 =	vadd.f32 v27, v38;
	v8 =	vadd.f32 v17, v54  }
0x65e: {  	s10 =	sor.u32 s4, s10;
	v62 =	vld [tilespmem:s23+$0x200];
	v9 =	vadd.f32 v30, v9;
	v17 =	vadd.f32 v32, v31  }
0x65f: {  	s9 =	sor.u32 s4, s9;
	v15 =	vld [tilespmem:s10+$0x0];
	v59 =	vadd.f32 v33, v55;
	v61 =	vmul.f32 $8.333333770e-03, v7;
	v11 =	vadd.f32 v56, v18  }
0x660: {  	s8 =	sor.u32 s4, s8;
	v7 =	vadd.f32 v13, v12;
	v18 =	vld [tilespmem:s9+$0x0];
	v8 =	vmul.f32 $8.333333770e-03, v8;
	v12 =	vadd.f32 v17, v9  }
0x661: {  	s7 =	sor.u32 s4, s7;
	v17 =	vld [tilespmem:s8+$0x0];
	v9 =	vadd.f32 v16, v14;
	v14 =	vadd.f32 v60, v59;
	[tilespmem:s24+$0x18000] =	vst v61;
	v13 =	vmul.f32 $8.333333770e-03, v11  }
0x662: {  	s14 =	simm.s32 $0x0;
	s1 =	sor.u32 s4, s1;
	s11 =	sor.u32 s4, s2;
	v16 =	vld [tilespmem:s7+$0x0];
	[tilespmem:s12+$0x18000] =	vst v8;
	v11 =	vadd.f32 v20, v19;
	v8 =	vadd.f32 v22, v21;
	v19 =	vmul.f32 $8.333333770e-03, v12  }
0x663: {  	s31 =	sor.u32 s29, s29;
	s13 =	sor.u32 s4, s30;
	s7 =	sor.u32 $0x300, s22;
	v21 =	vadd.f32 v39, v58;
	v22 =	vadd.f32 v41, v40;
	v63 =	vmul.f32 $8.333333770e-03, v14;
	v20 =	vld [tilespmem:s23+$0x280];
	[tilespmem:s23+$0x18000] =	vst v13  }
0x664: {  	s18 =	sor.u32 s5, s0;
	s3 =	simm.s32 $0x0;
	s0 =	simm.s32 $0x100;
	v12 =	vadd.f32 v24, v23;
	v14 =	vadd.f32 v26, v25;
	v13 =	vld [tilespmem:s7+$0x0];
	[tilespmem:s23+$0x18080] =	vst v19  }
0x665: {  	s10 =	simm.s32 $0x0;
	s12 =	sor.u32 s4, s6;
	s6 =	sor.u32 $0x380, s31;
	[tilespmem:s23+$0x18100] =	vst v63;
	v22 =	vadd.f32 v22, v21;
	v21 =	vadd.f32 v57, v62;
	v19 =	vld [tilespmem:s1+$0x0]  }
.LBB2_33:
0x666: {  	[dreg:$0x8] =	wrdreg s0;
	s14 =	sadd.s32 $0x20, s14  }
0x667: {  	s4 =	smov.u32 s7;
	s7 =	sand.u32 $0x1C00, s0;
	[dreg:$0x7] =	wrdreg s14  }
0x668: {  	s1 =	sor.u32 $0x6380, s7;
	s2 =	rddreg [dreg:$0x8]  }
0x669: {  	s19 =	sor.u32 $0xC380, s7;
	[dreg:$0x5] =	wrdreg s1  }
0x66a: {  	s5 =	sor.u32 $0x12380, s7;
	[dreg:$0x6] =	wrdreg s19  }
0x66b: {  	v23 =	vld [tilespmem:s12+$0x0];
	s12 =	sor.u32 $0x6000, s7;
	[dreg:$0xa] =	wrdreg s5  }
0x66c: {  	s26 =	sor.u32 $0xC000, s7;
	[dreg:$0x1d] =	wrdreg s12  }
0x66d: {  	s24 =	sor.u32 $0x12000, s7;
	[dreg:$0x1f] =	wrdreg s26  }
0x66e: {  	s29 =	sor.u32 $0xC080, s7;
	[dreg:$0x19] =	wrdreg s24  }
0x66f: {  	s16 =	sor.u32 $0x12100, s7;
	[smem:$0x7E5] =	sst s29  }
0x670: {  	s25 =	sadd.s32 $0x1, s3;
	s22 =	sor.u32 $0xC200, s7;
	[dreg:$0x1e] =	wrdreg s16  }
0x671: {  	s17 =	sand.u32 $0x3, s25;
	s15 =	sor.u32 $0x6280, s7;
	[smem:$0x7DD] =	sst s22  }
0x672: {  	s0 =	sshll.u32 s17, $0x5;
	s17 =	sor.u32 $0x12080, s7;
	[smem:$0x7DE] =	sst s15  }
0x673: {  	s8 =	sand.u32 $0x60, s14;
	s22 =	sor.u32 $0x12280, s7;
	[dreg:$0x1b] =	wrdreg s17  }
0x674: {  	s9 =	sor.u32 $0x10, s8;
	s15 =	sor.u32 $0x6300, s7;
	[smem:$0x7E0] =	sst s22  }
0x675: {  	v22 =	vmul.f32 $8.333333770e-03, v22;
	v15 =	vadd.f32 v18, v15;
	v18 =	vld [tilespmem:s11+$0x0];
	s1 =	sor.u32 s9, s1;
	s2 =	sadd.s32 s0, s2;
	[smem:$0x7E1] =	sst s15  }
0x676: {  	s21 =	sor.u32 s9, s5;
	s5 =	sor.u32 $0x6080, s7;
	s15 =	rddreg [dreg:$0x8]  }
0x677: {  	[tilespmem:s23+$0x18180] =	vst v22;
	s22 =	sor.u32 $0x12300, s7;
	v22 =	vld [tilespmem:s1+$0x0];
	s1 =	sadd.s32 $0x10, s2;
	[smem:$0x7E4] =	sst s5  }
0x678: {  	v17 =	vadd.f32 v17, v20;
	v20 =	vld [tilespmem:s13+$0x0];
	[smem:$0x7E3] =	sst s22;
	s3 =	sor.u32 $0x300, s2;
	s2 =	sor.u32 s15, s14  }
0x679: {  	v15 =	vadd.f32 v15, v21;
	v21 =	vld [tilespmem:s18+$0x0];
	[dreg:$0x9] =	wrdreg s2  }
0x67a: {  	v13 =	vadd.f32 v18, v13;
	v18 =	vld [tilespmem:s21+$0x0];
	s21 =	sor.u32 $0xC280, s7;
	s2 =	sld [smem:$0x7DD]  }
0x67b: {  	v16 =	vadd.f32 v19, v16;
	s20 =	sor.u32 s9, s19;
	v15 =	vmul.f32 $8.333333770e-03, v15;
	[smem:$0x7DF] =	sst s21;
	s21 =	sor.u32 $0xC300, s7  }
0x67c: {  	s19 =	sor.u32 $0x12200, s7;
	v19 =	vld [tilespmem:s20+$0x0];
	s0 =	sor.u32 $0x380, s1;
	[smem:$0x7E2] =	sst s21  }
0x67d: {  	[tilespmem:s23+$0x18200] =	vst v15;
	v15 =	vadd.f32 v16, v17;
	v16 =	vld [tilespmem:s0+$0x0];
	s21 =	sor.u32 s8, s12;
	s12 =	smov.u32 s25;
	s25 =	sor.u32 s8, s19  }
0x67e: {  	v17 =	vadd.f32 v20, v23;
	v20 =	vld [tilespmem:s18+$0x80];
	v1 =	vadd.f32 v1, v21;
	[dreg:$0xf] =	wrdreg s25  }
0x67f: {  	v21 =	vld [tilespmem:s18+$0x100];
	v15 =	vmul.f32 $8.333333770e-03, v15;
	s25 =	sld [smem:$0x7DF]  }
0x680: {  	[dreg:$0x4] =	wrdreg s3;
	s15 =	sor.u32 $0x300, s1;
	v13 =	vadd.f32 v17, v13;
	v1 =	vadd.f32 v10, v1  }
0x681: {  	[dreg:$0xb] =	wrdreg s15;
	v17 =	vld [tilespmem:s18+$0x200];
	[tilespmem:s23+$0x18280] =	vst v15;
	s23 =	sor.u32 s8, s2  }
0x682: {  	v10 =	vld [tilespmem:s18+$0x180];
	v16 =	vadd.f32 v22, v16;
	v22 =	vmul.f32 $8.333333770e-03, v1;
	v1 =	vmul.f32 $8.333333770e-03, v13;
	[dreg:$0x16] =	wrdreg s23;
	s1 =	sor.u32 s8, s25  }
0x683: {  	v18 =	vadd.f32 v18, v19;
	v19 =	vld [tilespmem:s18+$0x280];
	[dreg:$0x12] =	wrdreg s1  }
0x684: {  	s11 =	sor.u32 $0x12180, s7;
	s20 =	sor.u32 $0xC180, s7;
	v0 =	vadd.f32 v0, v20;
	v13 =	vld [tilespmem:s15+$0x0];
	v2 =	vadd.f32 v2, v21;
	s1 =	sld [smem:$0x7E2];
	[tilespmem:s4+$0x18000] =	vst v1  }
0x685: {  	s22 =	sor.u32 s8, s26;
	v1 =	vld [tilespmem:s21+$0x0];
	[tilespmem:s18+$0x18000] =	vst v22;
	s21 =	sor.u32 s8, s20;
	s4 =	sld [smem:$0x7DE]  }
0x686: {  	v0 =	vadd.f32 v7, v0;
	v2 =	vadd.f32 v9, v2;
	v9 =	vld [tilespmem:s22+$0x0];
	[smem:$0x7E6] =	sst s21;
	s22 =	sor.u32 s8, s11  }
0x687: {  	v20 =	vld [tilespmem:s6+$0x0];
	s15 =	sor.u32 s8, s5;
	[dreg:$0x1c] =	wrdreg s22  }
0x688: {  	v3 =	vadd.f32 v3, v10;
	v10 =	vmul.f32 $8.333333770e-03, v0;
	v0 =	vld [tilespmem:s15+$0x0];
	s22 =	sld [smem:$0x7E0];
	s15 =	sor.u32 s8, s1  }
0x689: {  	s13 =	sor.u32 $0x6200, s7;
	s14 =	sor.u32 s8, s24;
	[dreg:$0x17] =	wrdreg s15  }
0x68a: {  	s24 =	sor.u32 s8, s29;
	s29 =	sor.u32 s8, s4;
	s15 =	rddreg [dreg:$0x6]  }
0x68b: {  	v4 =	vadd.f32 v4, v17;
	s21 =	smov.u32 s13;
	[dreg:$0x1a] =	wrdreg s29  }
0x68c: {  	v5 =	vadd.f32 v5, v19;
	v3 =	vadd.f32 v11, v3;
	v11 =	vld [tilespmem:s14+$0x0];
	s14 =	sor.u32 s8, s13;
	s29 =	sld [smem:$0x7E1];
	s13 =	sor.u32 s8, s22  }
0x68d: {  	v4 =	vadd.f32 v8, v4;
	v2 =	vmul.f32 $8.333333770e-03, v2;
	v6 =	vadd.f32 v6, v20;
	[dreg:$0x11] =	wrdreg s13  }
0x68e: {  	s30 =	sor.u32 $0xC100, s7;
	s5 =	sor.u32 s8, s17;
	[tilespmem:s18+$0x18080] =	vst v10;
	v5 =	vadd.f32 v12, v5;
	v3 =	vmul.f32 $8.333333770e-03, v3;
	s13 =	sld [smem:$0x7E3]  }
0x68f: {  	s17 =	sor.u32 s8, s30;
	v16 =	vadd.f32 v18, v16;
	v4 =	vmul.f32 $8.333333770e-03, v4;
	[tilespmem:s18+$0x18100] =	vst v2;
	v6 =	vadd.f32 v14, v6;
	v8 =	vld [tilespmem:s5+$0x0];
	s5 =	rddreg [dreg:$0x5]  }
0x690: {  	s26 =	sor.u32 s8, s16;
	[tilespmem:s18+$0x18180] =	vst v3;
	v3 =	vmul.f32 $8.333333770e-03, v5;
	v5 =	vld [tilespmem:s17+$0x0];
	s17 =	sld [smem:$0x7E4]  }
0x691: {  	v7 =	vmul.f32 $8.333333770e-03, v16;
	[tilespmem:s18+$0x18200] =	vst v4;
	v4 =	vmul.f32 $8.333333770e-03, v6;
	v6 =	vld [tilespmem:s26+$0x0];
	s26 =	rddreg [dreg:$0x1b];
	s23 =	sor.u32 s8, s13  }
0x692: {  	[dreg:$0x13] =	wrdreg s23  }
0x693: {  	[tilespmem:s0+$0x18000] =	vst v7;
	s0 =	sor.u32 s8, s5;
	s23 =	rddreg [dreg:$0xa]  }
0x694: {  	s5 =	sor.u32 s8, s15;
	[tilespmem:s18+$0x18280] =	vst v3;
	s18 =	rddreg [dreg:$0x1e];
	s15 =	sor.u32 s8, s23  }
0x695: {  	s31 =	sor.u32 $0x6100, s7;
	[dreg:$0x14] =	wrdreg s15  }
0x696: {  	v18 =	vld [tilespmem:s3+$0x0];
	s3 =	sor.u32 s8, s31;
	s15 =	rddreg [dreg:$0x1d]  }
0x697: {  	v2 =	vld [tilespmem:s3+$0x0];
	s3 =	smov.u32 s12;
	s12 =	sor.u32 s9, s15;
	s15 =	rddreg [dreg:$0x1f]  }
0x698: {  	s28 =	sor.u32 $0x6180, s7;
	[dreg:$0x18] =	wrdreg s12;
	s12 =	sor.u32 s9, s15  }
0x699: {  	s16 =	sor.u32 s8, s28;
	[dreg:$0x15] =	wrdreg s12  }
0x69a: {  	v7 =	vld [tilespmem:s24+$0x0];
	s24 =	sor.u32 s8, s29;
	s12 =	sor.u32 s9, s17;
	s17 =	sld [smem:$0x7E5]  }
0x69b: {  	v3 =	vld [tilespmem:s16+$0x0];
	s16 =	sor.u32 s9, s11;
	s11 =	sor.u32 s9, s29;
	s29 =	rddreg [dreg:$0x16]  }
0x69c: {  	s28 =	sor.u32 s9, s28;
	[tilespmem:s6+$0x18000] =	vst v4;
	v4 =	vld [tilespmem:s14+$0x0];
	s14 =	sor.u32 s9, s22;
	s22 =	rddreg [dreg:$0x11]  }
0x69d: {  	[dreg:$0x10] =	wrdreg s12;
	s12 =	sor.u32 s9, s17;
	s17 =	sor.u32 s9, s31  }
0x69e: {  	s31 =	sor.u32 s9, s30;
	s30 =	sor.u32 s9, s20;
	s20 =	sld [smem:$0x7E6]  }
0x69f: {  	v23 =	vld [tilespmem:s28+$0x0];
	[dreg:$0xd] =	wrdreg s12  }
0x6a0: {  	v15 =	vld [tilespmem:s22+$0x0];
	s23 =	sor.u32 s7, s9;
	[dreg:$0xc] =	wrdreg s31  }
0x6a1: {  	v10 =	vadd.f32 v11, v9;
	v9 =	vadd.f32 v6, v5;
	v6 =	vld [tilespmem:s29+$0x0];
	s12 =	sor.u32 s9, s26;
	s26 =	sor.u32 s9, s21;
	s21 =	rddreg [dreg:$0x1c]  }
0x6a2: {  	s31 =	sor.u32 s9, s18;
	s18 =	sor.u32 s8, s7;
	s7 =	rddreg [dreg:$0xf];
	v11 =	vld [tilespmem:s21+$0x0]  }
0x6a3: {  	s29 =	rddreg [dreg:$0x13];
	v12 =	vld [tilespmem:s7+$0x0]  }
0x6a4: {  	v7 =	vadd.f32 v8, v7;
	s21 =	rddreg [dreg:$0x12];
	v8 =	vld [tilespmem:s20+$0x0]  }
0x6a5: {  	s2 =	sor.u32 s9, s2;
	s15 =	rddreg [dreg:$0x19];
	v14 =	vld [tilespmem:s21+$0x0]  }
0x6a6: {  	s4 =	sor.u32 s9, s4;
	v16 =	vld [tilespmem:s24+$0x0];
	s13 =	sor.u32 s9, s13;
	[dreg:$0xe] =	wrdreg s12  }
0x6a7: {  	v19 =	vld [tilespmem:s29+$0x0];
	s20 =	sor.u32 s9, s19;
	s19 =	sor.u32 s9, s25;
	s25 =	rddreg [dreg:$0x17]  }
0x6a8: {  	s15 =	sor.u32 s9, s15;
	s12 =	sor.u32 s9, s1;
	s9 =	rddreg [dreg:$0x1a];
	v17 =	vld [tilespmem:s25+$0x0]  }
0x6a9: {  	v5 =	vld [tilespmem:s9+$0x0];
	v11 =	vadd.f32 v11, v8  }
0x6aa: {  	s8 =	rddreg [dreg:$0xb];
	v8 =	vadd.f32 v12, v6;
	v12 =	vadd.f32 v15, v14;
	v14 =	vld [tilespmem:s5+$0x0]  }
0x6ab: {  	v15 =	vadd.f32 v16, v18;
	s5 =	rddreg [dreg:$0x14];
	v18 =	vld [tilespmem:s23+$0x0]  }
0x6ac: {  	s7 =	smov.u32 s8;
	s8 =	rddreg [dreg:$0x18];
	v16 =	vld [tilespmem:s5+$0x0]  }
0x6ad: {  	s9 =	rddreg [dreg:$0x15];
	v17 =	vadd.f32 v19, v17;
	v19 =	vld [tilespmem:s8+$0x0]  }
0x6ae: {  	v20 =	vld [tilespmem:s9+$0x0]  }
0x6af: {  	v15 =	vadd.f32 v17, v15;
	v17 =	vld [tilespmem:s15+$0x0];
	s15 =	rddreg [dreg:$0x10]  }
0x6b0: {  	s22 =	rddreg [dreg:$0x4];
	v21 =	vld [tilespmem:s15+$0x0]  }
0x6b1: {  	s21 =	rddreg [dreg:$0xd];
	v15 =	vmul.f32 $8.333333770e-03, v15;
	v14 =	vadd.f32 v16, v14;
	v16 =	vld [tilespmem:s23+$0x80]  }
0x6b2: {  	s25 =	rddreg [dreg:$0xe];
	v18 =	vadd.f32 v19, v18;
	v19 =	vld [tilespmem:s21+$0x0]  }
0x6b3: {  	[tilespmem:s22+$0x18000] =	vst v15;
	v15 =	vld [tilespmem:s25+$0x0]  }
0x6b4: {  	v22 =	vld [tilespmem:s17+$0x0];
	v17 =	vadd.f32 v17, v20  }
0x6b5: {  	v24 =	vld [tilespmem:s26+$0x0]  }
0x6b6: {  	s29 =	rddreg [dreg:$0xc];
	v20 =	vld [tilespmem:s23+$0x100];
	v17 =	vadd.f32 v17, v18  }
0x6b7: {  	v18 =	vld [tilespmem:s29+$0x0]  }
0x6b8: {  	v16 =	vadd.f32 v21, v16;
	v21 =	vld [tilespmem:s31+$0x0];
	v17 =	vmul.f32 $8.333333770e-03, v17;
	v15 =	vadd.f32 v15, v19  }
0x6b9: {  	v19 =	vld [tilespmem:s23+$0x180]  }
0x6ba: {  	[tilespmem:s23+$0x18000] =	vst v17;
	v15 =	vadd.f32 v15, v16;
	v17 =	vld [tilespmem:s30+$0x0]  }
0x6bb: {  	v16 =	vadd.f32 v22, v20;
	v20 =	vld [tilespmem:s16+$0x0]  }
0x6bc: {  	v6 =	vld [tilespmem:s0+$0x0];
	v15 =	vmul.f32 $8.333333770e-03, v15  }
0x6bd: {  	s10 =	sadd.s32 $0x10, s10;
	v18 =	vadd.f32 v21, v18;
	v21 =	vld [tilespmem:s23+$0x200]  }
0x6be: {  	p1 =	slt.u32 s10, $0x170;
	[tilespmem:s23+$0x18080] =	vst v15;
	v15 =	vld [tilespmem:s2+$0x0]  }
.Ltmp18:
0x6bf: {  	v16 =	vadd.f32 v18, v16;
	v18 =	vld [tilespmem:s20+$0x0];
	(pc) =	sbr.rel @p1 .LBB2_33-.Ltmp18, $4  }
0x6c0: {  	v19 =	vadd.f32 v23, v19;
	v22 =	vadd.f32 v20, v17;
	v20 =	vld [tilespmem:s23+$0x280]  }
0x6c1: {  	s24 =	rddreg [dreg:$0x8];
	v17 =	vld [tilespmem:s4+$0x0];
	v16 =	vmul.f32 $8.333333770e-03, v16  }
0x6c2: {  	s6 =	rddreg [dreg:$0x9];
	v22 =	vadd.f32 v22, v19;
	v19 =	vld [tilespmem:s14+$0x0]  }
0x6c3: {  	s6 =	sor.u32 $0x380, s6;
	s0 =	sadd.s32 $0x100, s24;
	v21 =	vadd.f32 v24, v21;
	s14 =	rddreg [dreg:$0x7];
	[tilespmem:s23+$0x18100] =	vst v16;
	v16 =	vld [tilespmem:s19+$0x0]  }
.Ltmp19:
0x6c4: {  	_ = 	snop;
	(pc) =	sbr.rel .LBB2_34-.Ltmp19, $1  }
0x6c5: {  	_ =	sdelay $0x3  }
.LBB2_36:
0x6c6: {  	_ =	sfence.sel $0x180000  }
0x6c7: {  	[bflag:$0x0] =	sbarrier.arrive $0xFFFF  }
0x6c8: {  	_ =	strace $0x90000047  }
0x6c9: {  	s0 =	stileid.u32;
	[bflag:$0x2] =	sbarrier.arrive $0xFFFF  }
0x6ca: {  	p0 =	sne.s32 s0, $0x0;
	s0 =	rddreg [dreg:$0x3]  }
0x6cb: {  	s0 =	sadd.s32 @!p0 $0x100000, s0  }
0x6cc: {  	[sflag:s0] =	ssyncadd.tile.s32 @!p0 $0x1;
	_ =	shalt  }
.Lfunc_end2:
_tile_overlayer_lowered:
.L_overlay_start_2:
0x6cd: {  	(tag) =	ssettag $0x2  }
0x6ce: {  	s0 =	rddreg [dreg:$0x0];
	s2 =	stileid.u32  }
0x6cf: {  	s1 =	rddreg [dreg:$0x1];
	p0 =	sne.s32 s2, $0x0  }
0x6d0: {  	s3 =	rddreg [dreg:$0x2];
	[bflag:$0x3] =	sbarrier.arrive $0xFFFF;
	s2 =	simm.s32 @!p0 $0x1C05  }
0x6d1: {  	[timem:s3], [sflag:s2] =	dma.local @!p0 [hbm:s0], s1  }
0x6d2: {  	s0 =	simm.s32 @!p0 $0x5  }
0x6d3: {  	_ =	swait.ge @!p0 [sflag:s0], s1  }
0x6d4: {  	s1 =	ssub.s32 @!p0 $0x0, s1;
	[sflag:s0] =	ssyncset.done @!p0 $0x0  }
0x6d5: {  	[sflag:s0] =	ssyncadd.s32 @!p0 s1  }
0x6d6: {  	[bflag:$0x3] =	sbarrier.arrive $0xFFFF  }
0x6d7: {  	_ =	shalt  }

</sc_bundles>
